<compile_context>
chip_gen: v7x
topology: tpu7x:2x2x1
jax: 0.10.2.dev20260603
libtpu: 0.0.44.dev20260713+nightly
codegen_flags: <defaults>
</compile_context>

<pallas_src>
import functools

import numpy as np
import jax
import jax.numpy as jnp
from jax import lax
from jax.experimental import pallas as pl
from jax.experimental.pallas import tpu as pltpu
from jax.experimental.pallas import tpu_sc as plsc

N_PTS = 1000000
TBL = 32768
HMASK = 32767
P1 = int(np.uint32(2654435761).view(np.int32))
P2 = 805459861
_p1d = (2 * 2654435761) % (2 ** 32)
P1D = _p1d - 2 ** 32 if _p1d >= 2 ** 31 else _p1d
P2D = 2 * P2
RES = (12.0, 18.0, 27.0, 40.0)
WL = (13, 19, 28)

N0 = WL[0] ** 3
N1 = WL[1] ** 3
N2 = WL[2] ** 3
OFF_D = (0, N0, N0 + N1)
PD = N0 + N1 + N2
OFF_H3 = 2 * PD
TAB_W = OFF_H3 + 2 * TBL

C = 128
XW = C * 3
OW = C * 8
NW = 32
NCH = (N_PTS + C - 1) // C
NCHW = -(-NCH // NW) + (-(-NCH // NW)) % 2
LAST_T = NCH - 1
LAST_X = N_PTS - C
NP_PAD = NCH * C
OUT_W = NP_PAD * 8


@functools.partial(
    pl.kernel,
    mesh=plsc.VectorSubcoreMesh(core_axis_name="c", subcore_axis_name="s"),
    out_type=jax.ShapeDtypeStruct((OUT_W,), jnp.float32),
    compiler_params=pltpu.CompilerParams(needs_layout_passes=False),
    scratch_types=[
        pltpu.VMEM((TAB_W,), jnp.float32),
        pltpu.VMEM((XW,), jnp.float32),
        pltpu.VMEM((XW,), jnp.float32),
        pltpu.VMEM((OW,), jnp.float32),
        pltpu.VMEM((OW,), jnp.float32),
        pltpu.SemaphoreType.DMA,
        pltpu.SemaphoreType.DMA,
        pltpu.SemaphoreType.DMA,
        pltpu.SemaphoreType.DMA,
    ],
)
def _encode_sc(x_hbm, tab_hbm, out_hbm,
               tab, xb0, xb1, ob0, ob1, sx0, sx1, so0, so1):
    wid = lax.axis_index("s") * 2 + lax.axis_index("c")
    iota = lax.iota(jnp.int32, 16)
    iota3 = iota * 3
    iota8 = iota * 8
    xbs, obs = (xb0, xb1), (ob0, ob1)
    sxs, sos = (sx0, sx1), (so0, so1)

    tab_p1 = tab.at[pl.ds(PD, PD)]
    tab_h3 = tab.at[pl.ds(OFF_H3, 2 * TBL)]

    for l in range(3):
        pltpu.sync_copy(tab_hbm.at[pl.ds(l * 2 * TBL, 2 * TBL)],
                        tab.at[pl.ds(OFF_H3, 2 * TBL)])
        w = WL[l]
        n3 = w * w * w

        @plsc.parallel_loop(0, (n3 + 15) // 16, unroll=4)
        def _(g, w=w, n3=n3, l=l):
            m = (2 ** 20 + w - 1) // w
            lin = g * 16 + iota
            q1 = (lin * m) >> 20
            c2 = lin - q1 * w
            c0 = (q1 * m) >> 20
            c1 = q1 - c0 * w
            h = (c0 ^ (c1 * P1) ^ (c2 * P2)) & HMASK
            src = h * 2 + OFF_H3
            tgt = lin + OFF_D[l]
            msk = lin < n3
            v0 = plsc.load_gather(tab, [src])
            v1 = plsc.load_gather(tab, [src + 1])
            plsc.store_scatter(tab, [tgt], v0, mask=msk)
            plsc.store_scatter(tab_p1, [tgt], v1, mask=msk)
    pltpu.sync_copy(tab_hbm.at[pl.ds(3 * 2 * TBL, 2 * TBL)],
                    tab.at[pl.ds(OFF_H3, 2 * TBL)])

    def do_group(g, xoff, xb, ob):
        gx = xoff + g * 16
        x0 = xb[pl.ds(jnp.minimum(gx, C - 16), 16)]
        x1 = xb[pl.ds(jnp.minimum(C + gx, 2 * C - 16), 16)]
        x2 = xb[pl.ds(jnp.minimum(2 * C + gx, 3 * C - 16), 16)]
        for l in range(4):
            p0 = x0 * RES[l]
            p1 = x1 * RES[l]
            p2 = x2 * RES[l]
            c0 = p0.astype(jnp.int32)
            c1 = p1.astype(jnp.int32)
            c2 = p2.astype(jnp.int32)
            w0 = p0 - c0.astype(jnp.float32)
            w1 = p1 - c1.astype(jnp.float32)
            w2 = p2 - c2.astype(jnp.float32)
            u0 = 1.0 - w0
            u1 = 1.0 - w1
            u2 = 1.0 - w2
            q = (u0 * u1, u0 * w1, w0 * u1, w0 * w1)
            acc0 = acc1 = None
            if l < 3:
                w = WL[l]
                wb = (c0 * w + c1) * w + c2
                for corner in range(8):
                    b0 = corner & 1
                    b1 = (corner >> 1) & 1
                    b2 = (corner >> 2) & 1
                    coff = OFF_D[l] + b0 * w * w + b1 * w + b2
                    idx = wb + coff if coff else wb
                    g0 = plsc.load_gather(tab, [idx])
                    g1 = plsc.load_gather(tab_p1, [idx])
                    wt = q[b0 * 2 + b1] * (w2 if b2 else u2)
                    acc0 = wt * g0 if acc0 is None else acc0 + wt * g0
                    acc1 = wt * g1 if acc1 is None else acc1 + wt * g1
            else:
                ha = c0 + c0
                hb = c1 * P1D
                hc = c2 * P2D
                ha1 = ha + 2
                hb1 = hb + P1D
                hc1 = hc + P2D
                for corner in range(8):
                    b0 = corner & 1
                    b1 = (corner >> 1) & 1
                    b2 = (corner >> 2) & 1
                    idx = ((ha1 if b0 else ha)
                           ^ (hb1 if b1 else hb)
                           ^ (hc1 if b2 else hc)) & (2 * HMASK)
                    g0 = plsc.load_gather(tab_h3, [idx])
                    g1 = plsc.load_gather(tab_h3, [idx + 1])
                    wt = q[b0 * 2 + b1] * (w2 if b2 else u2)
                    acc0 = wt * g0 if acc0 is None else acc0 + wt * g0
                    acc1 = wt * g1 if acc1 is None else acc1 + wt * g1
            ob[pl.ds(g * 16 + 256 * l, 16)] = acc0
            ob[pl.ds(g * 16 + 256 * l + 128, 16)] = acc1

    def xbase_of(ci):
        ct = jnp.minimum(ci * NW + wid, LAST_T)
        return ct, jnp.minimum(ct * C, LAST_X)

    def start_x(pts, xb, sx):
        for d in range(3):
            pltpu.async_copy(x_hbm.at[pl.ds(d * N_PTS + pts, C)],
                             xb.at[pl.ds(d * C, C)], sx)

    for b in range(2):
        _, xb_pts = xbase_of(b)
        start_x(xb_pts, xbs[b], sxs[b])

    def chunk_pair(pi, _):
        for b in range(2):
            ci = pi * 2 + b
            xb, ob, sx, so = xbs[b], obs[b], sxs[b], sos[b]
            ct, xb_pts = xbase_of(ci)
            xoff = ct * C - xb_pts
            pltpu.make_async_copy(x_hbm.at[pl.ds(0, XW)], xb, sx).wait()

            @pl.when(pi > 0)
            def _():
                pltpu.make_async_copy(ob, out_hbm.at[pl.ds(0, OW)], so).wait()

            @plsc.parallel_loop(0, C // 16, unroll=2)
            def _(g, xoff=xoff, xb=xb, ob=ob):
                do_group(g, xoff, xb, ob)

            pltpu.async_copy(ob, out_hbm.at[pl.ds(ct * OW, OW)], so)
            _, nxt = xbase_of(ci + 2)
            start_x(nxt, xb, sx)
        return 0

    lax.fori_loop(0, NCHW // 2, chunk_pair, 0)
    for b in range(2):
        pltpu.make_async_copy(x_hbm.at[pl.ds(0, XW)], xbs[b], sxs[b]).wait()
        pltpu.make_async_copy(obs[b], out_hbm.at[pl.ds(0, OW)], sos[b]).wait()


def kernel(x, table):
    out = _encode_sc(x.T.reshape(-1), table.reshape(-1))
    out = out.reshape(NCH, 8, C).transpose(0, 2, 1).reshape(NP_PAD, 8)
    return out[:N_PTS]

# --- scband reference (transcript-rebuilt; emitter-appended) ---
"""Pipeline reference for scband-hash-grid-36979668418641 (READ-ONLY COPY).

The authoritative reference and input builder live on the scoring server;
editing this copy changes nothing except your own understanding.
"""

import jax, jax.numpy as jnp
import numpy as np

N_LEVELS = 4
N_FEATS = 2
LOG2_HASHMAP = 15
TABLE_SIZE = 1 << LOG2_HASHMAP
BASE_RES = 12.0
PER_LEVEL_SCALE = 1.5
PRIMES = (1, 2654435761, 805459861)
N_POINTS = 1000000
INPUT_DIM = 3


def setup_inputs(seed: int = 0):
    key = jax.random.key(seed)
    k1, k2 = jax.random.split(key)
    x = jax.random.uniform(k1, (N_POINTS, INPUT_DIM), dtype=jnp.float32)
    # tcnn initializes hashgrid params uniform in [-1e-4, 1e-4]
    table = jax.random.uniform(k2, (N_LEVELS, TABLE_SIZE, N_FEATS), dtype=jnp.float32) * 2e-4 - 1e-4
    return {"x": x, "table": table}


def _hash_coords(coords):
    # coords: uint32 [..., D]; tcnn spatial hash (coherent prime hash)
    h = coords[..., 0] * jnp.uint32(PRIMES[0])
    for i in range(1, coords.shape[-1]):
        h = h ^ (coords[..., i] * jnp.uint32(PRIMES[i]))
    return h & jnp.uint32(TABLE_SIZE - 1)


def _encode(x, table):
    D = x.shape[-1]
    n = x.shape[0]
    feats = []
    for l in range(N_LEVELS):
        res = float(np.floor(BASE_RES * (PER_LEVEL_SCALE ** l)))
        pos = x * res
        c0 = jnp.floor(pos)
        w = pos - c0  # trilinear interpolation weights
        c0u = c0.astype(jnp.uint32)
        acc = jnp.zeros((n, N_FEATS), dtype=jnp.float32)
        for corner in range(1 << D):
            offs = jnp.array([(corner >> d) & 1 for d in range(D)], dtype=jnp.uint32)
            coord = c0u + offs
            wt = jnp.ones((n,), dtype=jnp.float32)
            for d in range(D):
                bit = (corner >> d) & 1
                wd = w[:, d]
                wt = wt * (wd if bit else (1.0 - wd))
            idx = _hash_coords(coord)
            gathered = jnp.take(table[l], idx, axis=0)  # [n, N_FEATS]
            acc = acc + wt[:, None] * gathered
        feats.append(acc)
    return jnp.concatenate(feats, axis=-1)  # [n, N_LEVELS * N_FEATS]


def reference(x, table):
    return _encode(x, table)

if __name__ == "__main__":
    import jax
    _d = setup_inputs()
    print(jax.jit(kernel)(*tuple(_d.values())))

</pallas_src>

<mosaic_0001>
#map = affine_map<(d0, d1) -> (0)>
module attributes {stable_mosaic.version = 14 : i64} {
  func.func @_encode_sc(%arg0: i32, %arg1: i32, %arg2: memref<3000000xf32, #tpu.memory_space<hbm>>, %arg3: memref<262144xf32, #tpu.memory_space<hbm>>, %arg4: memref<8000512xf32, #tpu.memory_space<hbm>>, %arg5: memref<127552xf32, #tpu.memory_space<vmem>>, %arg6: memref<384xf32, #tpu.memory_space<vmem>>, %arg7: memref<384xf32, #tpu.memory_space<vmem>>, %arg8: memref<1024xf32, #tpu.memory_space<vmem>>, %arg9: memref<1024xf32, #tpu.memory_space<vmem>>, %arg10: memref<!tpu.dma_semaphore, #tpu.memory_space<semaphore_mem>>, %arg11: memref<!tpu.dma_semaphore, #tpu.memory_space<semaphore_mem>>, %arg12: memref<!tpu.dma_semaphore, #tpu.memory_space<semaphore_mem>>, %arg13: memref<!tpu.dma_semaphore, #tpu.memory_space<semaphore_mem>>) attributes {dimension_semantics = [#tpu.dimension_semantics<core_parallel>, #tpu.dimension_semantics<subcore_parallel>], iteration_bounds = array<i64: 2, 16>, scalar_prefetch = 0 : i64, scratch_operands = 9 : i64, tpu.core_type = #tpu.core_type<sc_vector_subcore>, window_params = [{transform_indices = #map}, {transform_indices = #map}, {transform_indices = #map}]} {
    %mul3A = arith.constant 2 : i32
    %mul3A_0 = arith.muli %arg1, %mul3A : i32
    %add3A = arith.addi %mul3A_0, %arg0 : i32
    %iota3A = tpu.iota {dimensions = array<i32: 0>} : vector<16xi32>
    %mul3A_1 = arith.constant 3 : i32
    %mul3A_2 = vector.broadcast %mul3A_1 : i32 to vector<16xi32>
    %mul3A_3 = arith.muli %iota3A, %mul3A_2 : vector<16xi32>
    %mul3A_4 = arith.constant 8 : i32
    %mul3A_5 = vector.broadcast %mul3A_4 : i32 to vector<16xi32>
    %mul3A_6 = arith.muli %iota3A, %mul3A_5 : vector<16xi32>
    "tpu.region"() ({
      %run_scoped3A = tpu.sem_alloc : memref<!tpu.dma_semaphore, #tpu.memory_space<semaphore_mem>>
      %dma_start3A_98 = arith.constant 62016 : i32
      %dma_start3A_99 = tpu.memref_slice %arg5[%dma_start3A_98] : memref<127552xf32, #tpu.memory_space<vmem>> -> memref<65536xf32, #tpu.memory_space<vmem>>
      %dma_start3A_100 = arith.constant 0 : i32
      %dma_start3A_101 = tpu.memref_slice %arg3[%dma_start3A_100] : memref<262144xf32, #tpu.memory_space<hbm>> -> memref<65536xf32, #tpu.memory_space<hbm>>
      %dma_start3A_102 = arith.constant 62016 : i32
      %dma_start3A_103 = tpu.memref_slice %arg5[%dma_start3A_102] : memref<127552xf32, #tpu.memory_space<vmem>> -> memref<65536xf32, #tpu.memory_space<vmem>>
      %dma_start3A_104 = arith.constant 0 : i32
      %dma_start3A_105 = tpu.memref_slice %arg3[%dma_start3A_104] : memref<262144xf32, #tpu.memory_space<hbm>> -> memref<65536xf32, #tpu.memory_space<hbm>>
      tpu.enqueue_dma source(%dma_start3A_105 : memref<65536xf32, #tpu.memory_space<hbm>>) target(%dma_start3A_103 : memref<65536xf32, #tpu.memory_space<vmem>>) target_semaphore(%run_scoped3A : memref<!tpu.dma_semaphore, #tpu.memory_space<semaphore_mem>>)
      %dma_wait3A_106 = arith.constant 62016 : i32
      %dma_wait3A_107 = tpu.memref_slice %arg5[%dma_wait3A_106] : memref<127552xf32, #tpu.memory_space<vmem>> -> memref<65536xf32, #tpu.memory_space<vmem>>
      %dma_wait3A_108 = arith.constant 0 : i32
      %dma_wait3A_109 = tpu.memref_slice %arg3[%dma_wait3A_108] : memref<262144xf32, #tpu.memory_space<hbm>> -> memref<65536xf32, #tpu.memory_space<hbm>>
      %dma_wait3A_110 = arith.constant 62016 : i32
      %dma_wait3A_111 = tpu.memref_slice %arg5[%dma_wait3A_110] : memref<127552xf32, #tpu.memory_space<vmem>> -> memref<65536xf32, #tpu.memory_space<vmem>>
      %dma_wait3A_112 = arith.constant 0 : i32
      %dma_wait3A_113 = tpu.memref_slice %arg3[%dma_wait3A_112] : memref<262144xf32, #tpu.memory_space<hbm>> -> memref<65536xf32, #tpu.memory_space<hbm>>
      tpu.wait_dma2 semaphore(%run_scoped3A : memref<!tpu.dma_semaphore, #tpu.memory_space<semaphore_mem>>) src(%dma_wait3A_113 : memref<65536xf32, #tpu.memory_space<hbm>>) dst(%dma_wait3A_111 : memref<65536xf32, #tpu.memory_space<vmem>>)
      tpu.yield
    }) : () -> ()
    %parallel_loop3A = arith.constant 0 : i32
    %parallel_loop3A_7 = arith.constant 138 : i32
    %parallel_loop3A_8 = arith.constant 1 : i32
    scf.for %parallel_loop3A_98 = %parallel_loop3A to %parallel_loop3A_7 step %parallel_loop3A_8  : i32 {
      %parallel_loop3A_99 = arith.constant 16 : i32
      %parallel_loop3A_100 = arith.muli %parallel_loop3A_98, %parallel_loop3A_99 : i32
      %parallel_loop3A_101 = vector.broadcast %parallel_loop3A_100 : i32 to vector<16xi32>
      %parallel_loop3A_102 = arith.addi %parallel_loop3A_101, %iota3A : vector<16xi32>
      %parallel_loop3A_103 = arith.constant 80660 : i32
      %parallel_loop3A_104 = vector.broadcast %parallel_loop3A_103 : i32 to vector<16xi32>
      %parallel_loop3A_105 = arith.muli %parallel_loop3A_102, %parallel_loop3A_104 : vector<16xi32>
      %parallel_loop3A_106 = arith.constant 20 : i32
      %parallel_loop3A_107 = vector.broadcast %parallel_loop3A_106 : i32 to vector<16xi32>
      %parallel_loop3A_108 = arith.shrsi %parallel_loop3A_105, %parallel_loop3A_107 : vector<16xi32>
      %parallel_loop3A_109 = arith.constant 13 : i32
      %parallel_loop3A_110 = vector.broadcast %parallel_loop3A_109 : i32 to vector<16xi32>
      %parallel_loop3A_111 = arith.muli %parallel_loop3A_108, %parallel_loop3A_110 : vector<16xi32>
      %parallel_loop3A_112 = arith.subi %parallel_loop3A_102, %parallel_loop3A_111 : vector<16xi32>
      %parallel_loop3A_113 = arith.constant 80660 : i32
      %parallel_loop3A_114 = vector.broadcast %parallel_loop3A_113 : i32 to vector<16xi32>
      %parallel_loop3A_115 = arith.muli %parallel_loop3A_108, %parallel_loop3A_114 : vector<16xi32>
      %parallel_loop3A_116 = arith.constant 20 : i32
      %parallel_loop3A_117 = vector.broadcast %parallel_loop3A_116 : i32 to vector<16xi32>
      %parallel_loop3A_118 = arith.shrsi %parallel_loop3A_115, %parallel_loop3A_117 : vector<16xi32>
      %parallel_loop3A_119 = arith.constant 13 : i32
      %parallel_loop3A_120 = vector.broadcast %parallel_loop3A_119 : i32 to vector<16xi32>
      %parallel_loop3A_121 = arith.muli %parallel_loop3A_118, %parallel_loop3A_120 : vector<16xi32>
      %parallel_loop3A_122 = arith.subi %parallel_loop3A_108, %parallel_loop3A_121 : vector<16xi32>
      %parallel_loop3A_123 = arith.constant -1640531535 : i32
      %parallel_loop3A_124 = vector.broadcast %parallel_loop3A_123 : i32 to vector<16xi32>
      %parallel_loop3A_125 = arith.muli %parallel_loop3A_122, %parallel_loop3A_124 : vector<16xi32>
      %parallel_loop3A_126 = arith.xori %parallel_loop3A_118, %parallel_loop3A_125 : vector<16xi32>
      %parallel_loop3A_127 = arith.constant 805459861 : i32
      %parallel_loop3A_128 = vector.broadcast %parallel_loop3A_127 : i32 to vector<16xi32>
      %parallel_loop3A_129 = arith.muli %parallel_loop3A_112, %parallel_loop3A_128 : vector<16xi32>
      %parallel_loop3A_130 = arith.xori %parallel_loop3A_126, %parallel_loop3A_129 : vector<16xi32>
      %parallel_loop3A_131 = arith.constant 32767 : i32
      %parallel_loop3A_132 = vector.broadcast %parallel_loop3A_131 : i32 to vector<16xi32>
      %parallel_loop3A_133 = arith.andi %parallel_loop3A_130, %parallel_loop3A_132 : vector<16xi32>
      %parallel_loop3A_134 = arith.constant 2 : i32
      %parallel_loop3A_135 = vector.broadcast %parallel_loop3A_134 : i32 to vector<16xi32>
      %parallel_loop3A_136 = arith.muli %parallel_loop3A_133, %parallel_loop3A_135 : vector<16xi32>
      %parallel_loop3A_137 = arith.constant 62016 : i32
      %parallel_loop3A_138 = vector.broadcast %parallel_loop3A_137 : i32 to vector<16xi32>
      %parallel_loop3A_139 = arith.addi %parallel_loop3A_136, %parallel_loop3A_138 : vector<16xi32>
      %parallel_loop3A_140 = arith.constant 0 : i32
      %parallel_loop3A_141 = vector.broadcast %parallel_loop3A_140 : i32 to vector<16xi32>
      %parallel_loop3A_142 = arith.addi %parallel_loop3A_102, %parallel_loop3A_141 : vector<16xi32>
      %parallel_loop3A_143 = arith.constant 2197 : i32
      %parallel_loop3A_144 = vector.broadcast %parallel_loop3A_143 : i32 to vector<16xi32>
      %parallel_loop3A_145 = arith.cmpi slt, %parallel_loop3A_102, %parallel_loop3A_144 : vector<16xi32>
      %parallel_loop3A_146 = tpu.vector_load_idx %arg5[%parallel_loop3A_139] : memref<127552xf32, #tpu.memory_space<vmem>>[vector<16xi32>], vector<16xf32>,
      %parallel_loop3A_147 = arith.constant 1 : i32
      %parallel_loop3A_148 = vector.broadcast %parallel_loop3A_147 : i32 to vector<16xi32>
      %parallel_loop3A_149 = arith.addi %parallel_loop3A_139, %parallel_loop3A_148 : vector<16xi32>
      %parallel_loop3A_150 = tpu.vector_load_idx %arg5[%parallel_loop3A_149] : memref<127552xf32, #tpu.memory_space<vmem>>[vector<16xi32>], vector<16xf32>,
      tpu.vector_store_idx %arg5[%parallel_loop3A_142], %parallel_loop3A_146 masked %parallel_loop3A_145 : memref<127552xf32, #tpu.memory_space<vmem>>[vector<16xi32>], vector<16xf32>, vector<16xi1>
      %parallel_loop3A_151 = arith.constant 31008 : i32
      %parallel_loop3A_152 = tpu.memref_slice %arg5[%parallel_loop3A_151] : memref<127552xf32, #tpu.memory_space<vmem>> -> memref<31008xf32, #tpu.memory_space<vmem>>
      tpu.vector_store_idx %parallel_loop3A_152[%parallel_loop3A_142], %parallel_loop3A_150 masked %parallel_loop3A_145 : memref<31008xf32, #tpu.memory_space<vmem>>[vector<16xi32>], vector<16xf32>, vector<16xi1>
    } {sc.loop_unroll_factor = 4 : i64, sc.parallel_access}
    "tpu.region"() ({
      %run_scoped3A = tpu.sem_alloc : memref<!tpu.dma_semaphore, #tpu.memory_space<semaphore_mem>>
      %dma_start3A_98 = arith.constant 62016 : i32
      %dma_start3A_99 = tpu.memref_slice %arg5[%dma_start3A_98] : memref<127552xf32, #tpu.memory_space<vmem>> -> memref<65536xf32, #tpu.memory_space<vmem>>
      %dma_start3A_100 = arith.constant 65536 : i32
      %dma_start3A_101 = tpu.memref_slice %arg3[%dma_start3A_100] : memref<262144xf32, #tpu.memory_space<hbm>> -> memref<65536xf32, #tpu.memory_space<hbm>>
      %dma_start3A_102 = arith.constant 62016 : i32
      %dma_start3A_103 = tpu.memref_slice %arg5[%dma_start3A_102] : memref<127552xf32, #tpu.memory_space<vmem>> -> memref<65536xf32, #tpu.memory_space<vmem>>
      %dma_start3A_104 = arith.constant 65536 : i32
      %dma_start3A_105 = tpu.memref_slice %arg3[%dma_start3A_104] : memref<262144xf32, #tpu.memory_space<hbm>> -> memref<65536xf32, #tpu.memory_space<hbm>>
      tpu.enqueue_dma source(%dma_start3A_105 : memref<65536xf32, #tpu.memory_space<hbm>>) target(%dma_start3A_103 : memref<65536xf32, #tpu.memory_space<vmem>>) target_semaphore(%run_scoped3A : memref<!tpu.dma_semaphore, #tpu.memory_space<semaphore_mem>>)
      %dma_wait3A_106 = arith.constant 62016 : i32
      %dma_wait3A_107 = tpu.memref_slice %arg5[%dma_wait3A_106] : memref<127552xf32, #tpu.memory_space<vmem>> -> memref<65536xf32, #tpu.memory_space<vmem>>
      %dma_wait3A_108 = arith.constant 65536 : i32
      %dma_wait3A_109 = tpu.memref_slice %arg3[%dma_wait3A_108] : memref<262144xf32, #tpu.memory_space<hbm>> -> memref<65536xf32, #tpu.memory_space<hbm>>
      %dma_wait3A_110 = arith.constant 62016 : i32
      %dma_wait3A_111 = tpu.memref_slice %arg5[%dma_wait3A_110] : memref<127552xf32, #tpu.memory_space<vmem>> -> memref<65536xf32, #tpu.memory_space<vmem>>
      %dma_wait3A_112 = arith.constant 65536 : i32
      %dma_wait3A_113 = tpu.memref_slice %arg3[%dma_wait3A_112] : memref<262144xf32, #tpu.memory_space<hbm>> -> memref<65536xf32, #tpu.memory_space<hbm>>
      tpu.wait_dma2 semaphore(%run_scoped3A : memref<!tpu.dma_semaphore, #tpu.memory_space<semaphore_mem>>) src(%dma_wait3A_113 : memref<65536xf32, #tpu.memory_space<hbm>>) dst(%dma_wait3A_111 : memref<65536xf32, #tpu.memory_space<vmem>>)
      tpu.yield
    }) : () -> ()
    %parallel_loop3A_9 = arith.constant 0 : i32
    %parallel_loop3A_10 = arith.constant 429 : i32
    %parallel_loop3A_11 = arith.constant 1 : i32
    scf.for %parallel_loop3A_98 = %parallel_loop3A_9 to %parallel_loop3A_10 step %parallel_loop3A_11  : i32 {
      %parallel_loop3A_99 = arith.constant 16 : i32
      %parallel_loop3A_100 = arith.muli %parallel_loop3A_98, %parallel_loop3A_99 : i32
      %parallel_loop3A_101 = vector.broadcast %parallel_loop3A_100 : i32 to vector<16xi32>
      %parallel_loop3A_102 = arith.addi %parallel_loop3A_101, %iota3A : vector<16xi32>
      %parallel_loop3A_103 = arith.constant 55189 : i32
      %parallel_loop3A_104 = vector.broadcast %parallel_loop3A_103 : i32 to vector<16xi32>
      %parallel_loop3A_105 = arith.muli %parallel_loop3A_102, %parallel_loop3A_104 : vector<16xi32>
      %parallel_loop3A_106 = arith.constant 20 : i32
      %parallel_loop3A_107 = vector.broadcast %parallel_loop3A_106 : i32 to vector<16xi32>
      %parallel_loop3A_108 = arith.shrsi %parallel_loop3A_105, %parallel_loop3A_107 : vector<16xi32>
      %parallel_loop3A_109 = arith.constant 19 : i32
      %parallel_loop3A_110 = vector.broadcast %parallel_loop3A_109 : i32 to vector<16xi32>
      %parallel_loop3A_111 = arith.muli %parallel_loop3A_108, %parallel_loop3A_110 : vector<16xi32>
      %parallel_loop3A_112 = arith.subi %parallel_loop3A_102, %parallel_loop3A_111 : vector<16xi32>
      %parallel_loop3A_113 = arith.constant 55189 : i32
      %parallel_loop3A_114 = vector.broadcast %parallel_loop3A_113 : i32 to vector<16xi32>
      %parallel_loop3A_115 = arith.muli %parallel_loop3A_108, %parallel_loop3A_114 : vector<16xi32>
      %parallel_loop3A_116 = arith.constant 20 : i32
      %parallel_loop3A_117 = vector.broadcast %parallel_loop3A_116 : i32 to vector<16xi32>
      %parallel_loop3A_118 = arith.shrsi %parallel_loop3A_115, %parallel_loop3A_117 : vector<16xi32>
      %parallel_loop3A_119 = arith.constant 19 : i32
      %parallel_loop3A_120 = vector.broadcast %parallel_loop3A_119 : i32 to vector<16xi32>
      %parallel_loop3A_121 = arith.muli %parallel_loop3A_118, %parallel_loop3A_120 : vector<16xi32>
      %parallel_loop3A_122 = arith.subi %parallel_loop3A_108, %parallel_loop3A_121 : vector<16xi32>
      %parallel_loop3A_123 = arith.constant -1640531535 : i32
      %parallel_loop3A_124 = vector.broadcast %parallel_loop3A_123 : i32 to vector<16xi32>
      %parallel_loop3A_125 = arith.muli %parallel_loop3A_122, %parallel_loop3A_124 : vector<16xi32>
      %parallel_loop3A_126 = arith.xori %parallel_loop3A_118, %parallel_loop3A_125 : vector<16xi32>
      %parallel_loop3A_127 = arith.constant 805459861 : i32
      %parallel_loop3A_128 = vector.broadcast %parallel_loop3A_127 : i32 to vector<16xi32>
      %parallel_loop3A_129 = arith.muli %parallel_loop3A_112, %parallel_loop3A_128 : vector<16xi32>
      %parallel_loop3A_130 = arith.xori %parallel_loop3A_126, %parallel_loop3A_129 : vector<16xi32>
      %parallel_loop3A_131 = arith.constant 32767 : i32
      %parallel_loop3A_132 = vector.broadcast %parallel_loop3A_131 : i32 to vector<16xi32>
      %parallel_loop3A_133 = arith.andi %parallel_loop3A_130, %parallel_loop3A_132 : vector<16xi32>
      %parallel_loop3A_134 = arith.constant 2 : i32
      %parallel_loop3A_135 = vector.broadcast %parallel_loop3A_134 : i32 to vector<16xi32>
      %parallel_loop3A_136 = arith.muli %parallel_loop3A_133, %parallel_loop3A_135 : vector<16xi32>
      %parallel_loop3A_137 = arith.constant 62016 : i32
      %parallel_loop3A_138 = vector.broadcast %parallel_loop3A_137 : i32 to vector<16xi32>
      %parallel_loop3A_139 = arith.addi %parallel_loop3A_136, %parallel_loop3A_138 : vector<16xi32>
      %parallel_loop3A_140 = arith.constant 2197 : i32
      %parallel_loop3A_141 = vector.broadcast %parallel_loop3A_140 : i32 to vector<16xi32>
      %parallel_loop3A_142 = arith.addi %parallel_loop3A_102, %parallel_loop3A_141 : vector<16xi32>
      %parallel_loop3A_143 = arith.constant 6859 : i32
      %parallel_loop3A_144 = vector.broadcast %parallel_loop3A_143 : i32 to vector<16xi32>
      %parallel_loop3A_145 = arith.cmpi slt, %parallel_loop3A_102, %parallel_loop3A_144 : vector<16xi32>
      %parallel_loop3A_146 = tpu.vector_load_idx %arg5[%parallel_loop3A_139] : memref<127552xf32, #tpu.memory_space<vmem>>[vector<16xi32>], vector<16xf32>,
      %parallel_loop3A_147 = arith.constant 1 : i32
      %parallel_loop3A_148 = vector.broadcast %parallel_loop3A_147 : i32 to vector<16xi32>
      %parallel_loop3A_149 = arith.addi %parallel_loop3A_139, %parallel_loop3A_148 : vector<16xi32>
      %parallel_loop3A_150 = tpu.vector_load_idx %arg5[%parallel_loop3A_149] : memref<127552xf32, #tpu.memory_space<vmem>>[vector<16xi32>], vector<16xf32>,
      tpu.vector_store_idx %arg5[%parallel_loop3A_142], %parallel_loop3A_146 masked %parallel_loop3A_145 : memref<127552xf32, #tpu.memory_space<vmem>>[vector<16xi32>], vector<16xf32>, vector<16xi1>
      %parallel_loop3A_151 = arith.constant 31008 : i32
      %parallel_loop3A_152 = tpu.memref_slice %arg5[%parallel_loop3A_151] : memref<127552xf32, #tpu.memory_space<vmem>> -> memref<31008xf32, #tpu.memory_space<vmem>>
      tpu.vector_store_idx %parallel_loop3A_152[%parallel_loop3A_142], %parallel_loop3A_150 masked %parallel_loop3A_145 : memref<31008xf32, #tpu.memory_space<vmem>>[vector<16xi32>], vector<16xf32>, vector<16xi1>
    } {sc.loop_unroll_factor = 4 : i64, sc.parallel_access}
    "tpu.region"() ({
      %run_scoped3A = tpu.sem_alloc : memref<!tpu.dma_semaphore, #tpu.memory_space<semaphore_mem>>
      %dma_start3A_98 = arith.constant 62016 : i32
      %dma_start3A_99 = tpu.memref_slice %arg5[%dma_start3A_98] : memref<127552xf32, #tpu.memory_space<vmem>> -> memref<65536xf32, #tpu.memory_space<vmem>>
      %dma_start3A_100 = arith.constant 131072 : i32
      %dma_start3A_101 = tpu.memref_slice %arg3[%dma_start3A_100] : memref<262144xf32, #tpu.memory_space<hbm>> -> memref<65536xf32, #tpu.memory_space<hbm>>
      %dma_start3A_102 = arith.constant 62016 : i32
      %dma_start3A_103 = tpu.memref_slice %arg5[%dma_start3A_102] : memref<127552xf32, #tpu.memory_space<vmem>> -> memref<65536xf32, #tpu.memory_space<vmem>>
      %dma_start3A_104 = arith.constant 131072 : i32
      %dma_start3A_105 = tpu.memref_slice %arg3[%dma_start3A_104] : memref<262144xf32, #tpu.memory_space<hbm>> -> memref<65536xf32, #tpu.memory_space<hbm>>
      tpu.enqueue_dma source(%dma_start3A_105 : memref<65536xf32, #tpu.memory_space<hbm>>) target(%dma_start3A_103 : memref<65536xf32, #tpu.memory_space<vmem>>) target_semaphore(%run_scoped3A : memref<!tpu.dma_semaphore, #tpu.memory_space<semaphore_mem>>)
      %dma_wait3A_106 = arith.constant 62016 : i32
      %dma_wait3A_107 = tpu.memref_slice %arg5[%dma_wait3A_106] : memref<127552xf32, #tpu.memory_space<vmem>> -> memref<65536xf32, #tpu.memory_space<vmem>>
      %dma_wait3A_108 = arith.constant 131072 : i32
      %dma_wait3A_109 = tpu.memref_slice %arg3[%dma_wait3A_108] : memref<262144xf32, #tpu.memory_space<hbm>> -> memref<65536xf32, #tpu.memory_space<hbm>>
      %dma_wait3A_110 = arith.constant 62016 : i32
      %dma_wait3A_111 = tpu.memref_slice %arg5[%dma_wait3A_110] : memref<127552xf32, #tpu.memory_space<vmem>> -> memref<65536xf32, #tpu.memory_space<vmem>>
      %dma_wait3A_112 = arith.constant 131072 : i32
      %dma_wait3A_113 = tpu.memref_slice %arg3[%dma_wait3A_112] : memref<262144xf32, #tpu.memory_space<hbm>> -> memref<65536xf32, #tpu.memory_space<hbm>>
      tpu.wait_dma2 semaphore(%run_scoped3A : memref<!tpu.dma_semaphore, #tpu.memory_space<semaphore_mem>>) src(%dma_wait3A_113 : memref<65536xf32, #tpu.memory_space<hbm>>) dst(%dma_wait3A_111 : memref<65536xf32, #tpu.memory_space<vmem>>)
      tpu.yield
    }) : () -> ()
    %parallel_loop3A_12 = arith.constant 0 : i32
    %parallel_loop3A_13 = arith.constant 1372 : i32
    %parallel_loop3A_14 = arith.constant 1 : i32
    scf.for %parallel_loop3A_98 = %parallel_loop3A_12 to %parallel_loop3A_13 step %parallel_loop3A_14  : i32 {
      %parallel_loop3A_99 = arith.constant 16 : i32
      %parallel_loop3A_100 = arith.muli %parallel_loop3A_98, %parallel_loop3A_99 : i32
      %parallel_loop3A_101 = vector.broadcast %parallel_loop3A_100 : i32 to vector<16xi32>
      %parallel_loop3A_102 = arith.addi %parallel_loop3A_101, %iota3A : vector<16xi32>
      %parallel_loop3A_103 = arith.constant 37450 : i32
      %parallel_loop3A_104 = vector.broadcast %parallel_loop3A_103 : i32 to vector<16xi32>
      %parallel_loop3A_105 = arith.muli %parallel_loop3A_102, %parallel_loop3A_104 : vector<16xi32>
      %parallel_loop3A_106 = arith.constant 20 : i32
      %parallel_loop3A_107 = vector.broadcast %parallel_loop3A_106 : i32 to vector<16xi32>
      %parallel_loop3A_108 = arith.shrsi %parallel_loop3A_105, %parallel_loop3A_107 : vector<16xi32>
      %parallel_loop3A_109 = arith.constant 28 : i32
      %parallel_loop3A_110 = vector.broadcast %parallel_loop3A_109 : i32 to vector<16xi32>
      %parallel_loop3A_111 = arith.muli %parallel_loop3A_108, %parallel_loop3A_110 : vector<16xi32>
      %parallel_loop3A_112 = arith.subi %parallel_loop3A_102, %parallel_loop3A_111 : vector<16xi32>
      %parallel_loop3A_113 = arith.constant 37450 : i32
      %parallel_loop3A_114 = vector.broadcast %parallel_loop3A_113 : i32 to vector<16xi32>
      %parallel_loop3A_115 = arith.muli %parallel_loop3A_108, %parallel_loop3A_114 : vector<16xi32>
      %parallel_loop3A_116 = arith.constant 20 : i32
      %parallel_loop3A_117 = vector.broadcast %parallel_loop3A_116 : i32 to vector<16xi32>
      %parallel_loop3A_118 = arith.shrsi %parallel_loop3A_115, %parallel_loop3A_117 : vector<16xi32>
      %parallel_loop3A_119 = arith.constant 28 : i32
      %parallel_loop3A_120 = vector.broadcast %parallel_loop3A_119 : i32 to vector<16xi32>
      %parallel_loop3A_121 = arith.muli %parallel_loop3A_118, %parallel_loop3A_120 : vector<16xi32>
      %parallel_loop3A_122 = arith.subi %parallel_loop3A_108, %parallel_loop3A_121 : vector<16xi32>
      %parallel_loop3A_123 = arith.constant -1640531535 : i32
      %parallel_loop3A_124 = vector.broadcast %parallel_loop3A_123 : i32 to vector<16xi32>
      %parallel_loop3A_125 = arith.muli %parallel_loop3A_122, %parallel_loop3A_124 : vector<16xi32>
      %parallel_loop3A_126 = arith.xori %parallel_loop3A_118, %parallel_loop3A_125 : vector<16xi32>
      %parallel_loop3A_127 = arith.constant 805459861 : i32
      %parallel_loop3A_128 = vector.broadcast %parallel_loop3A_127 : i32 to vector<16xi32>
      %parallel_loop3A_129 = arith.muli %parallel_loop3A_112, %parallel_loop3A_128 : vector<16xi32>
      %parallel_loop3A_130 = arith.xori %parallel_loop3A_126, %parallel_loop3A_129 : vector<16xi32>
      %parallel_loop3A_131 = arith.constant 32767 : i32
      %parallel_loop3A_132 = vector.broadcast %parallel_loop3A_131 : i32 to vector<16xi32>
      %parallel_loop3A_133 = arith.andi %parallel_loop3A_130, %parallel_loop3A_132 : vector<16xi32>
      %parallel_loop3A_134 = arith.constant 2 : i32
      %parallel_loop3A_135 = vector.broadcast %parallel_loop3A_134 : i32 to vector<16xi32>
      %parallel_loop3A_136 = arith.muli %parallel_loop3A_133, %parallel_loop3A_135 : vector<16xi32>
      %parallel_loop3A_137 = arith.constant 62016 : i32
      %parallel_loop3A_138 = vector.broadcast %parallel_loop3A_137 : i32 to vector<16xi32>
      %parallel_loop3A_139 = arith.addi %parallel_loop3A_136, %parallel_loop3A_138 : vector<16xi32>
      %parallel_loop3A_140 = arith.constant 9056 : i32
      %parallel_loop3A_141 = vector.broadcast %parallel_loop3A_140 : i32 to vector<16xi32>
      %parallel_loop3A_142 = arith.addi %parallel_loop3A_102, %parallel_loop3A_141 : vector<16xi32>
      %parallel_loop3A_143 = arith.constant 21952 : i32
      %parallel_loop3A_144 = vector.broadcast %parallel_loop3A_143 : i32 to vector<16xi32>
      %parallel_loop3A_145 = arith.cmpi slt, %parallel_loop3A_102, %parallel_loop3A_144 : vector<16xi32>
      %parallel_loop3A_146 = tpu.vector_load_idx %arg5[%parallel_loop3A_139] : memref<127552xf32, #tpu.memory_space<vmem>>[vector<16xi32>], vector<16xf32>,
      %parallel_loop3A_147 = arith.constant 1 : i32
      %parallel_loop3A_148 = vector.broadcast %parallel_loop3A_147 : i32 to vector<16xi32>
      %parallel_loop3A_149 = arith.addi %parallel_loop3A_139, %parallel_loop3A_148 : vector<16xi32>
      %parallel_loop3A_150 = tpu.vector_load_idx %arg5[%parallel_loop3A_149] : memref<127552xf32, #tpu.memory_space<vmem>>[vector<16xi32>], vector<16xf32>,
      tpu.vector_store_idx %arg5[%parallel_loop3A_142], %parallel_loop3A_146 masked %parallel_loop3A_145 : memref<127552xf32, #tpu.memory_space<vmem>>[vector<16xi32>], vector<16xf32>, vector<16xi1>
      %parallel_loop3A_151 = arith.constant 31008 : i32
      %parallel_loop3A_152 = tpu.memref_slice %arg5[%parallel_loop3A_151] : memref<127552xf32, #tpu.memory_space<vmem>> -> memref<31008xf32, #tpu.memory_space<vmem>>
      tpu.vector_store_idx %parallel_loop3A_152[%parallel_loop3A_142], %parallel_loop3A_150 masked %parallel_loop3A_145 : memref<31008xf32, #tpu.memory_space<vmem>>[vector<16xi32>], vector<16xf32>, vector<16xi1>
    } {sc.loop_unroll_factor = 4 : i64, sc.parallel_access}
    "tpu.region"() ({
      %run_scoped3A = tpu.sem_alloc : memref<!tpu.dma_semaphore, #tpu.memory_space<semaphore_mem>>
      %dma_start3A_98 = arith.constant 62016 : i32
      %dma_start3A_99 = tpu.memref_slice %arg5[%dma_start3A_98] : memref<127552xf32, #tpu.memory_space<vmem>> -> memref<65536xf32, #tpu.memory_space<vmem>>
      %dma_start3A_100 = arith.constant 196608 : i32
      %dma_start3A_101 = tpu.memref_slice %arg3[%dma_start3A_100] : memref<262144xf32, #tpu.memory_space<hbm>> -> memref<65536xf32, #tpu.memory_space<hbm>>
      %dma_start3A_102 = arith.constant 62016 : i32
      %dma_start3A_103 = tpu.memref_slice %arg5[%dma_start3A_102] : memref<127552xf32, #tpu.memory_space<vmem>> -> memref<65536xf32, #tpu.memory_space<vmem>>
      %dma_start3A_104 = arith.constant 196608 : i32
      %dma_start3A_105 = tpu.memref_slice %arg3[%dma_start3A_104] : memref<262144xf32, #tpu.memory_space<hbm>> -> memref<65536xf32, #tpu.memory_space<hbm>>
      tpu.enqueue_dma source(%dma_start3A_105 : memref<65536xf32, #tpu.memory_space<hbm>>) target(%dma_start3A_103 : memref<65536xf32, #tpu.memory_space<vmem>>) target_semaphore(%run_scoped3A : memref<!tpu.dma_semaphore, #tpu.memory_space<semaphore_mem>>)
      %dma_wait3A_106 = arith.constant 62016 : i32
      %dma_wait3A_107 = tpu.memref_slice %arg5[%dma_wait3A_106] : memref<127552xf32, #tpu.memory_space<vmem>> -> memref<65536xf32, #tpu.memory_space<vmem>>
      %dma_wait3A_108 = arith.constant 196608 : i32
      %dma_wait3A_109 = tpu.memref_slice %arg3[%dma_wait3A_108] : memref<262144xf32, #tpu.memory_space<hbm>> -> memref<65536xf32, #tpu.memory_space<hbm>>
      %dma_wait3A_110 = arith.constant 62016 : i32
      %dma_wait3A_111 = tpu.memref_slice %arg5[%dma_wait3A_110] : memref<127552xf32, #tpu.memory_space<vmem>> -> memref<65536xf32, #tpu.memory_space<vmem>>
      %dma_wait3A_112 = arith.constant 196608 : i32
      %dma_wait3A_113 = tpu.memref_slice %arg3[%dma_wait3A_112] : memref<262144xf32, #tpu.memory_space<hbm>> -> memref<65536xf32, #tpu.memory_space<hbm>>
      tpu.wait_dma2 semaphore(%run_scoped3A : memref<!tpu.dma_semaphore, #tpu.memory_space<semaphore_mem>>) src(%dma_wait3A_113 : memref<65536xf32, #tpu.memory_space<hbm>>) dst(%dma_wait3A_111 : memref<65536xf32, #tpu.memory_space<vmem>>)
      tpu.yield
    }) : () -> ()
    %add3A_15 = arith.constant 0 : i32
    %add3A_16 = arith.addi %add3A_15, %add3A : i32
    %min3A = arith.constant 7812 : i32
    %min3A_17 = arith.minsi %add3A_16, %min3A : i32
    %mul3A_18 = arith.constant 128 : i32
    %mul3A_19 = arith.muli %min3A_17, %mul3A_18 : i32
    %min3A_20 = arith.constant 999872 : i32
    %min3A_21 = arith.minsi %mul3A_19, %min3A_20 : i32
    %add3A_22 = arith.constant 0 : i32
    %add3A_23 = arith.addi %add3A_22, %min3A_21 : i32
    %dma_start3A = arith.constant 0 : i32
    %dma_start3A_24 = tpu.memref_slice %arg6[%dma_start3A] : memref<384xf32, #tpu.memory_space<vmem>> -> memref<128xf32, #tpu.memory_space<vmem>>
    %dma_start3A_25 = tpu.memref_slice %arg2[%add3A_23] : memref<3000000xf32, #tpu.memory_space<hbm>> -> memref<128xf32, #tpu.memory_space<hbm>>
    %dma_start3A_26 = arith.constant 0 : i32
    %dma_start3A_27 = tpu.memref_slice %arg6[%dma_start3A_26] : memref<384xf32, #tpu.memory_space<vmem>> -> memref<128xf32, #tpu.memory_space<vmem>>
    %dma_start3A_28 = tpu.memref_slice %arg2[%add3A_23] : memref<3000000xf32, #tpu.memory_space<hbm>> -> memref<128xf32, #tpu.memory_space<hbm>>
    tpu.enqueue_dma source(%dma_start3A_28 : memref<128xf32, #tpu.memory_space<hbm>>) target(%dma_start3A_27 : memref<128xf32, #tpu.memory_space<vmem>>) target_semaphore(%arg10 : memref<!tpu.dma_semaphore, #tpu.memory_space<semaphore_mem>>)
    %add3A_29 = arith.constant 1000000 : i32
    %add3A_30 = arith.addi %add3A_29, %min3A_21 : i32
    %dma_start3A_31 = arith.constant 128 : i32
    %dma_start3A_32 = tpu.memref_slice %arg6[%dma_start3A_31] : memref<384xf32, #tpu.memory_space<vmem>> -> memref<128xf32, #tpu.memory_space<vmem>>
    %dma_start3A_33 = tpu.memref_slice %arg2[%add3A_30] : memref<3000000xf32, #tpu.memory_space<hbm>> -> memref<128xf32, #tpu.memory_space<hbm>>
    %dma_start3A_34 = arith.constant 128 : i32
    %dma_start3A_35 = tpu.memref_slice %arg6[%dma_start3A_34] : memref<384xf32, #tpu.memory_space<vmem>> -> memref<128xf32, #tpu.memory_space<vmem>>
    %dma_start3A_36 = tpu.memref_slice %arg2[%add3A_30] : memref<3000000xf32, #tpu.memory_space<hbm>> -> memref<128xf32, #tpu.memory_space<hbm>>
    tpu.enqueue_dma source(%dma_start3A_36 : memref<128xf32, #tpu.memory_space<hbm>>) target(%dma_start3A_35 : memref<128xf32, #tpu.memory_space<vmem>>) target_semaphore(%arg10 : memref<!tpu.dma_semaphore, #tpu.memory_space<semaphore_mem>>)
    %add3A_37 = arith.constant 2000000 : i32
    %add3A_38 = arith.addi %add3A_37, %min3A_21 : i32
    %dma_start3A_39 = arith.constant 256 : i32
    %dma_start3A_40 = tpu.memref_slice %arg6[%dma_start3A_39] : memref<384xf32, #tpu.memory_space<vmem>> -> memref<128xf32, #tpu.memory_space<vmem>>
    %dma_start3A_41 = tpu.memref_slice %arg2[%add3A_38] : memref<3000000xf32, #tpu.memory_space<hbm>> -> memref<128xf32, #tpu.memory_space<hbm>>
    %dma_start3A_42 = arith.constant 256 : i32
    %dma_start3A_43 = tpu.memref_slice %arg6[%dma_start3A_42] : memref<384xf32, #tpu.memory_space<vmem>> -> memref<128xf32, #tpu.memory_space<vmem>>
    %dma_start3A_44 = tpu.memref_slice %arg2[%add3A_38] : memref<3000000xf32, #tpu.memory_space<hbm>> -> memref<128xf32, #tpu.memory_space<hbm>>
    tpu.enqueue_dma source(%dma_start3A_44 : memref<128xf32, #tpu.memory_space<hbm>>) target(%dma_start3A_43 : memref<128xf32, #tpu.memory_space<vmem>>) target_semaphore(%arg10 : memref<!tpu.dma_semaphore, #tpu.memory_space<semaphore_mem>>)
    %add3A_45 = arith.constant 32 : i32
    %add3A_46 = arith.addi %add3A_45, %add3A : i32
    %min3A_47 = arith.constant 7812 : i32
    %min3A_48 = arith.minsi %add3A_46, %min3A_47 : i32
    %mul3A_49 = arith.constant 128 : i32
    %mul3A_50 = arith.muli %min3A_48, %mul3A_49 : i32
    %min3A_51 = arith.constant 999872 : i32
    %min3A_52 = arith.minsi %mul3A_50, %min3A_51 : i32
    %add3A_53 = arith.constant 0 : i32
    %add3A_54 = arith.addi %add3A_53, %min3A_52 : i32
    %dma_start3A_55 = arith.constant 0 : i32
    %dma_start3A_56 = tpu.memref_slice %arg7[%dma_start3A_55] : memref<384xf32, #tpu.memory_space<vmem>> -> memref<128xf32, #tpu.memory_space<vmem>>
    %dma_start3A_57 = tpu.memref_slice %arg2[%add3A_54] : memref<3000000xf32, #tpu.memory_space<hbm>> -> memref<128xf32, #tpu.memory_space<hbm>>
    %dma_start3A_58 = arith.constant 0 : i32
    %dma_start3A_59 = tpu.memref_slice %arg7[%dma_start3A_58] : memref<384xf32, #tpu.memory_space<vmem>> -> memref<128xf32, #tpu.memory_space<vmem>>
    %dma_start3A_60 = tpu.memref_slice %arg2[%add3A_54] : memref<3000000xf32, #tpu.memory_space<hbm>> -> memref<128xf32, #tpu.memory_space<hbm>>
    tpu.enqueue_dma source(%dma_start3A_60 : memref<128xf32, #tpu.memory_space<hbm>>) target(%dma_start3A_59 : memref<128xf32, #tpu.memory_space<vmem>>) target_semaphore(%arg11 : memref<!tpu.dma_semaphore, #tpu.memory_space<semaphore_mem>>)
    %add3A_61 = arith.constant 1000000 : i32
    %add3A_62 = arith.addi %add3A_61, %min3A_52 : i32
    %dma_start3A_63 = arith.constant 128 : i32
    %dma_start3A_64 = tpu.memref_slice %arg7[%dma_start3A_63] : memref<384xf32, #tpu.memory_space<vmem>> -> memref<128xf32, #tpu.memory_space<vmem>>
    %dma_start3A_65 = tpu.memref_slice %arg2[%add3A_62] : memref<3000000xf32, #tpu.memory_space<hbm>> -> memref<128xf32, #tpu.memory_space<hbm>>
    %dma_start3A_66 = arith.constant 128 : i32
    %dma_start3A_67 = tpu.memref_slice %arg7[%dma_start3A_66] : memref<384xf32, #tpu.memory_space<vmem>> -> memref<128xf32, #tpu.memory_space<vmem>>
    %dma_start3A_68 = tpu.memref_slice %arg2[%add3A_62] : memref<3000000xf32, #tpu.memory_space<hbm>> -> memref<128xf32, #tpu.memory_space<hbm>>
    tpu.enqueue_dma source(%dma_start3A_68 : memref<128xf32, #tpu.memory_space<hbm>>) target(%dma_start3A_67 : memref<128xf32, #tpu.memory_space<vmem>>) target_semaphore(%arg11 : memref<!tpu.dma_semaphore, #tpu.memory_space<semaphore_mem>>)
    %add3A_69 = arith.constant 2000000 : i32
    %add3A_70 = arith.addi %add3A_69, %min3A_52 : i32
    %dma_start3A_71 = arith.constant 256 : i32
    %dma_start3A_72 = tpu.memref_slice %arg7[%dma_start3A_71] : memref<384xf32, #tpu.memory_space<vmem>> -> memref<128xf32, #tpu.memory_space<vmem>>
    %dma_start3A_73 = tpu.memref_slice %arg2[%add3A_70] : memref<3000000xf32, #tpu.memory_space<hbm>> -> memref<128xf32, #tpu.memory_space<hbm>>
    %dma_start3A_74 = arith.constant 256 : i32
    %dma_start3A_75 = tpu.memref_slice %arg7[%dma_start3A_74] : memref<384xf32, #tpu.memory_space<vmem>> -> memref<128xf32, #tpu.memory_space<vmem>>
    %dma_start3A_76 = tpu.memref_slice %arg2[%add3A_70] : memref<3000000xf32, #tpu.memory_space<hbm>> -> memref<128xf32, #tpu.memory_space<hbm>>
    tpu.enqueue_dma source(%dma_start3A_76 : memref<128xf32, #tpu.memory_space<hbm>>) target(%dma_start3A_75 : memref<128xf32, #tpu.memory_space<vmem>>) target_semaphore(%arg11 : memref<!tpu.dma_semaphore, #tpu.memory_space<semaphore_mem>>)
    %scan3A = arith.constant 0 : i32
    %scan3A_77 = arith.constant 0 : i32
    %scan3A_78 = arith.constant 123 : i32
    %scan3A_79 = arith.addi %scan3A_77, %scan3A_78 : i32
    %scan3A_80 = arith.constant 1 : i32
    %scan3A_81 = scf.for %scan3A_98 = %scan3A_77 to %scan3A_79 step %scan3A_80 iter_args(%scan3A_99 = %scan3A) -> (i32)  : i32 {
      %mul3A_100 = arith.constant 2 : i32
      %mul3A_101 = arith.muli %scan3A_98, %mul3A_100 : i32
      %add3A_102 = arith.constant 0 : i32
      %add3A_103 = arith.addi %mul3A_101, %add3A_102 : i32
      %mul3A_104 = arith.constant 32 : i32
      %mul3A_105 = arith.muli %add3A_103, %mul3A_104 : i32
      %add3A_106 = arith.addi %mul3A_105, %add3A : i32
      %min3A_107 = arith.constant 7812 : i32
      %min3A_108 = arith.minsi %add3A_106, %min3A_107 : i32
      %mul3A_109 = arith.constant 128 : i32
      %mul3A_110 = arith.muli %min3A_108, %mul3A_109 : i32
      %min3A_111 = arith.constant 999872 : i32
      %min3A_112 = arith.minsi %mul3A_110, %min3A_111 : i32
      %mul3A_113 = arith.constant 128 : i32
      %mul3A_114 = arith.muli %min3A_108, %mul3A_113 : i32
      %sub3A = arith.subi %mul3A_114, %min3A_112 : i32
      %dma_wait3A_115 = arith.constant 0 : i32
      %dma_wait3A_116 = tpu.memref_slice %arg2[%dma_wait3A_115] : memref<3000000xf32, #tpu.memory_space<hbm>> -> memref<384xf32, #tpu.memory_space<hbm>>
      %dma_wait3A_117 = arith.constant 0 : i32
      %dma_wait3A_118 = tpu.memref_slice %arg2[%dma_wait3A_117] : memref<3000000xf32, #tpu.memory_space<hbm>> -> memref<384xf32, #tpu.memory_space<hbm>>
      tpu.wait_dma2 semaphore(%arg10 : memref<!tpu.dma_semaphore, #tpu.memory_space<semaphore_mem>>) src(%dma_wait3A_118 : memref<384xf32, #tpu.memory_space<hbm>>) dst(%arg6 : memref<384xf32, #tpu.memory_space<vmem>>)
      %gt3A = arith.constant 0 : i32
      %gt3A_119 = arith.cmpi sgt, %scan3A_98, %gt3A : i32
      %convert_element_type3A = arith.extui %gt3A_119 : i1 to i32
      %cond3A = arith.constant 0 : i32
      %cond3A_120 = arith.cmpi ne, %convert_element_type3A, %cond3A : i32
      scf.if %cond3A_120 {
        %dma_wait3A_231 = arith.constant 0 : i32
        %dma_wait3A_232 = tpu.memref_slice %arg4[%dma_wait3A_231] : memref<8000512xf32, #tpu.memory_space<hbm>> -> memref<1024xf32, #tpu.memory_space<hbm>>
        %dma_wait3A_233 = arith.constant 0 : i32
        %dma_wait3A_234 = tpu.memref_slice %arg4[%dma_wait3A_233] : memref<8000512xf32, #tpu.memory_space<hbm>> -> memref<1024xf32, #tpu.memory_space<hbm>>
        tpu.wait_dma2 semaphore(%arg12 : memref<!tpu.dma_semaphore, #tpu.memory_space<semaphore_mem>>) src(%arg8 : memref<1024xf32, #tpu.memory_space<vmem>>) dst(%dma_wait3A_234 : memref<1024xf32, #tpu.memory_space<hbm>>)
      } else {
      }
      %parallel_loop3A_121 = arith.constant 0 : i32
      %parallel_loop3A_122 = arith.constant 8 : i32
      %parallel_loop3A_123 = arith.constant 1 : i32
      scf.for %parallel_loop3A_231 = %parallel_loop3A_121 to %parallel_loop3A_122 step %parallel_loop3A_123  : i32 {
        %parallel_loop3A_232 = arith.constant 16 : i32
        %parallel_loop3A_233 = arith.muli %parallel_loop3A_231, %parallel_loop3A_232 : i32
        %parallel_loop3A_234 = arith.addi %sub3A, %parallel_loop3A_233 : i32
        %parallel_loop3A_235 = arith.constant 112 : i32
        %parallel_loop3A_236 = arith.minsi %parallel_loop3A_234, %parallel_loop3A_235 : i32
        %parallel_loop3A_237 = arith.index_cast %parallel_loop3A_236 : i32 to index
        %parallel_loop3A_238 = tpu.vector_load %arg6[%parallel_loop3A_237] {strides = array<i32>} : memref<384xf32, #tpu.memory_space<vmem>>, vector<16xf32>,
        %parallel_loop3A_239 = arith.constant 128 : i32
        %parallel_loop3A_240 = arith.addi %parallel_loop3A_239, %parallel_loop3A_234 : i32
        %parallel_loop3A_241 = arith.constant 240 : i32
        %parallel_loop3A_242 = arith.minsi %parallel_loop3A_240, %parallel_loop3A_241 : i32
        %parallel_loop3A_243 = arith.index_cast %parallel_loop3A_242 : i32 to index
        %parallel_loop3A_244 = tpu.vector_load %arg6[%parallel_loop3A_243] {strides = array<i32>} : memref<384xf32, #tpu.memory_space<vmem>>, vector<16xf32>,
        %parallel_loop3A_245 = arith.constant 256 : i32
        %parallel_loop3A_246 = arith.addi %parallel_loop3A_245, %parallel_loop3A_234 : i32
        %parallel_loop3A_247 = arith.constant 368 : i32
        %parallel_loop3A_248 = arith.minsi %parallel_loop3A_246, %parallel_loop3A_247 : i32
        %parallel_loop3A_249 = arith.index_cast %parallel_loop3A_248 : i32 to index
        %parallel_loop3A_250 = tpu.vector_load %arg6[%parallel_loop3A_249] {strides = array<i32>} : memref<384xf32, #tpu.memory_space<vmem>>, vector<16xf32>,
        %parallel_loop3A_251 = arith.constant 1.200000e+01 : f32
        %parallel_loop3A_252 = vector.broadcast %parallel_loop3A_251 : f32 to vector<16xf32>
        %parallel_loop3A_253 = arith.mulf %parallel_loop3A_238, %parallel_loop3A_252 : vector<16xf32>
        %parallel_loop3A_254 = arith.constant 1.200000e+01 : f32
        %parallel_loop3A_255 = vector.broadcast %parallel_loop3A_254 : f32 to vector<16xf32>
        %parallel_loop3A_256 = arith.mulf %parallel_loop3A_244, %parallel_loop3A_255 : vector<16xf32>
        %parallel_loop3A_257 = arith.constant 1.200000e+01 : f32
        %parallel_loop3A_258 = vector.broadcast %parallel_loop3A_257 : f32 to vector<16xf32>
        %parallel_loop3A_259 = arith.mulf %parallel_loop3A_250, %parallel_loop3A_258 : vector<16xf32>
        %parallel_loop3A_260 = arith.fptosi %parallel_loop3A_253 : vector<16xf32> to vector<16xi32>
        %parallel_loop3A_261 = arith.fptosi %parallel_loop3A_256 : vector<16xf32> to vector<16xi32>
        %parallel_loop3A_262 = arith.fptosi %parallel_loop3A_259 : vector<16xf32> to vector<16xi32>
        %parallel_loop3A_263 = arith.sitofp %parallel_loop3A_260 : vector<16xi32> to vector<16xf32>
        %parallel_loop3A_264 = arith.subf %parallel_loop3A_253, %parallel_loop3A_263 : vector<16xf32>
        %parallel_loop3A_265 = arith.sitofp %parallel_loop3A_261 : vector<16xi32> to vector<16xf32>
        %parallel_loop3A_266 = arith.subf %parallel_loop3A_256, %parallel_loop3A_265 : vector<16xf32>
        %parallel_loop3A_267 = arith.sitofp %parallel_loop3A_262 : vector<16xi32> to vector<16xf32>
        %parallel_loop3A_268 = arith.subf %parallel_loop3A_259, %parallel_loop3A_267 : vector<16xf32>
        %parallel_loop3A_269 = arith.constant 1.000000e+00 : f32
        %parallel_loop3A_270 = vector.broadcast %parallel_loop3A_269 : f32 to vector<16xf32>
        %parallel_loop3A_271 = arith.subf %parallel_loop3A_270, %parallel_loop3A_264 : vector<16xf32>
        %parallel_loop3A_272 = arith.constant 1.000000e+00 : f32
        %parallel_loop3A_273 = vector.broadcast %parallel_loop3A_272 : f32 to vector<16xf32>
        %parallel_loop3A_274 = arith.subf %parallel_loop3A_273, %parallel_loop3A_266 : vector<16xf32>
        %parallel_loop3A_275 = arith.constant 1.000000e+00 : f32
        %parallel_loop3A_276 = vector.broadcast %parallel_loop3A_275 : f32 to vector<16xf32>
        %parallel_loop3A_277 = arith.subf %parallel_loop3A_276, %parallel_loop3A_268 : vector<16xf32>
        %parallel_loop3A_278 = arith.mulf %parallel_loop3A_271, %parallel_loop3A_274 : vector<16xf32>
        %parallel_loop3A_279 = arith.mulf %parallel_loop3A_271, %parallel_loop3A_266 : vector<16xf32>
        %parallel_loop3A_280 = arith.mulf %parallel_loop3A_264, %parallel_loop3A_274 : vector<16xf32>
        %parallel_loop3A_281 = arith.mulf %parallel_loop3A_264, %parallel_loop3A_266 : vector<16xf32>
        %parallel_loop3A_282 = arith.constant 13 : i32
        %parallel_loop3A_283 = vector.broadcast %parallel_loop3A_282 : i32 to vector<16xi32>
        %parallel_loop3A_284 = arith.muli %parallel_loop3A_260, %parallel_loop3A_283 : vector<16xi32>
        %parallel_loop3A_285 = arith.addi %parallel_loop3A_284, %parallel_loop3A_261 : vector<16xi32>
        %parallel_loop3A_286 = arith.constant 13 : i32
        %parallel_loop3A_287 = vector.broadcast %parallel_loop3A_286 : i32 to vector<16xi32>
        %parallel_loop3A_288 = arith.muli %parallel_loop3A_285, %parallel_loop3A_287 : vector<16xi32>
        %parallel_loop3A_289 = arith.addi %parallel_loop3A_288, %parallel_loop3A_262 : vector<16xi32>
        %parallel_loop3A_290 = tpu.vector_load_idx %arg5[%parallel_loop3A_289] : memref<127552xf32, #tpu.memory_space<vmem>>[vector<16xi32>], vector<16xf32>,
        %parallel_loop3A_291 = arith.constant 31008 : i32
        %parallel_loop3A_292 = tpu.memref_slice %arg5[%parallel_loop3A_291] : memref<127552xf32, #tpu.memory_space<vmem>> -> memref<31008xf32, #tpu.memory_space<vmem>>
        %parallel_loop3A_293 = tpu.vector_load_idx %parallel_loop3A_292[%parallel_loop3A_289] : memref<31008xf32, #tpu.memory_space<vmem>>[vector<16xi32>], vector<16xf32>,
        %parallel_loop3A_294 = arith.mulf %parallel_loop3A_278, %parallel_loop3A_277 : vector<16xf32>
        %parallel_loop3A_295 = arith.mulf %parallel_loop3A_294, %parallel_loop3A_290 : vector<16xf32>
        %parallel_loop3A_296 = arith.mulf %parallel_loop3A_294, %parallel_loop3A_293 : vector<16xf32>
        %parallel_loop3A_297 = arith.constant 169 : i32
        %parallel_loop3A_298 = vector.broadcast %parallel_loop3A_297 : i32 to vector<16xi32>
        %parallel_loop3A_299 = arith.addi %parallel_loop3A_289, %parallel_loop3A_298 : vector<16xi32>
        %parallel_loop3A_300 = tpu.vector_load_idx %arg5[%parallel_loop3A_299] : memref<127552xf32, #tpu.memory_space<vmem>>[vector<16xi32>], vector<16xf32>,
        %parallel_loop3A_301 = arith.constant 31008 : i32
        %parallel_loop3A_302 = tpu.memref_slice %arg5[%parallel_loop3A_301] : memref<127552xf32, #tpu.memory_space<vmem>> -> memref<31008xf32, #tpu.memory_space<vmem>>
        %parallel_loop3A_303 = tpu.vector_load_idx %parallel_loop3A_302[%parallel_loop3A_299] : memref<31008xf32, #tpu.memory_space<vmem>>[vector<16xi32>], vector<16xf32>,
        %parallel_loop3A_304 = arith.mulf %parallel_loop3A_280, %parallel_loop3A_277 : vector<16xf32>
        %parallel_loop3A_305 = arith.mulf %parallel_loop3A_304, %parallel_loop3A_300 : vector<16xf32>
        %parallel_loop3A_306 = arith.addf %parallel_loop3A_295, %parallel_loop3A_305 : vector<16xf32>
        %parallel_loop3A_307 = arith.mulf %parallel_loop3A_304, %parallel_loop3A_303 : vector<16xf32>
        %parallel_loop3A_308 = arith.addf %parallel_loop3A_296, %parallel_loop3A_307 : vector<16xf32>
        %parallel_loop3A_309 = arith.constant 13 : i32
        %parallel_loop3A_310 = vector.broadcast %parallel_loop3A_309 : i32 to vector<16xi32>
        %parallel_loop3A_311 = arith.addi %parallel_loop3A_289, %parallel_loop3A_310 : vector<16xi32>
        %parallel_loop3A_312 = tpu.vector_load_idx %arg5[%parallel_loop3A_311] : memref<127552xf32, #tpu.memory_space<vmem>>[vector<16xi32>], vector<16xf32>,
        %parallel_loop3A_313 = arith.constant 31008 : i32
        %parallel_loop3A_314 = tpu.memref_slice %arg5[%parallel_loop3A_313] : memref<127552xf32, #tpu.memory_space<vmem>> -> memref<31008xf32, #tpu.memory_space<vmem>>
        %parallel_loop3A_315 = tpu.vector_load_idx %parallel_loop3A_314[%parallel_loop3A_311] : memref<31008xf32, #tpu.memory_space<vmem>>[vector<16xi32>], vector<16xf32>,
        %parallel_loop3A_316 = arith.mulf %parallel_loop3A_279, %parallel_loop3A_277 : vector<16xf32>
        %parallel_loop3A_317 = arith.mulf %parallel_loop3A_316, %parallel_loop3A_312 : vector<16xf32>
        %parallel_loop3A_318 = arith.addf %parallel_loop3A_306, %parallel_loop3A_317 : vector<16xf32>
        %parallel_loop3A_319 = arith.mulf %parallel_loop3A_316, %parallel_loop3A_315 : vector<16xf32>
        %parallel_loop3A_320 = arith.addf %parallel_loop3A_308, %parallel_loop3A_319 : vector<16xf32>
        %parallel_loop3A_321 = arith.constant 182 : i32
        %parallel_loop3A_322 = vector.broadcast %parallel_loop3A_321 : i32 to vector<16xi32>
        %parallel_loop3A_323 = arith.addi %parallel_loop3A_289, %parallel_loop3A_322 : vector<16xi32>
        %parallel_loop3A_324 = tpu.vector_load_idx %arg5[%parallel_loop3A_323] : memref<127552xf32, #tpu.memory_space<vmem>>[vector<16xi32>], vector<16xf32>,
        %parallel_loop3A_325 = arith.constant 31008 : i32
        %parallel_loop3A_326 = tpu.memref_slice %arg5[%parallel_loop3A_325] : memref<127552xf32, #tpu.memory_space<vmem>> -> memref<31008xf32, #tpu.memory_space<vmem>>
        %parallel_loop3A_327 = tpu.vector_load_idx %parallel_loop3A_326[%parallel_loop3A_323] : memref<31008xf32, #tpu.memory_space<vmem>>[vector<16xi32>], vector<16xf32>,
        %parallel_loop3A_328 = arith.mulf %parallel_loop3A_281, %parallel_loop3A_277 : vector<16xf32>
        %parallel_loop3A_329 = arith.mulf %parallel_loop3A_328, %parallel_loop3A_324 : vector<16xf32>
        %parallel_loop3A_330 = arith.addf %parallel_loop3A_318, %parallel_loop3A_329 : vector<16xf32>
        %parallel_loop3A_331 = arith.mulf %parallel_loop3A_328, %parallel_loop3A_327 : vector<16xf32>
        %parallel_loop3A_332 = arith.addf %parallel_loop3A_320, %parallel_loop3A_331 : vector<16xf32>
        %parallel_loop3A_333 = arith.constant 1 : i32
        %parallel_loop3A_334 = vector.broadcast %parallel_loop3A_333 : i32 to vector<16xi32>
        %parallel_loop3A_335 = arith.addi %parallel_loop3A_289, %parallel_loop3A_334 : vector<16xi32>
        %parallel_loop3A_336 = tpu.vector_load_idx %arg5[%parallel_loop3A_335] : memref<127552xf32, #tpu.memory_space<vmem>>[vector<16xi32>], vector<16xf32>,
        %parallel_loop3A_337 = arith.constant 31008 : i32
        %parallel_loop3A_338 = tpu.memref_slice %arg5[%parallel_loop3A_337] : memref<127552xf32, #tpu.memory_space<vmem>> -> memref<31008xf32, #tpu.memory_space<vmem>>
        %parallel_loop3A_339 = tpu.vector_load_idx %parallel_loop3A_338[%parallel_loop3A_335] : memref<31008xf32, #tpu.memory_space<vmem>>[vector<16xi32>], vector<16xf32>,
        %parallel_loop3A_340 = arith.mulf %parallel_loop3A_278, %parallel_loop3A_268 : vector<16xf32>
        %parallel_loop3A_341 = arith.mulf %parallel_loop3A_340, %parallel_loop3A_336 : vector<16xf32>
        %parallel_loop3A_342 = arith.addf %parallel_loop3A_330, %parallel_loop3A_341 : vector<16xf32>
        %parallel_loop3A_343 = arith.mulf %parallel_loop3A_340, %parallel_loop3A_339 : vector<16xf32>
        %parallel_loop3A_344 = arith.addf %parallel_loop3A_332, %parallel_loop3A_343 : vector<16xf32>
        %parallel_loop3A_345 = arith.constant 170 : i32
        %parallel_loop3A_346 = vector.broadcast %parallel_loop3A_345 : i32 to vector<16xi32>
        %parallel_loop3A_347 = arith.addi %parallel_loop3A_289, %parallel_loop3A_346 : vector<16xi32>
        %parallel_loop3A_348 = tpu.vector_load_idx %arg5[%parallel_loop3A_347] : memref<127552xf32, #tpu.memory_space<vmem>>[vector<16xi32>], vector<16xf32>,
        %parallel_loop3A_349 = arith.constant 31008 : i32
        %parallel_loop3A_350 = tpu.memref_slice %arg5[%parallel_loop3A_349] : memref<127552xf32, #tpu.memory_space<vmem>> -> memref<31008xf32, #tpu.memory_space<vmem>>
        %parallel_loop3A_351 = tpu.vector_load_idx %parallel_loop3A_350[%parallel_loop3A_347] : memref<31008xf32, #tpu.memory_space<vmem>>[vector<16xi32>], vector<16xf32>,
        %parallel_loop3A_352 = arith.mulf %parallel_loop3A_280, %parallel_loop3A_268 : vector<16xf32>
        %parallel_loop3A_353 = arith.mulf %parallel_loop3A_352, %parallel_loop3A_348 : vector<16xf32>
        %parallel_loop3A_354 = arith.addf %parallel_loop3A_342, %parallel_loop3A_353 : vector<16xf32>
        %parallel_loop3A_355 = arith.mulf %parallel_loop3A_352, %parallel_loop3A_351 : vector<16xf32>
        %parallel_loop3A_356 = arith.addf %parallel_loop3A_344, %parallel_loop3A_355 : vector<16xf32>
        %parallel_loop3A_357 = arith.constant 14 : i32
        %parallel_loop3A_358 = vector.broadcast %parallel_loop3A_357 : i32 to vector<16xi32>
        %parallel_loop3A_359 = arith.addi %parallel_loop3A_289, %parallel_loop3A_358 : vector<16xi32>
        %parallel_loop3A_360 = tpu.vector_load_idx %arg5[%parallel_loop3A_359] : memref<127552xf32, #tpu.memory_space<vmem>>[vector<16xi32>], vector<16xf32>,
        %parallel_loop3A_361 = arith.constant 31008 : i32
        %parallel_loop3A_362 = tpu.memref_slice %arg5[%parallel_loop3A_361] : memref<127552xf32, #tpu.memory_space<vmem>> -> memref<31008xf32, #tpu.memory_space<vmem>>
        %parallel_loop3A_363 = tpu.vector_load_idx %parallel_loop3A_362[%parallel_loop3A_359] : memref<31008xf32, #tpu.memory_space<vmem>>[vector<16xi32>], vector<16xf32>,
        %parallel_loop3A_364 = arith.mulf %parallel_loop3A_279, %parallel_loop3A_268 : vector<16xf32>
        %parallel_loop3A_365 = arith.mulf %parallel_loop3A_364, %parallel_loop3A_360 : vector<16xf32>
        %parallel_loop3A_366 = arith.addf %parallel_loop3A_354, %parallel_loop3A_365 : vector<16xf32>
        %parallel_loop3A_367 = arith.mulf %parallel_loop3A_364, %parallel_loop3A_363 : vector<16xf32>
        %parallel_loop3A_368 = arith.addf %parallel_loop3A_356, %parallel_loop3A_367 : vector<16xf32>
        %parallel_loop3A_369 = arith.constant 183 : i32
        %parallel_loop3A_370 = vector.broadcast %parallel_loop3A_369 : i32 to vector<16xi32>
        %parallel_loop3A_371 = arith.addi %parallel_loop3A_289, %parallel_loop3A_370 : vector<16xi32>
        %parallel_loop3A_372 = tpu.vector_load_idx %arg5[%parallel_loop3A_371] : memref<127552xf32, #tpu.memory_space<vmem>>[vector<16xi32>], vector<16xf32>,
        %parallel_loop3A_373 = arith.constant 31008 : i32
        %parallel_loop3A_374 = tpu.memref_slice %arg5[%parallel_loop3A_373] : memref<127552xf32, #tpu.memory_space<vmem>> -> memref<31008xf32, #tpu.memory_space<vmem>>
        %parallel_loop3A_375 = tpu.vector_load_idx %parallel_loop3A_374[%parallel_loop3A_371] : memref<31008xf32, #tpu.memory_space<vmem>>[vector<16xi32>], vector<16xf32>,
        %parallel_loop3A_376 = arith.mulf %parallel_loop3A_281, %parallel_loop3A_268 : vector<16xf32>
        %parallel_loop3A_377 = arith.mulf %parallel_loop3A_376, %parallel_loop3A_372 : vector<16xf32>
        %parallel_loop3A_378 = arith.addf %parallel_loop3A_366, %parallel_loop3A_377 : vector<16xf32>
        %parallel_loop3A_379 = arith.mulf %parallel_loop3A_376, %parallel_loop3A_375 : vector<16xf32>
        %parallel_loop3A_380 = arith.addf %parallel_loop3A_368, %parallel_loop3A_379 : vector<16xf32>
        %parallel_loop3A_381 = arith.constant 16 : i32
        %parallel_loop3A_382 = arith.muli %parallel_loop3A_231, %parallel_loop3A_381 : i32
        %parallel_loop3A_383 = arith.constant 0 : i32
        %parallel_loop3A_384 = arith.addi %parallel_loop3A_382, %parallel_loop3A_383 : i32
        %parallel_loop3A_385 = arith.index_cast %parallel_loop3A_384 : i32 to index
        %parallel_loop3A_386 = tpu.vector_load %arg8[%parallel_loop3A_385] {strides = array<i32>} : memref<1024xf32, #tpu.memory_space<vmem>>, vector<16xf32>,
        tpu.vector_store %arg8[%parallel_loop3A_385], %parallel_loop3A_378 {strides = array<i32>} : memref<1024xf32, #tpu.memory_space<vmem>>, vector<16xf32>,
        %parallel_loop3A_387 = arith.constant 16 : i32
        %parallel_loop3A_388 = arith.muli %parallel_loop3A_231, %parallel_loop3A_387 : i32
        %parallel_loop3A_389 = arith.constant 0 : i32
        %parallel_loop3A_390 = arith.addi %parallel_loop3A_388, %parallel_loop3A_389 : i32
        %parallel_loop3A_391 = arith.constant 128 : i32
        %parallel_loop3A_392 = arith.addi %parallel_loop3A_390, %parallel_loop3A_391 : i32
        %parallel_loop3A_393 = arith.index_cast %parallel_loop3A_392 : i32 to index
        %parallel_loop3A_394 = tpu.vector_load %arg8[%parallel_loop3A_393] {strides = array<i32>} : memref<1024xf32, #tpu.memory_space<vmem>>, vector<16xf32>,
        tpu.vector_store %arg8[%parallel_loop3A_393], %parallel_loop3A_380 {strides = array<i32>} : memref<1024xf32, #tpu.memory_space<vmem>>, vector<16xf32>,
        %parallel_loop3A_395 = arith.constant 1.800000e+01 : f32
        %parallel_loop3A_396 = vector.broadcast %parallel_loop3A_395 : f32 to vector<16xf32>
        %parallel_loop3A_397 = arith.mulf %parallel_loop3A_238, %parallel_loop3A_396 : vector<16xf32>
        %parallel_loop3A_398 = arith.constant 1.800000e+01 : f32
        %parallel_loop3A_399 = vector.broadcast %parallel_loop3A_398 : f32 to vector<16xf32>
        %parallel_loop3A_400 = arith.mulf %parallel_loop3A_244, %parallel_loop3A_399 : vector<16xf32>
        %parallel_loop3A_401 = arith.constant 1.800000e+01 : f32
        %parallel_loop3A_402 = vector.broadcast %parallel_loop3A_401 : f32 to vector<16xf32>
        %parallel_loop3A_403 = arith.mulf %parallel_loop3A_250, %parallel_loop3A_402 : vector<16xf32>
        %parallel_loop3A_404 = arith.fptosi %parallel_loop3A_397 : vector<16xf32> to vector<16xi32>
        %parallel_loop3A_405 = arith.fptosi %parallel_loop3A_400 : vector<16xf32> to vector<16xi32>
        %parallel_loop3A_406 = arith.fptosi %parallel_loop3A_403 : vector<16xf32> to vector<16xi32>
        %parallel_loop3A_407 = arith.sitofp %parallel_loop3A_404 : vector<16xi32> to vector<16xf32>
        %parallel_loop3A_408 = arith.subf %parallel_loop3A_397, %parallel_loop3A_407 : vector<16xf32>
        %parallel_loop3A_409 = arith.sitofp %parallel_loop3A_405 : vector<16xi32> to vector<16xf32>
        %parallel_loop3A_410 = arith.subf %parallel_loop3A_400, %parallel_loop3A_409 : vector<16xf32>
        %parallel_loop3A_411 = arith.sitofp %parallel_loop3A_406 : vector<16xi32> to vector<16xf32>
        %parallel_loop3A_412 = arith.subf %parallel_loop3A_403, %parallel_loop3A_411 : vector<16xf32>
        %parallel_loop3A_413 = arith.constant 1.000000e+00 : f32
        %parallel_loop3A_414 = vector.broadcast %parallel_loop3A_413 : f32 to vector<16xf32>
        %parallel_loop3A_415 = arith.subf %parallel_loop3A_414, %parallel_loop3A_408 : vector<16xf32>
        %parallel_loop3A_416 = arith.constant 1.000000e+00 : f32
        %parallel_loop3A_417 = vector.broadcast %parallel_loop3A_416 : f32 to vector<16xf32>
        %parallel_loop3A_418 = arith.subf %parallel_loop3A_417, %parallel_loop3A_410 : vector<16xf32>
        %parallel_loop3A_419 = arith.constant 1.000000e+00 : f32
        %parallel_loop3A_420 = vector.broadcast %parallel_loop3A_419 : f32 to vector<16xf32>
        %parallel_loop3A_421 = arith.subf %parallel_loop3A_420, %parallel_loop3A_412 : vector<16xf32>
        %parallel_loop3A_422 = arith.mulf %parallel_loop3A_415, %parallel_loop3A_418 : vector<16xf32>
        %parallel_loop3A_423 = arith.mulf %parallel_loop3A_415, %parallel_loop3A_410 : vector<16xf32>
        %parallel_loop3A_424 = arith.mulf %parallel_loop3A_408, %parallel_loop3A_418 : vector<16xf32>
        %parallel_loop3A_425 = arith.mulf %parallel_loop3A_408, %parallel_loop3A_410 : vector<16xf32>
        %parallel_loop3A_426 = arith.constant 19 : i32
        %parallel_loop3A_427 = vector.broadcast %parallel_loop3A_426 : i32 to vector<16xi32>
        %parallel_loop3A_428 = arith.muli %parallel_loop3A_404, %parallel_loop3A_427 : vector<16xi32>
        %parallel_loop3A_429 = arith.addi %parallel_loop3A_428, %parallel_loop3A_405 : vector<16xi32>
        %parallel_loop3A_430 = arith.constant 19 : i32
        %parallel_loop3A_431 = vector.broadcast %parallel_loop3A_430 : i32 to vector<16xi32>
        %parallel_loop3A_432 = arith.muli %parallel_loop3A_429, %parallel_loop3A_431 : vector<16xi32>
        %parallel_loop3A_433 = arith.addi %parallel_loop3A_432, %parallel_loop3A_406 : vector<16xi32>
        %parallel_loop3A_434 = arith.constant 2197 : i32
        %parallel_loop3A_435 = vector.broadcast %parallel_loop3A_434 : i32 to vector<16xi32>
        %parallel_loop3A_436 = arith.addi %parallel_loop3A_433, %parallel_loop3A_435 : vector<16xi32>
        %parallel_loop3A_437 = tpu.vector_load_idx %arg5[%parallel_loop3A_436] : memref<127552xf32, #tpu.memory_space<vmem>>[vector<16xi32>], vector<16xf32>,
        %parallel_loop3A_438 = arith.constant 31008 : i32
        %parallel_loop3A_439 = tpu.memref_slice %arg5[%parallel_loop3A_438] : memref<127552xf32, #tpu.memory_space<vmem>> -> memref<31008xf32, #tpu.memory_space<vmem>>
        %parallel_loop3A_440 = tpu.vector_load_idx %parallel_loop3A_439[%parallel_loop3A_436] : memref<31008xf32, #tpu.memory_space<vmem>>[vector<16xi32>], vector<16xf32>,
        %parallel_loop3A_441 = arith.mulf %parallel_loop3A_422, %parallel_loop3A_421 : vector<16xf32>
        %parallel_loop3A_442 = arith.mulf %parallel_loop3A_441, %parallel_loop3A_437 : vector<16xf32>
        %parallel_loop3A_443 = arith.mulf %parallel_loop3A_441, %parallel_loop3A_440 : vector<16xf32>
        %parallel_loop3A_444 = arith.constant 2558 : i32
        %parallel_loop3A_445 = vector.broadcast %parallel_loop3A_444 : i32 to vector<16xi32>
        %parallel_loop3A_446 = arith.addi %parallel_loop3A_433, %parallel_loop3A_445 : vector<16xi32>
        %parallel_loop3A_447 = tpu.vector_load_idx %arg5[%parallel_loop3A_446] : memref<127552xf32, #tpu.memory_space<vmem>>[vector<16xi32>], vector<16xf32>,
        %parallel_loop3A_448 = arith.constant 31008 : i32
        %parallel_loop3A_449 = tpu.memref_slice %arg5[%parallel_loop3A_448] : memref<127552xf32, #tpu.memory_space<vmem>> -> memref<31008xf32, #tpu.memory_space<vmem>>
        %parallel_loop3A_450 = tpu.vector_load_idx %parallel_loop3A_449[%parallel_loop3A_446] : memref<31008xf32, #tpu.memory_space<vmem>>[vector<16xi32>], vector<16xf32>,
        %parallel_loop3A_451 = arith.mulf %parallel_loop3A_424, %parallel_loop3A_421 : vector<16xf32>
        %parallel_loop3A_452 = arith.mulf %parallel_loop3A_451, %parallel_loop3A_447 : vector<16xf32>
        %parallel_loop3A_453 = arith.addf %parallel_loop3A_442, %parallel_loop3A_452 : vector<16xf32>
        %parallel_loop3A_454 = arith.mulf %parallel_loop3A_451, %parallel_loop3A_450 : vector<16xf32>
        %parallel_loop3A_455 = arith.addf %parallel_loop3A_443, %parallel_loop3A_454 : vector<16xf32>
        %parallel_loop3A_456 = arith.constant 2216 : i32
        %parallel_loop3A_457 = vector.broadcast %parallel_loop3A_456 : i32 to vector<16xi32>
        %parallel_loop3A_458 = arith.addi %parallel_loop3A_433, %parallel_loop3A_457 : vector<16xi32>
        %parallel_loop3A_459 = tpu.vector_load_idx %arg5[%parallel_loop3A_458] : memref<127552xf32, #tpu.memory_space<vmem>>[vector<16xi32>], vector<16xf32>,
        %parallel_loop3A_460 = arith.constant 31008 : i32
        %parallel_loop3A_461 = tpu.memref_slice %arg5[%parallel_loop3A_460] : memref<127552xf32, #tpu.memory_space<vmem>> -> memref<31008xf32, #tpu.memory_space<vmem>>
        %parallel_loop3A_462 = tpu.vector_load_idx %parallel_loop3A_461[%parallel_loop3A_458] : memref<31008xf32, #tpu.memory_space<vmem>>[vector<16xi32>], vector<16xf32>,
        %parallel_loop3A_463 = arith.mulf %parallel_loop3A_423, %parallel_loop3A_421 : vector<16xf32>
        %parallel_loop3A_464 = arith.mulf %parallel_loop3A_463, %parallel_loop3A_459 : vector<16xf32>
        %parallel_loop3A_465 = arith.addf %parallel_loop3A_453, %parallel_loop3A_464 : vector<16xf32>
        %parallel_loop3A_466 = arith.mulf %parallel_loop3A_463, %parallel_loop3A_462 : vector<16xf32>
        %parallel_loop3A_467 = arith.addf %parallel_loop3A_455, %parallel_loop3A_466 : vector<16xf32>
        %parallel_loop3A_468 = arith.constant 2577 : i32
        %parallel_loop3A_469 = vector.broadcast %parallel_loop3A_468 : i32 to vector<16xi32>
        %parallel_loop3A_470 = arith.addi %parallel_loop3A_433, %parallel_loop3A_469 : vector<16xi32>
        %parallel_loop3A_471 = tpu.vector_load_idx %arg5[%parallel_loop3A_470] : memref<127552xf32, #tpu.memory_space<vmem>>[vector<16xi32>], vector<16xf32>,
        %parallel_loop3A_472 = arith.constant 31008 : i32
        %parallel_loop3A_473 = tpu.memref_slice %arg5[%parallel_loop3A_472] : memref<127552xf32, #tpu.memory_space<vmem>> -> memref<31008xf32, #tpu.memory_space<vmem>>
        %parallel_loop3A_474 = tpu.vector_load_idx %parallel_loop3A_473[%parallel_loop3A_470] : memref<31008xf32, #tpu.memory_space<vmem>>[vector<16xi32>], vector<16xf32>,
        %parallel_loop3A_475 = arith.mulf %parallel_loop3A_425, %parallel_loop3A_421 : vector<16xf32>
        %parallel_loop3A_476 = arith.mulf %parallel_loop3A_475, %parallel_loop3A_471 : vector<16xf32>
        %parallel_loop3A_477 = arith.addf %parallel_loop3A_465, %parallel_loop3A_476 : vector<16xf32>
        %parallel_loop3A_478 = arith.mulf %parallel_loop3A_475, %parallel_loop3A_474 : vector<16xf32>
        %parallel_loop3A_479 = arith.addf %parallel_loop3A_467, %parallel_loop3A_478 : vector<16xf32>
        %parallel_loop3A_480 = arith.constant 2198 : i32
        %parallel_loop3A_481 = vector.broadcast %parallel_loop3A_480 : i32 to vector<16xi32>
        %parallel_loop3A_482 = arith.addi %parallel_loop3A_433, %parallel_loop3A_481 : vector<16xi32>
        %parallel_loop3A_483 = tpu.vector_load_idx %arg5[%parallel_loop3A_482] : memref<127552xf32, #tpu.memory_space<vmem>>[vector<16xi32>], vector<16xf32>,
        %parallel_loop3A_484 = arith.constant 31008 : i32
        %parallel_loop3A_485 = tpu.memref_slice %arg5[%parallel_loop3A_484] : memref<127552xf32, #tpu.memory_space<vmem>> -> memref<31008xf32, #tpu.memory_space<vmem>>
        %parallel_loop3A_486 = tpu.vector_load_idx %parallel_loop3A_485[%parallel_loop3A_482] : memref<31008xf32, #tpu.memory_space<vmem>>[vector<16xi32>], vector<16xf32>,
        %parallel_loop3A_487 = arith.mulf %parallel_loop3A_422, %parallel_loop3A_412 : vector<16xf32>
        %parallel_loop3A_488 = arith.mulf %parallel_loop3A_487, %parallel_loop3A_483 : vector<16xf32>
        %parallel_loop3A_489 = arith.addf %parallel_loop3A_477, %parallel_loop3A_488 : vector<16xf32>
        %parallel_loop3A_490 = arith.mulf %parallel_loop3A_487, %parallel_loop3A_486 : vector<16xf32>
        %parallel_loop3A_491 = arith.addf %parallel_loop3A_479, %parallel_loop3A_490 : vector<16xf32>
        %parallel_loop3A_492 = arith.constant 2559 : i32
        %parallel_loop3A_493 = vector.broadcast %parallel_loop3A_492 : i32 to vector<16xi32>
        %parallel_loop3A_494 = arith.addi %parallel_loop3A_433, %parallel_loop3A_493 : vector<16xi32>
        %parallel_loop3A_495 = tpu.vector_load_idx %arg5[%parallel_loop3A_494] : memref<127552xf32, #tpu.memory_space<vmem>>[vector<16xi32>], vector<16xf32>,
        %parallel_loop3A_496 = arith.constant 31008 : i32
        %parallel_loop3A_497 = tpu.memref_slice %arg5[%parallel_loop3A_496] : memref<127552xf32, #tpu.memory_space<vmem>> -> memref<31008xf32, #tpu.memory_space<vmem>>
        %parallel_loop3A_498 = tpu.vector_load_idx %parallel_loop3A_497[%parallel_loop3A_494] : memref<31008xf32, #tpu.memory_space<vmem>>[vector<16xi32>], vector<16xf32>,
        %parallel_loop3A_499 = arith.mulf %parallel_loop3A_424, %parallel_loop3A_412 : vector<16xf32>
        %parallel_loop3A_500 = arith.mulf %parallel_loop3A_499, %parallel_loop3A_495 : vector<16xf32>
        %parallel_loop3A_501 = arith.addf %parallel_loop3A_489, %parallel_loop3A_500 : vector<16xf32>
        %parallel_loop3A_502 = arith.mulf %parallel_loop3A_499, %parallel_loop3A_498 : vector<16xf32>
        %parallel_loop3A_503 = arith.addf %parallel_loop3A_491, %parallel_loop3A_502 : vector<16xf32>
        %parallel_loop3A_504 = arith.constant 2217 : i32
        %parallel_loop3A_505 = vector.broadcast %parallel_loop3A_504 : i32 to vector<16xi32>
        %parallel_loop3A_506 = arith.addi %parallel_loop3A_433, %parallel_loop3A_505 : vector<16xi32>
        %parallel_loop3A_507 = tpu.vector_load_idx %arg5[%parallel_loop3A_506] : memref<127552xf32, #tpu.memory_space<vmem>>[vector<16xi32>], vector<16xf32>,
        %parallel_loop3A_508 = arith.constant 31008 : i32
        %parallel_loop3A_509 = tpu.memref_slice %arg5[%parallel_loop3A_508] : memref<127552xf32, #tpu.memory_space<vmem>> -> memref<31008xf32, #tpu.memory_space<vmem>>
        %parallel_loop3A_510 = tpu.vector_load_idx %parallel_loop3A_509[%parallel_loop3A_506] : memref<31008xf32, #tpu.memory_space<vmem>>[vector<16xi32>], vector<16xf32>,
        %parallel_loop3A_511 = arith.mulf %parallel_loop3A_423, %parallel_loop3A_412 : vector<16xf32>
        %parallel_loop3A_512 = arith.mulf %parallel_loop3A_511, %parallel_loop3A_507 : vector<16xf32>
        %parallel_loop3A_513 = arith.addf %parallel_loop3A_501, %parallel_loop3A_512 : vector<16xf32>
        %parallel_loop3A_514 = arith.mulf %parallel_loop3A_511, %parallel_loop3A_510 : vector<16xf32>
        %parallel_loop3A_515 = arith.addf %parallel_loop3A_503, %parallel_loop3A_514 : vector<16xf32>
        %parallel_loop3A_516 = arith.constant 2578 : i32
        %parallel_loop3A_517 = vector.broadcast %parallel_loop3A_516 : i32 to vector<16xi32>
        %parallel_loop3A_518 = arith.addi %parallel_loop3A_433, %parallel_loop3A_517 : vector<16xi32>
        %parallel_loop3A_519 = tpu.vector_load_idx %arg5[%parallel_loop3A_518] : memref<127552xf32, #tpu.memory_space<vmem>>[vector<16xi32>], vector<16xf32>,
        %parallel_loop3A_520 = arith.constant 31008 : i32
        %parallel_loop3A_521 = tpu.memref_slice %arg5[%parallel_loop3A_520] : memref<127552xf32, #tpu.memory_space<vmem>> -> memref<31008xf32, #tpu.memory_space<vmem>>
        %parallel_loop3A_522 = tpu.vector_load_idx %parallel_loop3A_521[%parallel_loop3A_518] : memref<31008xf32, #tpu.memory_space<vmem>>[vector<16xi32>], vector<16xf32>,
        %parallel_loop3A_523 = arith.mulf %parallel_loop3A_425, %parallel_loop3A_412 : vector<16xf32>
        %parallel_loop3A_524 = arith.mulf %parallel_loop3A_523, %parallel_loop3A_519 : vector<16xf32>
        %parallel_loop3A_525 = arith.addf %parallel_loop3A_513, %parallel_loop3A_524 : vector<16xf32>
        %parallel_loop3A_526 = arith.mulf %parallel_loop3A_523, %parallel_loop3A_522 : vector<16xf32>
        %parallel_loop3A_527 = arith.addf %parallel_loop3A_515, %parallel_loop3A_526 : vector<16xf32>
        %parallel_loop3A_528 = arith.constant 16 : i32
        %parallel_loop3A_529 = arith.muli %parallel_loop3A_231, %parallel_loop3A_528 : i32
        %parallel_loop3A_530 = arith.constant 256 : i32
        %parallel_loop3A_531 = arith.addi %parallel_loop3A_529, %parallel_loop3A_530 : i32
        %parallel_loop3A_532 = arith.index_cast %parallel_loop3A_531 : i32 to index
        %parallel_loop3A_533 = tpu.vector_load %arg8[%parallel_loop3A_532] {strides = array<i32>} : memref<1024xf32, #tpu.memory_space<vmem>>, vector<16xf32>,
        tpu.vector_store %arg8[%parallel_loop3A_532], %parallel_loop3A_525 {strides = array<i32>} : memref<1024xf32, #tpu.memory_space<vmem>>, vector<16xf32>,
        %parallel_loop3A_534 = arith.constant 16 : i32
        %parallel_loop3A_535 = arith.muli %parallel_loop3A_231, %parallel_loop3A_534 : i32
        %parallel_loop3A_536 = arith.constant 256 : i32
        %parallel_loop3A_537 = arith.addi %parallel_loop3A_535, %parallel_loop3A_536 : i32
        %parallel_loop3A_538 = arith.constant 128 : i32
        %parallel_loop3A_539 = arith.addi %parallel_loop3A_537, %parallel_loop3A_538 : i32
        %parallel_loop3A_540 = arith.index_cast %parallel_loop3A_539 : i32 to index
        %parallel_loop3A_541 = tpu.vector_load %arg8[%parallel_loop3A_540] {strides = array<i32>} : memref<1024xf32, #tpu.memory_space<vmem>>, vector<16xf32>,
        tpu.vector_store %arg8[%parallel_loop3A_540], %parallel_loop3A_527 {strides = array<i32>} : memref<1024xf32, #tpu.memory_space<vmem>>, vector<16xf32>,
        %parallel_loop3A_542 = arith.constant 2.700000e+01 : f32
        %parallel_loop3A_543 = vector.broadcast %parallel_loop3A_542 : f32 to vector<16xf32>
        %parallel_loop3A_544 = arith.mulf %parallel_loop3A_238, %parallel_loop3A_543 : vector<16xf32>
        %parallel_loop3A_545 = arith.constant 2.700000e+01 : f32
        %parallel_loop3A_546 = vector.broadcast %parallel_loop3A_545 : f32 to vector<16xf32>
        %parallel_loop3A_547 = arith.mulf %parallel_loop3A_244, %parallel_loop3A_546 : vector<16xf32>
        %parallel_loop3A_548 = arith.constant 2.700000e+01 : f32
        %parallel_loop3A_549 = vector.broadcast %parallel_loop3A_548 : f32 to vector<16xf32>
        %parallel_loop3A_550 = arith.mulf %parallel_loop3A_250, %parallel_loop3A_549 : vector<16xf32>
        %parallel_loop3A_551 = arith.fptosi %parallel_loop3A_544 : vector<16xf32> to vector<16xi32>
        %parallel_loop3A_552 = arith.fptosi %parallel_loop3A_547 : vector<16xf32> to vector<16xi32>
        %parallel_loop3A_553 = arith.fptosi %parallel_loop3A_550 : vector<16xf32> to vector<16xi32>
        %parallel_loop3A_554 = arith.sitofp %parallel_loop3A_551 : vector<16xi32> to vector<16xf32>
        %parallel_loop3A_555 = arith.subf %parallel_loop3A_544, %parallel_loop3A_554 : vector<16xf32>
        %parallel_loop3A_556 = arith.sitofp %parallel_loop3A_552 : vector<16xi32> to vector<16xf32>
        %parallel_loop3A_557 = arith.subf %parallel_loop3A_547, %parallel_loop3A_556 : vector<16xf32>
        %parallel_loop3A_558 = arith.sitofp %parallel_loop3A_553 : vector<16xi32> to vector<16xf32>
        %parallel_loop3A_559 = arith.subf %parallel_loop3A_550, %parallel_loop3A_558 : vector<16xf32>
        %parallel_loop3A_560 = arith.constant 1.000000e+00 : f32
        %parallel_loop3A_561 = vector.broadcast %parallel_loop3A_560 : f32 to vector<16xf32>
        %parallel_loop3A_562 = arith.subf %parallel_loop3A_561, %parallel_loop3A_555 : vector<16xf32>
        %parallel_loop3A_563 = arith.constant 1.000000e+00 : f32
        %parallel_loop3A_564 = vector.broadcast %parallel_loop3A_563 : f32 to vector<16xf32>
        %parallel_loop3A_565 = arith.subf %parallel_loop3A_564, %parallel_loop3A_557 : vector<16xf32>
        %parallel_loop3A_566 = arith.constant 1.000000e+00 : f32
        %parallel_loop3A_567 = vector.broadcast %parallel_loop3A_566 : f32 to vector<16xf32>
        %parallel_loop3A_568 = arith.subf %parallel_loop3A_567, %parallel_loop3A_559 : vector<16xf32>
        %parallel_loop3A_569 = arith.mulf %parallel_loop3A_562, %parallel_loop3A_565 : vector<16xf32>
        %parallel_loop3A_570 = arith.mulf %parallel_loop3A_562, %parallel_loop3A_557 : vector<16xf32>
        %parallel_loop3A_571 = arith.mulf %parallel_loop3A_555, %parallel_loop3A_565 : vector<16xf32>
        %parallel_loop3A_572 = arith.mulf %parallel_loop3A_555, %parallel_loop3A_557 : vector<16xf32>
        %parallel_loop3A_573 = arith.constant 28 : i32
        %parallel_loop3A_574 = vector.broadcast %parallel_loop3A_573 : i32 to vector<16xi32>
        %parallel_loop3A_575 = arith.muli %parallel_loop3A_551, %parallel_loop3A_574 : vector<16xi32>
        %parallel_loop3A_576 = arith.addi %parallel_loop3A_575, %parallel_loop3A_552 : vector<16xi32>
        %parallel_loop3A_577 = arith.constant 28 : i32
        %parallel_loop3A_578 = vector.broadcast %parallel_loop3A_577 : i32 to vector<16xi32>
        %parallel_loop3A_579 = arith.muli %parallel_loop3A_576, %parallel_loop3A_578 : vector<16xi32>
        %parallel_loop3A_580 = arith.addi %parallel_loop3A_579, %parallel_loop3A_553 : vector<16xi32>
        %parallel_loop3A_581 = arith.constant 9056 : i32
        %parallel_loop3A_582 = vector.broadcast %parallel_loop3A_581 : i32 to vector<16xi32>
        %parallel_loop3A_583 = arith.addi %parallel_loop3A_580, %parallel_loop3A_582 : vector<16xi32>
        %parallel_loop3A_584 = tpu.vector_load_idx %arg5[%parallel_loop3A_583] : memref<127552xf32, #tpu.memory_space<vmem>>[vector<16xi32>], vector<16xf32>,
        %parallel_loop3A_585 = arith.constant 31008 : i32
        %parallel_loop3A_586 = tpu.memref_slice %arg5[%parallel_loop3A_585] : memref<127552xf32, #tpu.memory_space<vmem>> -> memref<31008xf32, #tpu.memory_space<vmem>>
        %parallel_loop3A_587 = tpu.vector_load_idx %parallel_loop3A_586[%parallel_loop3A_583] : memref<31008xf32, #tpu.memory_space<vmem>>[vector<16xi32>], vector<16xf32>,
        %parallel_loop3A_588 = arith.mulf %parallel_loop3A_569, %parallel_loop3A_568 : vector<16xf32>
        %parallel_loop3A_589 = arith.mulf %parallel_loop3A_588, %parallel_loop3A_584 : vector<16xf32>
        %parallel_loop3A_590 = arith.mulf %parallel_loop3A_588, %parallel_loop3A_587 : vector<16xf32>
        %parallel_loop3A_591 = arith.constant 9840 : i32
        %parallel_loop3A_592 = vector.broadcast %parallel_loop3A_591 : i32 to vector<16xi32>
        %parallel_loop3A_593 = arith.addi %parallel_loop3A_580, %parallel_loop3A_592 : vector<16xi32>
        %parallel_loop3A_594 = tpu.vector_load_idx %arg5[%parallel_loop3A_593] : memref<127552xf32, #tpu.memory_space<vmem>>[vector<16xi32>], vector<16xf32>,
        %parallel_loop3A_595 = arith.constant 31008 : i32
        %parallel_loop3A_596 = tpu.memref_slice %arg5[%parallel_loop3A_595] : memref<127552xf32, #tpu.memory_space<vmem>> -> memref<31008xf32, #tpu.memory_space<vmem>>
        %parallel_loop3A_597 = tpu.vector_load_idx %parallel_loop3A_596[%parallel_loop3A_593] : memref<31008xf32, #tpu.memory_space<vmem>>[vector<16xi32>], vector<16xf32>,
        %parallel_loop3A_598 = arith.mulf %parallel_loop3A_571, %parallel_loop3A_568 : vector<16xf32>
        %parallel_loop3A_599 = arith.mulf %parallel_loop3A_598, %parallel_loop3A_594 : vector<16xf32>
        %parallel_loop3A_600 = arith.addf %parallel_loop3A_589, %parallel_loop3A_599 : vector<16xf32>
        %parallel_loop3A_601 = arith.mulf %parallel_loop3A_598, %parallel_loop3A_597 : vector<16xf32>
        %parallel_loop3A_602 = arith.addf %parallel_loop3A_590, %parallel_loop3A_601 : vector<16xf32>
        %parallel_loop3A_603 = arith.constant 9084 : i32
        %parallel_loop3A_604 = vector.broadcast %parallel_loop3A_603 : i32 to vector<16xi32>
        %parallel_loop3A_605 = arith.addi %parallel_loop3A_580, %parallel_loop3A_604 : vector<16xi32>
        %parallel_loop3A_606 = tpu.vector_load_idx %arg5[%parallel_loop3A_605] : memref<127552xf32, #tpu.memory_space<vmem>>[vector<16xi32>], vector<16xf32>,
        %parallel_loop3A_607 = arith.constant 31008 : i32
        %parallel_loop3A_608 = tpu.memref_slice %arg5[%parallel_loop3A_607] : memref<127552xf32, #tpu.memory_space<vmem>> -> memref<31008xf32, #tpu.memory_space<vmem>>
        %parallel_loop3A_609 = tpu.vector_load_idx %parallel_loop3A_608[%parallel_loop3A_605] : memref<31008xf32, #tpu.memory_space<vmem>>[vector<16xi32>], vector<16xf32>,
        %parallel_loop3A_610 = arith.mulf %parallel_loop3A_570, %parallel_loop3A_568 : vector<16xf32>
        %parallel_loop3A_611 = arith.mulf %parallel_loop3A_610, %parallel_loop3A_606 : vector<16xf32>
        %parallel_loop3A_612 = arith.addf %parallel_loop3A_600, %parallel_loop3A_611 : vector<16xf32>
        %parallel_loop3A_613 = arith.mulf %parallel_loop3A_610, %parallel_loop3A_609 : vector<16xf32>
        %parallel_loop3A_614 = arith.addf %parallel_loop3A_602, %parallel_loop3A_613 : vector<16xf32>
        %parallel_loop3A_615 = arith.constant 9868 : i32
        %parallel_loop3A_616 = vector.broadcast %parallel_loop3A_615 : i32 to vector<16xi32>
        %parallel_loop3A_617 = arith.addi %parallel_loop3A_580, %parallel_loop3A_616 : vector<16xi32>
        %parallel_loop3A_618 = tpu.vector_load_idx %arg5[%parallel_loop3A_617] : memref<127552xf32, #tpu.memory_space<vmem>>[vector<16xi32>], vector<16xf32>,
        %parallel_loop3A_619 = arith.constant 31008 : i32
        %parallel_loop3A_620 = tpu.memref_slice %arg5[%parallel_loop3A_619] : memref<127552xf32, #tpu.memory_space<vmem>> -> memref<31008xf32, #tpu.memory_space<vmem>>
        %parallel_loop3A_621 = tpu.vector_load_idx %parallel_loop3A_620[%parallel_loop3A_617] : memref<31008xf32, #tpu.memory_space<vmem>>[vector<16xi32>], vector<16xf32>,
        %parallel_loop3A_622 = arith.mulf %parallel_loop3A_572, %parallel_loop3A_568 : vector<16xf32>
        %parallel_loop3A_623 = arith.mulf %parallel_loop3A_622, %parallel_loop3A_618 : vector<16xf32>
        %parallel_loop3A_624 = arith.addf %parallel_loop3A_612, %parallel_loop3A_623 : vector<16xf32>
        %parallel_loop3A_625 = arith.mulf %parallel_loop3A_622, %parallel_loop3A_621 : vector<16xf32>
        %parallel_loop3A_626 = arith.addf %parallel_loop3A_614, %parallel_loop3A_625 : vector<16xf32>
        %parallel_loop3A_627 = arith.constant 9057 : i32
        %parallel_loop3A_628 = vector.broadcast %parallel_loop3A_627 : i32 to vector<16xi32>
        %parallel_loop3A_629 = arith.addi %parallel_loop3A_580, %parallel_loop3A_628 : vector<16xi32>
        %parallel_loop3A_630 = tpu.vector_load_idx %arg5[%parallel_loop3A_629] : memref<127552xf32, #tpu.memory_space<vmem>>[vector<16xi32>], vector<16xf32>,
        %parallel_loop3A_631 = arith.constant 31008 : i32
        %parallel_loop3A_632 = tpu.memref_slice %arg5[%parallel_loop3A_631] : memref<127552xf32, #tpu.memory_space<vmem>> -> memref<31008xf32, #tpu.memory_space<vmem>>
        %parallel_loop3A_633 = tpu.vector_load_idx %parallel_loop3A_632[%parallel_loop3A_629] : memref<31008xf32, #tpu.memory_space<vmem>>[vector<16xi32>], vector<16xf32>,
        %parallel_loop3A_634 = arith.mulf %parallel_loop3A_569, %parallel_loop3A_559 : vector<16xf32>
        %parallel_loop3A_635 = arith.mulf %parallel_loop3A_634, %parallel_loop3A_630 : vector<16xf32>
        %parallel_loop3A_636 = arith.addf %parallel_loop3A_624, %parallel_loop3A_635 : vector<16xf32>
        %parallel_loop3A_637 = arith.mulf %parallel_loop3A_634, %parallel_loop3A_633 : vector<16xf32>
        %parallel_loop3A_638 = arith.addf %parallel_loop3A_626, %parallel_loop3A_637 : vector<16xf32>
        %parallel_loop3A_639 = arith.constant 9841 : i32
        %parallel_loop3A_640 = vector.broadcast %parallel_loop3A_639 : i32 to vector<16xi32>
        %parallel_loop3A_641 = arith.addi %parallel_loop3A_580, %parallel_loop3A_640 : vector<16xi32>
        %parallel_loop3A_642 = tpu.vector_load_idx %arg5[%parallel_loop3A_641] : memref<127552xf32, #tpu.memory_space<vmem>>[vector<16xi32>], vector<16xf32>,
        %parallel_loop3A_643 = arith.constant 31008 : i32
        %parallel_loop3A_644 = tpu.memref_slice %arg5[%parallel_loop3A_643] : memref<127552xf32, #tpu.memory_space<vmem>> -> memref<31008xf32, #tpu.memory_space<vmem>>
        %parallel_loop3A_645 = tpu.vector_load_idx %parallel_loop3A_644[%parallel_loop3A_641] : memref<31008xf32, #tpu.memory_space<vmem>>[vector<16xi32>], vector<16xf32>,
        %parallel_loop3A_646 = arith.mulf %parallel_loop3A_571, %parallel_loop3A_559 : vector<16xf32>
        %parallel_loop3A_647 = arith.mulf %parallel_loop3A_646, %parallel_loop3A_642 : vector<16xf32>
        %parallel_loop3A_648 = arith.addf %parallel_loop3A_636, %parallel_loop3A_647 : vector<16xf32>
        %parallel_loop3A_649 = arith.mulf %parallel_loop3A_646, %parallel_loop3A_645 : vector<16xf32>
        %parallel_loop3A_650 = arith.addf %parallel_loop3A_638, %parallel_loop3A_649 : vector<16xf32>
        %parallel_loop3A_651 = arith.constant 9085 : i32
        %parallel_loop3A_652 = vector.broadcast %parallel_loop3A_651 : i32 to vector<16xi32>
        %parallel_loop3A_653 = arith.addi %parallel_loop3A_580, %parallel_loop3A_652 : vector<16xi32>
        %parallel_loop3A_654 = tpu.vector_load_idx %arg5[%parallel_loop3A_653] : memref<127552xf32, #tpu.memory_space<vmem>>[vector<16xi32>], vector<16xf32>,
        %parallel_loop3A_655 = arith.constant 31008 : i32
        %parallel_loop3A_656 = tpu.memref_slice %arg5[%parallel_loop3A_655] : memref<127552xf32, #tpu.memory_space<vmem>> -> memref<31008xf32, #tpu.memory_space<vmem>>
        %parallel_loop3A_657 = tpu.vector_load_idx %parallel_loop3A_656[%parallel_loop3A_653] : memref<31008xf32, #tpu.memory_space<vmem>>[vector<16xi32>], vector<16xf32>,
        %parallel_loop3A_658 = arith.mulf %parallel_loop3A_570, %parallel_loop3A_559 : vector<16xf32>
        %parallel_loop3A_659 = arith.mulf %parallel_loop3A_658, %parallel_loop3A_654 : vector<16xf32>
        %parallel_loop3A_660 = arith.addf %parallel_loop3A_648, %parallel_loop3A_659 : vector<16xf32>
        %parallel_loop3A_661 = arith.mulf %parallel_loop3A_658, %parallel_loop3A_657 : vector<16xf32>
        %parallel_loop3A_662 = arith.addf %parallel_loop3A_650, %parallel_loop3A_661 : vector<16xf32>
        %parallel_loop3A_663 = arith.constant 9869 : i32
        %parallel_loop3A_664 = vector.broadcast %parallel_loop3A_663 : i32 to vector<16xi32>
        %parallel_loop3A_665 = arith.addi %parallel_loop3A_580, %parallel_loop3A_664 : vector<16xi32>
        %parallel_loop3A_666 = tpu.vector_load_idx %arg5[%parallel_loop3A_665] : memref<127552xf32, #tpu.memory_space<vmem>>[vector<16xi32>], vector<16xf32>,
        %parallel_loop3A_667 = arith.constant 31008 : i32
        %parallel_loop3A_668 = tpu.memref_slice %arg5[%parallel_loop3A_667] : memref<127552xf32, #tpu.memory_space<vmem>> -> memref<31008xf32, #tpu.memory_space<vmem>>
        %parallel_loop3A_669 = tpu.vector_load_idx %parallel_loop3A_668[%parallel_loop3A_665] : memref<31008xf32, #tpu.memory_space<vmem>>[vector<16xi32>], vector<16xf32>,
        %parallel_loop3A_670 = arith.mulf %parallel_loop3A_572, %parallel_loop3A_559 : vector<16xf32>
        %parallel_loop3A_671 = arith.mulf %parallel_loop3A_670, %parallel_loop3A_666 : vector<16xf32>
        %parallel_loop3A_672 = arith.addf %parallel_loop3A_660, %parallel_loop3A_671 : vector<16xf32>
        %parallel_loop3A_673 = arith.mulf %parallel_loop3A_670, %parallel_loop3A_669 : vector<16xf32>
        %parallel_loop3A_674 = arith.addf %parallel_loop3A_662, %parallel_loop3A_673 : vector<16xf32>
        %parallel_loop3A_675 = arith.constant 16 : i32
        %parallel_loop3A_676 = arith.muli %parallel_loop3A_231, %parallel_loop3A_675 : i32
        %parallel_loop3A_677 = arith.constant 512 : i32
        %parallel_loop3A_678 = arith.addi %parallel_loop3A_676, %parallel_loop3A_677 : i32
        %parallel_loop3A_679 = arith.index_cast %parallel_loop3A_678 : i32 to index
        %parallel_loop3A_680 = tpu.vector_load %arg8[%parallel_loop3A_679] {strides = array<i32>} : memref<1024xf32, #tpu.memory_space<vmem>>, vector<16xf32>,
        tpu.vector_store %arg8[%parallel_loop3A_679], %parallel_loop3A_672 {strides = array<i32>} : memref<1024xf32, #tpu.memory_space<vmem>>, vector<16xf32>,
        %parallel_loop3A_681 = arith.constant 16 : i32
        %parallel_loop3A_682 = arith.muli %parallel_loop3A_231, %parallel_loop3A_681 : i32
        %parallel_loop3A_683 = arith.constant 512 : i32
        %parallel_loop3A_684 = arith.addi %parallel_loop3A_682, %parallel_loop3A_683 : i32
        %parallel_loop3A_685 = arith.constant 128 : i32
        %parallel_loop3A_686 = arith.addi %parallel_loop3A_684, %parallel_loop3A_685 : i32
        %parallel_loop3A_687 = arith.index_cast %parallel_loop3A_686 : i32 to index
        %parallel_loop3A_688 = tpu.vector_load %arg8[%parallel_loop3A_687] {strides = array<i32>} : memref<1024xf32, #tpu.memory_space<vmem>>, vector<16xf32>,
        tpu.vector_store %arg8[%parallel_loop3A_687], %parallel_loop3A_674 {strides = array<i32>} : memref<1024xf32, #tpu.memory_space<vmem>>, vector<16xf32>,
        %parallel_loop3A_689 = arith.constant 4.000000e+01 : f32
        %parallel_loop3A_690 = vector.broadcast %parallel_loop3A_689 : f32 to vector<16xf32>
        %parallel_loop3A_691 = arith.mulf %parallel_loop3A_238, %parallel_loop3A_690 : vector<16xf32>
        %parallel_loop3A_692 = arith.constant 4.000000e+01 : f32
        %parallel_loop3A_693 = vector.broadcast %parallel_loop3A_692 : f32 to vector<16xf32>
        %parallel_loop3A_694 = arith.mulf %parallel_loop3A_244, %parallel_loop3A_693 : vector<16xf32>
        %parallel_loop3A_695 = arith.constant 4.000000e+01 : f32
        %parallel_loop3A_696 = vector.broadcast %parallel_loop3A_695 : f32 to vector<16xf32>
        %parallel_loop3A_697 = arith.mulf %parallel_loop3A_250, %parallel_loop3A_696 : vector<16xf32>
        %parallel_loop3A_698 = arith.fptosi %parallel_loop3A_691 : vector<16xf32> to vector<16xi32>
        %parallel_loop3A_699 = arith.fptosi %parallel_loop3A_694 : vector<16xf32> to vector<16xi32>
        %parallel_loop3A_700 = arith.fptosi %parallel_loop3A_697 : vector<16xf32> to vector<16xi32>
        %parallel_loop3A_701 = arith.sitofp %parallel_loop3A_698 : vector<16xi32> to vector<16xf32>
        %parallel_loop3A_702 = arith.subf %parallel_loop3A_691, %parallel_loop3A_701 : vector<16xf32>
        %parallel_loop3A_703 = arith.sitofp %parallel_loop3A_699 : vector<16xi32> to vector<16xf32>
        %parallel_loop3A_704 = arith.subf %parallel_loop3A_694, %parallel_loop3A_703 : vector<16xf32>
        %parallel_loop3A_705 = arith.sitofp %parallel_loop3A_700 : vector<16xi32> to vector<16xf32>
        %parallel_loop3A_706 = arith.subf %parallel_loop3A_697, %parallel_loop3A_705 : vector<16xf32>
        %parallel_loop3A_707 = arith.constant 1.000000e+00 : f32
        %parallel_loop3A_708 = vector.broadcast %parallel_loop3A_707 : f32 to vector<16xf32>
        %parallel_loop3A_709 = arith.subf %parallel_loop3A_708, %parallel_loop3A_702 : vector<16xf32>
        %parallel_loop3A_710 = arith.constant 1.000000e+00 : f32
        %parallel_loop3A_711 = vector.broadcast %parallel_loop3A_710 : f32 to vector<16xf32>
        %parallel_loop3A_712 = arith.subf %parallel_loop3A_711, %parallel_loop3A_704 : vector<16xf32>
        %parallel_loop3A_713 = arith.constant 1.000000e+00 : f32
        %parallel_loop3A_714 = vector.broadcast %parallel_loop3A_713 : f32 to vector<16xf32>
        %parallel_loop3A_715 = arith.subf %parallel_loop3A_714, %parallel_loop3A_706 : vector<16xf32>
        %parallel_loop3A_716 = arith.mulf %parallel_loop3A_709, %parallel_loop3A_712 : vector<16xf32>
        %parallel_loop3A_717 = arith.mulf %parallel_loop3A_709, %parallel_loop3A_704 : vector<16xf32>
        %parallel_loop3A_718 = arith.mulf %parallel_loop3A_702, %parallel_loop3A_712 : vector<16xf32>
        %parallel_loop3A_719 = arith.mulf %parallel_loop3A_702, %parallel_loop3A_704 : vector<16xf32>
        %parallel_loop3A_720 = arith.addi %parallel_loop3A_698, %parallel_loop3A_698 : vector<16xi32>
        %parallel_loop3A_721 = arith.constant 1013904226 : i32
        %parallel_loop3A_722 = vector.broadcast %parallel_loop3A_721 : i32 to vector<16xi32>
        %parallel_loop3A_723 = arith.muli %parallel_loop3A_699, %parallel_loop3A_722 : vector<16xi32>
        %parallel_loop3A_724 = arith.constant 1610919722 : i32
        %parallel_loop3A_725 = vector.broadcast %parallel_loop3A_724 : i32 to vector<16xi32>
        %parallel_loop3A_726 = arith.muli %parallel_loop3A_700, %parallel_loop3A_725 : vector<16xi32>
        %parallel_loop3A_727 = arith.constant 2 : i32
        %parallel_loop3A_728 = vector.broadcast %parallel_loop3A_727 : i32 to vector<16xi32>
        %parallel_loop3A_729 = arith.addi %parallel_loop3A_720, %parallel_loop3A_728 : vector<16xi32>
        %parallel_loop3A_730 = arith.constant 1013904226 : i32
        %parallel_loop3A_731 = vector.broadcast %parallel_loop3A_730 : i32 to vector<16xi32>
        %parallel_loop3A_732 = arith.addi %parallel_loop3A_723, %parallel_loop3A_731 : vector<16xi32>
        %parallel_loop3A_733 = arith.constant 1610919722 : i32
        %parallel_loop3A_734 = vector.broadcast %parallel_loop3A_733 : i32 to vector<16xi32>
        %parallel_loop3A_735 = arith.addi %parallel_loop3A_726, %parallel_loop3A_734 : vector<16xi32>
        %parallel_loop3A_736 = arith.xori %parallel_loop3A_720, %parallel_loop3A_723 : vector<16xi32>
        %parallel_loop3A_737 = arith.xori %parallel_loop3A_736, %parallel_loop3A_726 : vector<16xi32>
        %parallel_loop3A_738 = arith.constant 65534 : i32
        %parallel_loop3A_739 = vector.broadcast %parallel_loop3A_738 : i32 to vector<16xi32>
        %parallel_loop3A_740 = arith.andi %parallel_loop3A_737, %parallel_loop3A_739 : vector<16xi32>
        %parallel_loop3A_741 = arith.constant 62016 : i32
        %parallel_loop3A_742 = tpu.memref_slice %arg5[%parallel_loop3A_741] : memref<127552xf32, #tpu.memory_space<vmem>> -> memref<65536xf32, #tpu.memory_space<vmem>>
        %parallel_loop3A_743 = tpu.vector_load_idx %parallel_loop3A_742[%parallel_loop3A_740] : memref<65536xf32, #tpu.memory_space<vmem>>[vector<16xi32>], vector<16xf32>,
        %parallel_loop3A_744 = arith.constant 1 : i32
        %parallel_loop3A_745 = vector.broadcast %parallel_loop3A_744 : i32 to vector<16xi32>
        %parallel_loop3A_746 = arith.addi %parallel_loop3A_740, %parallel_loop3A_745 : vector<16xi32>
        %parallel_loop3A_747 = arith.constant 62016 : i32
        %parallel_loop3A_748 = tpu.memref_slice %arg5[%parallel_loop3A_747] : memref<127552xf32, #tpu.memory_space<vmem>> -> memref<65536xf32, #tpu.memory_space<vmem>>
        %parallel_loop3A_749 = tpu.vector_load_idx %parallel_loop3A_748[%parallel_loop3A_746] : memref<65536xf32, #tpu.memory_space<vmem>>[vector<16xi32>], vector<16xf32>,
        %parallel_loop3A_750 = arith.mulf %parallel_loop3A_716, %parallel_loop3A_715 : vector<16xf32>
        %parallel_loop3A_751 = arith.mulf %parallel_loop3A_750, %parallel_loop3A_743 : vector<16xf32>
        %parallel_loop3A_752 = arith.mulf %parallel_loop3A_750, %parallel_loop3A_749 : vector<16xf32>
        %parallel_loop3A_753 = arith.xori %parallel_loop3A_729, %parallel_loop3A_723 : vector<16xi32>
        %parallel_loop3A_754 = arith.xori %parallel_loop3A_753, %parallel_loop3A_726 : vector<16xi32>
        %parallel_loop3A_755 = arith.constant 65534 : i32
        %parallel_loop3A_756 = vector.broadcast %parallel_loop3A_755 : i32 to vector<16xi32>
        %parallel_loop3A_757 = arith.andi %parallel_loop3A_754, %parallel_loop3A_756 : vector<16xi32>
        %parallel_loop3A_758 = arith.constant 62016 : i32
        %parallel_loop3A_759 = tpu.memref_slice %arg5[%parallel_loop3A_758] : memref<127552xf32, #tpu.memory_space<vmem>> -> memref<65536xf32, #tpu.memory_space<vmem>>
        %parallel_loop3A_760 = tpu.vector_load_idx %parallel_loop3A_759[%parallel_loop3A_757] : memref<65536xf32, #tpu.memory_space<vmem>>[vector<16xi32>], vector<16xf32>,
        %parallel_loop3A_761 = arith.constant 1 : i32
        %parallel_loop3A_762 = vector.broadcast %parallel_loop3A_761 : i32 to vector<16xi32>
        %parallel_loop3A_763 = arith.addi %parallel_loop3A_757, %parallel_loop3A_762 : vector<16xi32>
        %parallel_loop3A_764 = arith.constant 62016 : i32
        %parallel_loop3A_765 = tpu.memref_slice %arg5[%parallel_loop3A_764] : memref<127552xf32, #tpu.memory_space<vmem>> -> memref<65536xf32, #tpu.memory_space<vmem>>
        %parallel_loop3A_766 = tpu.vector_load_idx %parallel_loop3A_765[%parallel_loop3A_763] : memref<65536xf32, #tpu.memory_space<vmem>>[vector<16xi32>], vector<16xf32>,
        %parallel_loop3A_767 = arith.mulf %parallel_loop3A_718, %parallel_loop3A_715 : vector<16xf32>
        %parallel_loop3A_768 = arith.mulf %parallel_loop3A_767, %parallel_loop3A_760 : vector<16xf32>
        %parallel_loop3A_769 = arith.addf %parallel_loop3A_751, %parallel_loop3A_768 : vector<16xf32>
        %parallel_loop3A_770 = arith.mulf %parallel_loop3A_767, %parallel_loop3A_766 : vector<16xf32>
        %parallel_loop3A_771 = arith.addf %parallel_loop3A_752, %parallel_loop3A_770 : vector<16xf32>
        %parallel_loop3A_772 = arith.xori %parallel_loop3A_720, %parallel_loop3A_732 : vector<16xi32>
        %parallel_loop3A_773 = arith.xori %parallel_loop3A_772, %parallel_loop3A_726 : vector<16xi32>
        %parallel_loop3A_774 = arith.constant 65534 : i32
        %parallel_loop3A_775 = vector.broadcast %parallel_loop3A_774 : i32 to vector<16xi32>
        %parallel_loop3A_776 = arith.andi %parallel_loop3A_773, %parallel_loop3A_775 : vector<16xi32>
        %parallel_loop3A_777 = arith.constant 62016 : i32
        %parallel_loop3A_778 = tpu.memref_slice %arg5[%parallel_loop3A_777] : memref<127552xf32, #tpu.memory_space<vmem>> -> memref<65536xf32, #tpu.memory_space<vmem>>
        %parallel_loop3A_779 = tpu.vector_load_idx %parallel_loop3A_778[%parallel_loop3A_776] : memref<65536xf32, #tpu.memory_space<vmem>>[vector<16xi32>], vector<16xf32>,
        %parallel_loop3A_780 = arith.constant 1 : i32
        %parallel_loop3A_781 = vector.broadcast %parallel_loop3A_780 : i32 to vector<16xi32>
        %parallel_loop3A_782 = arith.addi %parallel_loop3A_776, %parallel_loop3A_781 : vector<16xi32>
        %parallel_loop3A_783 = arith.constant 62016 : i32
        %parallel_loop3A_784 = tpu.memref_slice %arg5[%parallel_loop3A_783] : memref<127552xf32, #tpu.memory_space<vmem>> -> memref<65536xf32, #tpu.memory_space<vmem>>
        %parallel_loop3A_785 = tpu.vector_load_idx %parallel_loop3A_784[%parallel_loop3A_782] : memref<65536xf32, #tpu.memory_space<vmem>>[vector<16xi32>], vector<16xf32>,
        %parallel_loop3A_786 = arith.mulf %parallel_loop3A_717, %parallel_loop3A_715 : vector<16xf32>
        %parallel_loop3A_787 = arith.mulf %parallel_loop3A_786, %parallel_loop3A_779 : vector<16xf32>
        %parallel_loop3A_788 = arith.addf %parallel_loop3A_769, %parallel_loop3A_787 : vector<16xf32>
        %parallel_loop3A_789 = arith.mulf %parallel_loop3A_786, %parallel_loop3A_785 : vector<16xf32>
        %parallel_loop3A_790 = arith.addf %parallel_loop3A_771, %parallel_loop3A_789 : vector<16xf32>
        %parallel_loop3A_791 = arith.xori %parallel_loop3A_729, %parallel_loop3A_732 : vector<16xi32>
        %parallel_loop3A_792 = arith.xori %parallel_loop3A_791, %parallel_loop3A_726 : vector<16xi32>
        %parallel_loop3A_793 = arith.constant 65534 : i32
        %parallel_loop3A_794 = vector.broadcast %parallel_loop3A_793 : i32 to vector<16xi32>
        %parallel_loop3A_795 = arith.andi %parallel_loop3A_792, %parallel_loop3A_794 : vector<16xi32>
        %parallel_loop3A_796 = arith.constant 62016 : i32
        %parallel_loop3A_797 = tpu.memref_slice %arg5[%parallel_loop3A_796] : memref<127552xf32, #tpu.memory_space<vmem>> -> memref<65536xf32, #tpu.memory_space<vmem>>
        %parallel_loop3A_798 = tpu.vector_load_idx %parallel_loop3A_797[%parallel_loop3A_795] : memref<65536xf32, #tpu.memory_space<vmem>>[vector<16xi32>], vector<16xf32>,
        %parallel_loop3A_799 = arith.constant 1 : i32
        %parallel_loop3A_800 = vector.broadcast %parallel_loop3A_799 : i32 to vector<16xi32>
        %parallel_loop3A_801 = arith.addi %parallel_loop3A_795, %parallel_loop3A_800 : vector<16xi32>
        %parallel_loop3A_802 = arith.constant 62016 : i32
        %parallel_loop3A_803 = tpu.memref_slice %arg5[%parallel_loop3A_802] : memref<127552xf32, #tpu.memory_space<vmem>> -> memref<65536xf32, #tpu.memory_space<vmem>>
        %parallel_loop3A_804 = tpu.vector_load_idx %parallel_loop3A_803[%parallel_loop3A_801] : memref<65536xf32, #tpu.memory_space<vmem>>[vector<16xi32>], vector<16xf32>,
        %parallel_loop3A_805 = arith.mulf %parallel_loop3A_719, %parallel_loop3A_715 : vector<16xf32>
        %parallel_loop3A_806 = arith.mulf %parallel_loop3A_805, %parallel_loop3A_798 : vector<16xf32>
        %parallel_loop3A_807 = arith.addf %parallel_loop3A_788, %parallel_loop3A_806 : vector<16xf32>
        %parallel_loop3A_808 = arith.mulf %parallel_loop3A_805, %parallel_loop3A_804 : vector<16xf32>
        %parallel_loop3A_809 = arith.addf %parallel_loop3A_790, %parallel_loop3A_808 : vector<16xf32>
        %parallel_loop3A_810 = arith.xori %parallel_loop3A_720, %parallel_loop3A_723 : vector<16xi32>
        %parallel_loop3A_811 = arith.xori %parallel_loop3A_810, %parallel_loop3A_735 : vector<16xi32>
        %parallel_loop3A_812 = arith.constant 65534 : i32
        %parallel_loop3A_813 = vector.broadcast %parallel_loop3A_812 : i32 to vector<16xi32>
        %parallel_loop3A_814 = arith.andi %parallel_loop3A_811, %parallel_loop3A_813 : vector<16xi32>
        %parallel_loop3A_815 = arith.constant 62016 : i32
        %parallel_loop3A_816 = tpu.memref_slice %arg5[%parallel_loop3A_815] : memref<127552xf32, #tpu.memory_space<vmem>> -> memref<65536xf32, #tpu.memory_space<vmem>>
        %parallel_loop3A_817 = tpu.vector_load_idx %parallel_loop3A_816[%parallel_loop3A_814] : memref<65536xf32, #tpu.memory_space<vmem>>[vector<16xi32>], vector<16xf32>,
        %parallel_loop3A_818 = arith.constant 1 : i32
        %parallel_loop3A_819 = vector.broadcast %parallel_loop3A_818 : i32 to vector<16xi32>
        %parallel_loop3A_820 = arith.addi %parallel_loop3A_814, %parallel_loop3A_819 : vector<16xi32>
        %parallel_loop3A_821 = arith.constant 62016 : i32
        %parallel_loop3A_822 = tpu.memref_slice %arg5[%parallel_loop3A_821] : memref<127552xf32, #tpu.memory_space<vmem>> -> memref<65536xf32, #tpu.memory_space<vmem>>
        %parallel_loop3A_823 = tpu.vector_load_idx %parallel_loop3A_822[%parallel_loop3A_820] : memref<65536xf32, #tpu.memory_space<vmem>>[vector<16xi32>], vector<16xf32>,
        %parallel_loop3A_824 = arith.mulf %parallel_loop3A_716, %parallel_loop3A_706 : vector<16xf32>
        %parallel_loop3A_825 = arith.mulf %parallel_loop3A_824, %parallel_loop3A_817 : vector<16xf32>
        %parallel_loop3A_826 = arith.addf %parallel_loop3A_807, %parallel_loop3A_825 : vector<16xf32>
        %parallel_loop3A_827 = arith.mulf %parallel_loop3A_824, %parallel_loop3A_823 : vector<16xf32>
        %parallel_loop3A_828 = arith.addf %parallel_loop3A_809, %parallel_loop3A_827 : vector<16xf32>
        %parallel_loop3A_829 = arith.xori %parallel_loop3A_729, %parallel_loop3A_723 : vector<16xi32>
        %parallel_loop3A_830 = arith.xori %parallel_loop3A_829, %parallel_loop3A_735 : vector<16xi32>
        %parallel_loop3A_831 = arith.constant 65534 : i32
        %parallel_loop3A_832 = vector.broadcast %parallel_loop3A_831 : i32 to vector<16xi32>
        %parallel_loop3A_833 = arith.andi %parallel_loop3A_830, %parallel_loop3A_832 : vector<16xi32>
        %parallel_loop3A_834 = arith.constant 62016 : i32
        %parallel_loop3A_835 = tpu.memref_slice %arg5[%parallel_loop3A_834] : memref<127552xf32, #tpu.memory_space<vmem>> -> memref<65536xf32, #tpu.memory_space<vmem>>
        %parallel_loop3A_836 = tpu.vector_load_idx %parallel_loop3A_835[%parallel_loop3A_833] : memref<65536xf32, #tpu.memory_space<vmem>>[vector<16xi32>], vector<16xf32>,
        %parallel_loop3A_837 = arith.constant 1 : i32
        %parallel_loop3A_838 = vector.broadcast %parallel_loop3A_837 : i32 to vector<16xi32>
        %parallel_loop3A_839 = arith.addi %parallel_loop3A_833, %parallel_loop3A_838 : vector<16xi32>
        %parallel_loop3A_840 = arith.constant 62016 : i32
        %parallel_loop3A_841 = tpu.memref_slice %arg5[%parallel_loop3A_840] : memref<127552xf32, #tpu.memory_space<vmem>> -> memref<65536xf32, #tpu.memory_space<vmem>>
        %parallel_loop3A_842 = tpu.vector_load_idx %parallel_loop3A_841[%parallel_loop3A_839] : memref<65536xf32, #tpu.memory_space<vmem>>[vector<16xi32>], vector<16xf32>,
        %parallel_loop3A_843 = arith.mulf %parallel_loop3A_718, %parallel_loop3A_706 : vector<16xf32>
        %parallel_loop3A_844 = arith.mulf %parallel_loop3A_843, %parallel_loop3A_836 : vector<16xf32>
        %parallel_loop3A_845 = arith.addf %parallel_loop3A_826, %parallel_loop3A_844 : vector<16xf32>
        %parallel_loop3A_846 = arith.mulf %parallel_loop3A_843, %parallel_loop3A_842 : vector<16xf32>
        %parallel_loop3A_847 = arith.addf %parallel_loop3A_828, %parallel_loop3A_846 : vector<16xf32>
        %parallel_loop3A_848 = arith.xori %parallel_loop3A_720, %parallel_loop3A_732 : vector<16xi32>
        %parallel_loop3A_849 = arith.xori %parallel_loop3A_848, %parallel_loop3A_735 : vector<16xi32>
        %parallel_loop3A_850 = arith.constant 65534 : i32
        %parallel_loop3A_851 = vector.broadcast %parallel_loop3A_850 : i32 to vector<16xi32>
        %parallel_loop3A_852 = arith.andi %parallel_loop3A_849, %parallel_loop3A_851 : vector<16xi32>
        %parallel_loop3A_853 = arith.constant 62016 : i32
        %parallel_loop3A_854 = tpu.memref_slice %arg5[%parallel_loop3A_853] : memref<127552xf32, #tpu.memory_space<vmem>> -> memref<65536xf32, #tpu.memory_space<vmem>>
        %parallel_loop3A_855 = tpu.vector_load_idx %parallel_loop3A_854[%parallel_loop3A_852] : memref<65536xf32, #tpu.memory_space<vmem>>[vector<16xi32>], vector<16xf32>,
        %parallel_loop3A_856 = arith.constant 1 : i32
        %parallel_loop3A_857 = vector.broadcast %parallel_loop3A_856 : i32 to vector<16xi32>
        %parallel_loop3A_858 = arith.addi %parallel_loop3A_852, %parallel_loop3A_857 : vector<16xi32>
        %parallel_loop3A_859 = arith.constant 62016 : i32
        %parallel_loop3A_860 = tpu.memref_slice %arg5[%parallel_loop3A_859] : memref<127552xf32, #tpu.memory_space<vmem>> -> memref<65536xf32, #tpu.memory_space<vmem>>
        %parallel_loop3A_861 = tpu.vector_load_idx %parallel_loop3A_860[%parallel_loop3A_858] : memref<65536xf32, #tpu.memory_space<vmem>>[vector<16xi32>], vector<16xf32>,
        %parallel_loop3A_862 = arith.mulf %parallel_loop3A_717, %parallel_loop3A_706 : vector<16xf32>
        %parallel_loop3A_863 = arith.mulf %parallel_loop3A_862, %parallel_loop3A_855 : vector<16xf32>
        %parallel_loop3A_864 = arith.addf %parallel_loop3A_845, %parallel_loop3A_863 : vector<16xf32>
        %parallel_loop3A_865 = arith.mulf %parallel_loop3A_862, %parallel_loop3A_861 : vector<16xf32>
        %parallel_loop3A_866 = arith.addf %parallel_loop3A_847, %parallel_loop3A_865 : vector<16xf32>
        %parallel_loop3A_867 = arith.xori %parallel_loop3A_729, %parallel_loop3A_732 : vector<16xi32>
        %parallel_loop3A_868 = arith.xori %parallel_loop3A_867, %parallel_loop3A_735 : vector<16xi32>
        %parallel_loop3A_869 = arith.constant 65534 : i32
        %parallel_loop3A_870 = vector.broadcast %parallel_loop3A_869 : i32 to vector<16xi32>
        %parallel_loop3A_871 = arith.andi %parallel_loop3A_868, %parallel_loop3A_870 : vector<16xi32>
        %parallel_loop3A_872 = arith.constant 62016 : i32
        %parallel_loop3A_873 = tpu.memref_slice %arg5[%parallel_loop3A_872] : memref<127552xf32, #tpu.memory_space<vmem>> -> memref<65536xf32, #tpu.memory_space<vmem>>
        %parallel_loop3A_874 = tpu.vector_load_idx %parallel_loop3A_873[%parallel_loop3A_871] : memref<65536xf32, #tpu.memory_space<vmem>>[vector<16xi32>], vector<16xf32>,
        %parallel_loop3A_875 = arith.constant 1 : i32
        %parallel_loop3A_876 = vector.broadcast %parallel_loop3A_875 : i32 to vector<16xi32>
        %parallel_loop3A_877 = arith.addi %parallel_loop3A_871, %parallel_loop3A_876 : vector<16xi32>
        %parallel_loop3A_878 = arith.constant 62016 : i32
        %parallel_loop3A_879 = tpu.memref_slice %arg5[%parallel_loop3A_878] : memref<127552xf32, #tpu.memory_space<vmem>> -> memref<65536xf32, #tpu.memory_space<vmem>>
        %parallel_loop3A_880 = tpu.vector_load_idx %parallel_loop3A_879[%parallel_loop3A_877] : memref<65536xf32, #tpu.memory_space<vmem>>[vector<16xi32>], vector<16xf32>,
        %parallel_loop3A_881 = arith.mulf %parallel_loop3A_719, %parallel_loop3A_706 : vector<16xf32>
        %parallel_loop3A_882 = arith.mulf %parallel_loop3A_881, %parallel_loop3A_874 : vector<16xf32>
        %parallel_loop3A_883 = arith.addf %parallel_loop3A_864, %parallel_loop3A_882 : vector<16xf32>
        %parallel_loop3A_884 = arith.mulf %parallel_loop3A_881, %parallel_loop3A_880 : vector<16xf32>
        %parallel_loop3A_885 = arith.addf %parallel_loop3A_866, %parallel_loop3A_884 : vector<16xf32>
        %parallel_loop3A_886 = arith.constant 16 : i32
        %parallel_loop3A_887 = arith.muli %parallel_loop3A_231, %parallel_loop3A_886 : i32
        %parallel_loop3A_888 = arith.constant 768 : i32
        %parallel_loop3A_889 = arith.addi %parallel_loop3A_887, %parallel_loop3A_888 : i32
        %parallel_loop3A_890 = arith.index_cast %parallel_loop3A_889 : i32 to index
        %parallel_loop3A_891 = tpu.vector_load %arg8[%parallel_loop3A_890] {strides = array<i32>} : memref<1024xf32, #tpu.memory_space<vmem>>, vector<16xf32>,
        tpu.vector_store %arg8[%parallel_loop3A_890], %parallel_loop3A_883 {strides = array<i32>} : memref<1024xf32, #tpu.memory_space<vmem>>, vector<16xf32>,
        %parallel_loop3A_892 = arith.constant 16 : i32
        %parallel_loop3A_893 = arith.muli %parallel_loop3A_231, %parallel_loop3A_892 : i32
        %parallel_loop3A_894 = arith.constant 768 : i32
        %parallel_loop3A_895 = arith.addi %parallel_loop3A_893, %parallel_loop3A_894 : i32
        %parallel_loop3A_896 = arith.constant 128 : i32
        %parallel_loop3A_897 = arith.addi %parallel_loop3A_895, %parallel_loop3A_896 : i32
        %parallel_loop3A_898 = arith.index_cast %parallel_loop3A_897 : i32 to index
        %parallel_loop3A_899 = tpu.vector_load %arg8[%parallel_loop3A_898] {strides = array<i32>} : memref<1024xf32, #tpu.memory_space<vmem>>, vector<16xf32>,
        tpu.vector_store %arg8[%parallel_loop3A_898], %parallel_loop3A_885 {strides = array<i32>} : memref<1024xf32, #tpu.memory_space<vmem>>, vector<16xf32>,
      } {sc.loop_unroll_factor = 2 : i64, sc.parallel_access}
      %mul3A_124 = arith.constant 1024 : i32
      %mul3A_125 = arith.muli %min3A_108, %mul3A_124 : i32
      %dma_start3A_126 = tpu.memref_slice %arg4[%mul3A_125] : memref<8000512xf32, #tpu.memory_space<hbm>> -> memref<1024xf32, #tpu.memory_space<hbm>>
      %dma_start3A_127 = tpu.memref_slice %arg4[%mul3A_125] : memref<8000512xf32, #tpu.memory_space<hbm>> -> memref<1024xf32, #tpu.memory_space<hbm>>
      tpu.enqueue_dma source(%arg8 : memref<1024xf32, #tpu.memory_space<vmem>>) target(%dma_start3A_127 : memref<1024xf32, #tpu.memory_space<hbm>>) target_semaphore(%arg12 : memref<!tpu.dma_semaphore, #tpu.memory_space<semaphore_mem>>)
      %add3A_128 = arith.constant 2 : i32
      %add3A_129 = arith.addi %add3A_103, %add3A_128 : i32
      %mul3A_130 = arith.constant 32 : i32
      %mul3A_131 = arith.muli %add3A_129, %mul3A_130 : i32
      %add3A_132 = arith.addi %mul3A_131, %add3A : i32
      %min3A_133 = arith.constant 7812 : i32
      %min3A_134 = arith.minsi %add3A_132, %min3A_133 : i32
      %mul3A_135 = arith.constant 128 : i32
      %mul3A_136 = arith.muli %min3A_134, %mul3A_135 : i32
      %min3A_137 = arith.constant 999872 : i32
      %min3A_138 = arith.minsi %mul3A_136, %min3A_137 : i32
      %add3A_139 = arith.constant 0 : i32
      %add3A_140 = arith.addi %add3A_139, %min3A_138 : i32
      %dma_start3A_141 = arith.constant 0 : i32
      %dma_start3A_142 = tpu.memref_slice %arg6[%dma_start3A_141] : memref<384xf32, #tpu.memory_space<vmem>> -> memref<128xf32, #tpu.memory_space<vmem>>
      %dma_start3A_143 = tpu.memref_slice %arg2[%add3A_140] : memref<3000000xf32, #tpu.memory_space<hbm>> -> memref<128xf32, #tpu.memory_space<hbm>>
      %dma_start3A_144 = arith.constant 0 : i32
      %dma_start3A_145 = tpu.memref_slice %arg6[%dma_start3A_144] : memref<384xf32, #tpu.memory_space<vmem>> -> memref<128xf32, #tpu.memory_space<vmem>>
      %dma_start3A_146 = tpu.memref_slice %arg2[%add3A_140] : memref<3000000xf32, #tpu.memory_space<hbm>> -> memref<128xf32, #tpu.memory_space<hbm>>
      tpu.enqueue_dma source(%dma_start3A_146 : memref<128xf32, #tpu.memory_space<hbm>>) target(%dma_start3A_145 : memref<128xf32, #tpu.memory_space<vmem>>) target_semaphore(%arg10 : memref<!tpu.dma_semaphore, #tpu.memory_space<semaphore_mem>>)
      %add3A_147 = arith.constant 1000000 : i32
      %add3A_148 = arith.addi %add3A_147, %min3A_138 : i32
      %dma_start3A_149 = arith.constant 128 : i32
      %dma_start3A_150 = tpu.memref_slice %arg6[%dma_start3A_149] : memref<384xf32, #tpu.memory_space<vmem>> -> memref<128xf32, #tpu.memory_space<vmem>>
      %dma_start3A_151 = tpu.memref_slice %arg2[%add3A_148] : memref<3000000xf32, #tpu.memory_space<hbm>> -> memref<128xf32, #tpu.memory_space<hbm>>
      %dma_start3A_152 = arith.constant 128 : i32
      %dma_start3A_153 = tpu.memref_slice %arg6[%dma_start3A_152] : memref<384xf32, #tpu.memory_space<vmem>> -> memref<128xf32, #tpu.memory_space<vmem>>
      %dma_start3A_154 = tpu.memref_slice %arg2[%add3A_148] : memref<3000000xf32, #tpu.memory_space<hbm>> -> memref<128xf32, #tpu.memory_space<hbm>>
      tpu.enqueue_dma source(%dma_start3A_154 : memref<128xf32, #tpu.memory_space<hbm>>) target(%dma_start3A_153 : memref<128xf32, #tpu.memory_space<vmem>>) target_semaphore(%arg10 : memref<!tpu.dma_semaphore, #tpu.memory_space<semaphore_mem>>)
      %add3A_155 = arith.constant 2000000 : i32
      %add3A_156 = arith.addi %add3A_155, %min3A_138 : i32
      %dma_start3A_157 = arith.constant 256 : i32
      %dma_start3A_158 = tpu.memref_slice %arg6[%dma_start3A_157] : memref<384xf32, #tpu.memory_space<vmem>> -> memref<128xf32, #tpu.memory_space<vmem>>
      %dma_start3A_159 = tpu.memref_slice %arg2[%add3A_156] : memref<3000000xf32, #tpu.memory_space<hbm>> -> memref<128xf32, #tpu.memory_space<hbm>>
      %dma_start3A_160 = arith.constant 256 : i32
      %dma_start3A_161 = tpu.memref_slice %arg6[%dma_start3A_160] : memref<384xf32, #tpu.memory_space<vmem>> -> memref<128xf32, #tpu.memory_space<vmem>>
      %dma_start3A_162 = tpu.memref_slice %arg2[%add3A_156] : memref<3000000xf32, #tpu.memory_space<hbm>> -> memref<128xf32, #tpu.memory_space<hbm>>
      tpu.enqueue_dma source(%dma_start3A_162 : memref<128xf32, #tpu.memory_space<hbm>>) target(%dma_start3A_161 : memref<128xf32, #tpu.memory_space<vmem>>) target_semaphore(%arg10 : memref<!tpu.dma_semaphore, #tpu.memory_space<semaphore_mem>>)
      %mul3A_163 = arith.constant 2 : i32
      %mul3A_164 = arith.muli %scan3A_98, %mul3A_163 : i32
      %add3A_165 = arith.constant 1 : i32
      %add3A_166 = arith.addi %mul3A_164, %add3A_165 : i32
      %mul3A_167 = arith.constant 32 : i32
      %mul3A_168 = arith.muli %add3A_166, %mul3A_167 : i32
      %add3A_169 = arith.addi %mul3A_168, %add3A : i32
      %min3A_170 = arith.constant 7812 : i32
      %min3A_171 = arith.minsi %add3A_169, %min3A_170 : i32
      %mul3A_172 = arith.constant 128 : i32
      %mul3A_173 = arith.muli %min3A_171, %mul3A_172 : i32
      %min3A_174 = arith.constant 999872 : i32
      %min3A_175 = arith.minsi %mul3A_173, %min3A_174 : i32
      %mul3A_176 = arith.constant 128 : i32
      %mul3A_177 = arith.muli %min3A_171, %mul3A_176 : i32
      %sub3A_178 = arith.subi %mul3A_177, %min3A_175 : i32
      %dma_wait3A_179 = arith.constant 0 : i32
      %dma_wait3A_180 = tpu.memref_slice %arg2[%dma_wait3A_179] : memref<3000000xf32, #tpu.memory_space<hbm>> -> memref<384xf32, #tpu.memory_space<hbm>>
      %dma_wait3A_181 = arith.constant 0 : i32
      %dma_wait3A_182 = tpu.memref_slice %arg2[%dma_wait3A_181] : memref<3000000xf32, #tpu.memory_space<hbm>> -> memref<384xf32, #tpu.memory_space<hbm>>
      tpu.wait_dma2 semaphore(%arg11 : memref<!tpu.dma_semaphore, #tpu.memory_space<semaphore_mem>>) src(%dma_wait3A_182 : memref<384xf32, #tpu.memory_space<hbm>>) dst(%arg7 : memref<384xf32, #tpu.memory_space<vmem>>)
      %gt3A_183 = arith.constant 0 : i32
      %gt3A_184 = arith.cmpi sgt, %scan3A_98, %gt3A_183 : i32
      %convert_element_type3A_185 = arith.extui %gt3A_184 : i1 to i32
      %cond3A_186 = arith.constant 0 : i32
      %cond3A_187 = arith.cmpi ne, %convert_element_type3A_185, %cond3A_186 : i32
      scf.if %cond3A_187 {
        %dma_wait3A_231 = arith.constant 0 : i32
        %dma_wait3A_232 = tpu.memref_slice %arg4[%dma_wait3A_231] : memref<8000512xf32, #tpu.memory_space<hbm>> -> memref<1024xf32, #tpu.memory_space<hbm>>
        %dma_wait3A_233 = arith.constant 0 : i32
        %dma_wait3A_234 = tpu.memref_slice %arg4[%dma_wait3A_233] : memref<8000512xf32, #tpu.memory_space<hbm>> -> memref<1024xf32, #tpu.memory_space<hbm>>
        tpu.wait_dma2 semaphore(%arg13 : memref<!tpu.dma_semaphore, #tpu.memory_space<semaphore_mem>>) src(%arg9 : memref<1024xf32, #tpu.memory_space<vmem>>) dst(%dma_wait3A_234 : memref<1024xf32, #tpu.memory_space<hbm>>)
      } else {
      }
      %parallel_loop3A_188 = arith.constant 0 : i32
      %parallel_loop3A_189 = arith.constant 8 : i32
      %parallel_loop3A_190 = arith.constant 1 : i32
      scf.for %parallel_loop3A_231 = %parallel_loop3A_188 to %parallel_loop3A_189 step %parallel_loop3A_190  : i32 {
        %parallel_loop3A_232 = arith.constant 16 : i32
        %parallel_loop3A_233 = arith.muli %parallel_loop3A_231, %parallel_loop3A_232 : i32
        %parallel_loop3A_234 = arith.addi %sub3A_178, %parallel_loop3A_233 : i32
        %parallel_loop3A_235 = arith.constant 112 : i32
        %parallel_loop3A_236 = arith.minsi %parallel_loop3A_234, %parallel_loop3A_235 : i32
        %parallel_loop3A_237 = arith.index_cast %parallel_loop3A_236 : i32 to index
        %parallel_loop3A_238 = tpu.vector_load %arg7[%parallel_loop3A_237] {strides = array<i32>} : memref<384xf32, #tpu.memory_space<vmem>>, vector<16xf32>,
        %parallel_loop3A_239 = arith.constant 128 : i32
        %parallel_loop3A_240 = arith.addi %parallel_loop3A_239, %parallel_loop3A_234 : i32
        %parallel_loop3A_241 = arith.constant 240 : i32
        %parallel_loop3A_242 = arith.minsi %parallel_loop3A_240, %parallel_loop3A_241 : i32
        %parallel_loop3A_243 = arith.index_cast %parallel_loop3A_242 : i32 to index
        %parallel_loop3A_244 = tpu.vector_load %arg7[%parallel_loop3A_243] {strides = array<i32>} : memref<384xf32, #tpu.memory_space<vmem>>, vector<16xf32>,
        %parallel_loop3A_245 = arith.constant 256 : i32
        %parallel_loop3A_246 = arith.addi %parallel_loop3A_245, %parallel_loop3A_234 : i32
        %parallel_loop3A_247 = arith.constant 368 : i32
        %parallel_loop3A_248 = arith.minsi %parallel_loop3A_246, %parallel_loop3A_247 : i32
        %parallel_loop3A_249 = arith.index_cast %parallel_loop3A_248 : i32 to index
        %parallel_loop3A_250 = tpu.vector_load %arg7[%parallel_loop3A_249] {strides = array<i32>} : memref<384xf32, #tpu.memory_space<vmem>>, vector<16xf32>,
        %parallel_loop3A_251 = arith.constant 1.200000e+01 : f32
        %parallel_loop3A_252 = vector.broadcast %parallel_loop3A_251 : f32 to vector<16xf32>
        %parallel_loop3A_253 = arith.mulf %parallel_loop3A_238, %parallel_loop3A_252 : vector<16xf32>
        %parallel_loop3A_254 = arith.constant 1.200000e+01 : f32
        %parallel_loop3A_255 = vector.broadcast %parallel_loop3A_254 : f32 to vector<16xf32>
        %parallel_loop3A_256 = arith.mulf %parallel_loop3A_244, %parallel_loop3A_255 : vector<16xf32>
        %parallel_loop3A_257 = arith.constant 1.200000e+01 : f32
        %parallel_loop3A_258 = vector.broadcast %parallel_loop3A_257 : f32 to vector<16xf32>
        %parallel_loop3A_259 = arith.mulf %parallel_loop3A_250, %parallel_loop3A_258 : vector<16xf32>
        %parallel_loop3A_260 = arith.fptosi %parallel_loop3A_253 : vector<16xf32> to vector<16xi32>
        %parallel_loop3A_261 = arith.fptosi %parallel_loop3A_256 : vector<16xf32> to vector<16xi32>
        %parallel_loop3A_262 = arith.fptosi %parallel_loop3A_259 : vector<16xf32> to vector<16xi32>
        %parallel_loop3A_263 = arith.sitofp %parallel_loop3A_260 : vector<16xi32> to vector<16xf32>
        %parallel_loop3A_264 = arith.subf %parallel_loop3A_253, %parallel_loop3A_263 : vector<16xf32>
        %parallel_loop3A_265 = arith.sitofp %parallel_loop3A_261 : vector<16xi32> to vector<16xf32>
        %parallel_loop3A_266 = arith.subf %parallel_loop3A_256, %parallel_loop3A_265 : vector<16xf32>
        %parallel_loop3A_267 = arith.sitofp %parallel_loop3A_262 : vector<16xi32> to vector<16xf32>
        %parallel_loop3A_268 = arith.subf %parallel_loop3A_259, %parallel_loop3A_267 : vector<16xf32>
        %parallel_loop3A_269 = arith.constant 1.000000e+00 : f32
        %parallel_loop3A_270 = vector.broadcast %parallel_loop3A_269 : f32 to vector<16xf32>
        %parallel_loop3A_271 = arith.subf %parallel_loop3A_270, %parallel_loop3A_264 : vector<16xf32>
        %parallel_loop3A_272 = arith.constant 1.000000e+00 : f32
        %parallel_loop3A_273 = vector.broadcast %parallel_loop3A_272 : f32 to vector<16xf32>
        %parallel_loop3A_274 = arith.subf %parallel_loop3A_273, %parallel_loop3A_266 : vector<16xf32>
        %parallel_loop3A_275 = arith.constant 1.000000e+00 : f32
        %parallel_loop3A_276 = vector.broadcast %parallel_loop3A_275 : f32 to vector<16xf32>
        %parallel_loop3A_277 = arith.subf %parallel_loop3A_276, %parallel_loop3A_268 : vector<16xf32>
        %parallel_loop3A_278 = arith.mulf %parallel_loop3A_271, %parallel_loop3A_274 : vector<16xf32>
        %parallel_loop3A_279 = arith.mulf %parallel_loop3A_271, %parallel_loop3A_266 : vector<16xf32>
        %parallel_loop3A_280 = arith.mulf %parallel_loop3A_264, %parallel_loop3A_274 : vector<16xf32>
        %parallel_loop3A_281 = arith.mulf %parallel_loop3A_264, %parallel_loop3A_266 : vector<16xf32>
        %parallel_loop3A_282 = arith.constant 13 : i32
        %parallel_loop3A_283 = vector.broadcast %parallel_loop3A_282 : i32 to vector<16xi32>
        %parallel_loop3A_284 = arith.muli %parallel_loop3A_260, %parallel_loop3A_283 : vector<16xi32>
        %parallel_loop3A_285 = arith.addi %parallel_loop3A_284, %parallel_loop3A_261 : vector<16xi32>
        %parallel_loop3A_286 = arith.constant 13 : i32
        %parallel_loop3A_287 = vector.broadcast %parallel_loop3A_286 : i32 to vector<16xi32>
        %parallel_loop3A_288 = arith.muli %parallel_loop3A_285, %parallel_loop3A_287 : vector<16xi32>
        %parallel_loop3A_289 = arith.addi %parallel_loop3A_288, %parallel_loop3A_262 : vector<16xi32>
        %parallel_loop3A_290 = tpu.vector_load_idx %arg5[%parallel_loop3A_289] : memref<127552xf32, #tpu.memory_space<vmem>>[vector<16xi32>], vector<16xf32>,
        %parallel_loop3A_291 = arith.constant 31008 : i32
        %parallel_loop3A_292 = tpu.memref_slice %arg5[%parallel_loop3A_291] : memref<127552xf32, #tpu.memory_space<vmem>> -> memref<31008xf32, #tpu.memory_space<vmem>>
        %parallel_loop3A_293 = tpu.vector_load_idx %parallel_loop3A_292[%parallel_loop3A_289] : memref<31008xf32, #tpu.memory_space<vmem>>[vector<16xi32>], vector<16xf32>,
        %parallel_loop3A_294 = arith.mulf %parallel_loop3A_278, %parallel_loop3A_277 : vector<16xf32>
        %parallel_loop3A_295 = arith.mulf %parallel_loop3A_294, %parallel_loop3A_290 : vector<16xf32>
        %parallel_loop3A_296 = arith.mulf %parallel_loop3A_294, %parallel_loop3A_293 : vector<16xf32>
        %parallel_loop3A_297 = arith.constant 169 : i32
        %parallel_loop3A_298 = vector.broadcast %parallel_loop3A_297 : i32 to vector<16xi32>
        %parallel_loop3A_299 = arith.addi %parallel_loop3A_289, %parallel_loop3A_298 : vector<16xi32>
        %parallel_loop3A_300 = tpu.vector_load_idx %arg5[%parallel_loop3A_299] : memref<127552xf32, #tpu.memory_space<vmem>>[vector<16xi32>], vector<16xf32>,
        %parallel_loop3A_301 = arith.constant 31008 : i32
        %parallel_loop3A_302 = tpu.memref_slice %arg5[%parallel_loop3A_301] : memref<127552xf32, #tpu.memory_space<vmem>> -> memref<31008xf32, #tpu.memory_space<vmem>>
        %parallel_loop3A_303 = tpu.vector_load_idx %parallel_loop3A_302[%parallel_loop3A_299] : memref<31008xf32, #tpu.memory_space<vmem>>[vector<16xi32>], vector<16xf32>,
        %parallel_loop3A_304 = arith.mulf %parallel_loop3A_280, %parallel_loop3A_277 : vector<16xf32>
        %parallel_loop3A_305 = arith.mulf %parallel_loop3A_304, %parallel_loop3A_300 : vector<16xf32>
        %parallel_loop3A_306 = arith.addf %parallel_loop3A_295, %parallel_loop3A_305 : vector<16xf32>
        %parallel_loop3A_307 = arith.mulf %parallel_loop3A_304, %parallel_loop3A_303 : vector<16xf32>
        %parallel_loop3A_308 = arith.addf %parallel_loop3A_296, %parallel_loop3A_307 : vector<16xf32>
        %parallel_loop3A_309 = arith.constant 13 : i32
        %parallel_loop3A_310 = vector.broadcast %parallel_loop3A_309 : i32 to vector<16xi32>
        %parallel_loop3A_311 = arith.addi %parallel_loop3A_289, %parallel_loop3A_310 : vector<16xi32>
        %parallel_loop3A_312 = tpu.vector_load_idx %arg5[%parallel_loop3A_311] : memref<127552xf32, #tpu.memory_space<vmem>>[vector<16xi32>], vector<16xf32>,
        %parallel_loop3A_313 = arith.constant 31008 : i32
        %parallel_loop3A_314 = tpu.memref_slice %arg5[%parallel_loop3A_313] : memref<127552xf32, #tpu.memory_space<vmem>> -> memref<31008xf32, #tpu.memory_space<vmem>>
        %parallel_loop3A_315 = tpu.vector_load_idx %parallel_loop3A_314[%parallel_loop3A_311] : memref<31008xf32, #tpu.memory_space<vmem>>[vector<16xi32>], vector<16xf32>,
        %parallel_loop3A_316 = arith.mulf %parallel_loop3A_279, %parallel_loop3A_277 : vector<16xf32>
        %parallel_loop3A_317 = arith.mulf %parallel_loop3A_316, %parallel_loop3A_312 : vector<16xf32>
        %parallel_loop3A_318 = arith.addf %parallel_loop3A_306, %parallel_loop3A_317 : vector<16xf32>
        %parallel_loop3A_319 = arith.mulf %parallel_loop3A_316, %parallel_loop3A_315 : vector<16xf32>
        %parallel_loop3A_320 = arith.addf %parallel_loop3A_308, %parallel_loop3A_319 : vector<16xf32>
        %parallel_loop3A_321 = arith.constant 182 : i32
        %parallel_loop3A_322 = vector.broadcast %parallel_loop3A_321 : i32 to vector<16xi32>
        %parallel_loop3A_323 = arith.addi %parallel_loop3A_289, %parallel_loop3A_322 : vector<16xi32>
        %parallel_loop3A_324 = tpu.vector_load_idx %arg5[%parallel_loop3A_323] : memref<127552xf32, #tpu.memory_space<vmem>>[vector<16xi32>], vector<16xf32>,
        %parallel_loop3A_325 = arith.constant 31008 : i32
        %parallel_loop3A_326 = tpu.memref_slice %arg5[%parallel_loop3A_325] : memref<127552xf32, #tpu.memory_space<vmem>> -> memref<31008xf32, #tpu.memory_space<vmem>>
        %parallel_loop3A_327 = tpu.vector_load_idx %parallel_loop3A_326[%parallel_loop3A_323] : memref<31008xf32, #tpu.memory_space<vmem>>[vector<16xi32>], vector<16xf32>,
        %parallel_loop3A_328 = arith.mulf %parallel_loop3A_281, %parallel_loop3A_277 : vector<16xf32>
        %parallel_loop3A_329 = arith.mulf %parallel_loop3A_328, %parallel_loop3A_324 : vector<16xf32>
        %parallel_loop3A_330 = arith.addf %parallel_loop3A_318, %parallel_loop3A_329 : vector<16xf32>
        %parallel_loop3A_331 = arith.mulf %parallel_loop3A_328, %parallel_loop3A_327 : vector<16xf32>
        %parallel_loop3A_332 = arith.addf %parallel_loop3A_320, %parallel_loop3A_331 : vector<16xf32>
        %parallel_loop3A_333 = arith.constant 1 : i32
        %parallel_loop3A_334 = vector.broadcast %parallel_loop3A_333 : i32 to vector<16xi32>
        %parallel_loop3A_335 = arith.addi %parallel_loop3A_289, %parallel_loop3A_334 : vector<16xi32>
        %parallel_loop3A_336 = tpu.vector_load_idx %arg5[%parallel_loop3A_335] : memref<127552xf32, #tpu.memory_space<vmem>>[vector<16xi32>], vector<16xf32>,
        %parallel_loop3A_337 = arith.constant 31008 : i32
        %parallel_loop3A_338 = tpu.memref_slice %arg5[%parallel_loop3A_337] : memref<127552xf32, #tpu.memory_space<vmem>> -> memref<31008xf32, #tpu.memory_space<vmem>>
        %parallel_loop3A_339 = tpu.vector_load_idx %parallel_loop3A_338[%parallel_loop3A_335] : memref<31008xf32, #tpu.memory_space<vmem>>[vector<16xi32>], vector<16xf32>,
        %parallel_loop3A_340 = arith.mulf %parallel_loop3A_278, %parallel_loop3A_268 : vector<16xf32>
        %parallel_loop3A_341 = arith.mulf %parallel_loop3A_340, %parallel_loop3A_336 : vector<16xf32>
        %parallel_loop3A_342 = arith.addf %parallel_loop3A_330, %parallel_loop3A_341 : vector<16xf32>
        %parallel_loop3A_343 = arith.mulf %parallel_loop3A_340, %parallel_loop3A_339 : vector<16xf32>
        %parallel_loop3A_344 = arith.addf %parallel_loop3A_332, %parallel_loop3A_343 : vector<16xf32>
        %parallel_loop3A_345 = arith.constant 170 : i32
        %parallel_loop3A_346 = vector.broadcast %parallel_loop3A_345 : i32 to vector<16xi32>
        %parallel_loop3A_347 = arith.addi %parallel_loop3A_289, %parallel_loop3A_346 : vector<16xi32>
        %parallel_loop3A_348 = tpu.vector_load_idx %arg5[%parallel_loop3A_347] : memref<127552xf32, #tpu.memory_space<vmem>>[vector<16xi32>], vector<16xf32>,
        %parallel_loop3A_349 = arith.constant 31008 : i32
        %parallel_loop3A_350 = tpu.memref_slice %arg5[%parallel_loop3A_349] : memref<127552xf32, #tpu.memory_space<vmem>> -> memref<31008xf32, #tpu.memory_space<vmem>>
        %parallel_loop3A_351 = tpu.vector_load_idx %parallel_loop3A_350[%parallel_loop3A_347] : memref<31008xf32, #tpu.memory_space<vmem>>[vector<16xi32>], vector<16xf32>,
        %parallel_loop3A_352 = arith.mulf %parallel_loop3A_280, %parallel_loop3A_268 : vector<16xf32>
        %parallel_loop3A_353 = arith.mulf %parallel_loop3A_352, %parallel_loop3A_348 : vector<16xf32>
        %parallel_loop3A_354 = arith.addf %parallel_loop3A_342, %parallel_loop3A_353 : vector<16xf32>
        %parallel_loop3A_355 = arith.mulf %parallel_loop3A_352, %parallel_loop3A_351 : vector<16xf32>
        %parallel_loop3A_356 = arith.addf %parallel_loop3A_344, %parallel_loop3A_355 : vector<16xf32>
        %parallel_loop3A_357 = arith.constant 14 : i32
        %parallel_loop3A_358 = vector.broadcast %parallel_loop3A_357 : i32 to vector<16xi32>
        %parallel_loop3A_359 = arith.addi %parallel_loop3A_289, %parallel_loop3A_358 : vector<16xi32>
        %parallel_loop3A_360 = tpu.vector_load_idx %arg5[%parallel_loop3A_359] : memref<127552xf32, #tpu.memory_space<vmem>>[vector<16xi32>], vector<16xf32>,
        %parallel_loop3A_361 = arith.constant 31008 : i32
        %parallel_loop3A_362 = tpu.memref_slice %arg5[%parallel_loop3A_361] : memref<127552xf32, #tpu.memory_space<vmem>> -> memref<31008xf32, #tpu.memory_space<vmem>>
        %parallel_loop3A_363 = tpu.vector_load_idx %parallel_loop3A_362[%parallel_loop3A_359] : memref<31008xf32, #tpu.memory_space<vmem>>[vector<16xi32>], vector<16xf32>,
        %parallel_loop3A_364 = arith.mulf %parallel_loop3A_279, %parallel_loop3A_268 : vector<16xf32>
        %parallel_loop3A_365 = arith.mulf %parallel_loop3A_364, %parallel_loop3A_360 : vector<16xf32>
        %parallel_loop3A_366 = arith.addf %parallel_loop3A_354, %parallel_loop3A_365 : vector<16xf32>
        %parallel_loop3A_367 = arith.mulf %parallel_loop3A_364, %parallel_loop3A_363 : vector<16xf32>
        %parallel_loop3A_368 = arith.addf %parallel_loop3A_356, %parallel_loop3A_367 : vector<16xf32>
        %parallel_loop3A_369 = arith.constant 183 : i32
        %parallel_loop3A_370 = vector.broadcast %parallel_loop3A_369 : i32 to vector<16xi32>
        %parallel_loop3A_371 = arith.addi %parallel_loop3A_289, %parallel_loop3A_370 : vector<16xi32>
        %parallel_loop3A_372 = tpu.vector_load_idx %arg5[%parallel_loop3A_371] : memref<127552xf32, #tpu.memory_space<vmem>>[vector<16xi32>], vector<16xf32>,
        %parallel_loop3A_373 = arith.constant 31008 : i32
        %parallel_loop3A_374 = tpu.memref_slice %arg5[%parallel_loop3A_373] : memref<127552xf32, #tpu.memory_space<vmem>> -> memref<31008xf32, #tpu.memory_space<vmem>>
        %parallel_loop3A_375 = tpu.vector_load_idx %parallel_loop3A_374[%parallel_loop3A_371] : memref<31008xf32, #tpu.memory_space<vmem>>[vector<16xi32>], vector<16xf32>,
        %parallel_loop3A_376 = arith.mulf %parallel_loop3A_281, %parallel_loop3A_268 : vector<16xf32>
        %parallel_loop3A_377 = arith.mulf %parallel_loop3A_376, %parallel_loop3A_372 : vector<16xf32>
        %parallel_loop3A_378 = arith.addf %parallel_loop3A_366, %parallel_loop3A_377 : vector<16xf32>
        %parallel_loop3A_379 = arith.mulf %parallel_loop3A_376, %parallel_loop3A_375 : vector<16xf32>
        %parallel_loop3A_380 = arith.addf %parallel_loop3A_368, %parallel_loop3A_379 : vector<16xf32>
        %parallel_loop3A_381 = arith.constant 16 : i32
        %parallel_loop3A_382 = arith.muli %parallel_loop3A_231, %parallel_loop3A_381 : i32
        %parallel_loop3A_383 = arith.constant 0 : i32
        %parallel_loop3A_384 = arith.addi %parallel_loop3A_382, %parallel_loop3A_383 : i32
        %parallel_loop3A_385 = arith.index_cast %parallel_loop3A_384 : i32 to index
        %parallel_loop3A_386 = tpu.vector_load %arg9[%parallel_loop3A_385] {strides = array<i32>} : memref<1024xf32, #tpu.memory_space<vmem>>, vector<16xf32>,
        tpu.vector_store %arg9[%parallel_loop3A_385], %parallel_loop3A_378 {strides = array<i32>} : memref<1024xf32, #tpu.memory_space<vmem>>, vector<16xf32>,
        %parallel_loop3A_387 = arith.constant 16 : i32
        %parallel_loop3A_388 = arith.muli %parallel_loop3A_231, %parallel_loop3A_387 : i32
        %parallel_loop3A_389 = arith.constant 0 : i32
        %parallel_loop3A_390 = arith.addi %parallel_loop3A_388, %parallel_loop3A_389 : i32
        %parallel_loop3A_391 = arith.constant 128 : i32
        %parallel_loop3A_392 = arith.addi %parallel_loop3A_390, %parallel_loop3A_391 : i32
        %parallel_loop3A_393 = arith.index_cast %parallel_loop3A_392 : i32 to index
        %parallel_loop3A_394 = tpu.vector_load %arg9[%parallel_loop3A_393] {strides = array<i32>} : memref<1024xf32, #tpu.memory_space<vmem>>, vector<16xf32>,
        tpu.vector_store %arg9[%parallel_loop3A_393], %parallel_loop3A_380 {strides = array<i32>} : memref<1024xf32, #tpu.memory_space<vmem>>, vector<16xf32>,
        %parallel_loop3A_395 = arith.constant 1.800000e+01 : f32
        %parallel_loop3A_396 = vector.broadcast %parallel_loop3A_395 : f32 to vector<16xf32>
        %parallel_loop3A_397 = arith.mulf %parallel_loop3A_238, %parallel_loop3A_396 : vector<16xf32>
        %parallel_loop3A_398 = arith.constant 1.800000e+01 : f32
        %parallel_loop3A_399 = vector.broadcast %parallel_loop3A_398 : f32 to vector<16xf32>
        %parallel_loop3A_400 = arith.mulf %parallel_loop3A_244, %parallel_loop3A_399 : vector<16xf32>
        %parallel_loop3A_401 = arith.constant 1.800000e+01 : f32
        %parallel_loop3A_402 = vector.broadcast %parallel_loop3A_401 : f32 to vector<16xf32>
        %parallel_loop3A_403 = arith.mulf %parallel_loop3A_250, %parallel_loop3A_402 : vector<16xf32>
        %parallel_loop3A_404 = arith.fptosi %parallel_loop3A_397 : vector<16xf32> to vector<16xi32>
        %parallel_loop3A_405 = arith.fptosi %parallel_loop3A_400 : vector<16xf32> to vector<16xi32>
        %parallel_loop3A_406 = arith.fptosi %parallel_loop3A_403 : vector<16xf32> to vector<16xi32>
        %parallel_loop3A_407 = arith.sitofp %parallel_loop3A_404 : vector<16xi32> to vector<16xf32>
        %parallel_loop3A_408 = arith.subf %parallel_loop3A_397, %parallel_loop3A_407 : vector<16xf32>
        %parallel_loop3A_409 = arith.sitofp %parallel_loop3A_405 : vector<16xi32> to vector<16xf32>
        %parallel_loop3A_410 = arith.subf %parallel_loop3A_400, %parallel_loop3A_409 : vector<16xf32>
        %parallel_loop3A_411 = arith.sitofp %parallel_loop3A_406 : vector<16xi32> to vector<16xf32>
        %parallel_loop3A_412 = arith.subf %parallel_loop3A_403, %parallel_loop3A_411 : vector<16xf32>
        %parallel_loop3A_413 = arith.constant 1.000000e+00 : f32
        %parallel_loop3A_414 = vector.broadcast %parallel_loop3A_413 : f32 to vector<16xf32>
        %parallel_loop3A_415 = arith.subf %parallel_loop3A_414, %parallel_loop3A_408 : vector<16xf32>
        %parallel_loop3A_416 = arith.constant 1.000000e+00 : f32
        %parallel_loop3A_417 = vector.broadcast %parallel_loop3A_416 : f32 to vector<16xf32>
        %parallel_loop3A_418 = arith.subf %parallel_loop3A_417, %parallel_loop3A_410 : vector<16xf32>
        %parallel_loop3A_419 = arith.constant 1.000000e+00 : f32
        %parallel_loop3A_420 = vector.broadcast %parallel_loop3A_419 : f32 to vector<16xf32>
        %parallel_loop3A_421 = arith.subf %parallel_loop3A_420, %parallel_loop3A_412 : vector<16xf32>
        %parallel_loop3A_422 = arith.mulf %parallel_loop3A_415, %parallel_loop3A_418 : vector<16xf32>
        %parallel_loop3A_423 = arith.mulf %parallel_loop3A_415, %parallel_loop3A_410 : vector<16xf32>
        %parallel_loop3A_424 = arith.mulf %parallel_loop3A_408, %parallel_loop3A_418 : vector<16xf32>
        %parallel_loop3A_425 = arith.mulf %parallel_loop3A_408, %parallel_loop3A_410 : vector<16xf32>
        %parallel_loop3A_426 = arith.constant 19 : i32
        %parallel_loop3A_427 = vector.broadcast %parallel_loop3A_426 : i32 to vector<16xi32>
        %parallel_loop3A_428 = arith.muli %parallel_loop3A_404, %parallel_loop3A_427 : vector<16xi32>
        %parallel_loop3A_429 = arith.addi %parallel_loop3A_428, %parallel_loop3A_405 : vector<16xi32>
        %parallel_loop3A_430 = arith.constant 19 : i32
        %parallel_loop3A_431 = vector.broadcast %parallel_loop3A_430 : i32 to vector<16xi32>
        %parallel_loop3A_432 = arith.muli %parallel_loop3A_429, %parallel_loop3A_431 : vector<16xi32>
        %parallel_loop3A_433 = arith.addi %parallel_loop3A_432, %parallel_loop3A_406 : vector<16xi32>
        %parallel_loop3A_434 = arith.constant 2197 : i32
        %parallel_loop3A_435 = vector.broadcast %parallel_loop3A_434 : i32 to vector<16xi32>
        %parallel_loop3A_436 = arith.addi %parallel_loop3A_433, %parallel_loop3A_435 : vector<16xi32>
        %parallel_loop3A_437 = tpu.vector_load_idx %arg5[%parallel_loop3A_436] : memref<127552xf32, #tpu.memory_space<vmem>>[vector<16xi32>], vector<16xf32>,
        %parallel_loop3A_438 = arith.constant 31008 : i32
        %parallel_loop3A_439 = tpu.memref_slice %arg5[%parallel_loop3A_438] : memref<127552xf32, #tpu.memory_space<vmem>> -> memref<31008xf32, #tpu.memory_space<vmem>>
        %parallel_loop3A_440 = tpu.vector_load_idx %parallel_loop3A_439[%parallel_loop3A_436] : memref<31008xf32, #tpu.memory_space<vmem>>[vector<16xi32>], vector<16xf32>,
        %parallel_loop3A_441 = arith.mulf %parallel_loop3A_422, %parallel_loop3A_421 : vector<16xf32>
        %parallel_loop3A_442 = arith.mulf %parallel_loop3A_441, %parallel_loop3A_437 : vector<16xf32>
        %parallel_loop3A_443 = arith.mulf %parallel_loop3A_441, %parallel_loop3A_440 : vector<16xf32>
        %parallel_loop3A_444 = arith.constant 2558 : i32
        %parallel_loop3A_445 = vector.broadcast %parallel_loop3A_444 : i32 to vector<16xi32>
        %parallel_loop3A_446 = arith.addi %parallel_loop3A_433, %parallel_loop3A_445 : vector<16xi32>
        %parallel_loop3A_447 = tpu.vector_load_idx %arg5[%parallel_loop3A_446] : memref<127552xf32, #tpu.memory_space<vmem>>[vector<16xi32>], vector<16xf32>,
        %parallel_loop3A_448 = arith.constant 31008 : i32
        %parallel_loop3A_449 = tpu.memref_slice %arg5[%parallel_loop3A_448] : memref<127552xf32, #tpu.memory_space<vmem>> -> memref<31008xf32, #tpu.memory_space<vmem>>
        %parallel_loop3A_450 = tpu.vector_load_idx %parallel_loop3A_449[%parallel_loop3A_446] : memref<31008xf32, #tpu.memory_space<vmem>>[vector<16xi32>], vector<16xf32>,
        %parallel_loop3A_451 = arith.mulf %parallel_loop3A_424, %parallel_loop3A_421 : vector<16xf32>
        %parallel_loop3A_452 = arith.mulf %parallel_loop3A_451, %parallel_loop3A_447 : vector<16xf32>
        %parallel_loop3A_453 = arith.addf %parallel_loop3A_442, %parallel_loop3A_452 : vector<16xf32>
        %parallel_loop3A_454 = arith.mulf %parallel_loop3A_451, %parallel_loop3A_450 : vector<16xf32>
        %parallel_loop3A_455 = arith.addf %parallel_loop3A_443, %parallel_loop3A_454 : vector<16xf32>
        %parallel_loop3A_456 = arith.constant 2216 : i32
        %parallel_loop3A_457 = vector.broadcast %parallel_loop3A_456 : i32 to vector<16xi32>
        %parallel_loop3A_458 = arith.addi %parallel_loop3A_433, %parallel_loop3A_457 : vector<16xi32>
        %parallel_loop3A_459 = tpu.vector_load_idx %arg5[%parallel_loop3A_458] : memref<127552xf32, #tpu.memory_space<vmem>>[vector<16xi32>], vector<16xf32>,
        %parallel_loop3A_460 = arith.constant 31008 : i32
        %parallel_loop3A_461 = tpu.memref_slice %arg5[%parallel_loop3A_460] : memref<127552xf32, #tpu.memory_space<vmem>> -> memref<31008xf32, #tpu.memory_space<vmem>>
        %parallel_loop3A_462 = tpu.vector_load_idx %parallel_loop3A_461[%parallel_loop3A_458] : memref<31008xf32, #tpu.memory_space<vmem>>[vector<16xi32>], vector<16xf32>,
        %parallel_loop3A_463 = arith.mulf %parallel_loop3A_423, %parallel_loop3A_421 : vector<16xf32>
        %parallel_loop3A_464 = arith.mulf %parallel_loop3A_463, %parallel_loop3A_459 : vector<16xf32>
        %parallel_loop3A_465 = arith.addf %parallel_loop3A_453, %parallel_loop3A_464 : vector<16xf32>
        %parallel_loop3A_466 = arith.mulf %parallel_loop3A_463, %parallel_loop3A_462 : vector<16xf32>
        %parallel_loop3A_467 = arith.addf %parallel_loop3A_455, %parallel_loop3A_466 : vector<16xf32>
        %parallel_loop3A_468 = arith.constant 2577 : i32
        %parallel_loop3A_469 = vector.broadcast %parallel_loop3A_468 : i32 to vector<16xi32>
        %parallel_loop3A_470 = arith.addi %parallel_loop3A_433, %parallel_loop3A_469 : vector<16xi32>
        %parallel_loop3A_471 = tpu.vector_load_idx %arg5[%parallel_loop3A_470] : memref<127552xf32, #tpu.memory_space<vmem>>[vector<16xi32>], vector<16xf32>,
        %parallel_loop3A_472 = arith.constant 31008 : i32
        %parallel_loop3A_473 = tpu.memref_slice %arg5[%parallel_loop3A_472] : memref<127552xf32, #tpu.memory_space<vmem>> -> memref<31008xf32, #tpu.memory_space<vmem>>
        %parallel_loop3A_474 = tpu.vector_load_idx %parallel_loop3A_473[%parallel_loop3A_470] : memref<31008xf32, #tpu.memory_space<vmem>>[vector<16xi32>], vector<16xf32>,
        %parallel_loop3A_475 = arith.mulf %parallel_loop3A_425, %parallel_loop3A_421 : vector<16xf32>
        %parallel_loop3A_476 = arith.mulf %parallel_loop3A_475, %parallel_loop3A_471 : vector<16xf32>
        %parallel_loop3A_477 = arith.addf %parallel_loop3A_465, %parallel_loop3A_476 : vector<16xf32>
        %parallel_loop3A_478 = arith.mulf %parallel_loop3A_475, %parallel_loop3A_474 : vector<16xf32>
        %parallel_loop3A_479 = arith.addf %parallel_loop3A_467, %parallel_loop3A_478 : vector<16xf32>
        %parallel_loop3A_480 = arith.constant 2198 : i32
        %parallel_loop3A_481 = vector.broadcast %parallel_loop3A_480 : i32 to vector<16xi32>
        %parallel_loop3A_482 = arith.addi %parallel_loop3A_433, %parallel_loop3A_481 : vector<16xi32>
        %parallel_loop3A_483 = tpu.vector_load_idx %arg5[%parallel_loop3A_482] : memref<127552xf32, #tpu.memory_space<vmem>>[vector<16xi32>], vector<16xf32>,
        %parallel_loop3A_484 = arith.constant 31008 : i32
        %parallel_loop3A_485 = tpu.memref_slice %arg5[%parallel_loop3A_484] : memref<127552xf32, #tpu.memory_space<vmem>> -> memref<31008xf32, #tpu.memory_space<vmem>>
        %parallel_loop3A_486 = tpu.vector_load_idx %parallel_loop3A_485[%parallel_loop3A_482] : memref<31008xf32, #tpu.memory_space<vmem>>[vector<16xi32>], vector<16xf32>,
        %parallel_loop3A_487 = arith.mulf %parallel_loop3A_422, %parallel_loop3A_412 : vector<16xf32>
        %parallel_loop3A_488 = arith.mulf %parallel_loop3A_487, %parallel_loop3A_483 : vector<16xf32>
        %parallel_loop3A_489 = arith.addf %parallel_loop3A_477, %parallel_loop3A_488 : vector<16xf32>
        %parallel_loop3A_490 = arith.mulf %parallel_loop3A_487, %parallel_loop3A_486 : vector<16xf32>
        %parallel_loop3A_491 = arith.addf %parallel_loop3A_479, %parallel_loop3A_490 : vector<16xf32>
        %parallel_loop3A_492 = arith.constant 2559 : i32
        %parallel_loop3A_493 = vector.broadcast %parallel_loop3A_492 : i32 to vector<16xi32>
        %parallel_loop3A_494 = arith.addi %parallel_loop3A_433, %parallel_loop3A_493 : vector<16xi32>
        %parallel_loop3A_495 = tpu.vector_load_idx %arg5[%parallel_loop3A_494] : memref<127552xf32, #tpu.memory_space<vmem>>[vector<16xi32>], vector<16xf32>,
        %parallel_loop3A_496 = arith.constant 31008 : i32
        %parallel_loop3A_497 = tpu.memref_slice %arg5[%parallel_loop3A_496] : memref<127552xf32, #tpu.memory_space<vmem>> -> memref<31008xf32, #tpu.memory_space<vmem>>
        %parallel_loop3A_498 = tpu.vector_load_idx %parallel_loop3A_497[%parallel_loop3A_494] : memref<31008xf32, #tpu.memory_space<vmem>>[vector<16xi32>], vector<16xf32>,
        %parallel_loop3A_499 = arith.mulf %parallel_loop3A_424, %parallel_loop3A_412 : vector<16xf32>
        %parallel_loop3A_500 = arith.mulf %parallel_loop3A_499, %parallel_loop3A_495 : vector<16xf32>
        %parallel_loop3A_501 = arith.addf %parallel_loop3A_489, %parallel_loop3A_500 : vector<16xf32>
        %parallel_loop3A_502 = arith.mulf %parallel_loop3A_499, %parallel_loop3A_498 : vector<16xf32>
        %parallel_loop3A_503 = arith.addf %parallel_loop3A_491, %parallel_loop3A_502 : vector<16xf32>
        %parallel_loop3A_504 = arith.constant 2217 : i32
        %parallel_loop3A_505 = vector.broadcast %parallel_loop3A_504 : i32 to vector<16xi32>
        %parallel_loop3A_506 = arith.addi %parallel_loop3A_433, %parallel_loop3A_505 : vector<16xi32>
        %parallel_loop3A_507 = tpu.vector_load_idx %arg5[%parallel_loop3A_506] : memref<127552xf32, #tpu.memory_space<vmem>>[vector<16xi32>], vector<16xf32>,
        %parallel_loop3A_508 = arith.constant 31008 : i32
        %parallel_loop3A_509 = tpu.memref_slice %arg5[%parallel_loop3A_508] : memref<127552xf32, #tpu.memory_space<vmem>> -> memref<31008xf32, #tpu.memory_space<vmem>>
        %parallel_loop3A_510 = tpu.vector_load_idx %parallel_loop3A_509[%parallel_loop3A_506] : memref<31008xf32, #tpu.memory_space<vmem>>[vector<16xi32>], vector<16xf32>,
        %parallel_loop3A_511 = arith.mulf %parallel_loop3A_423, %parallel_loop3A_412 : vector<16xf32>
        %parallel_loop3A_512 = arith.mulf %parallel_loop3A_511, %parallel_loop3A_507 : vector<16xf32>
        %parallel_loop3A_513 = arith.addf %parallel_loop3A_501, %parallel_loop3A_512 : vector<16xf32>
        %parallel_loop3A_514 = arith.mulf %parallel_loop3A_511, %parallel_loop3A_510 : vector<16xf32>
        %parallel_loop3A_515 = arith.addf %parallel_loop3A_503, %parallel_loop3A_514 : vector<16xf32>
        %parallel_loop3A_516 = arith.constant 2578 : i32
        %parallel_loop3A_517 = vector.broadcast %parallel_loop3A_516 : i32 to vector<16xi32>
        %parallel_loop3A_518 = arith.addi %parallel_loop3A_433, %parallel_loop3A_517 : vector<16xi32>
        %parallel_loop3A_519 = tpu.vector_load_idx %arg5[%parallel_loop3A_518] : memref<127552xf32, #tpu.memory_space<vmem>>[vector<16xi32>], vector<16xf32>,
        %parallel_loop3A_520 = arith.constant 31008 : i32
        %parallel_loop3A_521 = tpu.memref_slice %arg5[%parallel_loop3A_520] : memref<127552xf32, #tpu.memory_space<vmem>> -> memref<31008xf32, #tpu.memory_space<vmem>>
        %parallel_loop3A_522 = tpu.vector_load_idx %parallel_loop3A_521[%parallel_loop3A_518] : memref<31008xf32, #tpu.memory_space<vmem>>[vector<16xi32>], vector<16xf32>,
        %parallel_loop3A_523 = arith.mulf %parallel_loop3A_425, %parallel_loop3A_412 : vector<16xf32>
        %parallel_loop3A_524 = arith.mulf %parallel_loop3A_523, %parallel_loop3A_519 : vector<16xf32>
        %parallel_loop3A_525 = arith.addf %parallel_loop3A_513, %parallel_loop3A_524 : vector<16xf32>
        %parallel_loop3A_526 = arith.mulf %parallel_loop3A_523, %parallel_loop3A_522 : vector<16xf32>
        %parallel_loop3A_527 = arith.addf %parallel_loop3A_515, %parallel_loop3A_526 : vector<16xf32>
        %parallel_loop3A_528 = arith.constant 16 : i32
        %parallel_loop3A_529 = arith.muli %parallel_loop3A_231, %parallel_loop3A_528 : i32
        %parallel_loop3A_530 = arith.constant 256 : i32
        %parallel_loop3A_531 = arith.addi %parallel_loop3A_529, %parallel_loop3A_530 : i32
        %parallel_loop3A_532 = arith.index_cast %parallel_loop3A_531 : i32 to index
        %parallel_loop3A_533 = tpu.vector_load %arg9[%parallel_loop3A_532] {strides = array<i32>} : memref<1024xf32, #tpu.memory_space<vmem>>, vector<16xf32>,
        tpu.vector_store %arg9[%parallel_loop3A_532], %parallel_loop3A_525 {strides = array<i32>} : memref<1024xf32, #tpu.memory_space<vmem>>, vector<16xf32>,
        %parallel_loop3A_534 = arith.constant 16 : i32
        %parallel_loop3A_535 = arith.muli %parallel_loop3A_231, %parallel_loop3A_534 : i32
        %parallel_loop3A_536 = arith.constant 256 : i32
        %parallel_loop3A_537 = arith.addi %parallel_loop3A_535, %parallel_loop3A_536 : i32
        %parallel_loop3A_538 = arith.constant 128 : i32
        %parallel_loop3A_539 = arith.addi %parallel_loop3A_537, %parallel_loop3A_538 : i32
        %parallel_loop3A_540 = arith.index_cast %parallel_loop3A_539 : i32 to index
        %parallel_loop3A_541 = tpu.vector_load %arg9[%parallel_loop3A_540] {strides = array<i32>} : memref<1024xf32, #tpu.memory_space<vmem>>, vector<16xf32>,
        tpu.vector_store %arg9[%parallel_loop3A_540], %parallel_loop3A_527 {strides = array<i32>} : memref<1024xf32, #tpu.memory_space<vmem>>, vector<16xf32>,
        %parallel_loop3A_542 = arith.constant 2.700000e+01 : f32
        %parallel_loop3A_543 = vector.broadcast %parallel_loop3A_542 : f32 to vector<16xf32>
        %parallel_loop3A_544 = arith.mulf %parallel_loop3A_238, %parallel_loop3A_543 : vector<16xf32>
        %parallel_loop3A_545 = arith.constant 2.700000e+01 : f32
        %parallel_loop3A_546 = vector.broadcast %parallel_loop3A_545 : f32 to vector<16xf32>
        %parallel_loop3A_547 = arith.mulf %parallel_loop3A_244, %parallel_loop3A_546 : vector<16xf32>
        %parallel_loop3A_548 = arith.constant 2.700000e+01 : f32
        %parallel_loop3A_549 = vector.broadcast %parallel_loop3A_548 : f32 to vector<16xf32>
        %parallel_loop3A_550 = arith.mulf %parallel_loop3A_250, %parallel_loop3A_549 : vector<16xf32>
        %parallel_loop3A_551 = arith.fptosi %parallel_loop3A_544 : vector<16xf32> to vector<16xi32>
        %parallel_loop3A_552 = arith.fptosi %parallel_loop3A_547 : vector<16xf32> to vector<16xi32>
        %parallel_loop3A_553 = arith.fptosi %parallel_loop3A_550 : vector<16xf32> to vector<16xi32>
        %parallel_loop3A_554 = arith.sitofp %parallel_loop3A_551 : vector<16xi32> to vector<16xf32>
        %parallel_loop3A_555 = arith.subf %parallel_loop3A_544, %parallel_loop3A_554 : vector<16xf32>
        %parallel_loop3A_556 = arith.sitofp %parallel_loop3A_552 : vector<16xi32> to vector<16xf32>
        %parallel_loop3A_557 = arith.subf %parallel_loop3A_547, %parallel_loop3A_556 : vector<16xf32>
        %parallel_loop3A_558 = arith.sitofp %parallel_loop3A_553 : vector<16xi32> to vector<16xf32>
        %parallel_loop3A_559 = arith.subf %parallel_loop3A_550, %parallel_loop3A_558 : vector<16xf32>
        %parallel_loop3A_560 = arith.constant 1.000000e+00 : f32
        %parallel_loop3A_561 = vector.broadcast %parallel_loop3A_560 : f32 to vector<16xf32>
        %parallel_loop3A_562 = arith.subf %parallel_loop3A_561, %parallel_loop3A_555 : vector<16xf32>
        %parallel_loop3A_563 = arith.constant 1.000000e+00 : f32
        %parallel_loop3A_564 = vector.broadcast %parallel_loop3A_563 : f32 to vector<16xf32>
        %parallel_loop3A_565 = arith.subf %parallel_loop3A_564, %parallel_loop3A_557 : vector<16xf32>
        %parallel_loop3A_566 = arith.constant 1.000000e+00 : f32
        %parallel_loop3A_567 = vector.broadcast %parallel_loop3A_566 : f32 to vector<16xf32>
        %parallel_loop3A_568 = arith.subf %parallel_loop3A_567, %parallel_loop3A_559 : vector<16xf32>
        %parallel_loop3A_569 = arith.mulf %parallel_loop3A_562, %parallel_loop3A_565 : vector<16xf32>
        %parallel_loop3A_570 = arith.mulf %parallel_loop3A_562, %parallel_loop3A_557 : vector<16xf32>
        %parallel_loop3A_571 = arith.mulf %parallel_loop3A_555, %parallel_loop3A_565 : vector<16xf32>
        %parallel_loop3A_572 = arith.mulf %parallel_loop3A_555, %parallel_loop3A_557 : vector<16xf32>
        %parallel_loop3A_573 = arith.constant 28 : i32
        %parallel_loop3A_574 = vector.broadcast %parallel_loop3A_573 : i32 to vector<16xi32>
        %parallel_loop3A_575 = arith.muli %parallel_loop3A_551, %parallel_loop3A_574 : vector<16xi32>
        %parallel_loop3A_576 = arith.addi %parallel_loop3A_575, %parallel_loop3A_552 : vector<16xi32>
        %parallel_loop3A_577 = arith.constant 28 : i32
        %parallel_loop3A_578 = vector.broadcast %parallel_loop3A_577 : i32 to vector<16xi32>
        %parallel_loop3A_579 = arith.muli %parallel_loop3A_576, %parallel_loop3A_578 : vector<16xi32>
        %parallel_loop3A_580 = arith.addi %parallel_loop3A_579, %parallel_loop3A_553 : vector<16xi32>
        %parallel_loop3A_581 = arith.constant 9056 : i32
        %parallel_loop3A_582 = vector.broadcast %parallel_loop3A_581 : i32 to vector<16xi32>
        %parallel_loop3A_583 = arith.addi %parallel_loop3A_580, %parallel_loop3A_582 : vector<16xi32>
        %parallel_loop3A_584 = tpu.vector_load_idx %arg5[%parallel_loop3A_583] : memref<127552xf32, #tpu.memory_space<vmem>>[vector<16xi32>], vector<16xf32>,
        %parallel_loop3A_585 = arith.constant 31008 : i32
        %parallel_loop3A_586 = tpu.memref_slice %arg5[%parallel_loop3A_585] : memref<127552xf32, #tpu.memory_space<vmem>> -> memref<31008xf32, #tpu.memory_space<vmem>>
        %parallel_loop3A_587 = tpu.vector_load_idx %parallel_loop3A_586[%parallel_loop3A_583] : memref<31008xf32, #tpu.memory_space<vmem>>[vector<16xi32>], vector<16xf32>,
        %parallel_loop3A_588 = arith.mulf %parallel_loop3A_569, %parallel_loop3A_568 : vector<16xf32>
        %parallel_loop3A_589 = arith.mulf %parallel_loop3A_588, %parallel_loop3A_584 : vector<16xf32>
        %parallel_loop3A_590 = arith.mulf %parallel_loop3A_588, %parallel_loop3A_587 : vector<16xf32>
        %parallel_loop3A_591 = arith.constant 9840 : i32
        %parallel_loop3A_592 = vector.broadcast %parallel_loop3A_591 : i32 to vector<16xi32>
        %parallel_loop3A_593 = arith.addi %parallel_loop3A_580, %parallel_loop3A_592 : vector<16xi32>
        %parallel_loop3A_594 = tpu.vector_load_idx %arg5[%parallel_loop3A_593] : memref<127552xf32, #tpu.memory_space<vmem>>[vector<16xi32>], vector<16xf32>,
        %parallel_loop3A_595 = arith.constant 31008 : i32
        %parallel_loop3A_596 = tpu.memref_slice %arg5[%parallel_loop3A_595] : memref<127552xf32, #tpu.memory_space<vmem>> -> memref<31008xf32, #tpu.memory_space<vmem>>
        %parallel_loop3A_597 = tpu.vector_load_idx %parallel_loop3A_596[%parallel_loop3A_593] : memref<31008xf32, #tpu.memory_space<vmem>>[vector<16xi32>], vector<16xf32>,
        %parallel_loop3A_598 = arith.mulf %parallel_loop3A_571, %parallel_loop3A_568 : vector<16xf32>
        %parallel_loop3A_599 = arith.mulf %parallel_loop3A_598, %parallel_loop3A_594 : vector<16xf32>
        %parallel_loop3A_600 = arith.addf %parallel_loop3A_589, %parallel_loop3A_599 : vector<16xf32>
        %parallel_loop3A_601 = arith.mulf %parallel_loop3A_598, %parallel_loop3A_597 : vector<16xf32>
        %parallel_loop3A_602 = arith.addf %parallel_loop3A_590, %parallel_loop3A_601 : vector<16xf32>
        %parallel_loop3A_603 = arith.constant 9084 : i32
        %parallel_loop3A_604 = vector.broadcast %parallel_loop3A_603 : i32 to vector<16xi32>
        %parallel_loop3A_605 = arith.addi %parallel_loop3A_580, %parallel_loop3A_604 : vector<16xi32>
        %parallel_loop3A_606 = tpu.vector_load_idx %arg5[%parallel_loop3A_605] : memref<127552xf32, #tpu.memory_space<vmem>>[vector<16xi32>], vector<16xf32>,
        %parallel_loop3A_607 = arith.constant 31008 : i32
        %parallel_loop3A_608 = tpu.memref_slice %arg5[%parallel_loop3A_607] : memref<127552xf32, #tpu.memory_space<vmem>> -> memref<31008xf32, #tpu.memory_space<vmem>>
        %parallel_loop3A_609 = tpu.vector_load_idx %parallel_loop3A_608[%parallel_loop3A_605] : memref<31008xf32, #tpu.memory_space<vmem>>[vector<16xi32>], vector<16xf32>,
        %parallel_loop3A_610 = arith.mulf %parallel_loop3A_570, %parallel_loop3A_568 : vector<16xf32>
        %parallel_loop3A_611 = arith.mulf %parallel_loop3A_610, %parallel_loop3A_606 : vector<16xf32>
        %parallel_loop3A_612 = arith.addf %parallel_loop3A_600, %parallel_loop3A_611 : vector<16xf32>
        %parallel_loop3A_613 = arith.mulf %parallel_loop3A_610, %parallel_loop3A_609 : vector<16xf32>
        %parallel_loop3A_614 = arith.addf %parallel_loop3A_602, %parallel_loop3A_613 : vector<16xf32>
        %parallel_loop3A_615 = arith.constant 9868 : i32
        %parallel_loop3A_616 = vector.broadcast %parallel_loop3A_615 : i32 to vector<16xi32>
        %parallel_loop3A_617 = arith.addi %parallel_loop3A_580, %parallel_loop3A_616 : vector<16xi32>
        %parallel_loop3A_618 = tpu.vector_load_idx %arg5[%parallel_loop3A_617] : memref<127552xf32, #tpu.memory_space<vmem>>[vector<16xi32>], vector<16xf32>,
        %parallel_loop3A_619 = arith.constant 31008 : i32
        %parallel_loop3A_620 = tpu.memref_slice %arg5[%parallel_loop3A_619] : memref<127552xf32, #tpu.memory_space<vmem>> -> memref<31008xf32, #tpu.memory_space<vmem>>
        %parallel_loop3A_621 = tpu.vector_load_idx %parallel_loop3A_620[%parallel_loop3A_617] : memref<31008xf32, #tpu.memory_space<vmem>>[vector<16xi32>], vector<16xf32>,
        %parallel_loop3A_622 = arith.mulf %parallel_loop3A_572, %parallel_loop3A_568 : vector<16xf32>
        %parallel_loop3A_623 = arith.mulf %parallel_loop3A_622, %parallel_loop3A_618 : vector<16xf32>
        %parallel_loop3A_624 = arith.addf %parallel_loop3A_612, %parallel_loop3A_623 : vector<16xf32>
        %parallel_loop3A_625 = arith.mulf %parallel_loop3A_622, %parallel_loop3A_621 : vector<16xf32>
        %parallel_loop3A_626 = arith.addf %parallel_loop3A_614, %parallel_loop3A_625 : vector<16xf32>
        %parallel_loop3A_627 = arith.constant 9057 : i32
        %parallel_loop3A_628 = vector.broadcast %parallel_loop3A_627 : i32 to vector<16xi32>
        %parallel_loop3A_629 = arith.addi %parallel_loop3A_580, %parallel_loop3A_628 : vector<16xi32>
        %parallel_loop3A_630 = tpu.vector_load_idx %arg5[%parallel_loop3A_629] : memref<127552xf32, #tpu.memory_space<vmem>>[vector<16xi32>], vector<16xf32>,
        %parallel_loop3A_631 = arith.constant 31008 : i32
        %parallel_loop3A_632 = tpu.memref_slice %arg5[%parallel_loop3A_631] : memref<127552xf32, #tpu.memory_space<vmem>> -> memref<31008xf32, #tpu.memory_space<vmem>>
        %parallel_loop3A_633 = tpu.vector_load_idx %parallel_loop3A_632[%parallel_loop3A_629] : memref<31008xf32, #tpu.memory_space<vmem>>[vector<16xi32>], vector<16xf32>,
        %parallel_loop3A_634 = arith.mulf %parallel_loop3A_569, %parallel_loop3A_559 : vector<16xf32>
        %parallel_loop3A_635 = arith.mulf %parallel_loop3A_634, %parallel_loop3A_630 : vector<16xf32>
        %parallel_loop3A_636 = arith.addf %parallel_loop3A_624, %parallel_loop3A_635 : vector<16xf32>
        %parallel_loop3A_637 = arith.mulf %parallel_loop3A_634, %parallel_loop3A_633 : vector<16xf32>
        %parallel_loop3A_638 = arith.addf %parallel_loop3A_626, %parallel_loop3A_637 : vector<16xf32>
        %parallel_loop3A_639 = arith.constant 9841 : i32
        %parallel_loop3A_640 = vector.broadcast %parallel_loop3A_639 : i32 to vector<16xi32>
        %parallel_loop3A_641 = arith.addi %parallel_loop3A_580, %parallel_loop3A_640 : vector<16xi32>
        %parallel_loop3A_642 = tpu.vector_load_idx %arg5[%parallel_loop3A_641] : memref<127552xf32, #tpu.memory_space<vmem>>[vector<16xi32>], vector<16xf32>,
        %parallel_loop3A_643 = arith.constant 31008 : i32
        %parallel_loop3A_644 = tpu.memref_slice %arg5[%parallel_loop3A_643] : memref<127552xf32, #tpu.memory_space<vmem>> -> memref<31008xf32, #tpu.memory_space<vmem>>
        %parallel_loop3A_645 = tpu.vector_load_idx %parallel_loop3A_644[%parallel_loop3A_641] : memref<31008xf32, #tpu.memory_space<vmem>>[vector<16xi32>], vector<16xf32>,
        %parallel_loop3A_646 = arith.mulf %parallel_loop3A_571, %parallel_loop3A_559 : vector<16xf32>
        %parallel_loop3A_647 = arith.mulf %parallel_loop3A_646, %parallel_loop3A_642 : vector<16xf32>
        %parallel_loop3A_648 = arith.addf %parallel_loop3A_636, %parallel_loop3A_647 : vector<16xf32>
        %parallel_loop3A_649 = arith.mulf %parallel_loop3A_646, %parallel_loop3A_645 : vector<16xf32>
        %parallel_loop3A_650 = arith.addf %parallel_loop3A_638, %parallel_loop3A_649 : vector<16xf32>
        %parallel_loop3A_651 = arith.constant 9085 : i32
        %parallel_loop3A_652 = vector.broadcast %parallel_loop3A_651 : i32 to vector<16xi32>
        %parallel_loop3A_653 = arith.addi %parallel_loop3A_580, %parallel_loop3A_652 : vector<16xi32>
        %parallel_loop3A_654 = tpu.vector_load_idx %arg5[%parallel_loop3A_653] : memref<127552xf32, #tpu.memory_space<vmem>>[vector<16xi32>], vector<16xf32>,
        %parallel_loop3A_655 = arith.constant 31008 : i32
        %parallel_loop3A_656 = tpu.memref_slice %arg5[%parallel_loop3A_655] : memref<127552xf32, #tpu.memory_space<vmem>> -> memref<31008xf32, #tpu.memory_space<vmem>>
        %parallel_loop3A_657 = tpu.vector_load_idx %parallel_loop3A_656[%parallel_loop3A_653] : memref<31008xf32, #tpu.memory_space<vmem>>[vector<16xi32>], vector<16xf32>,
        %parallel_loop3A_658 = arith.mulf %parallel_loop3A_570, %parallel_loop3A_559 : vector<16xf32>
        %parallel_loop3A_659 = arith.mulf %parallel_loop3A_658, %parallel_loop3A_654 : vector<16xf32>
        %parallel_loop3A_660 = arith.addf %parallel_loop3A_648, %parallel_loop3A_659 : vector<16xf32>
        %parallel_loop3A_661 = arith.mulf %parallel_loop3A_658, %parallel_loop3A_657 : vector<16xf32>
        %parallel_loop3A_662 = arith.addf %parallel_loop3A_650, %parallel_loop3A_661 : vector<16xf32>
        %parallel_loop3A_663 = arith.constant 9869 : i32
        %parallel_loop3A_664 = vector.broadcast %parallel_loop3A_663 : i32 to vector<16xi32>
        %parallel_loop3A_665 = arith.addi %parallel_loop3A_580, %parallel_loop3A_664 : vector<16xi32>
        %parallel_loop3A_666 = tpu.vector_load_idx %arg5[%parallel_loop3A_665] : memref<127552xf32, #tpu.memory_space<vmem>>[vector<16xi32>], vector<16xf32>,
        %parallel_loop3A_667 = arith.constant 31008 : i32
        %parallel_loop3A_668 = tpu.memref_slice %arg5[%parallel_loop3A_667] : memref<127552xf32, #tpu.memory_space<vmem>> -> memref<31008xf32, #tpu.memory_space<vmem>>
        %parallel_loop3A_669 = tpu.vector_load_idx %parallel_loop3A_668[%parallel_loop3A_665] : memref<31008xf32, #tpu.memory_space<vmem>>[vector<16xi32>], vector<16xf32>,
        %parallel_loop3A_670 = arith.mulf %parallel_loop3A_572, %parallel_loop3A_559 : vector<16xf32>
        %parallel_loop3A_671 = arith.mulf %parallel_loop3A_670, %parallel_loop3A_666 : vector<16xf32>
        %parallel_loop3A_672 = arith.addf %parallel_loop3A_660, %parallel_loop3A_671 : vector<16xf32>
        %parallel_loop3A_673 = arith.mulf %parallel_loop3A_670, %parallel_loop3A_669 : vector<16xf32>
        %parallel_loop3A_674 = arith.addf %parallel_loop3A_662, %parallel_loop3A_673 : vector<16xf32>
        %parallel_loop3A_675 = arith.constant 16 : i32
        %parallel_loop3A_676 = arith.muli %parallel_loop3A_231, %parallel_loop3A_675 : i32
        %parallel_loop3A_677 = arith.constant 512 : i32
        %parallel_loop3A_678 = arith.addi %parallel_loop3A_676, %parallel_loop3A_677 : i32
        %parallel_loop3A_679 = arith.index_cast %parallel_loop3A_678 : i32 to index
        %parallel_loop3A_680 = tpu.vector_load %arg9[%parallel_loop3A_679] {strides = array<i32>} : memref<1024xf32, #tpu.memory_space<vmem>>, vector<16xf32>,
        tpu.vector_store %arg9[%parallel_loop3A_679], %parallel_loop3A_672 {strides = array<i32>} : memref<1024xf32, #tpu.memory_space<vmem>>, vector<16xf32>,
        %parallel_loop3A_681 = arith.constant 16 : i32
        %parallel_loop3A_682 = arith.muli %parallel_loop3A_231, %parallel_loop3A_681 : i32
        %parallel_loop3A_683 = arith.constant 512 : i32
        %parallel_loop3A_684 = arith.addi %parallel_loop3A_682, %parallel_loop3A_683 : i32
        %parallel_loop3A_685 = arith.constant 128 : i32
        %parallel_loop3A_686 = arith.addi %parallel_loop3A_684, %parallel_loop3A_685 : i32
        %parallel_loop3A_687 = arith.index_cast %parallel_loop3A_686 : i32 to index
        %parallel_loop3A_688 = tpu.vector_load %arg9[%parallel_loop3A_687] {strides = array<i32>} : memref<1024xf32, #tpu.memory_space<vmem>>, vector<16xf32>,
        tpu.vector_store %arg9[%parallel_loop3A_687], %parallel_loop3A_674 {strides = array<i32>} : memref<1024xf32, #tpu.memory_space<vmem>>, vector<16xf32>,
        %parallel_loop3A_689 = arith.constant 4.000000e+01 : f32
        %parallel_loop3A_690 = vector.broadcast %parallel_loop3A_689 : f32 to vector<16xf32>
        %parallel_loop3A_691 = arith.mulf %parallel_loop3A_238, %parallel_loop3A_690 : vector<16xf32>
        %parallel_loop3A_692 = arith.constant 4.000000e+01 : f32
        %parallel_loop3A_693 = vector.broadcast %parallel_loop3A_692 : f32 to vector<16xf32>
        %parallel_loop3A_694 = arith.mulf %parallel_loop3A_244, %parallel_loop3A_693 : vector<16xf32>
        %parallel_loop3A_695 = arith.constant 4.000000e+01 : f32
        %parallel_loop3A_696 = vector.broadcast %parallel_loop3A_695 : f32 to vector<16xf32>
        %parallel_loop3A_697 = arith.mulf %parallel_loop3A_250, %parallel_loop3A_696 : vector<16xf32>
        %parallel_loop3A_698 = arith.fptosi %parallel_loop3A_691 : vector<16xf32> to vector<16xi32>
        %parallel_loop3A_699 = arith.fptosi %parallel_loop3A_694 : vector<16xf32> to vector<16xi32>
        %parallel_loop3A_700 = arith.fptosi %parallel_loop3A_697 : vector<16xf32> to vector<16xi32>
        %parallel_loop3A_701 = arith.sitofp %parallel_loop3A_698 : vector<16xi32> to vector<16xf32>
        %parallel_loop3A_702 = arith.subf %parallel_loop3A_691, %parallel_loop3A_701 : vector<16xf32>
        %parallel_loop3A_703 = arith.sitofp %parallel_loop3A_699 : vector<16xi32> to vector<16xf32>
        %parallel_loop3A_704 = arith.subf %parallel_loop3A_694, %parallel_loop3A_703 : vector<16xf32>
        %parallel_loop3A_705 = arith.sitofp %parallel_loop3A_700 : vector<16xi32> to vector<16xf32>
        %parallel_loop3A_706 = arith.subf %parallel_loop3A_697, %parallel_loop3A_705 : vector<16xf32>
        %parallel_loop3A_707 = arith.constant 1.000000e+00 : f32
        %parallel_loop3A_708 = vector.broadcast %parallel_loop3A_707 : f32 to vector<16xf32>
        %parallel_loop3A_709 = arith.subf %parallel_loop3A_708, %parallel_loop3A_702 : vector<16xf32>
        %parallel_loop3A_710 = arith.constant 1.000000e+00 : f32
        %parallel_loop3A_711 = vector.broadcast %parallel_loop3A_710 : f32 to vector<16xf32>
        %parallel_loop3A_712 = arith.subf %parallel_loop3A_711, %parallel_loop3A_704 : vector<16xf32>
        %parallel_loop3A_713 = arith.constant 1.000000e+00 : f32
        %parallel_loop3A_714 = vector.broadcast %parallel_loop3A_713 : f32 to vector<16xf32>
        %parallel_loop3A_715 = arith.subf %parallel_loop3A_714, %parallel_loop3A_706 : vector<16xf32>
        %parallel_loop3A_716 = arith.mulf %parallel_loop3A_709, %parallel_loop3A_712 : vector<16xf32>
        %parallel_loop3A_717 = arith.mulf %parallel_loop3A_709, %parallel_loop3A_704 : vector<16xf32>
        %parallel_loop3A_718 = arith.mulf %parallel_loop3A_702, %parallel_loop3A_712 : vector<16xf32>
        %parallel_loop3A_719 = arith.mulf %parallel_loop3A_702, %parallel_loop3A_704 : vector<16xf32>
        %parallel_loop3A_720 = arith.addi %parallel_loop3A_698, %parallel_loop3A_698 : vector<16xi32>
        %parallel_loop3A_721 = arith.constant 1013904226 : i32
        %parallel_loop3A_722 = vector.broadcast %parallel_loop3A_721 : i32 to vector<16xi32>
        %parallel_loop3A_723 = arith.muli %parallel_loop3A_699, %parallel_loop3A_722 : vector<16xi32>
        %parallel_loop3A_724 = arith.constant 1610919722 : i32
        %parallel_loop3A_725 = vector.broadcast %parallel_loop3A_724 : i32 to vector<16xi32>
        %parallel_loop3A_726 = arith.muli %parallel_loop3A_700, %parallel_loop3A_725 : vector<16xi32>
        %parallel_loop3A_727 = arith.constant 2 : i32
        %parallel_loop3A_728 = vector.broadcast %parallel_loop3A_727 : i32 to vector<16xi32>
        %parallel_loop3A_729 = arith.addi %parallel_loop3A_720, %parallel_loop3A_728 : vector<16xi32>
        %parallel_loop3A_730 = arith.constant 1013904226 : i32
        %parallel_loop3A_731 = vector.broadcast %parallel_loop3A_730 : i32 to vector<16xi32>
        %parallel_loop3A_732 = arith.addi %parallel_loop3A_723, %parallel_loop3A_731 : vector<16xi32>
        %parallel_loop3A_733 = arith.constant 1610919722 : i32
        %parallel_loop3A_734 = vector.broadcast %parallel_loop3A_733 : i32 to vector<16xi32>
        %parallel_loop3A_735 = arith.addi %parallel_loop3A_726, %parallel_loop3A_734 : vector<16xi32>
        %parallel_loop3A_736 = arith.xori %parallel_loop3A_720, %parallel_loop3A_723 : vector<16xi32>
        %parallel_loop3A_737 = arith.xori %parallel_loop3A_736, %parallel_loop3A_726 : vector<16xi32>
        %parallel_loop3A_738 = arith.constant 65534 : i32
        %parallel_loop3A_739 = vector.broadcast %parallel_loop3A_738 : i32 to vector<16xi32>
        %parallel_loop3A_740 = arith.andi %parallel_loop3A_737, %parallel_loop3A_739 : vector<16xi32>
        %parallel_loop3A_741 = arith.constant 62016 : i32
        %parallel_loop3A_742 = tpu.memref_slice %arg5[%parallel_loop3A_741] : memref<127552xf32, #tpu.memory_space<vmem>> -> memref<65536xf32, #tpu.memory_space<vmem>>
        %parallel_loop3A_743 = tpu.vector_load_idx %parallel_loop3A_742[%parallel_loop3A_740] : memref<65536xf32, #tpu.memory_space<vmem>>[vector<16xi32>], vector<16xf32>,
        %parallel_loop3A_744 = arith.constant 1 : i32
        %parallel_loop3A_745 = vector.broadcast %parallel_loop3A_744 : i32 to vector<16xi32>
        %parallel_loop3A_746 = arith.addi %parallel_loop3A_740, %parallel_loop3A_745 : vector<16xi32>
        %parallel_loop3A_747 = arith.constant 62016 : i32
        %parallel_loop3A_748 = tpu.memref_slice %arg5[%parallel_loop3A_747] : memref<127552xf32, #tpu.memory_space<vmem>> -> memref<65536xf32, #tpu.memory_space<vmem>>
        %parallel_loop3A_749 = tpu.vector_load_idx %parallel_loop3A_748[%parallel_loop3A_746] : memref<65536xf32, #tpu.memory_space<vmem>>[vector<16xi32>], vector<16xf32>,
        %parallel_loop3A_750 = arith.mulf %parallel_loop3A_716, %parallel_loop3A_715 : vector<16xf32>
        %parallel_loop3A_751 = arith.mulf %parallel_loop3A_750, %parallel_loop3A_743 : vector<16xf32>
        %parallel_loop3A_752 = arith.mulf %parallel_loop3A_750, %parallel_loop3A_749 : vector<16xf32>
        %parallel_loop3A_753 = arith.xori %parallel_loop3A_729, %parallel_loop3A_723 : vector<16xi32>
        %parallel_loop3A_754 = arith.xori %parallel_loop3A_753, %parallel_loop3A_726 : vector<16xi32>
        %parallel_loop3A_755 = arith.constant 65534 : i32
        %parallel_loop3A_756 = vector.broadcast %parallel_loop3A_755 : i32 to vector<16xi32>
        %parallel_loop3A_757 = arith.andi %parallel_loop3A_754, %parallel_loop3A_756 : vector<16xi32>
        %parallel_loop3A_758 = arith.constant 62016 : i32
        %parallel_loop3A_759 = tpu.memref_slice %arg5[%parallel_loop3A_758] : memref<127552xf32, #tpu.memory_space<vmem>> -> memref<65536xf32, #tpu.memory_space<vmem>>
        %parallel_loop3A_760 = tpu.vector_load_idx %parallel_loop3A_759[%parallel_loop3A_757] : memref<65536xf32, #tpu.memory_space<vmem>>[vector<16xi32>], vector<16xf32>,
        %parallel_loop3A_761 = arith.constant 1 : i32
        %parallel_loop3A_762 = vector.broadcast %parallel_loop3A_761 : i32 to vector<16xi32>
        %parallel_loop3A_763 = arith.addi %parallel_loop3A_757, %parallel_loop3A_762 : vector<16xi32>
        %parallel_loop3A_764 = arith.constant 62016 : i32
        %parallel_loop3A_765 = tpu.memref_slice %arg5[%parallel_loop3A_764] : memref<127552xf32, #tpu.memory_space<vmem>> -> memref<65536xf32, #tpu.memory_space<vmem>>
        %parallel_loop3A_766 = tpu.vector_load_idx %parallel_loop3A_765[%parallel_loop3A_763] : memref<65536xf32, #tpu.memory_space<vmem>>[vector<16xi32>], vector<16xf32>,
        %parallel_loop3A_767 = arith.mulf %parallel_loop3A_718, %parallel_loop3A_715 : vector<16xf32>
        %parallel_loop3A_768 = arith.mulf %parallel_loop3A_767, %parallel_loop3A_760 : vector<16xf32>
        %parallel_loop3A_769 = arith.addf %parallel_loop3A_751, %parallel_loop3A_768 : vector<16xf32>
        %parallel_loop3A_770 = arith.mulf %parallel_loop3A_767, %parallel_loop3A_766 : vector<16xf32>
        %parallel_loop3A_771 = arith.addf %parallel_loop3A_752, %parallel_loop3A_770 : vector<16xf32>
        %parallel_loop3A_772 = arith.xori %parallel_loop3A_720, %parallel_loop3A_732 : vector<16xi32>
        %parallel_loop3A_773 = arith.xori %parallel_loop3A_772, %parallel_loop3A_726 : vector<16xi32>
        %parallel_loop3A_774 = arith.constant 65534 : i32
        %parallel_loop3A_775 = vector.broadcast %parallel_loop3A_774 : i32 to vector<16xi32>
        %parallel_loop3A_776 = arith.andi %parallel_loop3A_773, %parallel_loop3A_775 : vector<16xi32>
        %parallel_loop3A_777 = arith.constant 62016 : i32
        %parallel_loop3A_778 = tpu.memref_slice %arg5[%parallel_loop3A_777] : memref<127552xf32, #tpu.memory_space<vmem>> -> memref<65536xf32, #tpu.memory_space<vmem>>
        %parallel_loop3A_779 = tpu.vector_load_idx %parallel_loop3A_778[%parallel_loop3A_776] : memref<65536xf32, #tpu.memory_space<vmem>>[vector<16xi32>], vector<16xf32>,
        %parallel_loop3A_780 = arith.constant 1 : i32
        %parallel_loop3A_781 = vector.broadcast %parallel_loop3A_780 : i32 to vector<16xi32>
        %parallel_loop3A_782 = arith.addi %parallel_loop3A_776, %parallel_loop3A_781 : vector<16xi32>
        %parallel_loop3A_783 = arith.constant 62016 : i32
        %parallel_loop3A_784 = tpu.memref_slice %arg5[%parallel_loop3A_783] : memref<127552xf32, #tpu.memory_space<vmem>> -> memref<65536xf32, #tpu.memory_space<vmem>>
        %parallel_loop3A_785 = tpu.vector_load_idx %parallel_loop3A_784[%parallel_loop3A_782] : memref<65536xf32, #tpu.memory_space<vmem>>[vector<16xi32>], vector<16xf32>,
        %parallel_loop3A_786 = arith.mulf %parallel_loop3A_717, %parallel_loop3A_715 : vector<16xf32>
        %parallel_loop3A_787 = arith.mulf %parallel_loop3A_786, %parallel_loop3A_779 : vector<16xf32>
        %parallel_loop3A_788 = arith.addf %parallel_loop3A_769, %parallel_loop3A_787 : vector<16xf32>
        %parallel_loop3A_789 = arith.mulf %parallel_loop3A_786, %parallel_loop3A_785 : vector<16xf32>
        %parallel_loop3A_790 = arith.addf %parallel_loop3A_771, %parallel_loop3A_789 : vector<16xf32>
        %parallel_loop3A_791 = arith.xori %parallel_loop3A_729, %parallel_loop3A_732 : vector<16xi32>
        %parallel_loop3A_792 = arith.xori %parallel_loop3A_791, %parallel_loop3A_726 : vector<16xi32>
        %parallel_loop3A_793 = arith.constant 65534 : i32
        %parallel_loop3A_794 = vector.broadcast %parallel_loop3A_793 : i32 to vector<16xi32>
        %parallel_loop3A_795 = arith.andi %parallel_loop3A_792, %parallel_loop3A_794 : vector<16xi32>
        %parallel_loop3A_796 = arith.constant 62016 : i32
        %parallel_loop3A_797 = tpu.memref_slice %arg5[%parallel_loop3A_796] : memref<127552xf32, #tpu.memory_space<vmem>> -> memref<65536xf32, #tpu.memory_space<vmem>>
        %parallel_loop3A_798 = tpu.vector_load_idx %parallel_loop3A_797[%parallel_loop3A_795] : memref<65536xf32, #tpu.memory_space<vmem>>[vector<16xi32>], vector<16xf32>,
        %parallel_loop3A_799 = arith.constant 1 : i32
        %parallel_loop3A_800 = vector.broadcast %parallel_loop3A_799 : i32 to vector<16xi32>
        %parallel_loop3A_801 = arith.addi %parallel_loop3A_795, %parallel_loop3A_800 : vector<16xi32>
        %parallel_loop3A_802 = arith.constant 62016 : i32
        %parallel_loop3A_803 = tpu.memref_slice %arg5[%parallel_loop3A_802] : memref<127552xf32, #tpu.memory_space<vmem>> -> memref<65536xf32, #tpu.memory_space<vmem>>
        %parallel_loop3A_804 = tpu.vector_load_idx %parallel_loop3A_803[%parallel_loop3A_801] : memref<65536xf32, #tpu.memory_space<vmem>>[vector<16xi32>], vector<16xf32>,
        %parallel_loop3A_805 = arith.mulf %parallel_loop3A_719, %parallel_loop3A_715 : vector<16xf32>
        %parallel_loop3A_806 = arith.mulf %parallel_loop3A_805, %parallel_loop3A_798 : vector<16xf32>
        %parallel_loop3A_807 = arith.addf %parallel_loop3A_788, %parallel_loop3A_806 : vector<16xf32>
        %parallel_loop3A_808 = arith.mulf %parallel_loop3A_805, %parallel_loop3A_804 : vector<16xf32>
        %parallel_loop3A_809 = arith.addf %parallel_loop3A_790, %parallel_loop3A_808 : vector<16xf32>
        %parallel_loop3A_810 = arith.xori %parallel_loop3A_720, %parallel_loop3A_723 : vector<16xi32>
        %parallel_loop3A_811 = arith.xori %parallel_loop3A_810, %parallel_loop3A_735 : vector<16xi32>
        %parallel_loop3A_812 = arith.constant 65534 : i32
        %parallel_loop3A_813 = vector.broadcast %parallel_loop3A_812 : i32 to vector<16xi32>
        %parallel_loop3A_814 = arith.andi %parallel_loop3A_811, %parallel_loop3A_813 : vector<16xi32>
        %parallel_loop3A_815 = arith.constant 62016 : i32
        %parallel_loop3A_816 = tpu.memref_slice %arg5[%parallel_loop3A_815] : memref<127552xf32, #tpu.memory_space<vmem>> -> memref<65536xf32, #tpu.memory_space<vmem>>
        %parallel_loop3A_817 = tpu.vector_load_idx %parallel_loop3A_816[%parallel_loop3A_814] : memref<65536xf32, #tpu.memory_space<vmem>>[vector<16xi32>], vector<16xf32>,
        %parallel_loop3A_818 = arith.constant 1 : i32
        %parallel_loop3A_819 = vector.broadcast %parallel_loop3A_818 : i32 to vector<16xi32>
        %parallel_loop3A_820 = arith.addi %parallel_loop3A_814, %parallel_loop3A_819 : vector<16xi32>
        %parallel_loop3A_821 = arith.constant 62016 : i32
        %parallel_loop3A_822 = tpu.memref_slice %arg5[%parallel_loop3A_821] : memref<127552xf32, #tpu.memory_space<vmem>> -> memref<65536xf32, #tpu.memory_space<vmem>>
        %parallel_loop3A_823 = tpu.vector_load_idx %parallel_loop3A_822[%parallel_loop3A_820] : memref<65536xf32, #tpu.memory_space<vmem>>[vector<16xi32>], vector<16xf32>,
        %parallel_loop3A_824 = arith.mulf %parallel_loop3A_716, %parallel_loop3A_706 : vector<16xf32>
        %parallel_loop3A_825 = arith.mulf %parallel_loop3A_824, %parallel_loop3A_817 : vector<16xf32>
        %parallel_loop3A_826 = arith.addf %parallel_loop3A_807, %parallel_loop3A_825 : vector<16xf32>
        %parallel_loop3A_827 = arith.mulf %parallel_loop3A_824, %parallel_loop3A_823 : vector<16xf32>
        %parallel_loop3A_828 = arith.addf %parallel_loop3A_809, %parallel_loop3A_827 : vector<16xf32>
        %parallel_loop3A_829 = arith.xori %parallel_loop3A_729, %parallel_loop3A_723 : vector<16xi32>
        %parallel_loop3A_830 = arith.xori %parallel_loop3A_829, %parallel_loop3A_735 : vector<16xi32>
        %parallel_loop3A_831 = arith.constant 65534 : i32
        %parallel_loop3A_832 = vector.broadcast %parallel_loop3A_831 : i32 to vector<16xi32>
        %parallel_loop3A_833 = arith.andi %parallel_loop3A_830, %parallel_loop3A_832 : vector<16xi32>
        %parallel_loop3A_834 = arith.constant 62016 : i32
        %parallel_loop3A_835 = tpu.memref_slice %arg5[%parallel_loop3A_834] : memref<127552xf32, #tpu.memory_space<vmem>> -> memref<65536xf32, #tpu.memory_space<vmem>>
        %parallel_loop3A_836 = tpu.vector_load_idx %parallel_loop3A_835[%parallel_loop3A_833] : memref<65536xf32, #tpu.memory_space<vmem>>[vector<16xi32>], vector<16xf32>,
        %parallel_loop3A_837 = arith.constant 1 : i32
        %parallel_loop3A_838 = vector.broadcast %parallel_loop3A_837 : i32 to vector<16xi32>
        %parallel_loop3A_839 = arith.addi %parallel_loop3A_833, %parallel_loop3A_838 : vector<16xi32>
        %parallel_loop3A_840 = arith.constant 62016 : i32
        %parallel_loop3A_841 = tpu.memref_slice %arg5[%parallel_loop3A_840] : memref<127552xf32, #tpu.memory_space<vmem>> -> memref<65536xf32, #tpu.memory_space<vmem>>
        %parallel_loop3A_842 = tpu.vector_load_idx %parallel_loop3A_841[%parallel_loop3A_839] : memref<65536xf32, #tpu.memory_space<vmem>>[vector<16xi32>], vector<16xf32>,
        %parallel_loop3A_843 = arith.mulf %parallel_loop3A_718, %parallel_loop3A_706 : vector<16xf32>
        %parallel_loop3A_844 = arith.mulf %parallel_loop3A_843, %parallel_loop3A_836 : vector<16xf32>
        %parallel_loop3A_845 = arith.addf %parallel_loop3A_826, %parallel_loop3A_844 : vector<16xf32>
        %parallel_loop3A_846 = arith.mulf %parallel_loop3A_843, %parallel_loop3A_842 : vector<16xf32>
        %parallel_loop3A_847 = arith.addf %parallel_loop3A_828, %parallel_loop3A_846 : vector<16xf32>
        %parallel_loop3A_848 = arith.xori %parallel_loop3A_720, %parallel_loop3A_732 : vector<16xi32>
        %parallel_loop3A_849 = arith.xori %parallel_loop3A_848, %parallel_loop3A_735 : vector<16xi32>
        %parallel_loop3A_850 = arith.constant 65534 : i32
        %parallel_loop3A_851 = vector.broadcast %parallel_loop3A_850 : i32 to vector<16xi32>
        %parallel_loop3A_852 = arith.andi %parallel_loop3A_849, %parallel_loop3A_851 : vector<16xi32>
        %parallel_loop3A_853 = arith.constant 62016 : i32
        %parallel_loop3A_854 = tpu.memref_slice %arg5[%parallel_loop3A_853] : memref<127552xf32, #tpu.memory_space<vmem>> -> memref<65536xf32, #tpu.memory_space<vmem>>
        %parallel_loop3A_855 = tpu.vector_load_idx %parallel_loop3A_854[%parallel_loop3A_852] : memref<65536xf32, #tpu.memory_space<vmem>>[vector<16xi32>], vector<16xf32>,
        %parallel_loop3A_856 = arith.constant 1 : i32
        %parallel_loop3A_857 = vector.broadcast %parallel_loop3A_856 : i32 to vector<16xi32>
        %parallel_loop3A_858 = arith.addi %parallel_loop3A_852, %parallel_loop3A_857 : vector<16xi32>
        %parallel_loop3A_859 = arith.constant 62016 : i32
        %parallel_loop3A_860 = tpu.memref_slice %arg5[%parallel_loop3A_859] : memref<127552xf32, #tpu.memory_space<vmem>> -> memref<65536xf32, #tpu.memory_space<vmem>>
        %parallel_loop3A_861 = tpu.vector_load_idx %parallel_loop3A_860[%parallel_loop3A_858] : memref<65536xf32, #tpu.memory_space<vmem>>[vector<16xi32>], vector<16xf32>,
        %parallel_loop3A_862 = arith.mulf %parallel_loop3A_717, %parallel_loop3A_706 : vector<16xf32>
        %parallel_loop3A_863 = arith.mulf %parallel_loop3A_862, %parallel_loop3A_855 : vector<16xf32>
        %parallel_loop3A_864 = arith.addf %parallel_loop3A_845, %parallel_loop3A_863 : vector<16xf32>
        %parallel_loop3A_865 = arith.mulf %parallel_loop3A_862, %parallel_loop3A_861 : vector<16xf32>
        %parallel_loop3A_866 = arith.addf %parallel_loop3A_847, %parallel_loop3A_865 : vector<16xf32>
        %parallel_loop3A_867 = arith.xori %parallel_loop3A_729, %parallel_loop3A_732 : vector<16xi32>
        %parallel_loop3A_868 = arith.xori %parallel_loop3A_867, %parallel_loop3A_735 : vector<16xi32>
        %parallel_loop3A_869 = arith.constant 65534 : i32
        %parallel_loop3A_870 = vector.broadcast %parallel_loop3A_869 : i32 to vector<16xi32>
        %parallel_loop3A_871 = arith.andi %parallel_loop3A_868, %parallel_loop3A_870 : vector<16xi32>
        %parallel_loop3A_872 = arith.constant 62016 : i32
        %parallel_loop3A_873 = tpu.memref_slice %arg5[%parallel_loop3A_872] : memref<127552xf32, #tpu.memory_space<vmem>> -> memref<65536xf32, #tpu.memory_space<vmem>>
        %parallel_loop3A_874 = tpu.vector_load_idx %parallel_loop3A_873[%parallel_loop3A_871] : memref<65536xf32, #tpu.memory_space<vmem>>[vector<16xi32>], vector<16xf32>,
        %parallel_loop3A_875 = arith.constant 1 : i32
        %parallel_loop3A_876 = vector.broadcast %parallel_loop3A_875 : i32 to vector<16xi32>
        %parallel_loop3A_877 = arith.addi %parallel_loop3A_871, %parallel_loop3A_876 : vector<16xi32>
        %parallel_loop3A_878 = arith.constant 62016 : i32
        %parallel_loop3A_879 = tpu.memref_slice %arg5[%parallel_loop3A_878] : memref<127552xf32, #tpu.memory_space<vmem>> -> memref<65536xf32, #tpu.memory_space<vmem>>
        %parallel_loop3A_880 = tpu.vector_load_idx %parallel_loop3A_879[%parallel_loop3A_877] : memref<65536xf32, #tpu.memory_space<vmem>>[vector<16xi32>], vector<16xf32>,
        %parallel_loop3A_881 = arith.mulf %parallel_loop3A_719, %parallel_loop3A_706 : vector<16xf32>
        %parallel_loop3A_882 = arith.mulf %parallel_loop3A_881, %parallel_loop3A_874 : vector<16xf32>
        %parallel_loop3A_883 = arith.addf %parallel_loop3A_864, %parallel_loop3A_882 : vector<16xf32>
        %parallel_loop3A_884 = arith.mulf %parallel_loop3A_881, %parallel_loop3A_880 : vector<16xf32>
        %parallel_loop3A_885 = arith.addf %parallel_loop3A_866, %parallel_loop3A_884 : vector<16xf32>
        %parallel_loop3A_886 = arith.constant 16 : i32
        %parallel_loop3A_887 = arith.muli %parallel_loop3A_231, %parallel_loop3A_886 : i32
        %parallel_loop3A_888 = arith.constant 768 : i32
        %parallel_loop3A_889 = arith.addi %parallel_loop3A_887, %parallel_loop3A_888 : i32
        %parallel_loop3A_890 = arith.index_cast %parallel_loop3A_889 : i32 to index
        %parallel_loop3A_891 = tpu.vector_load %arg9[%parallel_loop3A_890] {strides = array<i32>} : memref<1024xf32, #tpu.memory_space<vmem>>, vector<16xf32>,
        tpu.vector_store %arg9[%parallel_loop3A_890], %parallel_loop3A_883 {strides = array<i32>} : memref<1024xf32, #tpu.memory_space<vmem>>, vector<16xf32>,
        %parallel_loop3A_892 = arith.constant 16 : i32
        %parallel_loop3A_893 = arith.muli %parallel_loop3A_231, %parallel_loop3A_892 : i32
        %parallel_loop3A_894 = arith.constant 768 : i32
        %parallel_loop3A_895 = arith.addi %parallel_loop3A_893, %parallel_loop3A_894 : i32
        %parallel_loop3A_896 = arith.constant 128 : i32
        %parallel_loop3A_897 = arith.addi %parallel_loop3A_895, %parallel_loop3A_896 : i32
        %parallel_loop3A_898 = arith.index_cast %parallel_loop3A_897 : i32 to index
        %parallel_loop3A_899 = tpu.vector_load %arg9[%parallel_loop3A_898] {strides = array<i32>} : memref<1024xf32, #tpu.memory_space<vmem>>, vector<16xf32>,
        tpu.vector_store %arg9[%parallel_loop3A_898], %parallel_loop3A_885 {strides = array<i32>} : memref<1024xf32, #tpu.memory_space<vmem>>, vector<16xf32>,
      } {sc.loop_unroll_factor = 2 : i64, sc.parallel_access}
      %mul3A_191 = arith.constant 1024 : i32
      %mul3A_192 = arith.muli %min3A_171, %mul3A_191 : i32
      %dma_start3A_193 = tpu.memref_slice %arg4[%mul3A_192] : memref<8000512xf32, #tpu.memory_space<hbm>> -> memref<1024xf32, #tpu.memory_space<hbm>>
      %dma_start3A_194 = tpu.memref_slice %arg4[%mul3A_192] : memref<8000512xf32, #tpu.memory_space<hbm>> -> memref<1024xf32, #tpu.memory_space<hbm>>
      tpu.enqueue_dma source(%arg9 : memref<1024xf32, #tpu.memory_space<vmem>>) target(%dma_start3A_194 : memref<1024xf32, #tpu.memory_space<hbm>>) target_semaphore(%arg13 : memref<!tpu.dma_semaphore, #tpu.memory_space<semaphore_mem>>)
      %add3A_195 = arith.constant 2 : i32
      %add3A_196 = arith.addi %add3A_166, %add3A_195 : i32
      %mul3A_197 = arith.constant 32 : i32
      %mul3A_198 = arith.muli %add3A_196, %mul3A_197 : i32
      %add3A_199 = arith.addi %mul3A_198, %add3A : i32
      %min3A_200 = arith.constant 7812 : i32
      %min3A_201 = arith.minsi %add3A_199, %min3A_200 : i32
      %mul3A_202 = arith.constant 128 : i32
      %mul3A_203 = arith.muli %min3A_201, %mul3A_202 : i32
      %min3A_204 = arith.constant 999872 : i32
      %min3A_205 = arith.minsi %mul3A_203, %min3A_204 : i32
      %add3A_206 = arith.constant 0 : i32
      %add3A_207 = arith.addi %add3A_206, %min3A_205 : i32
      %dma_start3A_208 = arith.constant 0 : i32
      %dma_start3A_209 = tpu.memref_slice %arg7[%dma_start3A_208] : memref<384xf32, #tpu.memory_space<vmem>> -> memref<128xf32, #tpu.memory_space<vmem>>
      %dma_start3A_210 = tpu.memref_slice %arg2[%add3A_207] : memref<3000000xf32, #tpu.memory_space<hbm>> -> memref<128xf32, #tpu.memory_space<hbm>>
      %dma_start3A_211 = arith.constant 0 : i32
      %dma_start3A_212 = tpu.memref_slice %arg7[%dma_start3A_211] : memref<384xf32, #tpu.memory_space<vmem>> -> memref<128xf32, #tpu.memory_space<vmem>>
      %dma_start3A_213 = tpu.memref_slice %arg2[%add3A_207] : memref<3000000xf32, #tpu.memory_space<hbm>> -> memref<128xf32, #tpu.memory_space<hbm>>
      tpu.enqueue_dma source(%dma_start3A_213 : memref<128xf32, #tpu.memory_space<hbm>>) target(%dma_start3A_212 : memref<128xf32, #tpu.memory_space<vmem>>) target_semaphore(%arg11 : memref<!tpu.dma_semaphore, #tpu.memory_space<semaphore_mem>>)
      %add3A_214 = arith.constant 1000000 : i32
      %add3A_215 = arith.addi %add3A_214, %min3A_205 : i32
      %dma_start3A_216 = arith.constant 128 : i32
      %dma_start3A_217 = tpu.memref_slice %arg7[%dma_start3A_216] : memref<384xf32, #tpu.memory_space<vmem>> -> memref<128xf32, #tpu.memory_space<vmem>>
      %dma_start3A_218 = tpu.memref_slice %arg2[%add3A_215] : memref<3000000xf32, #tpu.memory_space<hbm>> -> memref<128xf32, #tpu.memory_space<hbm>>
      %dma_start3A_219 = arith.constant 128 : i32
      %dma_start3A_220 = tpu.memref_slice %arg7[%dma_start3A_219] : memref<384xf32, #tpu.memory_space<vmem>> -> memref<128xf32, #tpu.memory_space<vmem>>
      %dma_start3A_221 = tpu.memref_slice %arg2[%add3A_215] : memref<3000000xf32, #tpu.memory_space<hbm>> -> memref<128xf32, #tpu.memory_space<hbm>>
      tpu.enqueue_dma source(%dma_start3A_221 : memref<128xf32, #tpu.memory_space<hbm>>) target(%dma_start3A_220 : memref<128xf32, #tpu.memory_space<vmem>>) target_semaphore(%arg11 : memref<!tpu.dma_semaphore, #tpu.memory_space<semaphore_mem>>)
      %add3A_222 = arith.constant 2000000 : i32
      %add3A_223 = arith.addi %add3A_222, %min3A_205 : i32
      %dma_start3A_224 = arith.constant 256 : i32
      %dma_start3A_225 = tpu.memref_slice %arg7[%dma_start3A_224] : memref<384xf32, #tpu.memory_space<vmem>> -> memref<128xf32, #tpu.memory_space<vmem>>
      %dma_start3A_226 = tpu.memref_slice %arg2[%add3A_223] : memref<3000000xf32, #tpu.memory_space<hbm>> -> memref<128xf32, #tpu.memory_space<hbm>>
      %dma_start3A_227 = arith.constant 256 : i32
      %dma_start3A_228 = tpu.memref_slice %arg7[%dma_start3A_227] : memref<384xf32, #tpu.memory_space<vmem>> -> memref<128xf32, #tpu.memory_space<vmem>>
      %dma_start3A_229 = tpu.memref_slice %arg2[%add3A_223] : memref<3000000xf32, #tpu.memory_space<hbm>> -> memref<128xf32, #tpu.memory_space<hbm>>
      tpu.enqueue_dma source(%dma_start3A_229 : memref<128xf32, #tpu.memory_space<hbm>>) target(%dma_start3A_228 : memref<128xf32, #tpu.memory_space<vmem>>) target_semaphore(%arg11 : memref<!tpu.dma_semaphore, #tpu.memory_space<semaphore_mem>>)
      %scan3A_230 = arith.constant 0 : i32
      scf.yield %scan3A_230 : i32
    }
    %scan3A_82 = arith.constant 123 : i32
    %dma_wait3A = arith.constant 0 : i32
    %dma_wait3A_83 = tpu.memref_slice %arg2[%dma_wait3A] : memref<3000000xf32, #tpu.memory_space<hbm>> -> memref<384xf32, #tpu.memory_space<hbm>>
    %dma_wait3A_84 = arith.constant 0 : i32
    %dma_wait3A_85 = tpu.memref_slice %arg2[%dma_wait3A_84] : memref<3000000xf32, #tpu.memory_space<hbm>> -> memref<384xf32, #tpu.memory_space<hbm>>
    tpu.wait_dma2 semaphore(%arg10 : memref<!tpu.dma_semaphore, #tpu.memory_space<semaphore_mem>>) src(%dma_wait3A_85 : memref<384xf32, #tpu.memory_space<hbm>>) dst(%arg6 : memref<384xf32, #tpu.memory_space<vmem>>)
    %dma_wait3A_86 = arith.constant 0 : i32
    %dma_wait3A_87 = tpu.memref_slice %arg4[%dma_wait3A_86] : memref<8000512xf32, #tpu.memory_space<hbm>> -> memref<1024xf32, #tpu.memory_space<hbm>>
    %dma_wait3A_88 = arith.constant 0 : i32
    %dma_wait3A_89 = tpu.memref_slice %arg4[%dma_wait3A_88] : memref<8000512xf32, #tpu.memory_space<hbm>> -> memref<1024xf32, #tpu.memory_space<hbm>>
    tpu.wait_dma2 semaphore(%arg12 : memref<!tpu.dma_semaphore, #tpu.memory_space<semaphore_mem>>) src(%arg8 : memref<1024xf32, #tpu.memory_space<vmem>>) dst(%dma_wait3A_89 : memref<1024xf32, #tpu.memory_space<hbm>>)
    %dma_wait3A_90 = arith.constant 0 : i32
    %dma_wait3A_91 = tpu.memref_slice %arg2[%dma_wait3A_90] : memref<3000000xf32, #tpu.memory_space<hbm>> -> memref<384xf32, #tpu.memory_space<hbm>>
    %dma_wait3A_92 = arith.constant 0 : i32
    %dma_wait3A_93 = tpu.memref_slice %arg2[%dma_wait3A_92] : memref<3000000xf32, #tpu.memory_space<hbm>> -> memref<384xf32, #tpu.memory_space<hbm>>
    tpu.wait_dma2 semaphore(%arg11 : memref<!tpu.dma_semaphore, #tpu.memory_space<semaphore_mem>>) src(%dma_wait3A_93 : memref<384xf32, #tpu.memory_space<hbm>>) dst(%arg7 : memref<384xf32, #tpu.memory_space<vmem>>)
    %dma_wait3A_94 = arith.constant 0 : i32
    %dma_wait3A_95 = tpu.memref_slice %arg4[%dma_wait3A_94] : memref<8000512xf32, #tpu.memory_space<hbm>> -> memref<1024xf32, #tpu.memory_space<hbm>>
    %dma_wait3A_96 = arith.constant 0 : i32
    %dma_wait3A_97 = tpu.memref_slice %arg4[%dma_wait3A_96] : memref<8000512xf32, #tpu.memory_space<hbm>> -> memref<1024xf32, #tpu.memory_space<hbm>>
    tpu.wait_dma2 semaphore(%arg13 : memref<!tpu.dma_semaphore, #tpu.memory_space<semaphore_mem>>) src(%arg9 : memref<1024xf32, #tpu.memory_space<vmem>>) dst(%dma_wait3A_97 : memref<1024xf32, #tpu.memory_space<hbm>>)
    return
  }
}

</mosaic_0001>

<sc_bundles>
// kernel: kernel.3.cloned.1.call-start
scs
__scs_entry_jumppad:
0x0: {  	(pc) =	sbr.rel $0x88, $3  }
0x1: {  	(tag) =	ssettag $0x0;
	lr =	simm.s32 $0x1  }
0x2: {  	[smem:$0x3F9F] =	sst lr;
	_ =	strace $0xD0000000  }
0x3: {  	_ = 	snop  }
0x4: {  	_ = 	snop  }
0x5: {  	_ = 	snop  }
0x6: {  	_ = 	snop  }
0x7: {  	_ = 	snop  }
__scs_overlays_trampoline_lowered:
0x8: {  	[smem:$0x3FAE] =	sst s0  }
0x9: {  	[smem:$0x3FAF] =	sst s1  }
0xa: {  	[smem:$0x3FB0] =	sst s2  }
0xb: {  	[smem:$0x3FB1] =	sst s3  }
0xc: {  	[smem:$0x3FB2] =	sst s4  }
0xd: {  	[smem:$0x3FB3] =	sst s5  }
0xe: {  	[smem:$0x3FB4] =	sst s6  }
0xf: {  	[smem:$0x3FB5] =	sst s7  }
0x10: {  	[smem:$0x3FB6] =	sst s8  }
0x11: {  	[smem:$0x3FB7] =	sst s9;
	s0 =	simm.s32 @!p0 $0x0  }
0x12: {  	s1 =	sld [smem:$0x3F9D];
	s0 =	simm.s32 @p0 $0x1  }
0x13: {  	[smem:$0x3FB8] =	sst s0;
	s0 =	simm.s32 @!p1 $0x0  }
0x14: {  	s2 =	sld [smem:$0x3F9C];
	s0 =	simm.s32 @p1 $0x1  }
0x15: {  	[smem:$0x3FB9] =	sst s0;
	s0 =	simm.s32 @!p2 $0x0  }
0x16: {  	s3 =	sld [smem:$0x3FDB];
	s0 =	simm.s32 @p2 $0x1  }
0x17: {  	s4 =	simm.s32 $0x1BF5;
	[smem:$0x3FBB] =	sst s0  }
0x18: {  	s0 =	sld [smem:$0x3F9E];
	_ =	swait.ge [sflag:s4], $0x0  }
0x19: {  	s7 =	sld [smem:$0x3F9F]  }
0x1a: {  	s8 =	sadd.s32 $0xFFFFE003, lr  }
0x1b: {  	s9 =	sadd.s32 $0xFFFFFEF7, lr;
	s5 =	simm.s32 $0xFFFFFFFF;
	p2 =	slt.u32 s8, $0xFFFFF086  }
0x1c: {  	p1 =	slt.u32 s9, $0xF7A;
	s5 =	simm.s32 @!p2 $0x0  }
0x1d: {  	s5 =	simm.s32 @p1 $0x1;
	p0 =	seq.s32 s7, s2  }
0x1e: {  	s7 =	smul.u32 @!p0 $0xF7A, s2;
	p2 =	seq.s32 @!p0 s5, $0x0  }
0x1f: {  	s9 =	smul.u32 $0xF7A, s1;
	s8 =	simm.s32 @!p0 $0x1BF5;
	p2 =	por !p2, p0  }
0x20: {  	[sflag:s8] =	ssyncset.s32 @!p0 $0xFFFFF086;
	s6 =	sadd.s32 @!p0 s3, s7;
	s7 =	simm.s32 @!p0 $0x108  }
0x21: {  	s3 =	sadd.s32 s3, s9;
	s6 =	sadd.s32 @!p0 $0x88, s6;
	s7 =	simm.s32 @p2 $0x1082  }
0x22: {  	[simem:s7], [sflag:s8] =	dma.local @!p0 [hbm:s6], $0xF7A  }
0x23: {  	s9 =	sor.u32 $0xD0000000, s2;
	s6 =	simm.s32 $0x108;
	_ =	swait.ge @!p0 [sflag:s8], $0x0  }
0x24: {  	s3 =	sadd.s32 $0x88, s3;
	s6 =	simm.s32 @!p1 $0x1082;
	[sflag:s4] =	ssyncset.s32 $0xFFFFF086  }
0x25: {  	[simem:s6], [sflag:s4] =	dma.local [hbm:s3], $0xF7A  }
0x26: {  	[smem:$0x3F9F] =	sst s1;
	(tag) =	ssettag s2;
	_ =	strace s9  }
0x27: {  	s1 =	sld [smem:$0x3FAF]  }
0x28: {  	s2 =	sld [smem:$0x3FB0]  }
0x29: {  	s4 =	sld [smem:$0x3FB2]  }
0x2a: {  	p0 =	seq.s32 s5, $0x0;
	s5 =	sld [smem:$0x3FB3]  }
0x2b: {  	s6 =	sld [smem:$0x3FB4]  }
0x2c: {  	s7 =	sld [smem:$0x3FB5]  }
0x2d: {  	s3 =	simm.s32 $0x108;
	s8 =	sld [smem:$0x3FB6]  }
0x2e: {  	s3 =	simm.s32 @!p0 $0x1082;
	s9 =	sld [smem:$0x3FB7]  }
0x2f: {  	lr =	sadd.s32 s0, s3;
	s0 =	sld [smem:$0x3FAE]  }
0x30: {  	s3 =	sld [smem:$0x3FB1]  }
0x31: {  	[smem:$0x3FBA] =	sst s10  }
0x32: {  	s10 =	sld [smem:$0x3FB8];
	_ =	sdelay $0x3  }
0x33: {  	p0 =	seq.s32 s10, $0x1;
	s10 =	sld [smem:$0x3FBA];
	_ =	sdelay $0x3  }
0x34: {  	[smem:$0x3FBA] =	sst s10  }
0x35: {  	s10 =	sld [smem:$0x3FB9];
	_ =	sdelay $0x3  }
0x36: {  	p1 =	seq.s32 s10, $0x1;
	s10 =	sld [smem:$0x3FBA];
	_ =	sdelay $0x3  }
0x37: {  	[smem:$0x3FBA] =	sst s10  }
0x38: {  	s10 =	sld [smem:$0x3FBB]  }
0x39: {  	_ = 	snop;
	(pc) =	sbr.ind lr, $3  }
0x3a: {  	_ = 	snop  }
0x3b: {  	_ = 	snop  }
0x3c: {  	p2 =	seq.s32 s10, $0x1;
	s10 =	sld [smem:$0x3FBA]  }
0x3d: {  	_ =	shalt  }
0x3e: {  	_ =	shalt  }
0x3f: {  	_ =	shalt  }
0x40: {  	_ =	shalt  }
0x41: {  	_ =	shalt  }
0x42: {  	_ =	shalt  }
0x43: {  	_ =	shalt  }
0x44: {  	_ =	shalt  }
0x45: {  	_ =	shalt  }
0x46: {  	_ =	shalt  }
0x47: {  	_ =	shalt  }
0x48: {  	_ =	shalt  }
0x49: {  	_ =	shalt  }
0x4a: {  	_ =	shalt  }
0x4b: {  	_ =	shalt  }
0x4c: {  	_ =	shalt  }
0x4d: {  	_ =	shalt  }
0x4e: {  	_ =	shalt  }
0x4f: {  	_ =	shalt  }
0x50: {  	_ =	shalt  }
0x51: {  	_ =	shalt  }
0x52: {  	_ =	shalt  }
0x53: {  	_ =	shalt  }
0x54: {  	_ =	shalt  }
0x55: {  	_ =	shalt  }
0x56: {  	_ =	shalt  }
0x57: {  	_ =	shalt  }
0x58: {  	_ =	shalt  }
0x59: {  	_ =	shalt  }
0x5a: {  	_ =	shalt  }
0x5b: {  	_ =	shalt  }
0x5c: {  	_ =	shalt  }
0x5d: {  	_ =	shalt  }
0x5e: {  	_ =	shalt  }
0x5f: {  	_ =	shalt  }
0x60: {  	_ =	shalt  }
0x61: {  	_ =	shalt  }
0x62: {  	_ =	shalt  }
0x63: {  	_ =	shalt  }
0x64: {  	_ =	shalt  }
0x65: {  	_ =	shalt  }
0x66: {  	_ =	shalt  }
0x67: {  	_ =	shalt  }
0x68: {  	_ =	shalt  }
0x69: {  	_ =	shalt  }
0x6a: {  	_ =	shalt  }
0x6b: {  	_ =	shalt  }
0x6c: {  	_ =	shalt  }
0x6d: {  	_ =	shalt  }
0x6e: {  	_ =	shalt  }
0x6f: {  	_ =	shalt  }
0x70: {  	_ =	shalt  }
0x71: {  	_ =	shalt  }
0x72: {  	_ =	shalt  }
0x73: {  	_ =	shalt  }
0x74: {  	_ =	shalt  }
0x75: {  	_ =	shalt  }
0x76: {  	_ =	shalt  }
0x77: {  	_ =	shalt  }
0x78: {  	_ =	shalt  }
0x79: {  	_ =	shalt  }
0x7a: {  	_ =	shalt  }
0x7b: {  	_ =	shalt  }
0x7c: {  	_ =	shalt  }
0x7d: {  	_ =	shalt  }
0x7e: {  	_ =	shalt  }
0x7f: {  	_ =	shalt  }
0x80: {  	_ =	shalt  }
0x81: {  	_ =	shalt  }
0x82: {  	_ =	shalt  }
0x83: {  	_ =	shalt  }
0x84: {  	_ =	shalt  }
0x85: {  	_ =	shalt  }
0x86: {  	_ =	shalt  }
0x87: {  	_ =	shalt  }
.Lfunc_end0:
.L_simem_size_0:
called_computation_lowered:
.L_overlay_start_0:
0x88: {  	s2 =	sld [smem:$0x3FD9]  }
0x89: {  	s3 =	sld [smem:$0x3FFE];
	_ =	sdelay $0x1  }
0x8a: {  	s1 =	srdreg.scid  }
0x8b: {  	s0 =	sand.u32 $0x1, s1  }
0x8c: {  	s17 =	sshll.u32 s0, $0xA;
	s2 =	sadd.s32 s3, s2  }
0x8d: {  	s2 =	sadd.s32 s2, s17  }
0x8e: {  	[smem:$0x3FC6] =	sst s2  }
0x8f: {  	_ = 	snop  }
0x90: {  	s2 =	sld [smem:$0x3FD0];
	(tm) =	ssettm $0x1  }
0x91: {  	s18 =	sld [smem:$0x3FFB];
	_ =	sdelay $0x3  }
0x92: {  	_ =	strace s18  }
0x93: {  	s3 =	sld [smem:$0x3FFC];
	_ =	sdelay $0x3  }
0x94: {  	_ =	strace s3  }
0x95: {  	s3 =	sld [smem:$0x3FFD];
	_ =	sdelay $0x3  }
0x96: {  	_ =	strace s3  }
0x97: {  	_ =	strace $0x8FFFFFFF  }
0x98: {  	s19 =	sld [smem:$0x3FDB];
	_ =	sdelay $0x1  }
0x99: {  	s4 =	simm.s32 $_scs_section_size  }
0x9a: {  	s5 =	simm.s32 $_size__tile_overlayer_lowered;
	s6 =	simm.s32 $_tile_overlayer_lowered  }
0x9b: {  	s22 =	simm.s32 $0x1BFF;
	s21 =	sshll.u32 s6, $0x1;
	s3 =	sadd.s32 s4, s19  }
0x9c: {  	s7 =	simm.s32 $0x0;
	s20 =	sshll.u32 s5, $0x1;
	s5 =	sadd.s32 s21, s3  }
0x9d: {  	[timem:s7], [sflag:s22] =	dma.local [hbm:s5], s20  }
0x9e: {  	_ =	swait.ge [sflag:s22], s20  }
0x9f: {  	s4 =	ssub.s32 $0x0, s20;
	[sflag:s22] =	ssyncset.done $0x0  }
0xa0: {  	[sflag:s22] =	ssyncadd.s32 s4;
	_ =	sdelay $0x1  }
0xa1: {  	s23 =	simm.s32 $0x1B8B  }
0xa2: {  	_ =	swait.ge [sflag:s23], $0x1  }
0xa3: {  	[sflag:s23] =	ssyncset.done $0x0  }
0xa4: {  	s25 =	simm.s32 $0x1B8E;
	s24 =	sld [smem:$0x3FFE];
	[sflag:s23] =	ssyncadd.s32 $0xFFFFFFFF  }
0xa5: {  	s26 =	simm.s32 $execute0_lowered;
	[smem:$0x3FD2] =	sst s25  }
0xa6: {  	s5 =	sshll.u32 s26, $0x1;
	_ =	strace $0x80000046;
	[dreg:$0x1] =	wrdreg $0xFFFFFFFF  }
0xa7: {  	s28 =	simm.s32 $_size_execute0_lowered;
	s3 =	sadd.s32 s3, s5;
	[dreg:$0x0] =	wrdreg $0x0  }
0xa8: {  	s5 =	sshll.u32 s28, $0x1;
	[dreg:$0x2] =	wrdreg s3  }
0xa9: {  	[dreg:$0x3] =	wrdreg s5  }
0xaa: {  	[dreg:$0x4] =	wrdreg $0xC0  }
0xab: {  	_ =	task [dreg:s7], $0x5FFFF  }
0xac: {  	[dreg:$0x1] =	wrdreg $0xFFFFFFFF  }
0xad: {  	[dreg:$0x0] =	wrdreg $0x60  }
0xae: {  	[dreg:$0x2] =	wrdreg s24  }
0xaf: {  	[dreg:$0x3] =	wrdreg s2  }
0xb0: {  	[dreg:$0x4] =	wrdreg $0x9  }
0xb1: {  	_ =	task.clear_ibuf [dreg:s7], $0x5FFFF;
	_ =	strace $0x90000046  }
0xb2: {  	s29 =	simm.s32 $0x9;
	_ =	strace $0x80000048  }
0xb3: {  	_ =	swait.ge [sflag:s29], $0x1  }
0xb4: {  	[sflag:s29] =	ssyncadd.s32 $0xFFFFFFFF  }
0xb5: {  	_ =	strace $0x90000048  }
0xb6: {  	_ =	sfence  }
0xb7: {  	s30 =	sld [smem:$0x0];
	_ =	sdelay $0x2  }
0xb8: {  	s31 =	sshll.u32 s1, $0xD;
	s1 =	sshrl.u32 s1, $0x2  }
0xb9: {  	s3 =	sand.u32 $0x4000, s31;
	s1 =	sadd.s32 s1, s30  }
0xba: {  	s0 =	sor.u32 s3, s0;
	s1 =	sshll.u32 s1, $0x11  }
0xbb: {  	s0 =	sor.u32 s1, s0  }
0xbc: {  	s0 =	sadd.s32 $0x8F2B, s0  }
0xbd: {  	[sflag:s0] =	ssyncadd.remote.s32 $0x1  }
0xbe: {  	_ =	sfence.sel $0xFFFF  }
0xbf: {  	[dreg:$0x0] =	wrdreg $0xFFFFFFFF;
	(pc) =	sbr.abs _section_cstart, $3  }
0xc0: {  	[dreg:$0x1] =	wrdreg $0xFFFFFFFF  }
0xc1: {  	_ =	task.clear_ibuf [dreg:s7], $0x2FFFF;
	_ =	strace $0x9FFFFFFF  }
0xc2: {  	(tm) =	ssettm $0x7FFFFFFF  }
0xc3: {  	_ =	shalt  }
tec
execute0_lowered:
.L_overlay_start_1:
0x0: {  	(tag) =	ssettag $0x1  }
0x1: {  	s0 =	rddreg [dreg:$0x0]  }
0x2: {  	s1 =	rddreg [dreg:$0x1];
	s2 =	simm.s32 $0x0;
	s3 =	srdreg.scid  }
0x3: {  	v1 =	vimm.s32 $0x1AECE;
	vm0 =	vcmask $0x300;
	vm1 =	vcmask $0x704;
	s4 =	stileid.u32;
	s11 =	simm.s32 $0x5;
	s28 =	simm.s32 $0x1F480  }
0x4: {  	v2 =	vimm.s32 $0x1AECF;
	vm2 =	vcmask $0xB08;
	s29 =	simm.s32 $0x1F500;
	s30 =	simm.s32 $0x1;
	s31 =	simm.s32 $0x1F580;
	v1 =	vsel vm0, $0x157D0, v1  }
0x5: {  	vm4 =	vcmask $0xF0C;
	[smem:$0x7FF] =	sst s2;
	v2 =	vsel vm0, $0x157D1, v2;
	s3 =	sand.u32 $0x1, s3;
	s6 =	sadd.s32 $0x201400, s0;
	v1 =	vsel vm1, $0x126FA, v1  }
0x6: {  	v0 =	vlaneseq.u32;
	s17 =	sadd.s32 $0x203400, s0;
	v2 =	vsel vm1, $0x126FB, v2;
	_ =	strace $0x80000047;
	[dreg:$0x3] =	wrdreg s6;
	v1 =	vsel vm2, $0x1BDA4, v1  }
0x7: {  	vm5 =	vcmask $0x1310;
	s5 =	sshll.u32 s4, $0x1;
	s7 =	sadd.s32 $0x205400, s0;
	[dreg:$0x4] =	wrdreg s17;
	v2 =	vsel vm2, $0x1BDA5, v2;
	v1 =	vsel vm4, $0x18C4E, v1  }
0x8: {  	vm6 =	vcmask $0x1714;
	s4 =	sadd.s32 $0x1400, s0;
	s0 =	sadd.s32 $0x207400, s0;
	[dreg:$0x5] =	wrdreg s7;
	v2 =	vsel vm4, $0x18C4F, v2;
	v1 =	vsel vm5, $0x11B78, v1  }
0x9: {  	vm7 =	vcmask $0x1B18;
	s12 =	sor.u32 s3, s5;
	s3 =	ssub.s32 $0x2, s3;
	[dreg:$0x7] =	wrdreg s0;
	v2 =	vsel vm5, $0x11B79, v2;
	v1 =	vsel vm6, $0x1EC22, v1  }
0xa: {  	vm8 =	vcmask $0x1F1C;
	s0 =	simm.s32 $0x2;
	s18 =	sshll.u32 s12, $0x4;
	s26 =	sor.u32 $0x20, s12;
	v2 =	vsel vm6, $0x1EC23, v2;
	v1 =	vsel vm7, $0x17ACC, v1  }
0xb: {  	vm9 =	vcmask $0x2320;
	s7 =	simm.s32 $0x0;
	s5 =	sadd.s32 s4, s18;
	[dreg:$0xe] =	wrdreg s26;
	v2 =	vsel vm7, $0x17ACD, v2;
	v1 =	vsel vm8, $0x151F6, v1  }
0xc: {  	vm10 =	vcmask $0x2724;
	s19 =	sshrl.u32 s3, $0x1;
	s20 =	sadd.s32 $0x1E848, s5;
	[dreg:$0x6] =	wrdreg s5;
	v2 =	vsel vm8, $0x151F7, v2;
	v1 =	vsel vm9, $0x1E0A0, v1  }
0xd: {  	vm11 =	vcmask $0x2B28;
	s16 =	sor.u32 $0x40, s12;
	s21 =	sadd.s32 $0x3D090, s5;
	[dreg:$0x8] =	wrdreg s20;
	v2 =	vsel vm9, $0x1E0A1, v2;
	v1 =	vsel vm10, $0x1AF4A, v1  }
0xe: {  	vm12 =	vcmask $0x2F2C;
	s17 =	sor.u32 $0x60, s12;
	s22 =	sadd.s32 $0x200, s5;
	[dreg:$0x9] =	wrdreg s21;
	v2 =	vsel vm10, $0x1AF4B, v2;
	v1 =	vsel vm11, $0x13E74, v1  }
0xf: {  	vm13 =	vcmask $0x3330;
	s3 =	ssub.s32 s3, s19;
	s23 =	sadd.s32 $0x1EA48, s5;
	[dreg:$0xa] =	wrdreg s22;
	v2 =	vsel vm11, $0x13E75, v2;
	v1 =	vsel vm12, $0xF266, v1  }
0x10: {  	vm14 =	vcmask $0x3734;
	s26 =	simm.s32 $0x1F400;
	s24 =	sadd.s32 $0x3D290, s5;
	[dreg:$0xb] =	wrdreg s23;
	v2 =	vsel vm12, $0xF267, v2;
	v1 =	vsel vm13, $0x1A14C, v1  }
0x11: {  	vm15 =	vcmask $0x3B38;
	s25 =	smax.u32 s3, $0x1;
	s3 =	simm.s32 $0x1F980;
	[dreg:$0xc] =	wrdreg s24;
	v4 =	vsel vm13, $0x1A14D, v2;
	v3 =	vsel vm14, $0x150B2, v1  }
0x12: {  	v5 =	vor.u32 $0x2360, v0;
	[dreg:$0xd] =	wrdreg s25;
	s20 =	simm.s32 $0xF240;
	s22 =	simm.s32 $0x7920;
	v2 =	vsel vm15, $0xFF98, v3;
	v3 =	vsel vm14, $0x150B3, v4  }
0x13: {  	s23 =	simm.s32 $0x1F280;
	s24 =	simm.s32 $0x1F300;
	s25 =	simm.s32 $0x1F380;
	v1 =	vadd.s32 $0x895, v0;
	v4 =	vadd.s32 $0x2355, v0;
	v3 =	vsel vm15, $0xFF99, v3  }
.LBB2_1:
0x14: {  	s5 =	simm.s32 $0x30  }
0x15: {  	s6 =	simm.s32 $0x0;
	s19 =	simm.s32 $0x10;
	s9 =	simm.s32 $0x20;
	v6 =	vor.u32 s5, v0  }
0x16: {  	v8 =	vor.u32 s6, v0;
	v7 =	vor.u32 s19, v0;
	v9 =	vor.u32 s9, v0  }
0x17: {  	v10 =	vmul.u32 $0x13B14, v8;
	v11 =	vmul.u32 $0x13B14, v7;
	v12 =	vmul.u32 $0x13B14, v9  }
0x18: {  	vm1 =	vlt.u32 v8, $0x895;
	vm0 =	vlt.u32 v7, $0x895;
	v13 =	vmul.u32 $0x13B14, v6  }
0x19: {  	vm2 =	vlt.u32 v6, $0x895;
	v10 =	vshrl.u32 v10, $0x14;
	v12 =	vshrl.u32 v12, $0x14  }
0x1a: {  	v11 =	vshrl.u32 v11, $0x14;
	v13 =	vshrl.u32 v13, $0x14;
	v15 =	vmul.u32 $0x13B14, v12  }
0x1b: {  	v14 =	vmul.u32 $0x13B14, v10;
	v16 =	vmul.u32 $0x7FF3, v10;
	v17 =	vmul.u32 $0x13B14, v11  }
0x1c: {  	v18 =	vmul.u32 $0x13B14, v13;
	v19 =	vmul.u32 $0x7FF3, v11;
	v15 =	vshrl.u32 v15, $0x14  }
0x1d: {  	v20 =	vmul.u32 $0x7FF3, v12;
	v24 =	vmul.u32 $0x7FF3, v13;
	v21 =	vmul.u32 $0x7FF3, v15  }
0x1e: {  	v14 =	vshrl.u32 v14, $0x14;
	v17 =	vshrl.u32 v17, $0x14;
	v18 =	vshrl.u32 v18, $0x14  }
0x1f: {  	v20 =	vadd.s32 v9, v20;
	v16 =	vadd.s32 v8, v16;
	v12 =	vadd.s32 v12, v21  }
0x20: {  	v19 =	vadd.s32 v7, v19;
	v20 =	vmul.u32 $0x5795, v20;
	v12 =	vmul.u32 $0x79B1, v12  }
0x21: {  	v22 =	vmul.u32 $0x7FF3, v14;
	v23 =	vmul.u32 $0x7FF3, v17;
	v62 =	vmul.u32 $0x7FF3, v18  }
0x22: {  	v16 =	vmul.u32 $0x5795, v16;
	v19 =	vmul.u32 $0x5795, v19;
	v12 =	vxor.u32 v12, v20  }
0x23: {  	v10 =	vadd.s32 v10, v22;
	v11 =	vadd.s32 v11, v23;
	v12 =	vxor.u32 v15, v12  }
0x24: {  	v13 =	vadd.s32 v13, v62;
	v10 =	vmul.u32 $0x79B1, v10;
	v12 =	vshll.u32 v12, $0x1  }
0x25: {  	[dreg:$0xf] =	wrdreg s7;
	v11 =	vmul.u32 $0x79B1, v11;
	v13 =	vmul.u32 $0x79B1, v13;
	v12 =	vand.u32 $0xFFFE, v12  }
0x26: {  	s21 =	rddreg [dreg:$0x3];
	v10 =	vxor.u32 v10, v16;
	v15 =	vadd.s32 v6, v24;
	v63 =	vadd.s32 $0xF240, v12  }
0x27: {  	[tilespmem:s20], [sflag:$0x5] =	stream.linear.gather [hbm4b:s21+s2], $0x10000, $0x38;
	v11 =	vxor.u32 v11, v19;
	v15 =	vmul.u32 $0x5795, v15;
	v19 =	vadd.s32 $0xF241, v12;
	[tilespmem:$0x1FD80] =	vst v63  }
0x28: {  	_ =	swait.ge [sflag:s11], $0x10000;
	vm4 =	vlt.u32 v9, $0x895;
	v10 =	vxor.u32 v14, v10;
	v11 =	vxor.u32 v17, v11  }
0x29: {  	[sflag:s11] =	ssyncset.done $0x0;
	v10 =	vshll.u32 v10, $0x1;
	v11 =	vshll.u32 v11, $0x1;
	v12 =	vxor.u32 v13, v15  }
0x2a: {  	[sflag:s11] =	ssyncadd.s32 $0xFFFF0000;
	v10 =	vand.u32 $0xFFFE, v10;
	v13 =	vand.u32 $0xFFFE, v11;
	v12 =	vxor.u32 v18, v12  }
0x2b: {  	v14 =	vadd.s32 $0xF240, v10;
	v15 =	vadd.s32 $0xF241, v10;
	v12 =	vshll.u32 v12, $0x1;
	v11 =	vld.idx.msk [tilespmem:v63+s2+$0x0], $0xffff  }
0x2c: {  	s7 =	simm.s32 $0x70;
	s6 =	simm.s32 $0x0;
	v10 =	vadd.s32 $0xF241, v13;
	v16 =	vand.u32 $0xFFFE, v12;
	v12 =	vadd.s32 $0xF240, v13;
	v13 =	vld.idx.msk [tilespmem:v19+s2+$0x0], $0xffff  }
.LBB2_2:
0x2d: {  	v17 =	vor.u32 s7, v0;
	v18 =	vadd.s32 $0xF240, v16  }
0x2e: {  	s5 =	sadd.s32 $0xFFFFFFD0, s7;
	s9 =	sadd.s32 $0xFFFFFFE0, s7;
	s10 =	sadd.s32 $0xFFFFFFF0, s7;
	v16 =	vadd.s32 $0xF241, v16;
	vm5 =	vmmov vm1;
	vm3 =	vmmov vm0  }
0x2f: {  	s6 =	sadd.s32 $0x4, s6;
	v19 =	vor.u32 s5, v0;
	v20 =	vor.u32 s9, v0;
	v21 =	vor.u32 s10, v0  }
0x30: {  	p0 =	slt.u32 s6, $0x84;
	v22 =	vmul.u32 $0x13B14, v19;
	v23 =	vmul.u32 $0x13B14, v20;
	v24 =	vmul.u32 $0x13B14, v21  }
0x31: {  	v25 =	vmul.u32 $0x13B14, v17;
	vm1 =	vlt.u32 v19, $0x895;
	vm0 =	vlt.u32 v20, $0x895;
	v14 =	vld.idx.msk [tilespmem:v14+s2+$0x0], $0xffff  }
0x32: {  	v22 =	vshrl.u32 v22, $0x14;
	v23 =	vshrl.u32 v23, $0x14;
	v24 =	vshrl.u32 v24, $0x14;
	v15 =	vld.idx.msk [tilespmem:v15+s2+$0x0], $0xffff;
	[tilespmem:v9+s2+$0x0] =	vst.idx.msk vm4, v11  }
0x33: {  	s5 =	simm.s32 $0x880;
	v25 =	vshrl.u32 v25, $0x14;
	v11 =	vmul.u32 $0x13B14, v22;
	v26 =	vmul.u32 $0x13B14, v24;
	v12 =	vld.idx.msk [tilespmem:v12+s2+$0x0], $0xffff;
	[tilespmem:v9+s22+$0x0] =	vst.idx.msk vm4, v13;
	v9 =	vmovc v21  }
0x34: {  	v27 =	vmul.u32 $0x13B14, v25;
	v13 =	vmul.u32 $0x7FF3, v22;
	v21 =	vmul.u32 $0x13B14, v23;
	v10 =	vld.idx.msk [tilespmem:v10+s2+$0x0], $0xffff  }
0x35: {  	v28 =	vmul.u32 $0x7FF3, v23;
	v11 =	vshrl.u32 v11, $0x14;
	v26 =	vshrl.u32 v26, $0x14;
	v18 =	vld.idx.msk [tilespmem:v18+s2+$0x0], $0xffff  }
0x36: {  	v29 =	vmul.u32 $0x7FF3, v24;
	v21 =	vshrl.u32 v21, $0x14;
	v30 =	vmul.u32 $0x7FF3, v26;
	v16 =	vld.idx.msk [tilespmem:v16+s2+$0x0], $0xffff  }
0x37: {  	v27 =	vshrl.u32 v27, $0x14;
	v31 =	vmul.u32 $0x7FF3, v11;
	v32 =	vmul.u32 $0x7FF3, v21;
	[tilespmem:v8+s2+$0x0] =	vst.idx.msk vm5, v14  }
0x38: {  	v14 =	vadd.s32 v9, v29;
	v29 =	vmul.u32 $0x7FF3, v27;
	v24 =	vadd.s32 v24, v30;
	[tilespmem:v8+s22+$0x0] =	vst.idx.msk vm5, v15  }
0x39: {  	v14 =	vmul.u32 $0x5795, v14;
	v8 =	vmovc v19;
	v15 =	vmul.u32 $0x79B1, v24;
	v24 =	vmul.u32 $0x7FF3, v25;
	[tilespmem:v7+s2+$0x0] =	vst.idx.msk vm3, v12  }
0x3a: {  	v19 =	vadd.s32 v23, v32;
	v12 =	vadd.s32 v22, v31;
	v22 =	vadd.s32 v25, v29  }
0x3b: {  	v23 =	vadd.s32 v20, v28;
	v13 =	vadd.s32 v8, v13;
	v14 =	vxor.u32 v15, v14  }
0x3c: {  	v12 =	vmul.u32 $0x79B1, v12;
	v15 =	vadd.s32 v17, v24;
	v14 =	vxor.u32 v26, v14;
	[tilespmem:v7+s22+$0x0] =	vst.idx.msk vm3, v10  }
0x3d: {  	v10 =	vmul.u32 $0x79B1, v19;
	v19 =	vmul.u32 $0x79B1, v22;
	v7 =	vmovc v20;
	v14 =	vshll.u32 v14, $0x1;
	[tilespmem:v6+s2+$0x0] =	vst.idx.msk vm2, v18  }
0x3e: {  	v13 =	vmul.u32 $0x5795, v13;
	v18 =	vmul.u32 $0x5795, v23;
	v14 =	vand.u32 $0xFFFE, v14;
	[tilespmem:v6+s22+$0x0] =	vst.idx.msk vm2, v16;
	v6 =	vmovc v17  }
0x3f: {  	v15 =	vmul.u32 $0x5795, v15;
	v16 =	vadd.s32 $0xF240, v14;
	vm2 =	vlt.u32 v6, $0x895  }
0x40: {  	v12 =	vxor.u32 v12, v13;
	v10 =	vxor.u32 v10, v18;
	v13 =	vadd.s32 $0xF241, v14  }
.Ltmp0:
0x41: {  	v11 =	vxor.u32 v11, v12;
	v12 =	vxor.u32 v19, v15;
	v10 =	vxor.u32 v21, v10;
	(pc) =	sbr.rel @p0 .LBB2_2-.Ltmp0, $4  }
0x42: {  	v11 =	vshll.u32 v11, $0x1;
	v12 =	vxor.u32 v27, v12;
	v10 =	vshll.u32 v10, $0x1  }
0x43: {  	v15 =	vand.u32 $0xFFFE, v11;
	v12 =	vshll.u32 v12, $0x1;
	v10 =	vand.u32 $0xFFFE, v10  }
0x44: {  	vm4 =	vlt.u32 v9, $0x895;
	v14 =	vadd.s32 $0xF240, v15;
	v11 =	vld.idx.msk [tilespmem:v16+s2+$0x0], $0xffff;
	v16 =	vand.u32 $0xFFFE, v12  }
0x45: {  	s7 =	sadd.s32 $0x40, s7;
	v15 =	vadd.s32 $0xF241, v15;
	v12 =	vadd.s32 $0xF240, v10;
	v10 =	vadd.s32 $0xF241, v10;
	v13 =	vld.idx.msk [tilespmem:v13+s2+$0x0], $0xffff  }
0x46: {  	_ =	sdelay $0x2  }
0x47: {  	v17 =	vadd.s32 $0xF240, v16;
	vm1 =	vmmov vm1  }
0x48: {  	v61 =	vadd.s32 $0xF241, v16;
	v14 =	vld.idx.msk [tilespmem:v14+s2+$0x0], $0xffff;
	vm0 =	vmmov vm0  }
0x49: {  	v12 =	vld.idx.msk [tilespmem:v12+s2+$0x0], $0xffff  }
0x4a: {  	v15 =	vld.idx.msk [tilespmem:v15+s2+$0x0], $0xffff  }
0x4b: {  	v10 =	vld.idx.msk [tilespmem:v10+s2+$0x0], $0xffff;
	[tilespmem:v9+s2+$0x0] =	vst.idx.msk vm4, v11  }
0x4c: {  	[tilespmem:v9+s22+$0x0] =	vst.idx.msk vm4, v13;
	v62 =	vld.idx.msk [tilespmem:v17+s2+$0x0], $0xffff  }
0x4d: {  	v63 =	vld.idx.msk [tilespmem:v61+s2+$0x0], $0xffff;
	[tilespmem:v8+s2+$0x0] =	vst.idx.msk vm1, v14  }
0x4e: {  	[tilespmem:v7+s2+$0x0] =	vst.idx.msk vm0, v12  }
0x4f: {  	[tilespmem:v8+s22+$0x0] =	vst.idx.msk vm1, v15  }
0x50: {  	[tilespmem:v7+s22+$0x0] =	vst.idx.msk vm0, v10  }
0x51: {  	[tilespmem:v6+s2+$0x0] =	vst.idx.msk vm2, v62  }
0x52: {  	[tilespmem:v6+s22+$0x0] =	vst.idx.msk vm2, v63  }
.LBB2_4:
0x53: {  	v6 =	vor.u32 s5, v0  }
0x54: {  	v7 =	vmul.u32 $0x13B14, v6;
	_ =	sdelay $0x1  }
0x55: {  	v7 =	vshrl.u32 v7, $0x14  }
0x56: {  	v8 =	vmul.u32 $0x13B14, v7;
	_ =	sdelay $0x1  }
0x57: {  	v8 =	vshrl.u32 v8, $0x14  }
0x58: {  	v9 =	vmul.u32 $0x7FF3, v7;
	v10 =	vmul.u32 $0x7FF3, v8;
	_ =	sdelay $0x1  }
0x59: {  	v9 =	vadd.s32 v6, v9;
	v7 =	vadd.s32 v7, v10  }
0x5a: {  	v9 =	vmul.u32 $0x5795, v9;
	v7 =	vmul.u32 $0x79B1, v7;
	_ =	sdelay $0x1  }
0x5b: {  	v7 =	vxor.u32 v7, v9  }
0x5c: {  	v7 =	vxor.u32 v8, v7  }
0x5d: {  	v7 =	vshll.u32 v7, $0x1  }
0x5e: {  	v7 =	vand.u32 $0xFFFE, v7  }
0x5f: {  	v63 =	vadd.s32 $0xF240, v7  }
0x60: {  	v7 =	vadd.s32 $0xF241, v7;
	_ =	sdelay $0x2  }
0x61: {  	vm0 =	vlt.u32 v6, $0x895  }
0x62: {  	v8 =	vld.idx.msk [tilespmem:v63+s2+$0x0], $0xffff  }
0x63: {  	p0 =	sne.s32 s5, $0x890;
	v7 =	vld.idx.msk [tilespmem:v7+s2+$0x0], $0xffff  }
.Ltmp1:
0x64: {  	_ = 	snop;
	(pc) =	sbr.rel @p0 .LBB2_4-.Ltmp1, $3  }
0x65: {  	_ =	sdelay $0x1  }
0x66: {  	[tilespmem:v6+s2+$0x0] =	vst.idx.msk vm0, v8  }
0x67: {  	s5 =	sadd.s32 $0x10, s5;
	[tilespmem:v6+s22+$0x0] =	vst.idx.msk vm0, v7  }
0x68: {  	s9 =	simm.s32 $0x30  }
0x69: {  	s6 =	simm.s32 $0x0;
	s7 =	simm.s32 $0x10;
	s5 =	simm.s32 $0x20;
	v7 =	vor.u32 s9, v0;
	v6 =	vadd.s32 s9, v1  }
0x6a: {  	v8 =	vor.u32 s6, v0;
	v9 =	vor.u32 s7, v0;
	v10 =	vor.u32 s5, v0  }
0x6b: {  	v11 =	vmul.u32 $0xD795, v8;
	v12 =	vmul.u32 $0xD795, v9;
	v13 =	vmul.u32 $0xD795, v10  }
0x6c: {  	vm2 =	vlt.u32 v8, $0x1ACB;
	vm1 =	vlt.u32 v9, $0x1ACB;
	v14 =	vmul.u32 $0xD795, v7  }
0x6d: {  	vm0 =	vlt.u32 v7, $0x1ACB;
	vm4 =	vlt.u32 v10, $0x1ACB;
	vm3 =	vmmov vm2  }
0x6e: {  	v11 =	vshrl.u32 v11, $0x14;
	v12 =	vshrl.u32 v12, $0x14;
	v13 =	vshrl.u32 v13, $0x14  }
0x6f: {  	v14 =	vshrl.u32 v14, $0x14;
	v15 =	vmul.u32 $0xD795, v11;
	v16 =	vmul.u32 $0xD795, v13  }
0x70: {  	v17 =	vmul.u32 $0x7FED, v11;
	v18 =	vmul.u32 $0xD795, v12;
	v19 =	vmul.u32 $0xD795, v14  }
0x71: {  	v20 =	vmul.u32 $0x7FED, v12;
	v21 =	vmul.u32 $0x7FED, v13;
	v16 =	vshrl.u32 v16, $0x14  }
0x72: {  	v25 =	vmul.u32 $0x7FED, v14;
	v15 =	vshrl.u32 v15, $0x14;
	v22 =	vmul.u32 $0x7FED, v16  }
0x73: {  	v18 =	vshrl.u32 v18, $0x14;
	v19 =	vshrl.u32 v19, $0x14;
	v21 =	vadd.s32 v10, v21  }
0x74: {  	v8 =	vadd.s32 v8, v17;
	v9 =	vadd.s32 v9, v20;
	v13 =	vadd.s32 v13, v22  }
0x75: {  	v23 =	vmul.u32 $0x7FED, v15;
	v21 =	vmul.u32 $0x5795, v21;
	v13 =	vmul.u32 $0x79B1, v13  }
0x76: {  	v24 =	vmul.u32 $0x7FED, v18;
	v63 =	vmul.u32 $0x7FED, v19;
	v8 =	vmul.u32 $0x5795, v8  }
0x77: {  	v9 =	vmul.u32 $0x5795, v9;
	v11 =	vadd.s32 v11, v23;
	v13 =	vxor.u32 v13, v21  }
0x78: {  	v12 =	vadd.s32 v12, v24;
	v14 =	vadd.s32 v14, v63;
	v13 =	vxor.u32 v16, v13  }
0x79: {  	v11 =	vmul.u32 $0x79B1, v11;
	v12 =	vmul.u32 $0x79B1, v12;
	v13 =	vshll.u32 v13, $0x1  }
0x7a: {  	v14 =	vmul.u32 $0x79B1, v14;
	v16 =	vadd.s32 v7, v25;
	v13 =	vand.u32 $0xFFFE, v13  }
0x7b: {  	s8 =	rddreg [dreg:$0x4];
	v7 =	vxor.u32 v11, v8;
	v8 =	vxor.u32 v12, v9;
	v20 =	vadd.s32 $0xF240, v13  }
0x7c: {  	[tilespmem:s20], [sflag:$0x5] =	stream.linear.gather [hbm4b:s8+s2], $0x10000, $0x38;
	v16 =	vmul.u32 $0x5795, v16;
	v7 =	vxor.u32 v15, v7;
	v9 =	vadd.s32 $0xF241, v13;
	[tilespmem:$0x1FD80] =	vst v63  }
0x7d: {  	_ =	swait.ge [sflag:s11], $0x10000;
	v12 =	vadd.s32 s5, v1;
	v8 =	vxor.u32 v18, v8;
	v7 =	vshll.u32 v7, $0x1  }
0x7e: {  	[sflag:s11] =	ssyncset.done $0x0;
	v8 =	vshll.u32 v8, $0x1;
	v11 =	vxor.u32 v14, v16;
	v7 =	vand.u32 $0xFFFE, v7  }
0x7f: {  	[sflag:s11] =	ssyncadd.s32 $0xFFFF0000;
	v8 =	vand.u32 $0xFFFE, v8;
	v11 =	vxor.u32 v19, v11;
	v18 =	vadd.s32 $0xF240, v7  }
0x80: {  	v17 =	vadd.s32 $0xF241, v7;
	v16 =	vadd.s32 $0xF240, v8;
	v11 =	vshll.u32 v11, $0x1;
	v14 =	vld.idx.msk [tilespmem:v20+s2+$0x0], $0xffff  }
0x81: {  	v13 =	vadd.s32 $0xF241, v8;
	v8 =	vadd.s32 s7, v1;
	v10 =	vand.u32 $0xFFFE, v11;
	v15 =	vld.idx.msk [tilespmem:v9+s2+$0x0], $0xffff  }
0x82: {  	s5 =	simm.s32 $0x0;
	v11 =	vadd.s32 $0xF240, v10;
	v10 =	vadd.s32 $0xF241, v10;
	v9 =	vadd.s32 s6, v1;
	s6 =	simm.s32 $0x70  }
.LBB2_6:
0x83: {  	s7 =	sadd.s32 $0xFFFFFFD0, s6;
	s9 =	sadd.s32 $0xFFFFFFE0, s6;
	s10 =	sadd.s32 $0xFFFFFFF0, s6;
	v7 =	vor.u32 s6, v0;
	v19 =	vadd.s32 s6, v1;
	vm5 =	vmmov vm1  }
0x84: {  	s5 =	sadd.s32 $0x4, s5;
	v20 =	vor.u32 s7, v0;
	v21 =	vor.u32 s9, v0;
	v22 =	vor.u32 s10, v0;
	v18 =	vld.idx.msk [tilespmem:v18+s2+$0x0], $0xffff  }
0x85: {  	p0 =	slt.u32 s5, $0x1A8;
	v23 =	vmul.u32 $0xD795, v20;
	v24 =	vmul.u32 $0xD795, v21;
	v25 =	vmul.u32 $0xD795, v22;
	v17 =	vld.idx.msk [tilespmem:v17+s2+$0x0], $0xffff;
	[tilespmem:v12+s2+$0x0] =	vst.idx.msk vm4, v14  }
0x86: {  	vm2 =	vlt.u32 v20, $0x1ACB;
	vm1 =	vlt.u32 v21, $0x1ACB;
	v14 =	vmul.u32 $0xD795, v7;
	v16 =	vld.idx.msk [tilespmem:v16+s2+$0x0], $0xffff;
	[tilespmem:v12+s22+$0x0] =	vst.idx.msk vm4, v15  }
0x87: {  	v12 =	vshrl.u32 v23, $0x14;
	v15 =	vshrl.u32 v24, $0x14;
	v23 =	vshrl.u32 v25, $0x14;
	v13 =	vld.idx.msk [tilespmem:v13+s2+$0x0], $0xffff  }
0x88: {  	v14 =	vshrl.u32 v14, $0x14;
	v24 =	vmul.u32 $0xD795, v12;
	v25 =	vmul.u32 $0xD795, v23;
	v11 =	vld.idx.msk [tilespmem:v11+s2+$0x0], $0xffff  }
0x89: {  	v26 =	vmul.u32 $0x7FED, v12;
	v27 =	vmul.u32 $0xD795, v15;
	v28 =	vmul.u32 $0xD795, v14;
	v10 =	vld.idx.msk [tilespmem:v10+s2+$0x0], $0xffff  }
0x8a: {  	v29 =	vmul.u32 $0x7FED, v15;
	v24 =	vshrl.u32 v24, $0x14;
	v25 =	vshrl.u32 v25, $0x14;
	[tilespmem:v9+s2+$0x0] =	vst.idx.msk vm3, v18  }
0x8b: {  	v18 =	vshrl.u32 v27, $0x14;
	v27 =	vmul.u32 $0x7FED, v23;
	v30 =	vmul.u32 $0x7FED, v25;
	[tilespmem:v9+s22+$0x0] =	vst.idx.msk vm3, v17  }
0x8c: {  	v28 =	vshrl.u32 v28, $0x14;
	v9 =	vmul.u32 $0x7FED, v24;
	v17 =	vmul.u32 $0x7FED, v18;
	[tilespmem:v8+s2+$0x0] =	vst.idx.msk vm5, v16  }
0x8d: {  	v16 =	vadd.s32 v22, v27;
	v27 =	vmul.u32 $0x7FED, v28;
	v23 =	vadd.s32 v23, v30;
	[tilespmem:v8+s22+$0x0] =	vst.idx.msk vm5, v13  }
0x8e: {  	v13 =	vmul.u32 $0x5795, v16;
	v16 =	vmul.u32 $0x7FED, v14;
	v8 =	vmul.u32 $0x79B1, v23;
	[tilespmem:v6+s2+$0x0] =	vst.idx.msk vm0, v11  }
0x8f: {  	v9 =	vadd.s32 v12, v9;
	v11 =	vadd.s32 v15, v17;
	v12 =	vadd.s32 v14, v27  }
0x90: {  	v14 =	vadd.s32 v20, v26;
	v15 =	vadd.s32 v21, v29;
	v8 =	vxor.u32 v8, v13  }
0x91: {  	v9 =	vmul.u32 $0x79B1, v9;
	v13 =	vadd.s32 v7, v16;
	v8 =	vxor.u32 v25, v8;
	[tilespmem:v6+s22+$0x0] =	vst.idx.msk vm0, v10  }
0x92: {  	v10 =	vmul.u32 $0x79B1, v11;
	v11 =	vmul.u32 $0x79B1, v12;
	v6 =	vmovc v19;
	v8 =	vshll.u32 v8, $0x1  }
0x93: {  	v12 =	vmul.u32 $0x5795, v14;
	v14 =	vmul.u32 $0x5795, v15;
	v8 =	vand.u32 $0xFFFE, v8  }
0x94: {  	v13 =	vmul.u32 $0x5795, v13;
	vm0 =	vlt.u32 v7, $0x1ACB;
	v15 =	vadd.s32 $0xF240, v8  }
0x95: {  	v7 =	vxor.u32 v9, v12;
	v9 =	vxor.u32 v10, v14;
	v8 =	vadd.s32 $0xF241, v8  }
0x96: {  	v10 =	vxor.u32 v11, v13;
	v7 =	vxor.u32 v24, v7;
	v9 =	vxor.u32 v18, v9  }
0x97: {  	v10 =	vxor.u32 v28, v10;
	v7 =	vshll.u32 v7, $0x1;
	v9 =	vshll.u32 v9, $0x1  }
.Ltmp2:
0x98: {  	v10 =	vshll.u32 v10, $0x1;
	v7 =	vand.u32 $0xFFFE, v7;
	v9 =	vand.u32 $0xFFFE, v9;
	(pc) =	sbr.rel @p0 .LBB2_6-.Ltmp2, $4  }
0x99: {  	vm4 =	vlt.u32 v22, $0x1ACB;
	v10 =	vand.u32 $0xFFFE, v10;
	v18 =	vadd.s32 $0xF240, v7;
	v14 =	vld.idx.msk [tilespmem:v15+s2+$0x0], $0xffff  }
0x9a: {  	v12 =	vadd.s32 s10, v1;
	v17 =	vadd.s32 $0xF241, v7;
	v16 =	vadd.s32 $0xF240, v9;
	v15 =	vld.idx.msk [tilespmem:v8+s2+$0x0], $0xffff  }
0x9b: {  	v13 =	vadd.s32 $0xF241, v9;
	v11 =	vadd.s32 $0xF240, v10;
	v10 =	vadd.s32 $0xF241, v10  }
0x9c: {  	s6 =	sadd.s32 $0x40, s6;
	vm3 =	vmmov vm2;
	v9 =	vadd.s32 s7, v1;
	v8 =	vadd.s32 s9, v1  }
0x9d: {  	_ =	sdelay $0x2  }
0x9e: {  	s9 =	simm.s32 $0x30  }
0x9f: {  	vm1 =	vmmov vm1;
	s6 =	simm.s32 $0x0;
	s5 =	simm.s32 $0x20;
	v18 =	vld.idx.msk [tilespmem:v18+s2+$0x0], $0xffff;
	v19 =	vmov s9;
	v20 =	vor.u32 s9, v0  }
0xa0: {  	s7 =	simm.s32 $0x10;
	v11 =	vld.idx.msk [tilespmem:v11+s2+$0x0], $0xffff;
	v7 =	vadd.s32 s9, v5;
	v21 =	vor.u32 s6, v0;
	v22 =	vor.u32 s5, v0  }
0xa1: {  	v17 =	vld.idx.msk [tilespmem:v17+s2+$0x0], $0xffff;
	v23 =	vor.u32 s7, v0;
	v28 =	vmov s7;
	v24 =	vmul.u32 $0x924A, v21  }
0xa2: {  	v10 =	vld.idx.msk [tilespmem:v10+s2+$0x0], $0xffff;
	[tilespmem:v12+s2+$0x0] =	vst.idx.msk vm4, v14;
	v25 =	vmul.u32 $0x924A, v22;
	v26 =	vmul.u32 $0x924A, v23;
	v29 =	vmul.u32 $0x924A, v20  }
0xa3: {  	v16 =	vld.idx.msk [tilespmem:v16+s2+$0x0], $0xffff;
	v27 =	vmov s6;
	[tilespmem:v12+s22+$0x0] =	vst.idx.msk vm4, v15;
	vm2 =	vlt.u32 v28, $0x55C0;
	v24 =	vshrl.u32 v24, $0x14  }
0xa4: {  	v13 =	vld.idx.msk [tilespmem:v13+s2+$0x0], $0xffff;
	v25 =	vshrl.u32 v25, $0x14;
	v14 =	vshrl.u32 v26, $0x14;
	v12 =	vshrl.u32 v29, $0x14;
	[tilespmem:v9+s2+$0x0] =	vst.idx.msk vm3, v18  }
0xa5: {  	v59 =	vmul.u32 $0x924A, v24;
	v30 =	vmul.u32 $0x924A, v25;
	v15 =	vmul.u32 $0x7FE4, v24;
	[tilespmem:v6+s2+$0x0] =	vst.idx.msk vm0, v11  }
0xa6: {  	v60 =	vmul.u32 $0x924A, v14;
	v18 =	vmul.u32 $0x924A, v12;
	v31 =	vmul.u32 $0x7FE4, v25;
	[tilespmem:v9+s22+$0x0] =	vst.idx.msk vm3, v17  }
0xa7: {  	v17 =	vmul.u32 $0x7FE4, v14;
	[tilespmem:v6+s22+$0x0] =	vst.idx.msk vm0, v10;
	v6 =	vmul.u32 $0x7FE4, v12;
	v30 =	vshrl.u32 v30, $0x14  }
0xa8: {  	[tilespmem:v8+s2+$0x0] =	vst.idx.msk vm1, v16;
	v9 =	vshrl.u32 v59, $0x14;
	v16 =	vshrl.u32 v60, $0x14;
	v61 =	vmul.u32 $0x7FE4, v30  }
0xa9: {  	v22 =	vadd.s32 v22, v31;
	[tilespmem:v8+s22+$0x0] =	vst.idx.msk vm1, v13;
	v18 =	vshrl.u32 v18, $0x14;
	v13 =	vmul.u32 $0x7FE4, v16  }
0xaa: {  	v62 =	vmul.u32 $0x7FE4, v9;
	v11 =	vmul.u32 $0x7FE4, v18;
	v8 =	vadd.s32 v25, v61  }
0xab: {  	v22 =	vmul.u32 $0x5795, v22;
	v13 =	vadd.s32 v14, v13;
	v14 =	vld.idx.msk [tilespmem:v2+s2+$0x0], $0xffff;
	v8 =	vmul.u32 $0x79B1, v8  }
0xac: {  	v11 =	vadd.s32 v12, v11;
	v12 =	vadd.s32 v21, v15;
	v15 =	vadd.s32 v23, v17;
	v17 =	vld.idx.msk [tilespmem:v3+s2+$0x0], $0xffff  }
0xad: {  	vm0 =	vlt.u32 v27, $0x55C0;
	vm1 =	vlt.u32 v19, $0x55C0;
	v8 =	vxor.u32 v8, v22  }
0xae: {  	v6 =	vadd.s32 v20, v6;
	v10 =	vadd.s32 v24, v62;
	v8 =	vxor.u32 v30, v8  }
0xaf: {  	v10 =	vmul.u32 $0x79B1, v10;
	v13 =	vmul.u32 $0x79B1, v13;
	v8 =	vshll.u32 v8, $0x1  }
0xb0: {  	v12 =	vmul.u32 $0x5795, v12;
	v15 =	vmul.u32 $0x5795, v15;
	[tilespmem:v4+s2+$0x0] =	vst.idx.msk $0x7ff, v14;
	v8 =	vand.u32 $0xFFFE, v8  }
0xb1: {  	s8 =	rddreg [dreg:$0x5];
	v6 =	vmul.u32 $0x5795, v6;
	v11 =	vmul.u32 $0x79B1, v11;
	[tilespmem:v4+s22+$0x0] =	vst.idx.msk $0x7ff, v17;
	v63 =	vadd.s32 $0xF240, v8  }
0xb2: {  	v10 =	vxor.u32 v10, v12;
	v12 =	vxor.u32 v13, v15;
	v8 =	vadd.s32 $0xF241, v8;
	[tilespmem:s20], [sflag:$0x5] =	stream.linear.gather [hbm4b:s8+s2], $0x10000, $0x38;
	[tilespmem:$0x1FD80] =	vst v63  }
0xb3: {  	v6 =	vxor.u32 v11, v6;
	v11 =	vmov s5;
	v9 =	vxor.u32 v9, v10;
	_ =	swait.ge [sflag:s11], $0x10000  }
0xb4: {  	v10 =	vxor.u32 v16, v12;
	v6 =	vxor.u32 v18, v6;
	v9 =	vshll.u32 v9, $0x1;
	[sflag:s11] =	ssyncset.done $0x0  }
0xb5: {  	vm3 =	vlt.u32 v11, $0x55C0;
	v12 =	vadd.s32 s5, v5;
	v9 =	vand.u32 $0xFFFE, v9;
	[sflag:s11] =	ssyncadd.s32 $0xFFFF0000  }
0xb6: {  	v10 =	vshll.u32 v10, $0x1;
	v6 =	vshll.u32 v6, $0x1;
	v16 =	vadd.s32 $0xF240, v9;
	v15 =	vld.idx.msk [tilespmem:v63+s2+$0x0], $0xffff  }
0xb7: {  	v10 =	vand.u32 $0xFFFE, v10;
	v6 =	vand.u32 $0xFFFE, v6;
	v13 =	vadd.s32 $0xF241, v9;
	v17 =	vld.idx.msk [tilespmem:v8+s2+$0x0], $0xffff  }
0xb8: {  	v14 =	vadd.s32 $0xF240, v10;
	v11 =	vadd.s32 $0xF241, v10;
	v9 =	vadd.s32 $0xF240, v6  }
0xb9: {  	s5 =	simm.s32 $0x0;
	v10 =	vadd.s32 $0xF241, v6;
	v6 =	vadd.s32 s7, v5;
	v8 =	vadd.s32 s6, v5;
	s6 =	simm.s32 $0x70  }
.LBB2_8:
0xba: {  	s7 =	sadd.s32 $0xFFFFFFD0, s6;
	s9 =	sadd.s32 $0xFFFFFFE0, s6;
	s10 =	sadd.s32 $0xFFFFFFF0, s6;
	v18 =	vmov s6;
	v19 =	vor.u32 s6, v0;
	v20 =	vadd.s32 s6, v5  }
0xbb: {  	s5 =	sadd.s32 $0x4, s5;
	v21 =	vor.u32 s7, v0;
	v22 =	vor.u32 s9, v0;
	v23 =	vor.u32 s10, v0;
	v16 =	vld.idx.msk [tilespmem:v16+s2+$0x0], $0xffff;
	[tilespmem:v12+s2+$0x0] =	vst.idx.msk vm3, v15  }
0xbc: {  	p0 =	slt.u32 s5, $0x558;
	v15 =	vmul.u32 $0x924A, v21;
	v24 =	vmul.u32 $0x924A, v22;
	v25 =	vmul.u32 $0x924A, v23;
	v13 =	vld.idx.msk [tilespmem:v13+s2+$0x0], $0xffff;
	[tilespmem:v12+s22+$0x0] =	vst.idx.msk vm3, v17  }
0xbd: {  	v26 =	vmov s9;
	v12 =	vmov s7;
	v17 =	vmul.u32 $0x924A, v19;
	v14 =	vld.idx.msk [tilespmem:v14+s2+$0x0], $0xffff  }
0xbe: {  	v15 =	vshrl.u32 v15, $0x14;
	v24 =	vshrl.u32 v24, $0x14;
	v25 =	vshrl.u32 v25, $0x14;
	v11 =	vld.idx.msk [tilespmem:v11+s2+$0x0], $0xffff  }
0xbf: {  	v17 =	vshrl.u32 v17, $0x14;
	v27 =	vmul.u32 $0x924A, v15;
	v28 =	vmul.u32 $0x924A, v25;
	v9 =	vld.idx.msk [tilespmem:v9+s2+$0x0], $0xffff  }
0xc0: {  	v29 =	vmul.u32 $0x7FE4, v15;
	v30 =	vmul.u32 $0x924A, v24;
	v31 =	vmul.u32 $0x924A, v17;
	v10 =	vld.idx.msk [tilespmem:v10+s2+$0x0], $0xffff  }
0xc1: {  	v32 =	vmul.u32 $0x7FE4, v24;
	v27 =	vshrl.u32 v27, $0x14;
	v28 =	vshrl.u32 v28, $0x14;
	[tilespmem:v8+s2+$0x0] =	vst.idx.msk vm0, v16  }
0xc2: {  	v16 =	vshrl.u32 v30, $0x14;
	v30 =	vmul.u32 $0x7FE4, v25;
	v33 =	vmul.u32 $0x7FE4, v28;
	[tilespmem:v8+s22+$0x0] =	vst.idx.msk vm0, v13  }
0xc3: {  	v31 =	vshrl.u32 v31, $0x14;
	v8 =	vmul.u32 $0x7FE4, v27;
	v13 =	vmul.u32 $0x7FE4, v16;
	[tilespmem:v6+s2+$0x0] =	vst.idx.msk vm2, v14  }
0xc4: {  	v14 =	vadd.s32 v23, v30;
	v23 =	vadd.s32 v25, v33;
	v25 =	vmul.u32 $0x7FE4, v31;
	[tilespmem:v6+s22+$0x0] =	vst.idx.msk vm2, v11  }
0xc5: {  	v11 =	vmul.u32 $0x5795, v14;
	v14 =	vmul.u32 $0x7FE4, v17;
	v6 =	vmul.u32 $0x79B1, v23;
	[tilespmem:v7+s2+$0x0] =	vst.idx.msk vm1, v9  }
0xc6: {  	v8 =	vadd.s32 v15, v8;
	v9 =	vadd.s32 v24, v13;
	v13 =	vadd.s32 v17, v25  }
0xc7: {  	v15 =	vadd.s32 v21, v29;
	v17 =	vadd.s32 v22, v32;
	v6 =	vxor.u32 v6, v11  }
0xc8: {  	v8 =	vmul.u32 $0x79B1, v8;
	v11 =	vadd.s32 v19, v14;
	v6 =	vxor.u32 v28, v6;
	[tilespmem:v7+s22+$0x0] =	vst.idx.msk vm1, v10  }
0xc9: {  	v9 =	vmul.u32 $0x79B1, v9;
	v10 =	vmul.u32 $0x79B1, v13;
	v7 =	vmovc v20;
	v6 =	vshll.u32 v6, $0x1  }
0xca: {  	v14 =	vmul.u32 $0x5795, v17;
	v13 =	vmul.u32 $0x5795, v15;
	v6 =	vand.u32 $0xFFFE, v6  }
0xcb: {  	vm0 =	vlt.u32 v12, $0x55C0;
	v11 =	vmul.u32 $0x5795, v11;
	v12 =	vadd.s32 $0xF240, v6  }
0xcc: {  	v9 =	vxor.u32 v9, v14;
	v8 =	vxor.u32 v8, v13;
	v6 =	vadd.s32 $0xF241, v6  }
0xcd: {  	v9 =	vxor.u32 v16, v9;
	v10 =	vxor.u32 v10, v11;
	v8 =	vxor.u32 v27, v8  }
0xce: {  	v9 =	vshll.u32 v9, $0x1;
	v10 =	vxor.u32 v31, v10;
	v8 =	vshll.u32 v8, $0x1  }
0xcf: {  	v11 =	vmov s10;
	v10 =	vshll.u32 v10, $0x1;
	v8 =	vand.u32 $0xFFFE, v8  }
.Ltmp3:
0xd0: {  	vm3 =	vlt.u32 v11, $0x55C0;
	v9 =	vand.u32 $0xFFFE, v9;
	v10 =	vand.u32 $0xFFFE, v10;
	v15 =	vld.idx.msk [tilespmem:v12+s2+$0x0], $0xffff;
	(pc) =	sbr.rel @p0 .LBB2_8-.Ltmp3, $4  }
0xd1: {  	v16 =	vadd.s32 $0xF240, v8;
	v13 =	vadd.s32 $0xF241, v8;
	v12 =	vadd.s32 s10, v5;
	v17 =	vld.idx.msk [tilespmem:v6+s2+$0x0], $0xffff  }
0xd2: {  	v14 =	vadd.s32 $0xF240, v9;
	v11 =	vadd.s32 $0xF241, v9;
	v9 =	vadd.s32 $0xF240, v10  }
0xd3: {  	vm2 =	vlt.u32 v26, $0x55C0;
	vm1 =	vlt.u32 v18, $0x55C0;
	v10 =	vadd.s32 $0xF241, v10  }
0xd4: {  	s6 =	sadd.s32 $0x40, s6;
	v8 =	vadd.s32 s7, v5;
	v6 =	vadd.s32 s9, v5  }
0xd5: {  	_ =	sdelay $0x3  }
0xd6: {  	v16 =	vld.idx.msk [tilespmem:v16+s2+$0x0], $0xffff  }
0xd7: {  	v14 =	vld.idx.msk [tilespmem:v14+s2+$0x0], $0xffff  }
0xd8: {  	v9 =	vld.idx.msk [tilespmem:v9+s2+$0x0], $0xffff  }
0xd9: {  	v13 =	vld.idx.msk [tilespmem:v13+s2+$0x0], $0xffff;
	[tilespmem:v12+s2+$0x0] =	vst.idx.msk vm3, v15  }
0xda: {  	v11 =	vld.idx.msk [tilespmem:v11+s2+$0x0], $0xffff;
	[tilespmem:v12+s22+$0x0] =	vst.idx.msk vm3, v17  }
0xdb: {  	v10 =	vld.idx.msk [tilespmem:v10+s2+$0x0], $0xffff;
	[tilespmem:v8+s2+$0x0] =	vst.idx.msk vm0, v16  }
0xdc: {  	[tilespmem:v6+s2+$0x0] =	vst.idx.msk vm2, v14  }
0xdd: {  	[tilespmem:v7+s2+$0x0] =	vst.idx.msk vm1, v9  }
0xde: {  	[tilespmem:v8+s22+$0x0] =	vst.idx.msk vm0, v13  }
0xdf: {  	[tilespmem:v6+s22+$0x0] =	vst.idx.msk vm2, v11  }
0xe0: {  	[tilespmem:v7+s22+$0x0] =	vst.idx.msk vm1, v10  }
0xe1: {  	s10 =	simm.s32 $0x0;
	s5 =	rddreg [dreg:$0x7]  }
0xe2: {  	[tilespmem:s20], [sflag:$0x5] =	stream.linear.gather [hbm4b:s5+s10], $0x10000, $0x38;
	[tilespmem:$0x1FD80] =	vst v63  }
0xe3: {  	_ =	swait.ge [sflag:s11], $0x10000  }
0xe4: {  	[sflag:s11] =	ssyncset.done $0x0;
	s13 =	rddreg [dreg:$0x6]  }
0xe5: {  	s14 =	rddreg [dreg:$0x8];
	[sflag:s11] =	ssyncadd.s32 $0xFFFF0000  }
0xe6: {  	[tilespmem:s23], [sflag:$0x1] =	stream.linear.gather [hbm4b:s13+s10], $0x80, $0x38;
	[tilespmem:$0x1FD80] =	vst v63  }
0xe7: {  	s15 =	rddreg [dreg:$0x9]  }
0xe8: {  	[tilespmem:s24], [sflag:$0x1] =	stream.linear.gather [hbm4b:s14+s10], $0x80, $0x38;
	[tilespmem:$0x1FD80] =	vst v63  }
0xe9: {  	s18 =	rddreg [dreg:$0xa]  }
0xea: {  	[tilespmem:s25], [sflag:$0x1] =	stream.linear.gather [hbm4b:s15+s10], $0x80, $0x38;
	[tilespmem:$0x1FD80] =	vst v63  }
0xeb: {  	s19 =	rddreg [dreg:$0xb]  }
0xec: {  	[tilespmem:s26], [sflag:$0x2] =	stream.linear.gather [hbm4b:s18+s10], $0x80, $0x38;
	[tilespmem:$0x1FD80] =	vst v63  }
0xed: {  	s21 =	rddreg [dreg:$0xc]  }
0xee: {  	[tilespmem:s28], [sflag:$0x2] =	stream.linear.gather [hbm4b:s19+s10], $0x80, $0x38;
	[tilespmem:$0x1FD80] =	vst v63  }
0xef: {  	s6 =	smov.u32 s12;
	s19 =	rddreg [dreg:$0xe]  }
0xf0: {  	[tilespmem:s29], [sflag:$0x2] =	stream.linear.gather [hbm4b:s21+s10], $0x80, $0x38;
	[tilespmem:$0x1FD80] =	vst v63  }
.LBB2_10:
0xf1: {  	p0 =	slt.s32 s6, $0x1E84;
	s5 =	smov.u32 s6  }
0xf2: {  	_ =	swait.ge [sflag:s30], $0x180;
	s5 =	simm.s32 @!p0 $0x1E84  }
0xf3: {  	[sflag:s30] =	ssyncset.done $0x0;
	p0 =	seq.s32 s10, $0x0;
	s5 =	sshll.u32 s5, $0x7  }
0xf4: {  	[sflag:s30] =	ssyncadd.s32 $0xFFFFFE80;
	s7 =	simm.s32 @!p0 $0x3;
	s5 =	smax.u32 s5, $0xF41C0  }
0xf5: {  	_ =	swait.ge @!p0 [sflag:s7], $0x400;
	s5 =	sadd.s32 $0xFFF0BE40, s5  }
0xf6: {  	[sflag:s7] =	ssyncset.done @!p0 $0x0;
	p1 =	slt.s32 s5, $0x70;
	s11 =	smov.u32 s5  }
0xf7: {  	s9 =	sadd.s32 $0x10, s5;
	[sflag:s7] =	ssyncadd.s32 @!p0 $0xFFFFFC00;
	s11 =	simm.s32 @!p1 $0x70  }
0xf8: {  	p1 =	slt.s32 s9, $0x70;
	v6 =	vld [tilespmem:s11+$0x1F280]  }
0xf9: {  	s9 =	simm.s32 @!p1 $0x70;
	v7 =	vld [tilespmem:s11+$0x1F300]  }
0xfa: {  	v16 =	vld [tilespmem:s9+$0x1F280]  }
0xfb: {  	v18 =	vld [tilespmem:s9+$0x1F300]  }
0xfc: {  	v19 =	vld [tilespmem:s9+$0x1F380]  }
0xfd: {  	v11 =	vmul.f32 $1.200000000e+01, v6  }
0xfe: {  	v10 =	vmul.f32 $1.800000000e+01, v6;
	v9 =	vmul.f32 $2.700000000e+01, v6  }
0xff: {  	v21 =	vmul.f32 $1.200000000e+01, v7;
	v6 =	vmul.f32 $4.000000000e+01, v6  }
0x100: {  	v20 =	vmul.f32 $1.200000000e+01, v16;
	v22 =	vmul.f32 $1.200000000e+01, v18  }
0x101: {  	v23 =	vmul.f32 $1.200000000e+01, v19;
	v33 =	vmul.f32 $1.800000000e+01, v18  }
0x102: {  	v34 =	vmul.f32 $1.800000000e+01, v16;
	v13 =	vtrunc.f32 v20  }
0x103: {  	v8 =	vld [tilespmem:s11+$0x1F380];
	v12 =	vtrunc.f32 v11;
	v17 =	vcvt.f32.s32 v13  }
0x104: {  	v14 =	vcvt.f32.s32 v12;
	v12 =	vtrunc.f32 v22  }
0x105: {  	v39 =	vtrunc.f32 v33;
	v24 =	vcvt.f32.s32 v12;
	v15 =	vmul.u32 $0xD, v17  }
0x106: {  	v41 =	vtrunc.f32 v34;
	v13 =	vtrunc.f32 v21;
	v25 =	vmul.u32 $0xD, v14  }
0x107: {  	v26 =	vcvt.s32.f32 v14;
	v14 =	vtrunc.f32 v23;
	v15 =	vadd.s32 v24, v15  }
0x108: {  	v12 =	vmul.f32 $1.200000000e+01, v8;
	v28 =	vcvt.f32.s32 v14;
	v15 =	vmul.u32 $0xD, v15  }
0x109: {  	v39 =	vcvt.f32.s32 v39;
	v57 =	vcvt.f32.s32 v41  }
0x10a: {  	v13 =	vcvt.f32.s32 v13;
	v27 =	vtrunc.f32 v12;
	v29 =	vadd.s32 v28, v15  }
0x10b: {  	v31 =	vcvt.s32.f32 v17;
	v17 =	vmul.f32 $4.000000000e+01, v18  }
0x10c: {  	v59 =	vmul.u32 $0x13, v57;
	v14 =	vcvt.f32.s32 v27;
	v30 =	vadd.s32 $0xA9, v29  }
0x10d: {  	v27 =	vcvt.s32.f32 v13;
	v25 =	vadd.s32 v13, v25;
	v24 =	vcvt.s32.f32 v24  }
0x10e: {  	v13 =	vsub.f32 v11, v26;
	v28 =	vcvt.s32.f32 v28;
	v32 =	vadd.s32 $0xD, v29  }
0x10f: {  	v26 =	vmul.f32 $1.800000000e+01, v19;
	v20 =	vsub.f32 v20, v31;
	v22 =	vsub.f32 v22, v24;
	v31 =	vld.idx.msk [tilespmem:v29+s2+$0x0], $0xffff  }
0x110: {  	v18 =	vmul.f32 $2.700000000e+01, v18;
	v23 =	vsub.f32 v23, v28;
	v28 =	vadd.s32 $0xB6, v29;
	v35 =	vld.idx.msk [tilespmem:v29+s22+$0x0], $0xffff  }
0x111: {  	v24 =	vtrunc.f32 v26;
	v36 =	vsub.f32 $1.000000000e+00, v20;
	v37 =	vsub.f32 $1.000000000e+00, v22;
	v38 =	vld.idx.msk [tilespmem:v30+s2+$0x0], $0xffff  }
0x112: {  	v11 =	vmul.f32 $4.000000000e+01, v19;
	v44 =	vcvt.f32.s32 v24;
	v40 =	vadd.s32 $0x1, v29;
	v30 =	vld.idx.msk [tilespmem:v30+s22+$0x0], $0xffff  }
0x113: {  	v43 =	vmul.f32 v37, v36;
	v37 =	vmul.f32 v37, v20;
	v42 =	vsub.f32 $1.000000000e+00, v23;
	v45 =	vld.idx.msk [tilespmem:v32+s2+$0x0], $0xffff  }
0x114: {  	v46 =	vadd.s32 $0xAA, v29;
	v36 =	vmul.f32 v22, v36;
	v20 =	vmul.f32 v22, v20;
	v32 =	vld.idx.msk [tilespmem:v32+s22+$0x0], $0xffff  }
0x115: {  	v24 =	vsub.f32 v21, v27;
	v47 =	vmul.f32 v42, v43;
	v48 =	vmul.f32 v42, v37;
	v21 =	vld.idx.msk [tilespmem:v28+s2+$0x0], $0xffff  }
0x116: {  	v22 =	vmul.f32 v42, v36;
	v42 =	vmul.f32 v42, v20;
	v27 =	vld.idx.msk [tilespmem:v28+s22+$0x0], $0xffff;
	v28 =	vadd.s32 $0xE, v29  }
0x117: {  	v25 =	vmul.u32 $0xD, v25;
	v49 =	vld.idx.msk [tilespmem:v40+s2+$0x0], $0xffff;
	v31 =	vmul.f32 v47, v31;
	v38 =	vmul.f32 v48, v38  }
0x118: {  	v62 =	vadd.s32 v39, v59;
	v40 =	vld.idx.msk [tilespmem:v40+s22+$0x0], $0xffff;
	v35 =	vmul.f32 v47, v35;
	v30 =	vmul.f32 v48, v30  }
0x119: {  	v54 =	vld.idx.msk [tilespmem:v46+s2+$0x0], $0xffff;
	v29 =	vadd.s32 $0xB7, v29;
	v53 =	vmul.f32 v22, v45;
	v31 =	vadd.f32 v38, v31  }
0x11a: {  	v15 =	vmul.f32 $4.000000000e+01, v16;
	v55 =	vld.idx.msk [tilespmem:v46+s22+$0x0], $0xffff;
	v22 =	vmul.f32 v32, v22;
	v30 =	vadd.f32 v30, v35  }
0x11b: {  	v56 =	vmul.f32 v43, v23;
	v21 =	vmul.f32 v21, v42;
	v58 =	vld.idx.msk [tilespmem:v28+s2+$0x0], $0xffff;
	v31 =	vadd.f32 v31, v53  }
0x11c: {  	v16 =	vmul.f32 $2.700000000e+01, v16;
	v27 =	vmul.f32 v27, v42;
	v28 =	vld.idx.msk [tilespmem:v28+s22+$0x0], $0xffff;
	v22 =	vadd.f32 v30, v22  }
0x11d: {  	v30 =	vmul.f32 v49, v56;
	v21 =	vadd.f32 v31, v21;
	v31 =	vmul.f32 v37, v23  }
0x11e: {  	v61 =	vmul.f32 v23, v36;
	v60 =	vld.idx.msk [tilespmem:v29+s2+$0x0], $0xffff;
	v22 =	vadd.f32 v27, v22;
	v27 =	vmul.f32 v40, v56  }
0x11f: {  	v20 =	vmul.f32 v23, v20;
	v29 =	vld.idx.msk [tilespmem:v29+s22+$0x0], $0xffff;
	v21 =	vadd.f32 v30, v21;
	v30 =	vmul.f32 v54, v31  }
0x120: {  	v23 =	vmul.u32 $0x13, v62;
	v22 =	vadd.f32 v27, v22;
	v27 =	vmul.f32 v55, v31  }
0x121: {  	v28 =	vmul.f32 v28, v61;
	v21 =	vadd.f32 v30, v21;
	v30 =	vmul.f32 v58, v61  }
0x122: {  	v40 =	vtrunc.f32 v16;
	v23 =	vadd.s32 v44, v23;
	v22 =	vadd.f32 v27, v22  }
0x123: {  	v27 =	vadd.s32 v14, v25;
	v25 =	vmul.f32 v60, v20;
	v21 =	vadd.f32 v30, v21  }
0x124: {  	v20 =	vmul.f32 v29, v20;
	v29 =	vadd.s32 $0x895, v23;
	v22 =	vadd.f32 v28, v22  }
0x125: {  	v19 =	vmul.f32 $2.700000000e+01, v19;
	v40 =	vcvt.f32.s32 v40;
	v21 =	vadd.f32 v25, v21  }
0x126: {  	s15 =	simm.s32 $0x1F780;
	v31 =	vtrunc.f32 v11;
	v30 =	vcvt.s32.f32 v39;
	v20 =	vadd.f32 v20, v22  }
0x127: {  	v54 =	vtrunc.f32 v18;
	v22 =	vadd.s32 $0x9FE, v23;
	v25 =	vcvt.s32.f32 v57;
	[tilespmem:s15+$0xFFFFFE10] =	vst v21  }
0x128: {  	v38 =	vcvt.f32.s32 v54;
	v49 =	vcvt.s32.f32 v40;
	v63 =	vsub.f32 v33, v30;
	[tilespmem:s15+$0xFFFFFE90] =	vst v20  }
0x129: {  	v21 =	vcvt.s32.f32 v44;
	v20 =	vadd.s32 $0x8A8, v23;
	v25 =	vsub.f32 v34, v25;
	v34 =	vld.idx.msk [tilespmem:v29+s2+$0x0], $0xffff  }
0x12a: {  	v14 =	vcvt.s32.f32 v14;
	v33 =	vtrunc.f32 v15;
	v35 =	vld.idx.msk [tilespmem:v29+s22+$0x0], $0xffff;
	v29 =	vsub.f32 $1.000000000e+00, v63  }
0x12b: {  	v21 =	vsub.f32 v26, v21;
	v26 =	vadd.s32 $0xA11, v23;
	v52 =	vsub.f32 $1.000000000e+00, v25  }
0x12c: {  	v55 =	vadd.s32 $0x896, v23;
	v30 =	vtrunc.f32 v19;
	v48 =	vcvt.f32.s32 v33;
	v53 =	vld.idx.msk [tilespmem:v22+s2+$0x0], $0xffff  }
0x12d: {  	v22 =	vld.idx.msk [tilespmem:v22+s22+$0x0], $0xffff;
	v43 =	vmul.f32 v29, v25;
	v56 =	vsub.f32 $1.000000000e+00, v21;
	v57 =	vmul.f32 v29, v52  }
0x12e: {  	v59 =	vadd.s32 $0x9FF, v23;
	v44 =	vcvt.f32.s32 v30;
	v36 =	vmul.f32 v63, v52;
	v58 =	vld.idx.msk [tilespmem:v20+s2+$0x0], $0xffff  }
0x12f: {  	v50 =	vadd.s32 $0x8A9, v23;
	v20 =	vld.idx.msk [tilespmem:v20+s22+$0x0], $0xffff;
	v60 =	vmul.f32 v56, v57;
	v61 =	vmul.f32 v56, v43  }
0x130: {  	v16 =	vsub.f32 v16, v49;
	v25 =	vmul.f32 v63, v25;
	v63 =	vmul.f32 v56, v36;
	v62 =	vld.idx.msk [tilespmem:v26+s2+$0x0], $0xffff  }
0x131: {  	v28 =	vadd.s32 $0xA9, v27;
	v26 =	vld.idx.msk [tilespmem:v26+s22+$0x0], $0xffff;
	v34 =	vmul.f32 v34, v60;
	v37 =	vmul.f32 v53, v61  }
0x132: {  	v51 =	vld.idx.msk [tilespmem:v55+s2+$0x0], $0xffff;
	v23 =	vadd.s32 $0xA12, v23;
	v35 =	vmul.f32 v35, v60;
	v22 =	vmul.f32 v22, v61  }
0x133: {  	v39 =	vld.idx.msk [tilespmem:v55+s22+$0x0], $0xffff;
	v41 =	vmul.f32 v56, v25;
	v34 =	vadd.f32 v37, v34;
	v52 =	vmul.f32 v58, v63  }
0x134: {  	v30 =	vsub.f32 $1.000000000e+00, v24;
	v53 =	vld.idx.msk [tilespmem:v59+s2+$0x0], $0xffff;
	v22 =	vadd.f32 v22, v35;
	v20 =	vmul.f32 v20, v63  }
0x135: {  	v54 =	vld.idx.msk [tilespmem:v59+s22+$0x0], $0xffff;
	v56 =	vmul.f32 v57, v21;
	v34 =	vadd.f32 v52, v34;
	v55 =	vmul.f32 v62, v41  }
0x136: {  	v57 =	vld.idx.msk [tilespmem:v50+s2+$0x0], $0xffff;
	v36 =	vmul.f32 v21, v36;
	v20 =	vadd.f32 v20, v22;
	v22 =	vmul.f32 v26, v41  }
0x137: {  	v59 =	vmul.f32 v43, v21;
	v58 =	vmul.f32 v51, v56;
	v26 =	vld.idx.msk [tilespmem:v50+s22+$0x0], $0xffff;
	v34 =	vadd.f32 v55, v34  }
0x138: {  	v60 =	vmul.u32 $0x1C, v40;
	v61 =	vld.idx.msk [tilespmem:v23+s2+$0x0], $0xffff;
	v20 =	vadd.f32 v22, v20;
	v22 =	vmul.f32 v39, v56  }
0x139: {  	v23 =	vld.idx.msk [tilespmem:v23+s22+$0x0], $0xffff;
	v21 =	vmul.f32 v21, v25;
	v62 =	vmul.f32 v53, v59;
	v34 =	vadd.f32 v58, v34  }
0x13a: {  	v63 =	vadd.s32 v38, v60;
	v20 =	vadd.f32 v22, v20;
	v22 =	vmul.f32 v54, v59  }
0x13b: {  	v45 =	vmul.f32 v57, v36;
	v25 =	vmul.u32 $0x1C, v63;
	v43 =	vadd.f32 v62, v34  }
0x13c: {  	v50 =	vcvt.s32.f32 v38;
	v20 =	vadd.f32 v22, v20;
	v22 =	vmul.f32 v26, v36  }
0x13d: {  	v47 =	vmul.f32 v61, v21;
	v25 =	vadd.s32 v44, v25;
	v32 =	vadd.f32 v45, v43  }
0x13e: {  	v21 =	vmul.f32 v23, v21;
	v23 =	vadd.s32 $0x2360, v25;
	v20 =	vadd.f32 v22, v20  }
0x13f: {  	v18 =	vsub.f32 v18, v50;
	v22 =	vcvt.f32.s32 v31;
	v31 =	vadd.f32 v47, v32  }
0x140: {  	v53 =	vsub.f32 $1.000000000e+00, v16;
	v51 =	vadd.s32 $0x237C, v25;
	v20 =	vadd.f32 v21, v20  }
0x141: {  	v29 =	vsub.f32 $1.000000000e+00, v13;
	v56 =	vadd.s32 $0x2361, v25;
	v54 =	vsub.f32 $1.000000000e+00, v18;
	[tilespmem:s15+$0xFFFFFF10] =	vst v31  }
0x142: {  	v37 =	vmul.f32 v18, v53;
	v26 =	vtrunc.f32 v17;
	v21 =	vadd.s32 $0x2670, v25;
	[tilespmem:s15+$0xFFFFFF90] =	vst v20  }
0x143: {  	v63 =	vadd.s32 $0x237D, v25;
	v26 =	vcvt.f32.s32 v26;
	v31 =	vcvt.s32.f32 v44;
	v52 =	vld.idx.msk [tilespmem:v23+s2+$0x0], $0xffff  }
0x144: {  	v59 =	vadd.s32 $0x2671, v25;
	v42 =	vmul.f32 v54, v53;
	v38 =	vmul.f32 v54, v16;
	v23 =	vld.idx.msk [tilespmem:v23+s22+$0x0], $0xffff  }
0x145: {  	v16 =	vmul.f32 v18, v16;
	v34 =	vcvt.s32.f32 v26;
	v58 =	vld.idx.msk [tilespmem:v51+s2+$0x0], $0xffff;
	v19 =	vsub.f32 v19, v31  }
0x146: {  	v26 =	vmul.u32 $0x3C6EF362, v26;
	v35 =	vcvt.s32.f32 v22;
	v36 =	vld.idx.msk [tilespmem:v51+s22+$0x0], $0xffff;
	v31 =	vadd.s32 $0x268C, v25  }
0x147: {  	v22 =	vmul.u32 $0x6004AF2A, v22;
	v32 =	vshll.u32 v48, $0x1;
	v55 =	vld.idx.msk [tilespmem:v21+s2+$0x0], $0xffff;
	v57 =	vsub.f32 $1.000000000e+00, v19  }
0x148: {  	v43 =	vadd.s32 $0x2, v32;
	v17 =	vsub.f32 v17, v34;
	v20 =	vcvt.s32.f32 v48;
	v21 =	vld.idx.msk [tilespmem:v21+s22+$0x0], $0xffff  }
0x149: {  	v48 =	vadd.s32 $0x3C6EF362, v26;
	v40 =	vld.idx.msk [tilespmem:v56+s22+$0x0], $0xffff;
	v60 =	vmul.f32 v57, v42;
	v61 =	vmul.f32 v57, v38  }
0x14a: {  	v34 =	vadd.s32 $0x6004AF2A, v22;
	v18 =	vmul.f32 v57, v37;
	v41 =	vmul.f32 v57, v16;
	v57 =	vld.idx.msk [tilespmem:v59+s2+$0x0], $0xffff  }
0x14b: {  	v35 =	vsub.f32 v11, v35;
	v51 =	vxor.u32 v32, v26;
	v26 =	vxor.u32 v26, v43;
	v62 =	vld.idx.msk [tilespmem:v31+s2+$0x0], $0xffff  }
0x14c: {  	v25 =	vadd.s32 $0x268D, v25;
	v31 =	vld.idx.msk [tilespmem:v31+s22+$0x0], $0xffff;
	v33 =	vmul.f32 v52, v60;
	v39 =	vmul.f32 v55, v61  }
0x14d: {  	v45 =	vxor.u32 v22, v51;
	v52 =	vld.idx.msk [tilespmem:v56+s2+$0x0], $0xffff;
	v23 =	vmul.f32 v23, v60;
	v21 =	vmul.f32 v21, v61  }
0x14e: {  	v15 =	vsub.f32 v15, v20;
	v56 =	vmul.f32 v58, v18;
	v60 =	vld.idx.msk [tilespmem:v63+s2+$0x0], $0xffff;
	v33 =	vadd.f32 v39, v33  }
0x14f: {  	v11 =	vxor.u32 v51, v34;
	v18 =	vmul.f32 v36, v18;
	v61 =	vld.idx.msk [tilespmem:v63+s22+$0x0], $0xffff;
	v21 =	vadd.f32 v21, v23  }
0x150: {  	v23 =	vld.idx.msk [tilespmem:v59+s22+$0x0], $0xffff;
	v59 =	vmul.f32 v42, v19;
	v33 =	vadd.f32 v56, v33;
	v58 =	vmul.f32 v62, v41  }
0x151: {  	v38 =	vmul.f32 v38, v19;
	v63 =	vld.idx.msk [tilespmem:v25+s2+$0x0], $0xffff;
	v18 =	vadd.f32 v18, v21;
	v21 =	vmul.f32 v31, v41  }
0x152: {  	v37 =	vmul.f32 v19, v37;
	v25 =	vld.idx.msk [tilespmem:v25+s22+$0x0], $0xffff;
	v62 =	vmul.f32 v52, v59;
	v33 =	vadd.f32 v58, v33  }
0x153: {  	v19 =	vmul.f32 v19, v16;
	v18 =	vadd.f32 v21, v18;
	v21 =	vmul.f32 v40, v59  }
0x154: {  	v46 =	vmul.f32 v57, v38;
	v31 =	vxor.u32 v32, v48;
	v33 =	vadd.f32 v62, v33  }
0x155: {  	v47 =	vmul.f32 v60, v37;
	v18 =	vadd.f32 v21, v18;
	v21 =	vmul.f32 v23, v38  }
0x156: {  	v32 =	vmul.f32 v61, v37;
	v49 =	vmul.f32 v63, v19;
	v33 =	vadd.f32 v46, v33  }
0x157: {  	v19 =	vmul.f32 v25, v19;
	v62 =	vadd.s32 $0xB6, v27;
	v21 =	vadd.f32 v21, v18  }
0x158: {  	v23 =	vxor.u32 v22, v26;
	v18 =	vand.u32 $0xFFFE, v45;
	v33 =	vadd.f32 v47, v33  }
0x159: {  	v16 =	vand.u32 $0xFFFE, v23;
	v25 =	vor.u32 $0x1, v18;
	v21 =	vadd.f32 v32, v21  }
0x15a: {  	v11 =	vand.u32 $0xFFFE, v11;
	v52 =	vor.u32 $0x1, v16;
	v50 =	vadd.f32 v49, v33  }
0x15b: {  	v36 =	vxor.u32 v43, v48;
	v55 =	vor.u32 $0x1, v11;
	v21 =	vadd.f32 v19, v21  }
0x15c: {  	v56 =	vsub.f32 $1.000000000e+00, v35;
	v48 =	vmul.f32 v30, v29;
	v29 =	vmul.f32 v24, v29;
	v47 =	vld.idx.msk [tilespmem:v62+s22+$0x0], $0xffff;
	[tilespmem:s15+$0x10] =	vst v50  }
0x15d: {  	v30 =	vmul.f32 v30, v13;
	v41 =	vmul.f32 $1.800000000e+01, v7;
	v61 =	vadd.s32 $0xD, v27;
	v49 =	vld.idx.msk [tilespmem:v27+s2+$0x0], $0xffff;
	[tilespmem:s15+$0x90] =	vst v21  }
0x15e: {  	v40 =	vsub.f32 v12, v14;
	v12 =	vxor.u32 v34, v36;
	v23 =	vxor.u32 v22, v31;
	v54 =	vld.idx.msk [tilespmem:v25+s20+$0x0], $0xffff  }
0x15f: {  	v19 =	vand.u32 $0xFFFE, v23;
	v23 =	vxor.u32 v22, v36;
	v22 =	vsub.f32 $1.000000000e+00, v17;
	v33 =	vld.idx.msk [tilespmem:v52+s20+$0x0], $0xffff  }
0x160: {  	v38 =	vmul.f32 v17, v15;
	v45 =	vsub.f32 $1.000000000e+00, v40;
	v21 =	vsub.f32 $1.000000000e+00, v15;
	v39 =	vld.idx.msk [tilespmem:v55+s20+$0x0], $0xffff  }
0x161: {  	v20 =	vor.u32 $0x1, v19;
	v23 =	vand.u32 $0xFFFE, v23;
	v58 =	vmul.f32 v22, v15;
	v52 =	vld.idx.msk [tilespmem:v27+s22+$0x0], $0xffff  }
0x162: {  	v53 =	vor.u32 $0x1, v23;
	v55 =	vtrunc.f32 v41;
	v18 =	vld.idx.msk [tilespmem:v18+s20+$0x0], $0xffff;
	v57 =	vmul.f32 v22, v21  }
0x163: {  	v25 =	vxor.u32 v26, v34;
	v16 =	vld.idx.msk [tilespmem:v16+s20+$0x0], $0xffff;
	v43 =	vmul.f32 v17, v21;
	v22 =	vmul.f32 v56, v58  }
0x164: {  	v17 =	vxor.u32 v34, v31;
	v31 =	vld.idx.msk [tilespmem:v28+s2+$0x0], $0xffff;
	v34 =	vmul.f32 v24, v13;
	v14 =	vmul.f32 v58, v35  }
0x165: {  	v25 =	vand.u32 $0xFFFE, v25;
	v28 =	vld.idx.msk [tilespmem:v28+s22+$0x0], $0xffff;
	v13 =	vmul.f32 v45, v30;
	v30 =	vmul.f32 v30, v40  }
0x166: {  	v59 =	vor.u32 $0x1, v25;
	v26 =	vand.u32 $0xFFFE, v17;
	v19 =	vld.idx.msk [tilespmem:v19+s20+$0x0], $0xffff;
	v21 =	vmul.f32 v56, v57  }
0x167: {  	v17 =	vmul.f32 v56, v38;
	v15 =	vld.idx.msk [tilespmem:v20+s20+$0x0], $0xffff;
	v20 =	vmul.f32 v56, v43;
	v60 =	vor.u32 $0x1, v26  }
0x168: {  	v24 =	vand.u32 $0xFFFE, v12;
	v58 =	vld.idx.msk [tilespmem:v61+s22+$0x0], $0xffff;
	v12 =	vmul.f32 v35, v43;
	v37 =	vmul.f32 v54, v21  }
0x169: {  	v32 =	vld.idx.msk [tilespmem:v53+s20+$0x0], $0xffff;
	v33 =	vmul.f32 v33, v22;
	v18 =	vmul.f32 v18, v21  }
0x16a: {  	v23 =	vld.idx.msk [tilespmem:v23+s20+$0x0], $0xffff;
	v16 =	vmul.f32 v16, v22;
	v31 =	vmul.f32 v13, v31  }
0x16b: {  	v53 =	vadd.s32 $0xE, v27;
	v44 =	vld.idx.msk [tilespmem:v59+s20+$0x0], $0xffff;
	v59 =	vmul.f32 v45, v48;
	v19 =	vmul.f32 v19, v20  }
0x16c: {  	v51 =	vadd.s32 $0x1, v27;
	v63 =	vmul.f32 v15, v20;
	v15 =	vmul.f32 v57, v35;
	v56 =	vld.idx.msk [tilespmem:v60+s20+$0x0], $0xffff  }
0x16d: {  	v46 =	vor.u32 $0x1, v24;
	v57 =	vld.idx.msk [tilespmem:v61+s2+$0x0], $0xffff;
	v61 =	vmul.f32 v13, v28;
	v13 =	vmul.f32 v35, v38  }
0x16e: {  	v60 =	vld.idx.msk [tilespmem:v62+s2+$0x0], $0xffff;
	v62 =	vadd.s32 $0xAA, v27;
	v32 =	vmul.f32 v32, v17;
	v49 =	vmul.f32 v59, v49  }
0x16f: {  	v11 =	vld.idx.msk [tilespmem:v11+s20+$0x0], $0xffff;
	v33 =	vadd.f32 v33, v37;
	v37 =	vmul.f32 v59, v52;
	v59 =	vmul.f32 v48, v40  }
0x170: {  	v16 =	vadd.f32 v16, v18;
	v52 =	vld.idx.msk [tilespmem:v53+s2+$0x0], $0xffff;
	v48 =	vcvt.f32.s32 v55;
	v17 =	vmul.f32 v23, v17  }
0x171: {  	v33 =	vadd.f32 v63, v33;
	v63 =	vmul.f32 v45, v29;
	v28 =	vmul.f32 v56, v12;
	v56 =	vld.idx.msk [tilespmem:v51+s2+$0x0], $0xffff  }
0x172: {  	v27 =	vadd.s32 $0xB7, v27;
	v36 =	vmul.f32 v39, v15;
	v45 =	vmul.f32 v45, v34;
	v51 =	vld.idx.msk [tilespmem:v51+s22+$0x0], $0xffff  }
0x173: {  	v29 =	vmul.f32 v40, v29;
	v37 =	vadd.f32 v61, v37;
	v35 =	vmul.f32 v58, v63;
	v61 =	vld.idx.msk [tilespmem:v62+s2+$0x0], $0xffff  }
0x174: {  	v34 =	vmul.f32 v40, v34;
	v31 =	vadd.f32 v31, v49;
	v39 =	vmul.f32 v63, v57;
	v62 =	vld.idx.msk [tilespmem:v62+s22+$0x0], $0xffff  }
0x175: {  	v54 =	vld.idx.msk [tilespmem:v53+s22+$0x0], $0xffff;
	v11 =	vmul.f32 v11, v15;
	v58 =	vmul.f32 v47, v45;
	v35 =	vadd.f32 v37, v35  }
0x176: {  	v57 =	vmul.f32 v60, v45;
	v60 =	vtrunc.f32 v10;
	v31 =	vadd.f32 v31, v39  }
0x177: {  	v39 =	vcvt.f32.s32 v60;
	v35 =	vadd.f32 v58, v35;
	v63 =	vmul.f32 v51, v59  }
0x178: {  	v31 =	vadd.f32 v31, v57;
	v38 =	vmul.f32 v56, v59;
	v56 =	vmul.f32 $1.800000000e+01, v8  }
0x179: {  	v47 =	vmul.f32 v61, v30;
	v30 =	vmul.f32 v62, v30;
	v35 =	vadd.f32 v63, v35  }
0x17a: {  	v60 =	vmul.f32 v52, v29;
	v29 =	vmul.f32 v54, v29;
	v57 =	vld.idx.msk [tilespmem:v27+s2+$0x0], $0xffff;
	v58 =	vmul.u32 $0x13, v39  }
0x17b: {  	v27 =	vld.idx.msk [tilespmem:v27+s22+$0x0], $0xffff;
	v31 =	vadd.f32 v38, v31;
	v59 =	vtrunc.f32 v56;
	v30 =	vadd.f32 v30, v35  }
0x17c: {  	v39 =	vcvt.s32.f32 v39;
	v61 =	vadd.s32 v48, v58;
	v62 =	vcvt.f32.s32 v59  }
0x17d: {  	v31 =	vadd.f32 v47, v31;
	v29 =	vadd.f32 v29, v30;
	v30 =	vmul.u32 $0x13, v61  }
0x17e: {  	v44 =	vmul.f32 v44, v14;
	v10 =	vsub.f32 v10, v39;
	v63 =	vld.idx.msk [tilespmem:v46+s20+$0x0], $0xffff;
	v46 =	vcvt.s32.f32 v48  }
0x17f: {  	v40 =	vmul.f32 v57, v34;
	v31 =	vadd.f32 v60, v31;
	v30 =	vadd.s32 v62, v30  }
0x180: {  	v49 =	vsub.f32 $1.000000000e+00, v10;
	v27 =	vmul.f32 v27, v34;
	v51 =	vadd.s32 $0x895, v30  }
0x181: {  	v52 =	vtrunc.f32 v9;
	v47 =	vsub.f32 v41, v46;
	v31 =	vadd.f32 v40, v31  }
0x182: {  	v48 =	vcvt.s32.f32 v62;
	v27 =	vadd.f32 v27, v29;
	v53 =	vadd.s32 $0x9FE, v30  }
0x183: {  	v38 =	vcvt.f32.s32 v52;
	v50 =	vsub.f32 $1.000000000e+00, v47;
	v35 =	vmul.f32 v47, v49;
	[tilespmem:s15+$0xFFFFFE00] =	vst v31  }
0x184: {  	v37 =	vmul.f32 v63, v13;
	v29 =	vsub.f32 v56, v48;
	[tilespmem:s15+$0xFFFFFE80] =	vst v27;
	v27 =	vadd.s32 $0x8A8, v30  }
0x185: {  	v54 =	vmul.f32 v50, v49;
	v49 =	vmul.f32 $2.700000000e+01, v8;
	v45 =	vadd.s32 $0xA11, v30;
	v56 =	vld.idx.msk [tilespmem:v51+s2+$0x0], $0xffff  }
0x186: {  	v31 =	vmul.f32 v50, v10;
	v55 =	vsub.f32 $1.000000000e+00, v29;
	v10 =	vmul.f32 v47, v10;
	v41 =	vld.idx.msk [tilespmem:v51+s22+$0x0], $0xffff  }
0x187: {  	v16 =	vadd.f32 v19, v16;
	v34 =	vmul.f32 v54, v29;
	v47 =	vmul.f32 $2.700000000e+01, v7;
	v57 =	vld.idx.msk [tilespmem:v53+s2+$0x0], $0xffff  }
0x188: {  	v58 =	vadd.s32 $0x896, v30;
	v63 =	vtrunc.f32 v49;
	v42 =	vmul.f32 v55, v54;
	v39 =	vld.idx.msk [tilespmem:v53+s22+$0x0], $0xffff  }
0x189: {  	v32 =	vadd.f32 v32, v33;
	v43 =	vmul.f32 v55, v31;
	v46 =	vmul.f32 v55, v35;
	v59 =	vld.idx.msk [tilespmem:v27+s2+$0x0], $0xffff  }
0x18a: {  	v61 =	vadd.s32 $0x9FF, v30;
	v40 =	vmul.f32 v55, v10;
	v31 =	vmul.f32 v31, v29;
	v27 =	vld.idx.msk [tilespmem:v27+s22+$0x0], $0xffff  }
0x18b: {  	v32 =	vadd.f32 v36, v32;
	v35 =	vmul.f32 v29, v35;
	v62 =	vld.idx.msk [tilespmem:v45+s2+$0x0], $0xffff;
	v33 =	vmul.f32 v56, v42  }
0x18c: {  	v50 =	vadd.s32 $0x8A9, v30;
	v41 =	vmul.f32 v41, v42;
	v42 =	vld.idx.msk [tilespmem:v45+s22+$0x0], $0xffff;
	v36 =	vmul.f32 v57, v43  }
0x18d: {  	v30 =	vadd.s32 $0xA12, v30;
	v60 =	vtrunc.f32 v47;
	v56 =	vld.idx.msk [tilespmem:v58+s2+$0x0], $0xffff;
	v39 =	vmul.f32 v39, v43  }
0x18e: {  	v10 =	vmul.f32 v29, v10;
	v48 =	vld.idx.msk [tilespmem:v58+s22+$0x0], $0xffff;
	v58 =	vmul.f32 v59, v46;
	v33 =	vadd.f32 v36, v33  }
0x18f: {  	v54 =	vmul.u32 $0x1C, v38;
	v59 =	vld.idx.msk [tilespmem:v61+s2+$0x0], $0xffff;
	v27 =	vmul.f32 v27, v46;
	v39 =	vadd.f32 v39, v41  }
0x190: {  	v29 =	vcvt.f32.s32 v60;
	v62 =	vmul.f32 v62, v40;
	v61 =	vld.idx.msk [tilespmem:v61+s22+$0x0], $0xffff;
	v33 =	vadd.f32 v58, v33  }
0x191: {  	v45 =	vcvt.f32.s32 v63;
	v63 =	vld.idx.msk [tilespmem:v50+s2+$0x0], $0xffff;
	v27 =	vadd.f32 v27, v39;
	v42 =	vmul.f32 v42, v40  }
0x192: {  	v32 =	vadd.f32 v44, v32;
	v51 =	vld.idx.msk [tilespmem:v50+s22+$0x0], $0xffff;
	v52 =	vmul.f32 v56, v34;
	v33 =	vadd.f32 v62, v33  }
0x193: {  	v57 =	vadd.s32 v29, v54;
	v54 =	vld.idx.msk [tilespmem:v30+s2+$0x0], $0xffff;
	v34 =	vmul.f32 v48, v34;
	v27 =	vadd.f32 v42, v27  }
0x194: {  	v38 =	vcvt.s32.f32 v38;
	v30 =	vld.idx.msk [tilespmem:v30+s22+$0x0], $0xffff;
	v55 =	vmul.f32 v59, v31;
	v33 =	vadd.f32 v52, v33  }
0x195: {  	v25 =	vld.idx.msk [tilespmem:v25+s20+$0x0], $0xffff;
	v29 =	vcvt.s32.f32 v29;
	v31 =	vmul.f32 v61, v31;
	v27 =	vadd.f32 v34, v27  }
0x196: {  	v60 =	vmul.u32 $0x1C, v57;
	v57 =	vmul.f32 v63, v35;
	v33 =	vadd.f32 v55, v33  }
0x197: {  	v29 =	vsub.f32 v47, v29;
	v27 =	vadd.f32 v31, v27;
	v31 =	vmul.f32 v51, v35  }
0x198: {  	v41 =	vadd.s32 v45, v60;
	v60 =	vmul.f32 v54, v10;
	v33 =	vadd.f32 v57, v33  }
0x199: {  	v10 =	vmul.f32 v30, v10;
	v59 =	vadd.s32 $0x2360, v41;
	v27 =	vadd.f32 v31, v27  }
0x19a: {  	v14 =	vmul.f32 v25, v14;
	v9 =	vsub.f32 v9, v38;
	v33 =	vadd.f32 v60, v33  }
0x19b: {  	v58 =	vsub.f32 $1.000000000e+00, v29;
	v62 =	vadd.s32 $0x2670, v41;
	v10 =	vadd.f32 v10, v27  }
0x19c: {  	v28 =	vadd.f32 v28, v32;
	v8 =	vmul.f32 $4.000000000e+01, v8;
	v56 =	vsub.f32 $1.000000000e+00, v9;
	[tilespmem:s15+$0xFFFFFF00] =	vst v33  }
0x19d: {  	v53 =	vcvt.s32.f32 v45;
	v30 =	vmul.f32 v58, v9;
	v52 =	vadd.s32 $0x237C, v41;
	[tilespmem:s15+$0xFFFFFF80] =	vst v10  }
0x19e: {  	v34 =	vmul.f32 v29, v56;
	v29 =	vmul.f32 v29, v9;
	v9 =	vadd.f32 v37, v28;
	v28 =	vld.idx.msk [tilespmem:v59+s2+$0x0], $0xffff  }
0x19f: {  	v7 =	vmul.f32 $4.000000000e+01, v7;
	v38 =	vsub.f32 v49, v53;
	v53 =	vadd.s32 $0x268C, v41;
	v35 =	vld.idx.msk [tilespmem:v59+s22+$0x0], $0xffff  }
0x1a0: {  	v16 =	vadd.f32 v17, v16;
	v61 =	vmul.f32 v58, v56;
	v56 =	vtrunc.f32 v6;
	v55 =	vld.idx.msk [tilespmem:v62+s2+$0x0], $0xffff  }
0x1a1: {  	v54 =	vadd.s32 $0x2361, v41;
	v58 =	vtrunc.f32 v7;
	v43 =	vcvt.f32.s32 v56;
	v40 =	vld.idx.msk [tilespmem:v62+s22+$0x0], $0xffff  }
0x1a2: {  	v45 =	vcvt.f32.s32 v58;
	v57 =	vadd.s32 $0x2671, v41;
	v31 =	vsub.f32 $1.000000000e+00, v38;
	v59 =	vld.idx.msk [tilespmem:v52+s2+$0x0], $0xffff  }
0x1a3: {  	v49 =	vshll.u32 v43, $0x1;
	v43 =	vcvt.s32.f32 v43;
	v60 =	vtrunc.f32 v8;
	v33 =	vld.idx.msk [tilespmem:v52+s22+$0x0], $0xffff  }
0x1a4: {  	v46 =	vadd.s32 $0x237D, v41;
	v27 =	vmul.f32 v31, v61;
	v10 =	vmul.f32 v61, v38;
	v61 =	vld.idx.msk [tilespmem:v53+s2+$0x0], $0xffff  }
0x1a5: {  	v48 =	vmul.u32 $0x3C6EF362, v45;
	v63 =	vmul.f32 v31, v30;
	v32 =	vmul.f32 v31, v34;
	v37 =	vld.idx.msk [tilespmem:v53+s22+$0x0], $0xffff  }
0x1a6: {  	v41 =	vadd.s32 $0x268D, v41;
	v30 =	vmul.f32 v30, v38;
	v31 =	vmul.f32 v31, v29;
	v62 =	vld.idx.msk [tilespmem:v54+s2+$0x0], $0xffff  }
0x1a7: {  	v51 =	vadd.s32 $0x2, v49;
	v34 =	vmul.f32 v38, v34;
	v29 =	vmul.f32 v38, v29;
	v39 =	vld.idx.msk [tilespmem:v54+s22+$0x0], $0xffff  }
0x1a8: {  	v6 =	vsub.f32 v6, v43;
	v56 =	vld.idx.msk [tilespmem:v57+s2+$0x0], $0xffff;
	v28 =	vmul.f32 v28, v27;
	v42 =	vmul.f32 v55, v63  }
0x1a9: {  	v52 =	vxor.u32 v49, v48;
	v58 =	vld.idx.msk [tilespmem:v46+s2+$0x0], $0xffff;
	v27 =	vmul.f32 v35, v27;
	v36 =	vmul.f32 v40, v63  }
0x1aa: {  	v35 =	vcvt.f32.s32 v60;
	v63 =	vmul.f32 v59, v32;
	v28 =	vadd.f32 v42, v28  }
0x1ab: {  	v40 =	vcvt.s32.f32 v45;
	v32 =	vmul.f32 v33, v32;
	v27 =	vadd.f32 v36, v27  }
0x1ac: {  	v57 =	vld.idx.msk [tilespmem:v57+s22+$0x0], $0xffff;
	v38 =	vmul.f32 v61, v31;
	v31 =	vmul.f32 v37, v31;
	v28 =	vadd.f32 v63, v28  }
0x1ad: {  	v62 =	vmul.f32 v62, v10;
	v10 =	vmul.f32 v39, v10;
	v27 =	vadd.f32 v32, v27  }
0x1ae: {  	v60 =	vld.idx.msk [tilespmem:v46+s22+$0x0], $0xffff;
	v53 =	vmul.f32 v56, v30;
	v54 =	vmul.f32 v58, v34;
	v28 =	vadd.f32 v38, v28  }
0x1af: {  	v45 =	vmul.u32 $0x6004AF2A, v35;
	v36 =	vxor.u32 v48, v51;
	v63 =	vld.idx.msk [tilespmem:v41+s2+$0x0], $0xffff;
	v27 =	vadd.f32 v31, v27  }
0x1b0: {  	v48 =	vadd.s32 $0x3C6EF362, v48;
	v7 =	vsub.f32 v7, v40;
	v31 =	vld.idx.msk [tilespmem:v41+s22+$0x0], $0xffff;
	v28 =	vadd.f32 v62, v28  }
0x1b1: {  	v59 =	vxor.u32 v45, v52;
	v10 =	vadd.f32 v10, v27;
	v27 =	vmul.f32 v57, v30  }
0x1b2: {  	v61 =	vxor.u32 v45, v36;
	v55 =	vand.u32 $0xFFFE, v59;
	v28 =	vadd.f32 v53, v28  }
0x1b3: {  	v32 =	vld.idx.msk [tilespmem:v24+s20+$0x0], $0xffff;
	v24 =	vand.u32 $0xFFFE, v61;
	v10 =	vadd.f32 v27, v10;
	v27 =	vmul.f32 v60, v34  }
0x1b4: {  	v59 =	vxor.u32 v51, v48;
	v56 =	vmul.f32 v63, v29;
	v28 =	vadd.f32 v54, v28  }
0x1b5: {  	v30 =	vcvt.s32.f32 v35;
	v10 =	vadd.f32 v27, v10;
	v27 =	vmul.f32 v31, v29  }
0x1b6: {  	s8 =	sadd.s32 $0x20, s5;
	v26 =	vld.idx.msk [tilespmem:v26+s20+$0x0], $0xffff;
	v57 =	vxor.u32 v49, v48;
	v29 =	vor.u32 $0x1, v55;
	v28 =	vadd.f32 v56, v28  }
0x1b7: {  	p1 =	slt.s32 s8, $0x70;
	s9 =	smov.u32 s8;
	v58 =	vxor.u32 v45, v57;
	v30 =	vsub.f32 v8, v30;
	v10 =	vadd.f32 v27, v10  }
0x1b8: {  	s9 =	simm.s32 @!p1 $0x70;
	v8 =	vsub.f32 $1.000000000e+00, v7;
	v31 =	vor.u32 $0x1, v24;
	v27 =	vsub.f32 $1.000000000e+00, v6;
	[tilespmem:s15+$0x0] =	vst v28  }
0x1b9: {  	v15 =	vld [tilespmem:s9+$0x1F280];
	v11 =	vadd.f32 v11, v16;
	v33 =	vand.u32 $0xFFFE, v58;
	v60 =	vxor.u32 v45, v59;
	[tilespmem:s15+$0x80] =	vst v10  }
0x1ba: {  	v62 =	vmul.f32 v8, v6;
	v61 =	vmul.f32 v8, v27;
	v8 =	vor.u32 $0x1, v33;
	v35 =	vld.idx.msk [tilespmem:v55+s20+$0x0], $0xffff  }
0x1bb: {  	v12 =	vmul.f32 v26, v12;
	v38 =	vand.u32 $0xFFFE, v60;
	v28 =	vadd.s32 $0x6004AF2A, v45;
	v29 =	vld.idx.msk [tilespmem:v29+s20+$0x0], $0xffff  }
0x1bc: {  	v50 =	vor.u32 $0x1, v38;
	v10 =	vsub.f32 $1.000000000e+00, v30;
	v63 =	vxor.u32 v52, v28;
	v24 =	vld.idx.msk [tilespmem:v24+s20+$0x0], $0xffff  }
0x1bd: {  	v6 =	vmul.f32 v7, v6;
	v27 =	vmul.f32 v7, v27;
	v21 =	vld.idx.msk [tilespmem:v31+s20+$0x0], $0xffff;
	v41 =	vand.u32 $0xFFFE, v63  }
0x1be: {  	v31 =	vxor.u32 v36, v28;
	v33 =	vld.idx.msk [tilespmem:v33+s20+$0x0], $0xffff;
	v48 =	vmul.f32 v10, v61;
	v51 =	vor.u32 $0x1, v41  }
0x1bf: {  	v49 =	vmul.f32 v10, v62;
	v22 =	vmul.f32 v10, v27;
	v7 =	vand.u32 $0xFFFE, v31;
	v8 =	vld.idx.msk [tilespmem:v8+s20+$0x0], $0xffff  }
0x1c0: {  	v52 =	vld.idx.msk [tilespmem:v38+s20+$0x0], $0xffff;
	v10 =	vmul.f32 v10, v6;
	v31 =	vor.u32 $0x1, v7;
	v18 =	vmul.f32 v35, v48  }
0x1c1: {  	v53 =	vld.idx.msk [tilespmem:v50+s20+$0x0], $0xffff;
	v20 =	vmul.f32 v29, v48;
	v29 =	vxor.u32 v28, v57;
	v24 =	vmul.f32 v24, v49  }
0x1c2: {  	v19 =	vmul.f32 v21, v49;
	v28 =	vxor.u32 v28, v59;
	v29 =	vand.u32 $0xFFFE, v29;
	v54 =	vld.idx.msk [tilespmem:v41+s20+$0x0], $0xffff  }
0x1c3: {  	v21 =	vor.u32 $0x1, v29;
	v18 =	vadd.f32 v24, v18;
	v24 =	vmul.f32 v33, v22;
	v55 =	vld.idx.msk [tilespmem:v51+s20+$0x0], $0xffff  }
0x1c4: {  	v7 =	vld.idx.msk [tilespmem:v7+s20+$0x0], $0xffff;
	v19 =	vadd.f32 v19, v20;
	v20 =	vand.u32 $0xFFFE, v28;
	v8 =	vmul.f32 v8, v22  }
0x1c5: {  	v23 =	vmul.f32 v61, v30;
	v18 =	vadd.f32 v24, v18;
	v22 =	vmul.f32 v52, v10;
	v24 =	vld.idx.msk [tilespmem:v31+s20+$0x0], $0xffff  }
0x1c6: {  	v16 =	vld [tilespmem:s9+$0x1F300];
	v11 =	vadd.f32 v14, v11;
	v10 =	vmul.f32 v53, v10;
	v8 =	vadd.f32 v8, v19  }
0x1c7: {  	s5 =	sadd.s32 $0x10, s8;
	v13 =	vmul.f32 v32, v13;
	v19 =	vld.idx.msk [tilespmem:v29+s20+$0x0], $0xffff;
	v17 =	vadd.f32 v22, v18;
	v18 =	vmul.f32 v54, v23  }
0x1c8: {  	p1 =	slt.s32 s5, $0x70;
	v21 =	vld.idx.msk [tilespmem:v21+s20+$0x0], $0xffff;
	v22 =	vmul.f32 v55, v23;
	v23 =	vmul.f32 v62, v30;
	v10 =	vadd.f32 v10, v8  }
0x1c9: {  	s5 =	simm.s32 @!p1 $0x70;
	v8 =	vor.u32 $0x1, v20;
	v20 =	vld.idx.msk [tilespmem:v20+s20+$0x0], $0xffff;
	v17 =	vadd.f32 v18, v17;
	v18 =	vmul.f32 v30, v27  }
0x1ca: {  	v7 =	vmul.f32 v7, v23;
	v25 =	vmul.f32 v24, v23;
	v23 =	vld [tilespmem:s5+$0x1F280]  }
0x1cb: {  	v11 =	vadd.f32 v12, v11;
	v6 =	vmul.f32 v30, v6;
	v27 =	vmul.f32 $1.200000000e+01, v16;
	v24 =	vld [tilespmem:s5+$0x1F300]  }
0x1cc: {  	v10 =	vadd.f32 v22, v10;
	v22 =	vmul.f32 v19, v18;
	v19 =	vmul.f32 $1.800000000e+01, v15  }
0x1cd: {  	v7 =	vadd.f32 v7, v17;
	v14 =	vmul.f32 v21, v18;
	v21 =	vmul.f32 $1.200000000e+01, v15  }
0x1ce: {  	v10 =	vadd.f32 v25, v10;
	v18 =	vmul.f32 $2.700000000e+01, v15;
	v15 =	vmul.f32 $4.000000000e+01, v15  }
0x1cf: {  	v20 =	vmul.f32 v20, v6;
	v12 =	vadd.f32 v22, v7;
	v26 =	vmul.f32 $1.200000000e+01, v23  }
0x1d0: {  	v22 =	vtrunc.f32 v21;
	v7 =	vadd.f32 v14, v10;
	v28 =	vmul.f32 $1.200000000e+01, v24  }
0x1d1: {  	v25 =	vld [tilespmem:s5+$0x1F380];
	v14 =	vadd.f32 v13, v11;
	v39 =	vmul.f32 $1.800000000e+01, v24;
	v37 =	vmul.f32 $1.800000000e+01, v23  }
0x1d2: {  	v11 =	vcvt.f32.s32 v22;
	v13 =	vadd.f32 v20, v12;
	v12 =	vtrunc.f32 v27  }
0x1d3: {  	v10 =	vtrunc.f32 v26;
	v31 =	vcvt.f32.s32 v12  }
0x1d4: {  	v45 =	vtrunc.f32 v39;
	v22 =	vcvt.f32.s32 v10  }
0x1d5: {  	v17 =	vld [tilespmem:s9+$0x1F380];
	v47 =	vtrunc.f32 v37;
	v10 =	vtrunc.f32 v28  }
0x1d6: {  	v29 =	vmul.f32 $1.200000000e+01, v25;
	v30 =	vcvt.f32.s32 v10;
	v20 =	vmul.u32 $0xD, v22  }
0x1d7: {  	v56 =	vmul.u32 $0xD, v11;
	v11 =	vcvt.s32.f32 v11;
	v36 =	vmul.f32 $1.800000000e+01, v25  }
0x1d8: {  	v45 =	vcvt.f32.s32 v45;
	v12 =	vtrunc.f32 v29;
	v20 =	vadd.s32 v30, v20  }
0x1d9: {  	v47 =	vcvt.f32.s32 v47;
	v58 =	vcvt.f32.s32 v12;
	v20 =	vmul.u32 $0xD, v20  }
0x1da: {  	v10 =	vmul.f32 $1.200000000e+01, v17;
	v59 =	vcvt.s32.f32 v31;
	v11 =	vsub.f32 v21, v11  }
0x1db: {  	v21 =	vmul.f32 $4.000000000e+01, v23;
	v61 =	vcvt.s32.f32 v22;
	v35 =	vadd.s32 v58, v20  }
0x1dc: {  	v31 =	vadd.s32 v31, v56;
	v22 =	vmul.f32 $4.000000000e+01, v24;
	v23 =	vmul.f32 $2.700000000e+01, v23  }
0x1dd: {  	v24 =	vmul.f32 $2.700000000e+01, v24;
	v57 =	vtrunc.f32 v10;
	v60 =	vadd.s32 $0xA9, v35  }
0x1de: {  	v31 =	vmul.u32 $0xD, v31;
	v30 =	vcvt.s32.f32 v30;
	v26 =	vsub.f32 v26, v61  }
0x1df: {  	v32 =	vsub.f32 v27, v59;
	v34 =	vcvt.s32.f32 v58;
	v62 =	vadd.s32 $0xD, v35  }
0x1e0: {  	v12 =	vcvt.f32.s32 v57;
	v28 =	vsub.f32 v28, v30;
	v55 =	vsub.f32 $1.000000000e+00, v26;
	v30 =	vld.idx.msk [tilespmem:v35+s2+$0x0], $0xffff  }
0x1e1: {  	v20 =	vmul.f32 $4.000000000e+01, v25;
	v34 =	vsub.f32 v29, v34;
	v63 =	vadd.s32 $0xB6, v35;
	v41 =	vld.idx.msk [tilespmem:v35+s22+$0x0], $0xffff  }
0x1e2: {  	v29 =	vtrunc.f32 v36;
	v25 =	vmul.f32 $2.700000000e+01, v25;
	v56 =	vsub.f32 $1.000000000e+00, v28;
	v44 =	vld.idx.msk [tilespmem:v60+s2+$0x0], $0xffff  }
0x1e3: {  	v27 =	vcvt.f32.s32 v29;
	v42 =	vmul.f32 v28, v55;
	v29 =	vadd.s32 v12, v31;
	v57 =	vld.idx.msk [tilespmem:v60+s22+$0x0], $0xffff  }
0x1e4: {  	v12 =	vcvt.s32.f32 v12;
	v58 =	vsub.f32 $1.000000000e+00, v34;
	v50 =	vmul.f32 v56, v55;
	v59 =	vld.idx.msk [tilespmem:v62+s2+$0x0], $0xffff  }
0x1e5: {  	v46 =	vadd.s32 $0x1, v35;
	v43 =	vmul.f32 v56, v26;
	v26 =	vmul.f32 v28, v26;
	v38 =	vld.idx.msk [tilespmem:v62+s22+$0x0], $0xffff  }
0x1e6: {  	v28 =	vmul.f32 v58, v42;
	v61 =	vmul.f32 v58, v50;
	v31 =	vld.idx.msk [tilespmem:v63+s2+$0x0], $0xffff  }
0x1e7: {  	v56 =	vmul.f32 v58, v26;
	v60 =	vadd.s32 $0xAA, v35;
	v62 =	vmul.f32 v58, v43;
	v40 =	vld.idx.msk [tilespmem:v63+s22+$0x0], $0xffff  }
0x1e8: {  	v30 =	vmul.f32 v61, v30;
	v41 =	vmul.f32 v61, v41  }
0x1e9: {  	v63 =	vadd.s32 $0xE, v35;
	v44 =	vmul.f32 v62, v44;
	v48 =	vmul.f32 v62, v57  }
0x1ea: {  	v55 =	vld.idx.msk [tilespmem:v46+s2+$0x0], $0xffff;
	v35 =	vadd.s32 $0xB7, v35;
	v33 =	vmul.f32 v28, v59;
	v28 =	vmul.f32 v38, v28  }
0x1eb: {  	v46 =	vld.idx.msk [tilespmem:v46+s22+$0x0], $0xffff;
	v31 =	vmul.f32 v31, v56;
	v59 =	vmul.f32 v50, v34;
	v30 =	vadd.f32 v44, v30  }
0x1ec: {  	v57 =	vld.idx.msk [tilespmem:v60+s2+$0x0], $0xffff;
	v40 =	vmul.f32 v40, v56;
	v62 =	vmul.u32 $0x13, v47;
	v41 =	vadd.f32 v48, v41  }
0x1ed: {  	v58 =	vld.idx.msk [tilespmem:v60+s22+$0x0], $0xffff;
	v56 =	vcvt.s32.f32 v47;
	v47 =	vtrunc.f32 v23;
	v30 =	vadd.f32 v30, v33  }
0x1ee: {  	v43 =	vmul.f32 v43, v34;
	v60 =	vld.idx.msk [tilespmem:v63+s2+$0x0], $0xffff;
	v47 =	vcvt.f32.s32 v47;
	v28 =	vadd.f32 v41, v28  }
0x1ef: {  	v61 =	vld.idx.msk [tilespmem:v63+s22+$0x0], $0xffff;
	v49 =	vadd.s32 v45, v62;
	v30 =	vadd.f32 v30, v31;
	v31 =	vmul.f32 v55, v59  }
0x1f0: {  	v63 =	vld.idx.msk [tilespmem:v35+s2+$0x0], $0xffff;
	v52 =	vmul.u32 $0x13, v49;
	v33 =	vmul.f32 v46, v59;
	v28 =	vadd.f32 v40, v28  }
0x1f1: {  	v35 =	vld.idx.msk [tilespmem:v35+s22+$0x0], $0xffff;
	v46 =	vmul.f32 v34, v42;
	v30 =	vadd.f32 v31, v30;
	v31 =	vmul.f32 v57, v43  }
0x1f2: {  	v34 =	vmul.f32 v34, v26;
	v51 =	vmul.f32 v58, v43;
	v28 =	vadd.f32 v33, v28  }
0x1f3: {  	v41 =	vtrunc.f32 v22;
	v30 =	vadd.f32 v31, v30;
	v31 =	vmul.f32 v60, v46  }
0x1f4: {  	v38 =	vadd.s32 v27, v52;
	v53 =	vmul.f32 v61, v46;
	v28 =	vadd.f32 v51, v28  }
0x1f5: {  	v27 =	vcvt.s32.f32 v27;
	v30 =	vadd.f32 v31, v30;
	v31 =	vmul.f32 v63, v34  }
0x1f6: {  	v54 =	vmul.f32 v35, v34;
	v55 =	vadd.s32 $0x895, v38;
	v28 =	vadd.f32 v53, v28  }
0x1f7: {  	v27 =	vsub.f32 v36, v27;
	v57 =	vcvt.s32.f32 v45;
	v30 =	vadd.f32 v31, v30  }
0x1f8: {  	s11 =	simm.s32 $0x1F7A0;
	v36 =	vadd.s32 $0xA11, v38;
	v33 =	vsub.f32 v37, v56;
	v28 =	vadd.f32 v54, v28  }
0x1f9: {  	v58 =	vtrunc.f32 v25;
	v37 =	vsub.f32 v39, v57;
	v31 =	vadd.s32 $0x9FE, v38;
	[tilespmem:s11+$0xFFFFFE10] =	vst v30  }
0x1fa: {  	v40 =	vtrunc.f32 v20;
	v45 =	vtrunc.f32 v24;
	v59 =	vsub.f32 $1.000000000e+00, v33;
	[tilespmem:s11+$0xFFFFFE90] =	vst v28  }
0x1fb: {  	v45 =	vcvt.f32.s32 v45;
	v60 =	vsub.f32 $1.000000000e+00, v37;
	v30 =	vadd.s32 $0x8A8, v38;
	v39 =	vld.idx.msk [tilespmem:v55+s2+$0x0], $0xffff  }
0x1fc: {  	v48 =	vsub.f32 $1.000000000e+00, v27;
	v51 =	vcvt.f32.s32 v58;
	v43 =	vmul.f32 v37, v59;
	v42 =	vld.idx.msk [tilespmem:v55+s22+$0x0], $0xffff  }
0x1fd: {  	v49 =	vmul.f32 v60, v59;
	v50 =	vmul.f32 v60, v33;
	v56 =	vld.idx.msk [tilespmem:v36+s2+$0x0], $0xffff  }
0x1fe: {  	v46 =	vadd.s32 $0x896, v38;
	v33 =	vmul.f32 v37, v33;
	v60 =	vmul.f32 v48, v43;
	v44 =	vld.idx.msk [tilespmem:v31+s2+$0x0], $0xffff  }
0x1ff: {  	v26 =	vadd.s32 $0xA9, v29;
	v43 =	vmul.f32 v27, v43;
	v28 =	vtrunc.f32 v21;
	v31 =	vld.idx.msk [tilespmem:v31+s22+$0x0], $0xffff  }
0x200: {  	v57 =	vadd.s32 $0x8A9, v38;
	v62 =	vmul.f32 v48, v49;
	v55 =	vcvt.f32.s32 v41;
	v61 =	vld.idx.msk [tilespmem:v30+s2+$0x0], $0xffff  }
0x201: {  	v53 =	vadd.s32 $0x9FF, v38;
	v63 =	vmul.f32 v48, v50;
	v48 =	vmul.f32 v48, v33;
	v30 =	vld.idx.msk [tilespmem:v30+s22+$0x0], $0xffff  }
0x202: {  	v35 =	vsub.f32 $1.000000000e+00, v32;
	v59 =	vmul.f32 v50, v27;
	v36 =	vld.idx.msk [tilespmem:v36+s22+$0x0], $0xffff;
	v41 =	vcvt.s32.f32 v55  }
0x203: {  	v34 =	vsub.f32 $1.000000000e+00, v11;
	v58 =	vld.idx.msk [tilespmem:v46+s2+$0x0], $0xffff;
	v39 =	vmul.f32 v39, v62;
	v44 =	vmul.f32 v44, v63  }
0x204: {  	v38 =	vadd.s32 $0xA12, v38;
	v46 =	vld.idx.msk [tilespmem:v46+s22+$0x0], $0xffff;
	v42 =	vmul.f32 v42, v62;
	v31 =	vmul.f32 v31, v63  }
0x205: {  	v62 =	vmul.f32 v56, v48;
	v56 =	vld.idx.msk [tilespmem:v57+s2+$0x0], $0xffff;
	v39 =	vadd.f32 v44, v39;
	v61 =	vmul.f32 v61, v60  }
0x206: {  	v52 =	vld.idx.msk [tilespmem:v53+s2+$0x0], $0xffff;
	v28 =	vcvt.f32.s32 v28;
	v31 =	vadd.f32 v31, v42;
	v30 =	vmul.f32 v30, v60  }
0x207: {  	v37 =	vld.idx.msk [tilespmem:v53+s22+$0x0], $0xffff;
	v22 =	vsub.f32 v22, v41;
	v63 =	vmul.f32 v49, v27;
	v39 =	vadd.f32 v61, v39  }
0x208: {  	v27 =	vmul.f32 v27, v33;
	v30 =	vadd.f32 v30, v31;
	v31 =	vmul.f32 v36, v48  }
0x209: {  	v57 =	vld.idx.msk [tilespmem:v57+s22+$0x0], $0xffff;
	v58 =	vmul.f32 v58, v63;
	v60 =	vmul.u32 $0x1C, v47;
	v39 =	vadd.f32 v62, v39  }
0x20a: {  	v50 =	vmul.f32 v56, v43;
	v61 =	vld.idx.msk [tilespmem:v38+s2+$0x0], $0xffff;
	v30 =	vadd.f32 v31, v30;
	v31 =	vmul.f32 v46, v63  }
0x20b: {  	v56 =	vcvt.s32.f32 v47;
	v38 =	vld.idx.msk [tilespmem:v38+s22+$0x0], $0xffff;
	v62 =	vmul.f32 v52, v59;
	v39 =	vadd.f32 v58, v39  }
0x20c: {  	v63 =	vadd.s32 v45, v60;
	v30 =	vadd.f32 v31, v30;
	v31 =	vmul.f32 v37, v59  }
0x20d: {  	v23 =	vsub.f32 v23, v56;
	v52 =	vmul.u32 $0x1C, v63;
	v48 =	vadd.f32 v62, v39  }
0x20e: {  	v58 =	vcvt.s32.f32 v51;
	v30 =	vadd.f32 v31, v30;
	v31 =	vmul.f32 v57, v43  }
0x20f: {  	v53 =	vmul.f32 v61, v27;
	v33 =	vadd.s32 v51, v52;
	v37 =	vadd.f32 v50, v48  }
0x210: {  	v27 =	vmul.f32 v38, v27;
	v54 =	vadd.s32 $0x2360, v33;
	v30 =	vadd.f32 v31, v30  }
0x211: {  	v60 =	vsub.f32 $1.000000000e+00, v23;
	v57 =	vcvt.s32.f32 v45;
	v37 =	vadd.f32 v53, v37  }
0x212: {  	v59 =	vadd.s32 $0x237C, v33;
	v25 =	vsub.f32 v25, v58;
	v27 =	vadd.f32 v27, v30  }
0x213: {  	v47 =	vadd.s32 $0x2361, v33;
	v39 =	vmul.u32 $0x3C6EF362, v55;
	v30 =	vadd.s32 $0x2670, v33;
	[tilespmem:s11+$0xFFFFFF10] =	vst v37  }
0x214: {  	v52 =	vadd.s32 $0x2671, v33;
	v31 =	vcvt.f32.s32 v40;
	v24 =	vsub.f32 v24, v57;
	[tilespmem:s11+$0xFFFFFF90] =	vst v27  }
0x215: {  	v48 =	vsub.f32 $1.000000000e+00, v25;
	v55 =	vadd.s32 $0x3C6EF362, v39;
	v57 =	vsub.f32 $1.000000000e+00, v22;
	v40 =	vld.idx.msk [tilespmem:v54+s2+$0x0], $0xffff  }
0x216: {  	v42 =	vcvt.s32.f32 v31;
	v31 =	vmul.u32 $0x6004AF2A, v31;
	v61 =	vsub.f32 $1.000000000e+00, v24;
	v38 =	vld.idx.msk [tilespmem:v54+s22+$0x0], $0xffff  }
0x217: {  	v44 =	vmul.f32 v24, v60;
	v27 =	vcvt.s32.f32 v28;
	v37 =	vadd.s32 $0x268C, v33;
	v51 =	vld.idx.msk [tilespmem:v59+s2+$0x0], $0xffff  }
0x218: {  	v28 =	vshll.u32 v28, $0x1;
	v49 =	vmul.f32 v61, v60;
	v45 =	vmul.f32 v61, v23;
	v46 =	vld.idx.msk [tilespmem:v30+s2+$0x0], $0xffff  }
0x219: {  	v23 =	vmul.f32 v24, v23;
	v24 =	vmul.f32 v48, v44;
	v61 =	vadd.s32 $0x237D, v33;
	v30 =	vld.idx.msk [tilespmem:v30+s22+$0x0], $0xffff  }
0x21a: {  	v33 =	vadd.s32 $0x268D, v33;
	v44 =	vmul.f32 v25, v44;
	v43 =	vld.idx.msk [tilespmem:v59+s22+$0x0], $0xffff;
	v62 =	vmul.f32 v48, v49  }
0x21b: {  	v41 =	vadd.s32 $0x6004AF2A, v31;
	v59 =	vld.idx.msk [tilespmem:v47+s2+$0x0], $0xffff;
	v63 =	vmul.f32 v48, v45;
	v48 =	vmul.f32 v48, v23  }
0x21c: {  	v42 =	vsub.f32 v20, v42;
	v54 =	vmul.f32 v49, v25;
	v45 =	vmul.f32 v45, v25;
	v60 =	vld.idx.msk [tilespmem:v37+s2+$0x0], $0xffff  }
0x21d: {  	v50 =	vadd.s32 $0x2, v28;
	v37 =	vld.idx.msk [tilespmem:v37+s22+$0x0], $0xffff;
	v40 =	vmul.f32 v40, v62;
	v46 =	vmul.f32 v46, v63  }
0x21e: {  	v58 =	vxor.u32 v28, v39;
	v47 =	vld.idx.msk [tilespmem:v47+s22+$0x0], $0xffff;
	v38 =	vmul.f32 v38, v62;
	v30 =	vmul.f32 v30, v63  }
0x21f: {  	v23 =	vmul.f32 v25, v23;
	v56 =	vld.idx.msk [tilespmem:v61+s2+$0x0], $0xffff;
	v62 =	vmul.f32 v51, v24;
	v40 =	vadd.f32 v46, v40  }
0x220: {  	v21 =	vsub.f32 v21, v27;
	v24 =	vmul.f32 v43, v24;
	v63 =	vld.idx.msk [tilespmem:v52+s2+$0x0], $0xffff;
	v30 =	vadd.f32 v30, v38  }
0x221: {  	v20 =	vxor.u32 v58, v41;
	v52 =	vld.idx.msk [tilespmem:v52+s22+$0x0], $0xffff;
	v53 =	vmul.f32 v60, v48;
	v40 =	vadd.f32 v62, v40  }
0x222: {  	v24 =	vadd.f32 v24, v30;
	v30 =	vmul.f32 v37, v48;
	v37 =	vxor.u32 v28, v55;
	v28 =	vld.idx.msk [tilespmem:v61+s22+$0x0], $0xffff  }
0x223: {  	v43 =	vmul.f32 v57, v21;
	v60 =	vmul.f32 v59, v54;
	v61 =	vld.idx.msk [tilespmem:v33+s2+$0x0], $0xffff;
	v40 =	vadd.f32 v53, v40  }
0x224: {  	v38 =	vxor.u32 v39, v50;
	v33 =	vld.idx.msk [tilespmem:v33+s22+$0x0], $0xffff;
	v24 =	vadd.f32 v30, v24;
	v30 =	vmul.f32 v47, v54  }
0x225: {  	v49 =	vmul.f32 v56, v44;
	v63 =	vmul.f32 v63, v45;
	v40 =	vadd.f32 v60, v40  }
0x226: {  	v62 =	vxor.u32 v31, v58;
	v24 =	vadd.f32 v30, v24;
	v30 =	vmul.f32 v52, v45  }
0x227: {  	v25 =	vand.u32 $0xFFFE, v62;
	v47 =	vxor.u32 v31, v38;
	v40 =	vadd.f32 v63, v40  }
0x228: {  	v28 =	vmul.f32 v28, v44;
	v51 =	vmul.f32 v61, v23;
	v30 =	vadd.f32 v30, v24  }
0x229: {  	v23 =	vmul.f32 v33, v23;
	v33 =	vand.u32 $0xFFFE, v20;
	v40 =	vadd.f32 v49, v40  }
0x22a: {  	v24 =	vand.u32 $0xFFFE, v47;
	v28 =	vadd.f32 v28, v30;
	v30 =	vor.u32 $0x1, v25  }
0x22b: {  	v20 =	vxor.u32 v38, v41;
	v39 =	vor.u32 $0x1, v24;
	v52 =	vadd.f32 v51, v40  }
0x22c: {  	v53 =	vxor.u32 v31, v37;
	v20 =	vand.u32 $0xFFFE, v20;
	v54 =	vadd.f32 v23, v28  }
0x22d: {  	v38 =	vmul.f32 v22, v21;
	v61 =	vor.u32 $0x1, v20;
	v23 =	vand.u32 $0xFFFE, v53;
	v53 =	vld.idx.msk [tilespmem:v26+s22+$0x0], $0xffff;
	[tilespmem:s11+$0x10] =	vst v52  }
0x22e: {  	v59 =	vor.u32 $0x1, v33;
	v63 =	vsub.f32 $1.000000000e+00, v42;
	v40 =	vxor.u32 v50, v55;
	v51 =	vld.idx.msk [tilespmem:v29+s22+$0x0], $0xffff;
	[tilespmem:s11+$0x90] =	vst v54  }
0x22f: {  	v47 =	vsub.f32 v10, v12;
	v28 =	vxor.u32 v31, v40;
	v31 =	vsub.f32 $1.000000000e+00, v21;
	v58 =	vld.idx.msk [tilespmem:v30+s20+$0x0], $0xffff  }
0x230: {  	v12 =	vmul.f32 v43, v42;
	v55 =	vmul.f32 v35, v34;
	v27 =	vor.u32 $0x1, v23;
	v39 =	vld.idx.msk [tilespmem:v39+s20+$0x0], $0xffff  }
0x231: {  	v28 =	vand.u32 $0xFFFE, v28;
	v49 =	vmul.f32 v22, v31;
	v22 =	vxor.u32 v41, v37;
	v37 =	vld.idx.msk [tilespmem:v26+s2+$0x0], $0xffff  }
0x232: {  	v35 =	vmul.f32 v35, v11;
	v10 =	vxor.u32 v41, v40;
	v56 =	vor.u32 $0x1, v28;
	v40 =	vld.idx.msk [tilespmem:v61+s20+$0x0], $0xffff  }
0x233: {  	v50 =	vsub.f32 $1.000000000e+00, v47;
	v60 =	vmul.f32 v57, v31;
	v31 =	vmul.f32 v63, v43;
	v25 =	vld.idx.msk [tilespmem:v25+s20+$0x0], $0xffff  }
0x234: {  	v26 =	vmul.f32 v63, v38;
	v41 =	vmul.f32 v32, v34;
	v24 =	vld.idx.msk [tilespmem:v24+s20+$0x0], $0xffff;
	v22 =	vand.u32 $0xFFFE, v22  }
0x235: {  	v32 =	vmul.f32 v32, v11;
	v30 =	vmul.f32 v63, v60;
	v62 =	vor.u32 $0x1, v22;
	v21 =	vld.idx.msk [tilespmem:v27+s20+$0x0], $0xffff  }
0x236: {  	v34 =	vand.u32 $0xFFFE, v10;
	v61 =	vmul.f32 v50, v55;
	v10 =	vmul.f32 v42, v49  }
0x237: {  	v36 =	vadd.s32 $0xD, v29;
	v27 =	vmul.f32 v63, v49;
	v44 =	vld.idx.msk [tilespmem:v56+s20+$0x0], $0xffff;
	v45 =	vmul.f32 v58, v30  }
0x238: {  	v46 =	vld.idx.msk [tilespmem:v59+s20+$0x0], $0xffff;
	v39 =	vmul.f32 v39, v31;
	v40 =	vmul.f32 v40, v12  }
0x239: {  	v52 =	vadd.s32 $0xB6, v29;
	v56 =	vld.idx.msk [tilespmem:v29+s2+$0x0], $0xffff;
	v25 =	vmul.f32 v25, v30;
	v30 =	vmul.f32 v24, v31  }
0x23a: {  	v63 =	vld.idx.msk [tilespmem:v62+s20+$0x0], $0xffff;
	v11 =	vadd.f32 v39, v45;
	v45 =	vmul.f32 v61, v51;
	v57 =	vmul.f32 v21, v27  }
0x23b: {  	v21 =	vmul.f32 v60, v42;
	v60 =	vmul.f32 v50, v35  }
0x23c: {  	v54 =	vadd.s32 $0x1, v29;
	v58 =	vld.idx.msk [tilespmem:v36+s2+$0x0], $0xffff;
	v35 =	vmul.f32 v35, v47;
	v44 =	vmul.f32 v44, v26  }
0x23d: {  	v36 =	vld.idx.msk [tilespmem:v36+s22+$0x0], $0xffff;
	v46 =	vmul.f32 v46, v21;
	v11 =	vadd.f32 v57, v11;
	v37 =	vmul.f32 v60, v37  }
0x23e: {  	v62 =	vld.idx.msk [tilespmem:v52+s2+$0x0], $0xffff;
	v57 =	vadd.s32 $0xAA, v29;
	v39 =	vmul.f32 v60, v53;
	v53 =	vadd.s32 $0xE, v29  }
0x23f: {  	v52 =	vld.idx.msk [tilespmem:v52+s22+$0x0], $0xffff;
	v56 =	vmul.f32 v61, v56;
	v29 =	vadd.s32 $0xB7, v29;
	v48 =	vmul.f32 v63, v10  }
0x240: {  	v44 =	vadd.f32 v44, v11;
	v11 =	vmul.f32 v42, v38;
	v63 =	vmul.f32 v50, v41  }
0x241: {  	v50 =	vmul.f32 v50, v32;
	v37 =	vadd.f32 v37, v56;
	v56 =	vtrunc.f32 v19  }
0x242: {  	v42 =	vld.idx.msk [tilespmem:v54+s2+$0x0], $0xffff;
	v41 =	vmul.f32 v47, v41;
	v32 =	vmul.f32 v47, v32  }
0x243: {  	v43 =	vor.u32 $0x1, v34;
	v54 =	vld.idx.msk [tilespmem:v54+s22+$0x0], $0xffff;
	v60 =	vmul.f32 v63, v58;
	v36 =	vmul.f32 v36, v63  }
0x244: {  	v39 =	vadd.f32 v39, v45;
	v61 =	vmul.f32 v62, v50;
	v62 =	vmul.f32 v52, v50;
	v58 =	vld.idx.msk [tilespmem:v57+s2+$0x0], $0xffff  }
0x245: {  	v63 =	vmul.f32 v55, v47;
	v50 =	vcvt.f32.s32 v56;
	v59 =	vld.idx.msk [tilespmem:v57+s22+$0x0], $0xffff;
	v37 =	vadd.f32 v37, v60  }
0x246: {  	v52 =	vmul.f32 $1.800000000e+01, v16;
	v44 =	vadd.f32 v46, v44;
	v47 =	vld.idx.msk [tilespmem:v29+s2+$0x0], $0xffff;
	v36 =	vadd.f32 v39, v36  }
0x247: {  	v29 =	vld.idx.msk [tilespmem:v29+s22+$0x0], $0xffff;
	v57 =	vmul.u32 $0x13, v50;
	v42 =	vmul.f32 v42, v63;
	v37 =	vadd.f32 v37, v61  }
0x248: {  	v60 =	vmul.f32 v54, v63;
	v63 =	vtrunc.f32 v52;
	v61 =	vld.idx.msk [tilespmem:v53+s2+$0x0], $0xffff;
	v36 =	vadd.f32 v62, v36  }
0x249: {  	v62 =	vld.idx.msk [tilespmem:v53+s22+$0x0], $0xffff;
	v53 =	vcvt.f32.s32 v63;
	v63 =	vcvt.s32.f32 v50;
	v37 =	vadd.f32 v42, v37  }
0x24a: {  	v42 =	vmul.f32 $1.800000000e+01, v17;
	v51 =	vmul.f32 v58, v35;
	v36 =	vadd.f32 v60, v36  }
0x24b: {  	v35 =	vmul.f32 v59, v35;
	v60 =	vadd.s32 v53, v57;
	v50 =	vcvt.s32.f32 v53  }
0x24c: {  	v29 =	vmul.f32 v29, v32;
	v19 =	vsub.f32 v19, v63;
	v53 =	vmul.u32 $0x13, v60  }
0x24d: {  	v58 =	vtrunc.f32 v42;
	v37 =	vadd.f32 v51, v37;
	v51 =	vmul.f32 v47, v32  }
0x24e: {  	v35 =	vadd.f32 v35, v36;
	v59 =	vmul.f32 v61, v41;
	v38 =	vcvt.f32.s32 v58  }
0x24f: {  	v54 =	vsub.f32 v52, v50;
	v56 =	vsub.f32 $1.000000000e+00, v19;
	v61 =	vmul.f32 v62, v41  }
0x250: {  	v52 =	vmul.f32 $2.700000000e+01, v16;
	v37 =	vadd.f32 v59, v37;
	v36 =	vadd.s32 v38, v53  }
0x251: {  	v16 =	vmul.f32 $4.000000000e+01, v16;
	v62 =	vld.idx.msk [tilespmem:v43+s20+$0x0], $0xffff;
	v35 =	vadd.f32 v61, v35;
	v57 =	vadd.s32 $0x895, v36  }
0x252: {  	v58 =	vtrunc.f32 v18;
	v55 =	vcvt.s32.f32 v38;
	v37 =	vadd.f32 v51, v37  }
0x253: {  	v43 =	vsub.f32 $1.000000000e+00, v54;
	v59 =	vadd.s32 $0x9FE, v36;
	v29 =	vadd.f32 v29, v35  }
0x254: {  	v39 =	vcvt.f32.s32 v58;
	v38 =	vmul.f32 v54, v56;
	v35 =	vsub.f32 v42, v55;
	[tilespmem:s11+$0xFFFFFE00] =	vst v37  }
0x255: {  	v60 =	vmul.f32 v43, v56;
	v61 =	vmul.f32 v43, v19;
	v53 =	vadd.s32 $0x896, v36;
	[tilespmem:s11+$0xFFFFFE80] =	vst v29  }
0x256: {  	v41 =	vmul.f32 v62, v11;
	v62 =	vsub.f32 $1.000000000e+00, v35;
	v29 =	vadd.s32 $0x8A8, v36;
	v63 =	vld.idx.msk [tilespmem:v57+s2+$0x0], $0xffff  }
0x257: {  	v40 =	vadd.f32 v40, v44;
	v19 =	vmul.f32 v54, v19;
	v54 =	vmul.f32 $2.700000000e+01, v17;
	v45 =	vld.idx.msk [tilespmem:v57+s22+$0x0], $0xffff  }
0x258: {  	v32 =	vmul.f32 v60, v35;
	v47 =	vmul.f32 v62, v60;
	v60 =	vadd.s32 $0xA11, v36;
	v44 =	vld.idx.msk [tilespmem:v59+s2+$0x0], $0xffff  }
0x259: {  	v37 =	vmul.f32 v61, v35;
	v49 =	vmul.f32 v62, v61;
	v42 =	vld.idx.msk [tilespmem:v59+s22+$0x0], $0xffff  }
0x25a: {  	v40 =	vadd.f32 v48, v40;
	v51 =	vmul.f32 v62, v38;
	v43 =	vmul.f32 v62, v19;
	v58 =	vld.idx.msk [tilespmem:v53+s2+$0x0], $0xffff  }
0x25b: {  	v55 =	vadd.s32 $0x8A9, v36;
	v38 =	vmul.f32 v35, v38;
	v61 =	vtrunc.f32 v52;
	v48 =	vld.idx.msk [tilespmem:v29+s2+$0x0], $0xffff  }
0x25c: {  	v56 =	vadd.s32 $0x9FF, v36;
	v19 =	vmul.f32 v35, v19;
	v62 =	vtrunc.f32 v54;
	v29 =	vld.idx.msk [tilespmem:v29+s22+$0x0], $0xffff  }
0x25d: {  	v35 =	vcvt.f32.s32 v61;
	v50 =	vcvt.f32.s32 v62;
	v57 =	vld.idx.msk [tilespmem:v60+s2+$0x0], $0xffff  }
0x25e: {  	v46 =	vmul.f32 v63, v47;
	v60 =	vld.idx.msk [tilespmem:v60+s22+$0x0], $0xffff;
	v44 =	vmul.f32 v44, v49  }
0x25f: {  	v36 =	vadd.s32 $0xA12, v36;
	v53 =	vld.idx.msk [tilespmem:v53+s22+$0x0], $0xffff;
	v45 =	vmul.f32 v45, v47;
	v42 =	vmul.f32 v42, v49  }
0x260: {  	v59 =	vld.idx.msk [tilespmem:v55+s22+$0x0], $0xffff;
	v63 =	vmul.u32 $0x1C, v39;
	v44 =	vadd.f32 v44, v46;
	v62 =	vmul.f32 v48, v51  }
0x261: {  	v39 =	vcvt.s32.f32 v39;
	v42 =	vadd.f32 v42, v45;
	v48 =	vld.idx.msk [tilespmem:v56+s2+$0x0], $0xffff;
	v29 =	vmul.f32 v29, v51  }
0x262: {  	v49 =	vld.idx.msk [tilespmem:v56+s22+$0x0], $0xffff;
	v61 =	vadd.s32 v35, v63;
	v44 =	vadd.f32 v62, v44;
	v63 =	vmul.f32 v57, v43  }
0x263: {  	v35 =	vcvt.s32.f32 v35;
	v56 =	vld.idx.msk [tilespmem:v55+s2+$0x0], $0xffff;
	v29 =	vadd.f32 v29, v42;
	v57 =	vmul.f32 v60, v43  }
0x264: {  	v45 =	vmul.u32 $0x1C, v61;
	v61 =	vmul.f32 v58, v32;
	v60 =	vadd.f32 v63, v44  }
0x265: {  	v18 =	vsub.f32 v18, v39;
	v32 =	vmul.f32 v53, v32;
	v29 =	vadd.f32 v57, v29;
	v63 =	vld.idx.msk [tilespmem:v36+s2+$0x0], $0xffff  }
0x266: {  	v55 =	vmul.f32 v59, v38;
	v36 =	vld.idx.msk [tilespmem:v36+s22+$0x0], $0xffff;
	v48 =	vmul.f32 v48, v37;
	v43 =	vadd.f32 v61, v60  }
0x267: {  	v35 =	vsub.f32 v52, v35;
	v49 =	vmul.f32 v49, v37;
	v29 =	vadd.f32 v32, v29  }
0x268: {  	v62 =	vcvt.s32.f32 v50;
	v52 =	vmul.f32 v56, v38;
	v43 =	vadd.f32 v48, v43  }
0x269: {  	v45 =	vadd.s32 v50, v45;
	v53 =	vsub.f32 $1.000000000e+00, v35;
	v29 =	vadd.f32 v49, v29  }
0x26a: {  	v39 =	vsub.f32 v54, v62;
	v58 =	vmul.f32 v63, v19;
	v57 =	vadd.f32 v52, v43  }
0x26b: {  	v56 =	vadd.s32 $0x2360, v45;
	v19 =	vmul.f32 v36, v19;
	v29 =	vadd.f32 v55, v29  }
0x26c: {  	v50 =	vsub.f32 $1.000000000e+00, v18;
	v62 =	vadd.s32 $0x2670, v45;
	v42 =	vadd.f32 v58, v57  }
0x26d: {  	v60 =	vmul.f32 v53, v18;
	v61 =	vsub.f32 $1.000000000e+00, v39;
	v19 =	vadd.f32 v19, v29  }
0x26e: {  	v59 =	vmul.f32 v53, v50;
	v37 =	vmul.f32 v35, v50;
	[tilespmem:s11+$0xFFFFFF00] =	vst v42  }
0x26f: {  	v18 =	vmul.f32 v35, v18;
	v47 =	vmul.f32 v61, v60;
	v63 =	vadd.s32 $0x237C, v45;
	[tilespmem:s11+$0xFFFFFF80] =	vst v19  }
0x270: {  	v35 =	vmul.f32 v61, v37;
	v32 =	vmul.f32 v60, v39;
	v42 =	vld.idx.msk [tilespmem:v56+s2+$0x0], $0xffff  }
0x271: {  	v48 =	vmul.f32 $4.000000000e+01, v17;
	v37 =	vmul.f32 v39, v37;
	v57 =	vadd.s32 $0x268C, v45;
	v38 =	vld.idx.msk [tilespmem:v56+s22+$0x0], $0xffff  }
0x272: {  	v51 =	vadd.s32 $0x237D, v45;
	v60 =	vtrunc.f32 v16;
	v36 =	vmul.f32 v61, v18;
	v58 =	vld.idx.msk [tilespmem:v62+s2+$0x0], $0xffff  }
0x273: {  	v44 =	vadd.s32 $0x2361, v45;
	v43 =	vmul.f32 v61, v59;
	v52 =	vcvt.f32.s32 v60;
	v46 =	vld.idx.msk [tilespmem:v62+s22+$0x0], $0xffff  }
0x274: {  	v17 =	vadd.s32 $0x2671, v45;
	v19 =	vmul.f32 v59, v39;
	v59 =	vtrunc.f32 v15;
	v61 =	vld.idx.msk [tilespmem:v63+s2+$0x0], $0xffff  }
0x275: {  	v29 =	vadd.f32 v41, v40;
	v45 =	vadd.s32 $0x268D, v45;
	v50 =	vcvt.f32.s32 v59;
	v40 =	vld.idx.msk [tilespmem:v63+s22+$0x0], $0xffff  }
0x276: {  	v18 =	vmul.f32 v39, v18;
	v54 =	vmul.u32 $0x3C6EF362, v52;
	v62 =	vtrunc.f32 v48;
	v63 =	vld.idx.msk [tilespmem:v57+s2+$0x0], $0xffff  }
0x277: {  	v39 =	vshll.u32 v50, $0x1;
	v41 =	vld.idx.msk [tilespmem:v57+s22+$0x0], $0xffff;
	v50 =	vcvt.s32.f32 v50;
	v42 =	vmul.f32 v42, v43  }
0x278: {  	v57 =	vld.idx.msk [tilespmem:v44+s2+$0x0], $0xffff;
	v56 =	vadd.s32 $0x2, v39;
	v38 =	vmul.f32 v38, v43;
	v49 =	vmul.f32 v58, v47  }
0x279: {  	v44 =	vld.idx.msk [tilespmem:v44+s22+$0x0], $0xffff;
	v53 =	vxor.u32 v39, v54;
	v43 =	vcvt.f32.s32 v62;
	v46 =	vmul.f32 v46, v47  }
0x27a: {  	v59 =	vld.idx.msk [tilespmem:v45+s2+$0x0], $0xffff;
	v47 =	vcvt.s32.f32 v52;
	v60 =	vmul.f32 v61, v35;
	v42 =	vadd.f32 v49, v42  }
0x27b: {  	v61 =	vld.idx.msk [tilespmem:v17+s2+$0x0], $0xffff;
	v35 =	vmul.f32 v40, v35;
	v40 =	vxor.u32 v54, v56;
	v38 =	vadd.f32 v46, v38  }
0x27c: {  	v17 =	vld.idx.msk [tilespmem:v17+s22+$0x0], $0xffff;
	v52 =	vmul.u32 $0x6004AF2A, v43;
	v62 =	vmul.f32 v63, v36;
	v42 =	vadd.f32 v60, v42  }
0x27d: {  	v63 =	vld.idx.msk [tilespmem:v51+s2+$0x0], $0xffff;
	v36 =	vmul.f32 v41, v36;
	v57 =	vmul.f32 v57, v19;
	v35 =	vadd.f32 v35, v38  }
0x27e: {  	v41 =	vld.idx.msk [tilespmem:v51+s22+$0x0], $0xffff;
	v51 =	vadd.s32 $0x3C6EF362, v54;
	v19 =	vmul.f32 v44, v19;
	v42 =	vadd.f32 v62, v42  }
0x27f: {  	v54 =	vmul.f32 v59, v18;
	v39 =	vxor.u32 v39, v51;
	v35 =	vadd.f32 v36, v35  }
0x280: {  	v60 =	vmul.f32 v61, v32;
	v36 =	vsub.f32 v15, v50;
	v15 =	vld.idx.msk [tilespmem:v45+s22+$0x0], $0xffff;
	v42 =	vadd.f32 v57, v42  }
0x281: {  	v17 =	vmul.f32 v17, v32;
	v45 =	vsub.f32 v16, v47;
	v16 =	vadd.f32 v19, v35  }
0x282: {  	v49 =	vxor.u32 v52, v53;
	v62 =	vmul.f32 v63, v37;
	v61 =	vadd.f32 v60, v42  }
0x283: {  	v38 =	vxor.u32 v52, v40;
	v37 =	vmul.f32 v41, v37;
	v16 =	vadd.f32 v17, v16  }
0x284: {  	v55 =	vxor.u32 v52, v39;
	v38 =	vand.u32 $0xFFFE, v38;
	v32 =	vadd.f32 v62, v61  }
0x285: {  	v33 =	vld.idx.msk [tilespmem:v33+s20+$0x0], $0xffff;
	v63 =	vand.u32 $0xFFFE, v49;
	v15 =	vmul.f32 v15, v18;
	v16 =	vadd.f32 v37, v16  }
0x286: {  	v23 =	vld.idx.msk [tilespmem:v23+s20+$0x0], $0xffff;
	v19 =	vcvt.s32.f32 v43;
	v18 =	vor.u32 $0x1, v63;
	v32 =	vadd.f32 v54, v32  }
0x287: {  	v28 =	vld.idx.msk [tilespmem:v28+s20+$0x0], $0xffff;
	v41 =	vxor.u32 v56, v51;
	v57 =	vsub.f32 $1.000000000e+00, v36;
	v16 =	vadd.f32 v15, v16  }
0x288: {  	v17 =	vld.idx.msk [tilespmem:v34+s20+$0x0], $0xffff;
	v34 =	vor.u32 $0x1, v38;
	v15 =	vsub.f32 v48, v19;
	v19 =	vsub.f32 $1.000000000e+00, v45;
	[tilespmem:s11+$0x0] =	vst v32  }
0x289: {  	v8 =	vld.idx.msk [tilespmem:v8+s20+$0x0], $0xffff;
	v25 =	vadd.f32 v30, v25;
	v35 =	vand.u32 $0xFFFE, v55;
	v58 =	vxor.u32 v52, v41;
	[tilespmem:s11+$0x80] =	vst v16  }
0x28a: {  	v43 =	vor.u32 $0x1, v35;
	v47 =	vmul.f32 v19, v57;
	v48 =	vmul.f32 v19, v36;
	v19 =	vld.idx.msk [tilespmem:v63+s20+$0x0], $0xffff  }
0x28b: {  	v23 =	vmul.f32 v23, v27;
	v60 =	vand.u32 $0xFFFE, v58;
	v32 =	vadd.s32 $0x6004AF2A, v52;
	v18 =	vld.idx.msk [tilespmem:v18+s20+$0x0], $0xffff  }
0x28c: {  	v26 =	vmul.f32 v28, v26;
	v54 =	vor.u32 $0x1, v60;
	v61 =	vxor.u32 v53, v32;
	v38 =	vld.idx.msk [tilespmem:v38+s20+$0x0], $0xffff  }
0x28d: {  	v33 =	vmul.f32 v33, v21;
	v59 =	vsub.f32 $1.000000000e+00, v15;
	v31 =	vld.idx.msk [tilespmem:v34+s20+$0x0], $0xffff;
	v42 =	vand.u32 $0xFFFE, v61  }
0x28e: {  	v23 =	vadd.f32 v23, v25;
	v24 =	vmul.f32 v45, v36;
	v16 =	vmul.f32 v45, v57;
	v35 =	vld.idx.msk [tilespmem:v35+s20+$0x0], $0xffff  }
0x28f: {  	v40 =	vxor.u32 v40, v32;
	v30 =	vld.idx.msk [tilespmem:v43+s20+$0x0], $0xffff;
	v62 =	vmul.f32 v59, v47;
	v56 =	vor.u32 $0x1, v42  }
0x290: {  	v27 =	vld.idx.msk [tilespmem:v60+s20+$0x0], $0xffff;
	v63 =	vmul.f32 v59, v48;
	v55 =	vmul.f32 v59, v16;
	v57 =	vand.u32 $0xFFFE, v40  }
0x291: {  	[tilespmem:s15+$0x190] =	vst v9;
	v59 =	vmul.f32 v59, v24;
	v40 =	vor.u32 $0x1, v57;
	v60 =	vld.idx.msk [tilespmem:v54+s20+$0x0], $0xffff;
	v19 =	vmul.f32 v19, v62  }
0x292: {  	v58 =	vmul.f32 v18, v62;
	v18 =	vxor.u32 v32, v39;
	v9 =	vmul.f32 v38, v63;
	v25 =	vld.idx.msk [tilespmem:v42+s20+$0x0], $0xffff  }
0x293: {  	[tilespmem:s15+$0x110] =	vst v14;
	v14 =	vmul.f32 v31, v63;
	v35 =	vmul.f32 v35, v55;
	v61 =	vand.u32 $0xFFFE, v18;
	v18 =	vld.idx.msk [tilespmem:v22+s20+$0x0], $0xffff  }
0x294: {  	v32 =	vxor.u32 v32, v41;
	v31 =	vor.u32 $0x1, v61;
	v28 =	vld.idx.msk [tilespmem:v56+s20+$0x0], $0xffff;
	v9 =	vadd.f32 v9, v19  }
0x295: {  	v30 =	vmul.f32 v30, v55;
	v62 =	vmul.f32 v47, v15;
	v22 =	vadd.f32 v14, v58;
	v19 =	vld.idx.msk [tilespmem:v20+s20+$0x0], $0xffff  }
0x296: {  	p1 =	slt.s32 s19, $0x1E84;
	s5 =	smov.u32 s19;
	[tilespmem:s15+$0x100] =	vst v13;
	v27 =	vmul.f32 v27, v59;
	v14 =	vand.u32 $0xFFFE, v32;
	v13 =	vld.idx.msk [tilespmem:v40+s20+$0x0], $0xffff;
	v20 =	vadd.f32 v35, v9  }
0x297: {  	s13 =	sshll.u32 s10, $0x6;
	s5 =	simm.s32 @!p1 $0x1E84;
	v26 =	vadd.f32 v26, v23;
	v63 =	vmul.f32 v60, v59;
	v9 =	vld.idx.msk [tilespmem:v57+s20+$0x0], $0xffff;
	v30 =	vadd.f32 v30, v22  }
0x298: {  	s14 =	sor.u32 s12, s13;
	s5 =	sshll.u32 s5, $0x7;
	v23 =	vadd.f32 v27, v20;
	v25 =	vmul.f32 v25, v62;
	v22 =	vld.idx.msk [tilespmem:v61+s20+$0x0], $0xffff  }
0x299: {  	s21 =	smin.u32 s14, $0x1E84;
	s8 =	sadd.s32 $0x20, s8;
	s5 =	smax.u32 s5, $0xF41C0;
	v26 =	vadd.f32 v33, v26;
	v27 =	vadd.f32 v63, v30;
	v28 =	vmul.f32 v28, v62;
	v21 =	vld.idx.msk [tilespmem:v31+s20+$0x0], $0xffff  }
0x29a: {  	s9 =	sshll.u32 s21, $0x7;
	s18 =	sadd.s32 $0xFFF0BE40, s5;
	s5 =	simm.s32 $0x2;
	[tilespmem:s11+$0x190] =	vst v29;
	v20 =	vor.u32 $0x1, v14;
	v25 =	vadd.f32 v25, v23;
	v23 =	vmul.f32 v48, v15  }
.LBB2_11:
0x29b: {  	p1 =	slt.s32 s8, $0x70;
	s21 =	sadd.s32 $0x10, s8;
	v27 =	vadd.f32 v28, v27;
	v16 =	vmul.f32 v15, v16;
	v28 =	vld.idx.msk [tilespmem:v14+s20+$0x0], $0xffff;
	v12 =	vmul.f32 v19, v12;
	s7 =	smov.u32 s8  }
0x29c: {  	s7 =	simm.s32 @!p1 $0x70;
	p1 =	slt.s32 s21, $0x70;
	v14 =	vmul.f32 v9, v23;
	v13 =	vmul.f32 v13, v23  }
0x29d: {  	v10 =	vmul.f32 v18, v10;
	v9 =	vld [tilespmem:s7+$0x1F280];
	s21 =	simm.s32 @!p1 $0x70;
	v19 =	vmul.f32 v22, v16;
	v12 =	vadd.f32 v12, v26  }
0x29e: {  	v16 =	vmul.f32 v21, v16;
	v23 =	vld [tilespmem:s21+$0x1F280];
	v14 =	vadd.f32 v14, v25;
	v18 =	vadd.f32 v13, v27  }
0x29f: {  	v15 =	vmul.f32 v15, v24;
	v11 =	vmul.f32 v17, v11;
	v13 =	vld [tilespmem:s7+$0x1F300];
	v10 =	vadd.f32 v10, v12  }
0x2a0: {  	v24 =	vld [tilespmem:s21+$0x1F300];
	v12 =	vadd.f32 v19, v14;
	v17 =	vadd.f32 v16, v18;
	v18 =	vmul.f32 v8, v6  }
0x2a1: {  	v19 =	vmul.f32 v28, v15;
	v6 =	vmov v15;
	v14 =	vld [tilespmem:s7+$0x1F380];
	v10 =	vadd.f32 v11, v10  }
0x2a2: {  	v11 =	vmul.f32 $1.200000000e+01, v9;
	v16 =	vmul.f32 $1.800000000e+01, v9;
	v8 =	vld.idx.msk [tilespmem:v20+s20+$0x0], $0xffff;
	v18 =	vadd.f32 v18, v7;
	v7 =	vmovc v17  }
0x2a3: {  	v15 =	vmul.f32 $2.700000000e+01, v9;
	v12 =	vadd.f32 v19, v12;
	v29 =	vld [tilespmem:s21+$0x1F380];
	v25 =	vmul.f32 $1.200000000e+01, v23;
	[tilespmem:s11+$0x110] =	vst v10  }
0x2a4: {  	s5 =	sadd.s32 $0x2, s5;
	v17 =	vmul.f32 $1.200000000e+01, v13;
	v10 =	vtrunc.f32 v11;
	[tilespmem:s15+$0x180] =	vst v18;
	s15 =	smov.u32 s11  }
0x2a5: {  	p1 =	slt.u32 s5, $0x6;
	v19 =	vmul.f32 $1.200000000e+01, v24;
	v18 =	vtrunc.f32 v25;
	[tilespmem:s11+$0x100] =	vst v12  }
0x2a6: {  	v12 =	vcvt.f32.s32 v10;
	v26 =	vcvt.f32.s32 v18  }
0x2a7: {  	v18 =	vtrunc.f32 v17;
	v10 =	vtrunc.f32 v19  }
0x2a8: {  	v27 =	vmul.f32 $1.200000000e+01, v29;
	v28 =	vcvt.f32.s32 v10;
	v20 =	vmul.u32 $0xD, v26  }
0x2a9: {  	v21 =	vcvt.f32.s32 v18;
	v22 =	vmul.u32 $0xD, v12;
	v10 =	vmul.f32 $1.200000000e+01, v14  }
0x2aa: {  	v12 =	vcvt.s32.f32 v12;
	v18 =	vtrunc.f32 v27;
	v20 =	vadd.s32 v28, v20  }
0x2ab: {  	v30 =	vtrunc.f32 v10;
	v31 =	vcvt.f32.s32 v18;
	v20 =	vmul.u32 $0xD, v20  }
0x2ac: {  	v18 =	vcvt.f32.s32 v30;
	v30 =	vcvt.s32.f32 v21;
	v21 =	vadd.s32 v21, v22  }
0x2ad: {  	v12 =	vsub.f32 v11, v12;
	v11 =	vmul.u32 $0xD, v21;
	v32 =	vadd.s32 v31, v20  }
0x2ae: {  	v22 =	vmul.f32 $4.000000000e+01, v29;
	v17 =	vsub.f32 v17, v30;
	v20 =	vmul.f32 $4.000000000e+01, v23  }
0x2af: {  	v21 =	vmul.f32 $4.000000000e+01, v24;
	v30 =	vmul.f32 $1.800000000e+01, v29;
	v33 =	vadd.s32 $0xA9, v32  }
0x2b0: {  	v26 =	vcvt.s32.f32 v26;
	v28 =	vcvt.s32.f32 v28;
	v11 =	vadd.s32 v18, v11  }
0x2b1: {  	v34 =	vcvt.s32.f32 v31;
	v31 =	vmul.f32 $1.800000000e+01, v24;
	v35 =	vadd.s32 $0xD, v32  }
0x2b2: {  	v36 =	vmul.f32 $1.800000000e+01, v23;
	v25 =	vsub.f32 v25, v26;
	v19 =	vsub.f32 v19, v28;
	v26 =	vld.idx.msk [tilespmem:v32+s2+$0x0], $0xffff  }
0x2b3: {  	v27 =	vsub.f32 v27, v34;
	v34 =	vadd.s32 $0xB6, v32;
	v37 =	vtrunc.f32 v30;
	v28 =	vld.idx.msk [tilespmem:v32+s22+$0x0], $0xffff  }
0x2b4: {  	v38 =	vsub.f32 $1.000000000e+00, v25;
	v39 =	vsub.f32 $1.000000000e+00, v19;
	v41 =	vtrunc.f32 v31;
	v40 =	vld.idx.msk [tilespmem:v33+s2+$0x0], $0xffff  }
0x2b5: {  	v43 =	vtrunc.f32 v36;
	v42 =	vadd.s32 $0x1, v32;
	v37 =	vcvt.f32.s32 v37;
	v33 =	vld.idx.msk [tilespmem:v33+s22+$0x0], $0xffff  }
0x2b6: {  	v45 =	vmul.f32 v39, v38;
	v39 =	vmul.f32 v39, v25;
	v44 =	vsub.f32 $1.000000000e+00, v27;
	v46 =	vld.idx.msk [tilespmem:v35+s2+$0x0], $0xffff  }
0x2b7: {  	v47 =	vadd.s32 $0xAA, v32;
	v38 =	vmul.f32 v19, v38;
	v41 =	vcvt.f32.s32 v41;
	v35 =	vld.idx.msk [tilespmem:v35+s22+$0x0], $0xffff  }
0x2b8: {  	v48 =	vadd.s32 $0xA9, v11;
	v49 =	vmul.f32 v44, v45;
	v50 =	vmul.f32 v44, v39;
	v51 =	vld.idx.msk [tilespmem:v34+s2+$0x0], $0xffff  }
0x2b9: {  	v52 =	vmul.f32 v19, v25;
	v53 =	vadd.s32 $0xE, v32;
	v25 =	vmul.f32 v44, v38;
	v34 =	vld.idx.msk [tilespmem:v34+s22+$0x0], $0xffff  }
0x2ba: {  	v19 =	vsub.f32 $1.000000000e+00, v12;
	v26 =	vmul.f32 v49, v26;
	v40 =	vmul.f32 v50, v40;
	v54 =	vld.idx.msk [tilespmem:v42+s2+$0x0], $0xffff  }
0x2bb: {  	v32 =	vadd.s32 $0xB7, v32;
	v28 =	vmul.f32 v49, v28;
	v33 =	vmul.f32 v50, v33;
	v42 =	vld.idx.msk [tilespmem:v42+s22+$0x0], $0xffff  }
0x2bc: {  	v44 =	vmul.f32 v44, v52;
	v26 =	vadd.f32 v40, v26;
	v40 =	vmul.f32 v25, v46;
	v46 =	vld.idx.msk [tilespmem:v47+s2+$0x0], $0xffff  }
0x2bd: {  	v28 =	vadd.f32 v33, v28;
	v25 =	vmul.f32 v35, v25;
	v35 =	vcvt.f32.s32 v43;
	v33 =	vld.idx.msk [tilespmem:v47+s22+$0x0], $0xffff  }
0x2be: {  	v43 =	vmul.f32 v45, v27;
	v26 =	vadd.f32 v26, v40;
	v40 =	vmul.f32 v51, v44;
	v45 =	vld.idx.msk [tilespmem:v53+s2+$0x0], $0xffff  }
0x2bf: {  	v25 =	vadd.f32 v28, v25;
	v28 =	vmul.f32 v34, v44;
	v44 =	vmul.u32 $0x13, v35;
	v34 =	vld.idx.msk [tilespmem:v53+s22+$0x0], $0xffff  }
0x2c0: {  	v39 =	vmul.f32 v39, v27;
	v40 =	vadd.f32 v26, v40;
	v47 =	vmul.f32 v54, v43;
	v49 =	vld.idx.msk [tilespmem:v32+s2+$0x0], $0xffff  }
0x2c1: {  	v25 =	vadd.f32 v28, v25;
	v42 =	vmul.f32 v42, v43;
	v43 =	vadd.s32 v41, v44;
	v32 =	vld.idx.msk [tilespmem:v32+s22+$0x0], $0xffff  }
0x2c2: {  	v38 =	vmul.f32 v27, v38;
	v40 =	vadd.f32 v47, v40;
	v44 =	vmul.f32 v46, v39;
	v26 =	vld.idx.msk [tilespmem:v48+s2+$0x0], $0xffff  }
0x2c3: {  	v42 =	vadd.f32 v42, v25;
	v33 =	vmul.f32 v33, v39;
	v39 =	vmul.u32 $0x13, v43;
	v28 =	vld.idx.msk [tilespmem:v48+s22+$0x0], $0xffff  }
0x2c4: {  	v40 =	vadd.f32 v44, v40;
	v43 =	vmul.f32 v45, v38;
	v44 =	vmul.f32 v27, v52;
	v25 =	vld.idx.msk [tilespmem:v11+s2+$0x0], $0xffff  }
0x2c5: {  	v33 =	vadd.f32 v33, v42;
	v38 =	vmul.f32 v34, v38;
	v34 =	vmul.f32 $2.700000000e+01, v29;
	v27 =	vld.idx.msk [tilespmem:v11+s22+$0x0], $0xffff  }
0x2c6: {  	v39 =	vadd.s32 v37, v39;
	v29 =	vadd.f32 v43, v40;
	v40 =	vmul.f32 v49, v44  }
0x2c7: {  	v33 =	vadd.f32 v38, v33;
	v32 =	vmul.f32 v32, v44;
	v38 =	vadd.s32 $0x895, v39  }
0x2c8: {  	v23 =	vmul.f32 $2.700000000e+01, v23;
	v24 =	vmul.f32 $2.700000000e+01, v24;
	v40 =	vadd.f32 v40, v29  }
0x2c9: {  	s11 =	sadd.s32 $0x20, s11;
	v42 =	vtrunc.f32 v22;
	v32 =	vadd.f32 v32, v33;
	v33 =	vadd.s32 $0x9FE, v39  }
0x2ca: {  	v35 =	vcvt.s32.f32 v35;
	v29 =	vsub.f32 $1.000000000e+00, v17;
	[tilespmem:s11+$0xFFFFFE10] =	vst v40;
	v40 =	vcvt.s32.f32 v41  }
0x2cb: {  	v41 =	vtrunc.f32 v20;
	[tilespmem:s11+$0xFFFFFE90] =	vst v32;
	v32 =	vcvt.s32.f32 v37;
	v37 =	vadd.s32 $0x8A8, v39  }
0x2cc: {  	v35 =	vsub.f32 v36, v35;
	v31 =	vsub.f32 v31, v40;
	v36 =	vld.idx.msk [tilespmem:v38+s2+$0x0], $0xffff;
	v40 =	vtrunc.f32 v21  }
0x2cd: {  	v43 =	vsub.f32 v30, v32;
	v30 =	vld.idx.msk [tilespmem:v38+s22+$0x0], $0xffff;
	v32 =	vadd.s32 $0xA11, v39;
	v38 =	vtrunc.f32 v34  }
0x2ce: {  	v47 =	vtrunc.f32 v24;
	v44 =	vsub.f32 $1.000000000e+00, v35;
	v45 =	vsub.f32 $1.000000000e+00, v31;
	v46 =	vld.idx.msk [tilespmem:v33+s2+$0x0], $0xffff  }
0x2cf: {  	v48 =	vadd.s32 $0x896, v39;
	v49 =	vtrunc.f32 v23;
	v38 =	vcvt.f32.s32 v38;
	v33 =	vld.idx.msk [tilespmem:v33+s22+$0x0], $0xffff  }
0x2d0: {  	v50 =	vsub.f32 $1.000000000e+00, v43;
	v51 =	vmul.f32 v45, v44;
	v45 =	vmul.f32 v45, v35;
	v52 =	vld.idx.msk [tilespmem:v37+s2+$0x0], $0xffff  }
0x2d1: {  	v47 =	vcvt.f32.s32 v47;
	v53 =	vadd.s32 $0x9FF, v39;
	v44 =	vmul.f32 v31, v44;
	v37 =	vld.idx.msk [tilespmem:v37+s22+$0x0], $0xffff  }
0x2d2: {  	v54 =	vadd.s32 $0xD, v11;
	v55 =	vmul.f32 v50, v51;
	v56 =	vmul.f32 v50, v45;
	v57 =	vld.idx.msk [tilespmem:v32+s2+$0x0], $0xffff  }
0x2d3: {  	v58 =	vadd.s32 $0x8A9, v39;
	v35 =	vmul.f32 v31, v35;
	v31 =	vmul.f32 v50, v44;
	v32 =	vld.idx.msk [tilespmem:v32+s22+$0x0], $0xffff  }
0x2d4: {  	v59 =	vadd.s32 $0xB6, v11;
	v36 =	vmul.f32 v36, v55;
	v46 =	vmul.f32 v46, v56;
	v60 =	vld.idx.msk [tilespmem:v48+s2+$0x0], $0xffff  }
0x2d5: {  	v39 =	vadd.s32 $0xA12, v39;
	v30 =	vmul.f32 v30, v55;
	v33 =	vmul.f32 v33, v56;
	v48 =	vld.idx.msk [tilespmem:v48+s22+$0x0], $0xffff  }
0x2d6: {  	v50 =	vmul.f32 v50, v35;
	v36 =	vadd.f32 v46, v36;
	v46 =	vmul.f32 v52, v31;
	v52 =	vld.idx.msk [tilespmem:v53+s2+$0x0], $0xffff  }
0x2d7: {  	v30 =	vadd.f32 v33, v30;
	v31 =	vmul.f32 v37, v31;
	v37 =	vcvt.f32.s32 v49;
	v33 =	vld.idx.msk [tilespmem:v53+s22+$0x0], $0xffff  }
0x2d8: {  	v49 =	vmul.f32 v51, v43;
	v36 =	vadd.f32 v46, v36;
	v46 =	vmul.f32 v57, v50;
	v51 =	vld.idx.msk [tilespmem:v58+s2+$0x0], $0xffff  }
0x2d9: {  	v30 =	vadd.f32 v31, v30;
	v31 =	vmul.f32 v32, v50;
	v32 =	vmul.u32 $0x1C, v37;
	v50 =	vld.idx.msk [tilespmem:v58+s22+$0x0], $0xffff  }
0x2da: {  	v45 =	vmul.f32 v45, v43;
	v36 =	vadd.f32 v46, v36;
	v46 =	vmul.f32 v60, v49;
	v53 =	vld.idx.msk [tilespmem:v39+s2+$0x0], $0xffff  }
0x2db: {  	v55 =	vadd.f32 v31, v30;
	v48 =	vmul.f32 v48, v49;
	v32 =	vadd.s32 v47, v32;
	v39 =	vld.idx.msk [tilespmem:v39+s22+$0x0], $0xffff  }
0x2dc: {  	v44 =	vmul.f32 v43, v44;
	v30 =	vld.idx.msk [tilespmem:v54+s2+$0x0], $0xffff;
	v36 =	vadd.f32 v46, v36;
	v46 =	vmul.f32 v52, v45  }
0x2dd: {  	v49 =	vmul.u32 $0x1C, v32;
	v48 =	vadd.f32 v48, v55;
	v45 =	vmul.f32 v33, v45;
	v31 =	vld.idx.msk [tilespmem:v54+s22+$0x0], $0xffff  }
0x2de: {  	v35 =	vmul.f32 v43, v35;
	v32 =	vld.idx.msk [tilespmem:v59+s2+$0x0], $0xffff;
	v36 =	vadd.f32 v46, v36;
	v46 =	vmul.f32 v51, v44  }
0x2df: {  	v42 =	vcvt.f32.s32 v42;
	v43 =	vadd.f32 v45, v48;
	v44 =	vmul.f32 v50, v44;
	v33 =	vld.idx.msk [tilespmem:v59+s22+$0x0], $0xffff  }
0x2e0: {  	v45 =	vmul.f32 v53, v35;
	v36 =	vadd.f32 v46, v36;
	v46 =	vadd.s32 v38, v49  }
0x2e1: {  	v43 =	vadd.f32 v44, v43;
	v35 =	vmul.f32 v39, v35;
	v39 =	vadd.s32 $0x2360, v46  }
0x2e2: {  	v41 =	vcvt.f32.s32 v41;
	v40 =	vcvt.f32.s32 v40;
	v36 =	vadd.f32 v45, v36  }
0x2e3: {  	v44 =	vcvt.s32.f32 v42;
	v35 =	vadd.f32 v35, v43;
	v43 =	vadd.s32 $0x2670, v46  }
0x2e4: {  	v45 =	vadd.s32 $0x1, v11;
	[tilespmem:s11+$0xFFFFFF10] =	vst v36;
	v36 =	vcvt.s32.f32 v37;
	v37 =	vcvt.s32.f32 v47  }
0x2e5: {  	v47 =	vcvt.s32.f32 v41;
	[tilespmem:s11+$0xFFFFFF90] =	vst v35;
	v35 =	vcvt.s32.f32 v38;
	v38 =	vadd.s32 $0x237C, v46  }
0x2e6: {  	v48 =	vcvt.s32.f32 v40;
	v23 =	vsub.f32 v23, v36;
	v24 =	vsub.f32 v24, v37;
	v36 =	vld.idx.msk [tilespmem:v39+s2+$0x0], $0xffff  }
0x2e7: {  	v42 =	vmul.u32 $0x6004AF2A, v42;
	v37 =	vsub.f32 v34, v35;
	v35 =	vld.idx.msk [tilespmem:v39+s22+$0x0], $0xffff;
	v39 =	vadd.s32 $0x268C, v46  }
0x2e8: {  	v41 =	vshll.u32 v41, $0x1;
	v34 =	vsub.f32 $1.000000000e+00, v23;
	v49 =	vsub.f32 $1.000000000e+00, v24;
	v50 =	vld.idx.msk [tilespmem:v43+s2+$0x0], $0xffff  }
0x2e9: {  	v40 =	vmul.u32 $0x3C6EF362, v40;
	v51 =	vadd.s32 $0x2361, v46;
	v52 =	vadd.s32 $0x2, v41;
	v43 =	vld.idx.msk [tilespmem:v43+s22+$0x0], $0xffff  }
0x2ea: {  	v53 =	vsub.f32 $1.000000000e+00, v37;
	v54 =	vmul.f32 v49, v34;
	v49 =	vmul.f32 v49, v23;
	v55 =	vld.idx.msk [tilespmem:v38+s2+$0x0], $0xffff  }
0x2eb: {  	v57 =	vadd.s32 $0x2671, v46;
	v56 =	vmul.f32 v24, v34;
	v34 =	vsub.f32 v22, v44;
	v38 =	vld.idx.msk [tilespmem:v38+s22+$0x0], $0xffff  }
0x2ec: {  	v59 =	vadd.s32 $0x3C6EF362, v40;
	v22 =	vmul.f32 v53, v54;
	v44 =	vmul.f32 v53, v49;
	v58 =	vld.idx.msk [tilespmem:v39+s2+$0x0], $0xffff  }
0x2ed: {  	v60 =	vadd.s32 $0x237D, v46;
	v23 =	vmul.f32 v24, v23;
	v24 =	vmul.f32 v53, v56;
	v39 =	vld.idx.msk [tilespmem:v39+s22+$0x0], $0xffff  }
0x2ee: {  	v62 =	vxor.u32 v41, v40;
	v36 =	vmul.f32 v36, v22;
	v50 =	vmul.f32 v50, v44;
	v61 =	vld.idx.msk [tilespmem:v51+s2+$0x0], $0xffff  }
0x2ef: {  	v22 =	vmul.f32 v35, v22;
	v35 =	vmul.f32 v43, v44;
	v44 =	vadd.s32 $0x268D, v46;
	v43 =	vld.idx.msk [tilespmem:v51+s22+$0x0], $0xffff  }
0x2f0: {  	v46 =	vmul.f32 v55, v24;
	v36 =	vadd.f32 v50, v36;
	v50 =	vmul.f32 v53, v23;
	v51 =	vld.idx.msk [tilespmem:v57+s2+$0x0], $0xffff  }
0x2f1: {  	v40 =	vxor.u32 v40, v52;
	v22 =	vadd.f32 v35, v22;
	v24 =	vmul.f32 v38, v24;
	v38 =	vld.idx.msk [tilespmem:v57+s22+$0x0], $0xffff  }
0x2f2: {  	v35 =	vadd.f32 v46, v36;
	v36 =	vmul.f32 v58, v50;
	v46 =	vmul.f32 v54, v37;
	v53 =	vld.idx.msk [tilespmem:v60+s2+$0x0], $0xffff  }
0x2f3: {  	v41 =	vxor.u32 v41, v59;
	v22 =	vadd.f32 v24, v22;
	v24 =	vmul.f32 v39, v50;
	v39 =	vld.idx.msk [tilespmem:v60+s22+$0x0], $0xffff  }
0x2f4: {  	v49 =	vmul.f32 v49, v37;
	v36 =	vadd.f32 v36, v35;
	v50 =	vmul.f32 v61, v46;
	v54 =	vld.idx.msk [tilespmem:v44+s2+$0x0], $0xffff  }
0x2f5: {  	v22 =	vadd.f32 v24, v22;
	v24 =	vmul.f32 v43, v46;
	v43 =	vld.idx.msk [tilespmem:v44+s22+$0x0], $0xffff;
	v44 =	vxor.u32 v42, v62  }
0x2f6: {  	v35 =	vld.idx.msk [tilespmem:v45+s2+$0x0], $0xffff;
	v46 =	vadd.f32 v50, v36;
	v50 =	vmul.f32 v51, v49;
	v51 =	vmul.f32 v37, v56  }
0x2f7: {  	v22 =	vadd.f32 v24, v22;
	v24 =	vmul.f32 v38, v49;
	v36 =	vld.idx.msk [tilespmem:v45+s22+$0x0], $0xffff;
	v45 =	vxor.u32 v42, v40  }
0x2f8: {  	v23 =	vmul.f32 v37, v23;
	v46 =	vadd.f32 v50, v46;
	v49 =	vmul.f32 v53, v51  }
0x2f9: {  	v38 =	vand.u32 $0xFFFE, v44;
	v22 =	vadd.f32 v24, v22;
	v24 =	vmul.f32 v39, v51  }
0x2fa: {  	v37 =	vand.u32 $0xFFFE, v45;
	v44 =	vmul.f32 v54, v23;
	v39 =	vadd.f32 v49, v46  }
0x2fb: {  	v22 =	vadd.f32 v24, v22;
	v23 =	vmul.f32 v43, v23;
	v24 =	vor.u32 $0x1, v38  }
0x2fc: {  	v43 =	vor.u32 $0x1, v37;
	v39 =	vadd.f32 v44, v39;
	v44 =	vxor.u32 v42, v41  }
0x2fd: {  	v45 =	vxor.u32 v52, v59;
	v22 =	vadd.f32 v23, v22;
	v44 =	vand.u32 $0xFFFE, v44  }
0x2fe: {  	v20 =	vsub.f32 v20, v47;
	[tilespmem:s11+$0x10] =	vst v39;
	v23 =	vor.u32 $0x1, v44;
	v39 =	vxor.u32 v42, v45  }
0x2ff: {  	v21 =	vsub.f32 v21, v48;
	[tilespmem:s11+$0x90] =	vst v22;
	v22 =	vadd.s32 $0x6004AF2A, v42;
	v39 =	vand.u32 $0xFFFE, v39  }
0x300: {  	v42 =	vld.idx.msk [tilespmem:v24+s20+$0x0], $0xffff;
	v46 =	vor.u32 $0x1, v39;
	v24 =	vxor.u32 v62, v22;
	v40 =	vxor.u32 v40, v22  }
0x301: {  	v48 =	vsub.f32 $1.000000000e+00, v21;
	v47 =	vsub.f32 $1.000000000e+00, v20;
	v43 =	vld.idx.msk [tilespmem:v43+s20+$0x0], $0xffff;
	v49 =	vand.u32 $0xFFFE, v24  }
0x302: {  	v50 =	vsub.f32 $1.000000000e+00, v34;
	v51 =	vmul.f32 v21, v20;
	v52 =	vor.u32 $0x1, v49  }
0x303: {  	v53 =	vmul.f32 v48, v47;
	v48 =	vmul.f32 v48, v20;
	v40 =	vand.u32 $0xFFFE, v40;
	v20 =	vld.idx.msk [tilespmem:v23+s20+$0x0], $0xffff  }
0x304: {  	v47 =	vmul.f32 v21, v47;
	v21 =	vxor.u32 v22, v41;
	v54 =	vor.u32 $0x1, v40  }
0x305: {  	v24 =	vmul.f32 v50, v48;
	v23 =	vmul.f32 v50, v53;
	v41 =	vld.idx.msk [tilespmem:v46+s20+$0x0], $0xffff;
	v46 =	vand.u32 $0xFFFE, v21  }
0x306: {  	v22 =	vxor.u32 v22, v45;
	v21 =	vmul.f32 v50, v47;
	v55 =	vor.u32 $0x1, v46  }
0x307: {  	v42 =	vmul.f32 v42, v23;
	v43 =	vmul.f32 v43, v24;
	v45 =	vld.idx.msk [tilespmem:v52+s20+$0x0], $0xffff;
	v52 =	vand.u32 $0xFFFE, v22  }
0x308: {  	v18 =	vcvt.s32.f32 v18;
	v56 =	vmul.f32 v29, v19;
	v57 =	vor.u32 $0x1, v52  }
0x309: {  	v22 =	vmul.f32 v50, v51;
	v42 =	vadd.f32 v43, v42;
	v20 =	vmul.f32 v20, v21;
	v43 =	vld.idx.msk [tilespmem:v54+s20+$0x0], $0xffff  }
0x30a: {  	v58 =	vmul.f32 v29, v12;
	v50 =	vsub.f32 v10, v18;
	v54 =	vmul.f32 v17, v19  }
0x30b: {  	v10 =	vadd.f32 v20, v42;
	v18 =	vmul.f32 v41, v22;
	v20 =	vmul.f32 v53, v34;
	v19 =	vld.idx.msk [tilespmem:v55+s20+$0x0], $0xffff  }
0x30c: {  	v29 =	vsub.f32 $1.000000000e+00, v50;
	v41 =	vmul.f32 v17, v12;
	v42 =	vadd.s32 $0xAA, v11  }
0x30d: {  	v12 =	vmul.f32 v48, v34;
	v10 =	vadd.f32 v18, v10;
	v17 =	vmul.f32 v45, v20;
	v45 =	vld.idx.msk [tilespmem:v57+s20+$0x0], $0xffff  }
0x30e: {  	v53 =	vadd.s32 $0xE, v11;
	v48 =	vmul.f32 v29, v56;
	v18 =	vmul.f32 v29, v58  }
0x30f: {  	v55 =	vadd.f32 v17, v10;
	v43 =	vmul.f32 v43, v12;
	v10 =	vmul.f32 v34, v47  }
0x310: {  	v26 =	vmul.f32 v18, v26;
	v28 =	vmul.f32 v18, v28;
	v47 =	vadd.s32 $0xB7, v11;
	v17 =	vld.idx.msk [tilespmem:v52+s20+$0x0], $0xffff  }
0x311: {  	v11 =	vmul.f32 v34, v51;
	v43 =	vadd.f32 v43, v55;
	v18 =	vld.idx.msk [tilespmem:v46+s20+$0x0], $0xffff;
	v46 =	vmul.f32 v19, v10  }
0x312: {  	v27 =	vmul.f32 v48, v27;
	v34 =	vmul.f32 v48, v25;
	v19 =	vld.idx.msk [tilespmem:v40+s20+$0x0], $0xffff  }
0x313: {  	v40 =	vmul.f32 v29, v54;
	v45 =	vmul.f32 v45, v11;
	v25 =	vld.idx.msk [tilespmem:v49+s20+$0x0], $0xffff;
	v43 =	vadd.f32 v46, v43  }
0x314: {  	v34 =	vadd.f32 v26, v34;
	v46 =	vadd.f32 v28, v27;
	v28 =	vmul.f32 v29, v41;
	v26 =	vld.idx.msk [tilespmem:v39+s20+$0x0], $0xffff  }
0x315: {  	v29 =	vmul.f32 v40, v30;
	v30 =	vmul.f32 v31, v40;
	v27 =	vld.idx.msk [tilespmem:v44+s20+$0x0], $0xffff;
	v31 =	vadd.f32 v45, v43  }
0x316: {  	v32 =	vmul.f32 v32, v28;
	v33 =	vmul.f32 v33, v28;
	v28 =	vld.idx.msk [tilespmem:v38+s20+$0x0], $0xffff  }
0x317: {  	v34 =	vadd.f32 v34, v29;
	v30 =	vadd.f32 v46, v30;
	v38 =	vtrunc.f32 v16;
	v29 =	vld.idx.msk [tilespmem:v37+s20+$0x0], $0xffff;
	[tilespmem:s11+$0x190] =	vst v31  }
0x318: {  	v39 =	vmul.f32 v58, v50;
	v31 =	vmul.f32 v56, v50;
	v37 =	vld.idx.msk [tilespmem:v42+s2+$0x0], $0xffff  }
0x319: {  	v32 =	vadd.f32 v34, v32;
	v30 =	vadd.f32 v33, v30;
	v34 =	vmul.f32 $1.800000000e+01, v13;
	v33 =	vld.idx.msk [tilespmem:v42+s22+$0x0], $0xffff  }
0x31a: {  	v35 =	vmul.f32 v35, v31;
	v31 =	vmul.f32 v36, v31;
	v36 =	vld.idx.msk [tilespmem:v53+s2+$0x0], $0xffff  }
0x31b: {  	v38 =	vcvt.f32.s32 v38;
	v42 =	vmul.f32 v50, v54;
	v40 =	vld.idx.msk [tilespmem:v53+s22+$0x0], $0xffff  }
0x31c: {  	v32 =	vadd.f32 v35, v32;
	v30 =	vadd.f32 v31, v30;
	v35 =	vtrunc.f32 v34;
	v31 =	vld.idx.msk [tilespmem:v47+s2+$0x0], $0xffff  }
0x31d: {  	v41 =	vmul.f32 v50, v41;
	v44 =	vmul.f32 $1.800000000e+01, v14;
	v45 =	vmul.u32 $0x13, v38;
	v43 =	vld.idx.msk [tilespmem:v47+s22+$0x0], $0xffff  }
0x31e: {  	v35 =	vcvt.f32.s32 v35;
	v37 =	vmul.f32 v37, v39  }
0x31f: {  	v33 =	vmul.f32 v33, v39;
	v39 =	vtrunc.f32 v44  }
0x320: {  	v32 =	vadd.f32 v37, v32;
	v36 =	vmul.f32 v36, v42;
	v37 =	vadd.s32 v35, v45  }
0x321: {  	v39 =	vcvt.f32.s32 v39;
	v30 =	vadd.f32 v33, v30;
	v33 =	vmul.f32 v40, v42  }
0x322: {  	v32 =	vadd.f32 v36, v32;
	v31 =	vmul.f32 v31, v41;
	v36 =	vcvt.s32.f32 v38  }
0x323: {  	v35 =	vcvt.s32.f32 v35;
	v30 =	vadd.f32 v33, v30;
	v33 =	vmul.f32 v43, v41  }
0x324: {  	v31 =	vadd.f32 v31, v32;
	v16 =	vsub.f32 v16, v36;
	v32 =	vmul.u32 $0x13, v37  }
0x325: {  	v30 =	vadd.f32 v33, v30;
	v33 =	vsub.f32 v34, v35;
	v34 =	vcvt.s32.f32 v39  }
0x326: {  	v35 =	vtrunc.f32 v15;
	v32 =	vadd.s32 v39, v32;
	[tilespmem:s11+$0xFFFFFE00] =	vst v31;
	v31 =	vsub.f32 $1.000000000e+00, v16  }
0x327: {  	v36 =	vadd.s32 $0x895, v32;
	v37 =	vadd.s32 $0x9FE, v32;
	[tilespmem:s11+$0xFFFFFE80] =	vst v30;
	v30 =	vsub.f32 $1.000000000e+00, v33  }
0x328: {  	v34 =	vsub.f32 v44, v34;
	v38 =	vadd.s32 $0x8A8, v32;
	v39 =	vadd.s32 $0xA11, v32  }
0x329: {  	v41 =	vadd.s32 $0x896, v32;
	v40 =	vmul.f32 v30, v31;
	v30 =	vmul.f32 v30, v16  }
0x32a: {  	v42 =	vsub.f32 $1.000000000e+00, v34;
	v31 =	vmul.f32 v33, v31;
	v16 =	vmul.f32 v33, v16  }
0x32b: {  	v43 =	vadd.s32 $0x9FF, v32;
	v44 =	vadd.s32 $0x8A9, v32;
	v33 =	vmul.f32 v40, v34  }
0x32c: {  	v32 =	vadd.s32 $0xA12, v32;
	v40 =	vmul.f32 v42, v40;
	v46 =	vmul.f32 v42, v30;
	v45 =	vld.idx.msk [tilespmem:v36+s2+$0x0], $0xffff  }
0x32d: {  	v47 =	vmul.f32 v42, v31;
	v42 =	vmul.f32 v42, v16;
	v36 =	vld.idx.msk [tilespmem:v36+s22+$0x0], $0xffff  }
0x32e: {  	v49 =	vmul.f32 $2.700000000e+01, v13;
	v30 =	vmul.f32 v30, v34;
	v48 =	vld.idx.msk [tilespmem:v37+s2+$0x0], $0xffff  }
0x32f: {  	v35 =	vcvt.f32.s32 v35;
	v31 =	vmul.f32 v34, v31;
	v37 =	vld.idx.msk [tilespmem:v37+s22+$0x0], $0xffff  }
0x330: {  	v51 =	vmul.f32 $2.700000000e+01, v14;
	v52 =	vtrunc.f32 v49;
	v50 =	vld.idx.msk [tilespmem:v38+s2+$0x0], $0xffff  }
0x331: {  	v16 =	vmul.f32 v34, v16;
	v34 =	vcvt.f32.s32 v52;
	v52 =	vmul.u32 $0x1C, v35;
	v38 =	vld.idx.msk [tilespmem:v38+s22+$0x0], $0xffff  }
0x332: {  	v54 =	vtrunc.f32 v51;
	v45 =	vmul.f32 v45, v40;
	v53 =	vld.idx.msk [tilespmem:v39+s2+$0x0], $0xffff  }
0x333: {  	v52 =	vadd.s32 v34, v52;
	v36 =	vmul.f32 v36, v40;
	v40 =	vcvt.f32.s32 v54;
	v39 =	vld.idx.msk [tilespmem:v39+s22+$0x0], $0xffff  }
0x334: {  	v35 =	vcvt.s32.f32 v35;
	v52 =	vmul.u32 $0x1C, v52;
	v48 =	vmul.f32 v48, v46;
	v54 =	vld.idx.msk [tilespmem:v41+s2+$0x0], $0xffff  }
0x335: {  	v34 =	vcvt.s32.f32 v34;
	v37 =	vmul.f32 v37, v46;
	v41 =	vld.idx.msk [tilespmem:v41+s22+$0x0], $0xffff  }
0x336: {  	v15 =	vsub.f32 v15, v35;
	v45 =	vadd.f32 v48, v45;
	v46 =	vmul.f32 v50, v47;
	v48 =	vld.idx.msk [tilespmem:v43+s2+$0x0], $0xffff  }
0x337: {  	v34 =	vsub.f32 v49, v34;
	v35 =	vadd.f32 v37, v36;
	v36 =	vmul.f32 v38, v47;
	v37 =	vld.idx.msk [tilespmem:v43+s22+$0x0], $0xffff  }
0x338: {  	v38 =	vadd.f32 v46, v45;
	v43 =	vmul.f32 v53, v42;
	v46 =	vcvt.s32.f32 v40;
	v45 =	vld.idx.msk [tilespmem:v44+s2+$0x0], $0xffff  }
0x339: {  	v40 =	vadd.s32 v40, v52;
	v35 =	vadd.f32 v36, v35;
	v36 =	vmul.f32 v39, v42;
	v39 =	vld.idx.msk [tilespmem:v44+s22+$0x0], $0xffff  }
0x33a: {  	v38 =	vadd.f32 v43, v38;
	v42 =	vmul.f32 v54, v33;
	v44 =	vadd.s32 $0x2360, v40;
	v43 =	vld.idx.msk [tilespmem:v32+s2+$0x0], $0xffff  }
0x33b: {  	v35 =	vadd.f32 v36, v35;
	v33 =	vmul.f32 v41, v33;
	v36 =	vadd.s32 $0x2670, v40;
	v32 =	vld.idx.msk [tilespmem:v32+s22+$0x0], $0xffff  }
0x33c: {  	v38 =	vadd.f32 v42, v38;
	v41 =	vmul.f32 v48, v30;
	v42 =	vsub.f32 $1.000000000e+00, v15  }
0x33d: {  	v33 =	vadd.f32 v33, v35;
	v30 =	vmul.f32 v37, v30;
	v35 =	vsub.f32 $1.000000000e+00, v34  }
0x33e: {  	v37 =	vadd.f32 v41, v38;
	v38 =	vmul.f32 v45, v31;
	v41 =	vsub.f32 v51, v46  }
0x33f: {  	v30 =	vadd.f32 v30, v33;
	v31 =	vmul.f32 v39, v31;
	v33 =	vadd.s32 $0x237C, v40  }
0x340: {  	v39 =	vmul.f32 v35, v42;
	v37 =	vadd.f32 v38, v37;
	v38 =	vmul.f32 v43, v16  }
0x341: {  	v30 =	vadd.f32 v31, v30;
	v16 =	vmul.f32 v32, v16;
	v31 =	vmul.f32 v35, v15  }
0x342: {  	v35 =	vsub.f32 $1.000000000e+00, v41;
	v32 =	vadd.f32 v38, v37;
	v37 =	vadd.s32 $0x268C, v40  }
0x343: {  	v38 =	vadd.s32 $0x2361, v40;
	v16 =	vadd.f32 v16, v30;
	v30 =	vmul.f32 v34, v42  }
0x344: {  	v43 =	vadd.s32 $0x2671, v40;
	v42 =	vmul.f32 v35, v31;
	[tilespmem:s11+$0xFFFFFF00] =	vst v32;
	v32 =	vmul.f32 v35, v39  }
0x345: {  	v15 =	vmul.f32 v34, v15;
	v34 =	vadd.s32 $0x237D, v40;
	[tilespmem:s11+$0xFFFFFF80] =	vst v16;
	v16 =	vmul.f32 v35, v30  }
0x346: {  	v31 =	vmul.f32 v31, v41;
	v40 =	vadd.s32 $0x268D, v40;
	v39 =	vmul.f32 v39, v41;
	v45 =	vld.idx.msk [tilespmem:v44+s2+$0x0], $0xffff  }
0x347: {  	v9 =	vmul.f32 $4.000000000e+01, v9;
	v35 =	vmul.f32 v35, v15;
	v44 =	vld.idx.msk [tilespmem:v44+s22+$0x0], $0xffff  }
0x348: {  	v14 =	vmul.f32 $4.000000000e+01, v14;
	v13 =	vmul.f32 $4.000000000e+01, v13;
	v46 =	vld.idx.msk [tilespmem:v36+s2+$0x0], $0xffff  }
0x349: {  	v47 =	vtrunc.f32 v9;
	v30 =	vmul.f32 v41, v30;
	v36 =	vld.idx.msk [tilespmem:v36+s22+$0x0], $0xffff  }
0x34a: {  	v49 =	vtrunc.f32 v13;
	v47 =	vcvt.f32.s32 v47;
	v48 =	vld.idx.msk [tilespmem:v33+s2+$0x0], $0xffff  }
0x34b: {  	v49 =	vcvt.f32.s32 v49;
	v50 =	vtrunc.f32 v14;
	v33 =	vld.idx.msk [tilespmem:v33+s22+$0x0], $0xffff  }
0x34c: {  	v15 =	vmul.f32 v41, v15;
	v41 =	vshll.u32 v47, $0x1;
	v45 =	vmul.f32 v45, v32;
	v51 =	vld.idx.msk [tilespmem:v37+s2+$0x0], $0xffff  }
0x34d: {  	v32 =	vmul.f32 v44, v32;
	v44 =	vcvt.f32.s32 v50;
	v50 =	vmul.u32 $0x3C6EF362, v49;
	v37 =	vld.idx.msk [tilespmem:v37+s22+$0x0], $0xffff  }
0x34e: {  	v47 =	vcvt.s32.f32 v47;
	v53 =	vadd.s32 $0x2, v41;
	v46 =	vmul.f32 v46, v42;
	v52 =	vld.idx.msk [tilespmem:v38+s2+$0x0], $0xffff  }
0x34f: {  	v36 =	vmul.f32 v36, v42;
	v42 =	vcvt.s32.f32 v49;
	v49 =	vmul.u32 $0x6004AF2A, v44;
	v38 =	vld.idx.msk [tilespmem:v38+s22+$0x0], $0xffff  }
0x350: {  	v54 =	vxor.u32 v41, v50;
	v45 =	vadd.f32 v46, v45;
	v46 =	vmul.f32 v48, v16;
	v48 =	vld.idx.msk [tilespmem:v43+s2+$0x0], $0xffff  }
0x351: {  	v32 =	vadd.f32 v36, v32;
	v16 =	vmul.f32 v33, v16;
	v36 =	vxor.u32 v50, v53;
	v33 =	vld.idx.msk [tilespmem:v43+s22+$0x0], $0xffff  }
0x352: {  	v43 =	vadd.f32 v46, v45;
	v45 =	vmul.f32 v51, v35;
	v51 =	vxor.u32 v49, v54;
	v46 =	vld.idx.msk [tilespmem:v34+s2+$0x0], $0xffff  }
0x353: {  	v16 =	vadd.f32 v16, v32;
	v32 =	vmul.f32 v37, v35;
	v35 =	vxor.u32 v49, v36;
	v34 =	vld.idx.msk [tilespmem:v34+s22+$0x0], $0xffff  }
0x354: {  	v50 =	vadd.s32 $0x3C6EF362, v50;
	v37 =	vadd.f32 v45, v43;
	v43 =	vmul.f32 v52, v39;
	v45 =	vld.idx.msk [tilespmem:v40+s2+$0x0], $0xffff  }
0x355: {  	v9 =	vsub.f32 v9, v47;
	v16 =	vadd.f32 v32, v16;
	v32 =	vmul.f32 v38, v39;
	v38 =	vld.idx.msk [tilespmem:v40+s22+$0x0], $0xffff  }
0x356: {  	v13 =	vsub.f32 v13, v42;
	v37 =	vadd.f32 v43, v37;
	v39 =	vmul.f32 v48, v31  }
0x357: {  	v16 =	vadd.f32 v32, v16;
	v31 =	vmul.f32 v33, v31;
	v32 =	vcvt.s32.f32 v44  }
0x358: {  	v33 =	vadd.f32 v39, v37;
	v37 =	vmul.f32 v46, v30;
	v39 =	vand.u32 $0xFFFE, v51  }
0x359: {  	v16 =	vadd.f32 v31, v16;
	v30 =	vmul.f32 v34, v30;
	v31 =	vand.u32 $0xFFFE, v35  }
0x35a: {  	v35 =	vxor.u32 v41, v50;
	v33 =	vadd.f32 v37, v33;
	v34 =	vmul.f32 v45, v15  }
0x35b: {  	v16 =	vadd.f32 v30, v16;
	v15 =	vmul.f32 v38, v15;
	v30 =	vor.u32 $0x1, v39  }
0x35c: {  	v37 =	vxor.u32 v49, v35;
	v33 =	vadd.f32 v34, v33;
	v34 =	vor.u32 $0x1, v31  }
0x35d: {  	v38 =	vsub.f32 $1.000000000e+00, v9;
	v37 =	vand.u32 $0xFFFE, v37;
	v16 =	vadd.f32 v15, v16  }
0x35e: {  	v15 =	vsub.f32 v14, v32;
	v14 =	vsub.f32 $1.000000000e+00, v13;
	v32 =	vxor.u32 v53, v50;
	[tilespmem:s11+$0x0] =	vst v33  }
0x35f: {  	v40 =	vor.u32 $0x1, v37;
	v41 =	vxor.u32 v49, v32;
	v33 =	vadd.s32 $0x6004AF2A, v49;
	[tilespmem:s11+$0x80] =	vst v16  }
0x360: {  	v42 =	vsub.f32 $1.000000000e+00, v15;
	v43 =	vmul.f32 v14, v38;
	v44 =	vmul.f32 v14, v9;
	v14 =	vld.idx.msk [tilespmem:v39+s20+$0x0], $0xffff  }
0x361: {  	v16 =	vmul.f32 v13, v38;
	v38 =	vand.u32 $0xFFFE, v41;
	v39 =	vxor.u32 v54, v33;
	v30 =	vld.idx.msk [tilespmem:v30+s20+$0x0], $0xffff  }
0x362: {  	v41 =	vmul.f32 v42, v43;
	v45 =	vmul.f32 v42, v44;
	v46 =	vor.u32 $0x1, v38;
	v31 =	vld.idx.msk [tilespmem:v31+s20+$0x0], $0xffff  }
0x363: {  	v23 =	vmul.f32 v28, v23;
	v28 =	vmul.f32 v29, v24;
	v39 =	vand.u32 $0xFFFE, v39;
	v34 =	vld.idx.msk [tilespmem:v34+s20+$0x0], $0xffff  }
0x364: {  	v36 =	vxor.u32 v36, v33;
	v47 =	vor.u32 $0x1, v39;
	v29 =	vld.idx.msk [tilespmem:v37+s20+$0x0], $0xffff;
	v37 =	vmul.f32 v42, v16  }
0x365: {  	v23 =	vadd.f32 v28, v23;
	v24 =	vmul.f32 v13, v9;
	v9 =	vand.u32 $0xFFFE, v36;
	v13 =	vld.idx.msk [tilespmem:v40+s20+$0x0], $0xffff  }
0x366: {  	v21 =	vmul.f32 v27, v21;
	v36 =	vor.u32 $0x1, v9;
	v14 =	vmul.f32 v14, v41;
	v28 =	vld.idx.msk [tilespmem:v38+s20+$0x0], $0xffff  }
0x367: {  	v35 =	vxor.u32 v33, v35;
	v27 =	vmul.f32 v30, v41;
	v38 =	vmul.f32 v42, v24;
	v30 =	vld.idx.msk [tilespmem:v46+s20+$0x0], $0xffff  }
0x368: {  	v21 =	vadd.f32 v21, v23;
	v35 =	vand.u32 $0xFFFE, v35;
	v31 =	vmul.f32 v31, v45;
	v39 =	vld.idx.msk [tilespmem:v39+s20+$0x0], $0xffff  }
0x369: {  	v26 =	vmul.f32 v26, v22;
	v40 =	vor.u32 $0x1, v35;
	v23 =	vmul.f32 v34, v45;
	v34 =	vld.idx.msk [tilespmem:v47+s20+$0x0], $0xffff  }
0x36a: {  	v14 =	vadd.f32 v31, v14;
	v22 =	vmul.f32 v29, v37;
	v29 =	vxor.u32 v33, v32;
	v9 =	vld.idx.msk [tilespmem:v9+s20+$0x0], $0xffff  }
0x36b: {  	v31 =	vmul.f32 v43, v15;
	v23 =	vadd.f32 v23, v27;
	v27 =	vmul.f32 v13, v37;
	v13 =	vld.idx.msk [tilespmem:v36+s20+$0x0], $0xffff  }
.Ltmp4:
0x36c: {  	v32 =	vadd.f32 v22, v14;
	v28 =	vmul.f32 v28, v38;
	v14 =	vand.u32 $0xFFFE, v29;
	(pc) =	sbr.rel @p1 .LBB2_11-.Ltmp4, $4  }
0x36d: {  	v26 =	vadd.f32 v26, v21;
	v23 =	vadd.f32 v27, v23;
	v27 =	vmul.f32 v30, v38;
	v22 =	vld.idx.msk [tilespmem:v35+s20+$0x0], $0xffff  }
0x36e: {  	v29 =	vadd.f32 v28, v32;
	v30 =	vmul.f32 v39, v31;
	v32 =	vmul.f32 v25, v20;
	v21 =	vld.idx.msk [tilespmem:v40+s20+$0x0], $0xffff  }
0x36f: {  	v20 =	vor.u32 $0x1, v14;
	v27 =	vadd.f32 v27, v23;
	v28 =	vmul.f32 v34, v31  }
0x370: {  	s8 =	sadd.s32 $0x20, s8;
	v23 =	vmul.f32 v44, v15;
	v25 =	vadd.f32 v30, v29;
	v26 =	vadd.f32 v32, v26  }
0x371: {  	_ =	sdelay $0x2  }
0x372: {  	v12 =	vmul.f32 v19, v12  }
0x373: {  	v16 =	vmul.f32 v15, v16;
	v14 =	vld.idx.msk [tilespmem:v14+s20+$0x0], $0xffff;
	v10 =	vmul.f32 v18, v10  }
0x374: {  	v19 =	vadd.f32 v28, v27;
	v18 =	vld.idx.msk [tilespmem:v20+s20+$0x0], $0xffff;
	v15 =	vmul.f32 v15, v24;
	v9 =	vmul.f32 v9, v23  }
0x375: {  	v11 =	vmul.f32 v17, v11;
	v13 =	vmul.f32 v13, v23;
	v12 =	vadd.f32 v12, v26  }
0x376: {  	v6 =	vmul.f32 v8, v6;
	v20 =	vmul.f32 v22, v16;
	v9 =	vadd.f32 v9, v25  }
0x377: {  	v10 =	vadd.f32 v10, v12;
	v12 =	vadd.f32 v13, v19;
	v13 =	vmul.f32 v21, v16  }
0x378: {  	v6 =	vadd.f32 v6, v7;
	v8 =	vadd.f32 v20, v9;
	v9 =	vmul.f32 v14, v15  }
0x379: {  	v7 =	vmul.f32 v18, v15;
	v10 =	vadd.f32 v11, v10;
	v11 =	vadd.f32 v13, v12  }
0x37a: {  	[tilespmem:s15+$0x180] =	vst v6;
	v8 =	vadd.f32 v9, v8  }
0x37b: {  	[tilespmem:s11+$0x110] =	vst v10;
	v6 =	vadd.f32 v7, v11  }
0x37c: {  	[tilespmem:s11+$0x100] =	vst v8  }
0x37d: {  	s5 =	sadd.s32 s1, s9;
	s15 =	sadd.s32 s16, s13;
	[tilespmem:s11+$0x180] =	vst v6  }
0x37e: {  	[hbm4b:s5+s2] =	stream.linear.scatter [tilespmem:s31], [sflag:$0x3], $0x400, $0x38;
	[tilespmem:$0x1FD80] =	vst v63  }
0x37f: {  	s5 =	smin.u32 s15, $0x1E84  }
0x380: {  	s5 =	sshll.u32 s5, $0x7  }
0x381: {  	s5 =	smin.u32 s5, $0xF41C0  }
0x382: {  	s5 =	sshrl.u32 s5, $0x3  }
0x383: {  	s5 =	sadd.s32 s4, s5  }
0x384: {  	[tilespmem:s23], [sflag:$0x1] =	stream.linear.gather [hbm4b:s5+s2], $0x80, $0x38;
	[tilespmem:$0x1FD80] =	vst v63  }
0x385: {  	s7 =	sadd.s32 $0x1E848, s5  }
0x386: {  	[tilespmem:s24], [sflag:$0x1] =	stream.linear.gather [hbm4b:s7+s2], $0x80, $0x38;
	[tilespmem:$0x1FD80] =	vst v63  }
0x387: {  	s5 =	sadd.s32 $0x3D090, s5  }
0x388: {  	[tilespmem:s25], [sflag:$0x1] =	stream.linear.gather [hbm4b:s5+s2], $0x80, $0x38;
	[tilespmem:$0x1FD80] =	vst v63  }
0x389: {  	_ =	swait.ge [sflag:s0], $0x180  }
0x38a: {  	[sflag:s0] =	ssyncset.done $0x0  }
0x38b: {  	s5 =	simm.s32 @!p0 $0x4;
	[sflag:s0] =	ssyncadd.s32 $0xFFFFFE80  }
0x38c: {  	_ =	swait.ge @!p0 [sflag:s5], $0x400  }
0x38d: {  	p1 =	slt.s32 s18, $0x70;
	s8 =	smov.u32 s18;
	[sflag:s5] =	ssyncset.done @!p0 $0x0  }
0x38e: {  	s8 =	simm.s32 @!p1 $0x70;
	s7 =	sadd.s32 $0x10, s18;
	[sflag:s5] =	ssyncadd.s32 @!p0 $0xFFFFFC00  }
0x38f: {  	p0 =	slt.s32 s7, $0x70;
	v6 =	vld [tilespmem:s8+$0x1F400]  }
0x390: {  	s7 =	simm.s32 @!p0 $0x70;
	v7 =	vld [tilespmem:s8+$0x1F480]  }
0x391: {  	v16 =	vld [tilespmem:s7+$0x1F400]  }
0x392: {  	v18 =	vld [tilespmem:s7+$0x1F480]  }
0x393: {  	v19 =	vld [tilespmem:s7+$0x1F500]  }
0x394: {  	v11 =	vmul.f32 $1.200000000e+01, v6  }
0x395: {  	v10 =	vmul.f32 $1.800000000e+01, v6;
	v9 =	vmul.f32 $2.700000000e+01, v6  }
0x396: {  	v21 =	vmul.f32 $1.200000000e+01, v7;
	v6 =	vmul.f32 $4.000000000e+01, v6  }
0x397: {  	v20 =	vmul.f32 $1.200000000e+01, v16;
	v22 =	vmul.f32 $1.200000000e+01, v18  }
0x398: {  	v23 =	vmul.f32 $1.200000000e+01, v19;
	v33 =	vmul.f32 $1.800000000e+01, v18  }
0x399: {  	v34 =	vmul.f32 $1.800000000e+01, v16;
	v13 =	vtrunc.f32 v20  }
0x39a: {  	v8 =	vld [tilespmem:s8+$0x1F500];
	v12 =	vtrunc.f32 v11;
	v17 =	vcvt.f32.s32 v13  }
0x39b: {  	v14 =	vcvt.f32.s32 v12;
	v12 =	vtrunc.f32 v22  }
0x39c: {  	v39 =	vtrunc.f32 v33;
	v24 =	vcvt.f32.s32 v12;
	v15 =	vmul.u32 $0xD, v17  }
0x39d: {  	v41 =	vtrunc.f32 v34;
	v13 =	vtrunc.f32 v21;
	v25 =	vmul.u32 $0xD, v14  }
0x39e: {  	v26 =	vcvt.s32.f32 v14;
	v14 =	vtrunc.f32 v23;
	v15 =	vadd.s32 v24, v15  }
0x39f: {  	v12 =	vmul.f32 $1.200000000e+01, v8;
	v28 =	vcvt.f32.s32 v14;
	v15 =	vmul.u32 $0xD, v15  }
0x3a0: {  	v39 =	vcvt.f32.s32 v39;
	v57 =	vcvt.f32.s32 v41  }
0x3a1: {  	v13 =	vcvt.f32.s32 v13;
	v27 =	vtrunc.f32 v12;
	v29 =	vadd.s32 v28, v15  }
0x3a2: {  	v31 =	vcvt.s32.f32 v17;
	v17 =	vmul.f32 $4.000000000e+01, v18  }
0x3a3: {  	v59 =	vmul.u32 $0x13, v57;
	v14 =	vcvt.f32.s32 v27;
	v30 =	vadd.s32 $0xA9, v29  }
0x3a4: {  	v27 =	vcvt.s32.f32 v13;
	v25 =	vadd.s32 v13, v25;
	v24 =	vcvt.s32.f32 v24  }
0x3a5: {  	v13 =	vsub.f32 v11, v26;
	v28 =	vcvt.s32.f32 v28;
	v32 =	vadd.s32 $0xD, v29  }
0x3a6: {  	v26 =	vmul.f32 $1.800000000e+01, v19;
	v20 =	vsub.f32 v20, v31;
	v22 =	vsub.f32 v22, v24;
	v31 =	vld.idx.msk [tilespmem:v29+s2+$0x0], $0xffff  }
0x3a7: {  	v18 =	vmul.f32 $2.700000000e+01, v18;
	v23 =	vsub.f32 v23, v28;
	v28 =	vadd.s32 $0xB6, v29;
	v35 =	vld.idx.msk [tilespmem:v29+s22+$0x0], $0xffff  }
0x3a8: {  	v24 =	vtrunc.f32 v26;
	v36 =	vsub.f32 $1.000000000e+00, v20;
	v37 =	vsub.f32 $1.000000000e+00, v22;
	v38 =	vld.idx.msk [tilespmem:v30+s2+$0x0], $0xffff  }
0x3a9: {  	v11 =	vmul.f32 $4.000000000e+01, v19;
	v44 =	vcvt.f32.s32 v24;
	v40 =	vadd.s32 $0x1, v29;
	v30 =	vld.idx.msk [tilespmem:v30+s22+$0x0], $0xffff  }
0x3aa: {  	v43 =	vmul.f32 v37, v36;
	v37 =	vmul.f32 v37, v20;
	v42 =	vsub.f32 $1.000000000e+00, v23;
	v45 =	vld.idx.msk [tilespmem:v32+s2+$0x0], $0xffff  }
0x3ab: {  	v46 =	vadd.s32 $0xAA, v29;
	v36 =	vmul.f32 v22, v36;
	v20 =	vmul.f32 v22, v20;
	v32 =	vld.idx.msk [tilespmem:v32+s22+$0x0], $0xffff  }
0x3ac: {  	v24 =	vsub.f32 v21, v27;
	v47 =	vmul.f32 v42, v43;
	v48 =	vmul.f32 v42, v37;
	v21 =	vld.idx.msk [tilespmem:v28+s2+$0x0], $0xffff  }
0x3ad: {  	v22 =	vmul.f32 v42, v36;
	v42 =	vmul.f32 v42, v20;
	v27 =	vld.idx.msk [tilespmem:v28+s22+$0x0], $0xffff;
	v28 =	vadd.s32 $0xE, v29  }
0x3ae: {  	v25 =	vmul.u32 $0xD, v25;
	v49 =	vld.idx.msk [tilespmem:v40+s2+$0x0], $0xffff;
	v31 =	vmul.f32 v47, v31;
	v38 =	vmul.f32 v48, v38  }
0x3af: {  	v62 =	vadd.s32 v39, v59;
	v40 =	vld.idx.msk [tilespmem:v40+s22+$0x0], $0xffff;
	v35 =	vmul.f32 v47, v35;
	v30 =	vmul.f32 v48, v30  }
0x3b0: {  	v54 =	vld.idx.msk [tilespmem:v46+s2+$0x0], $0xffff;
	v29 =	vadd.s32 $0xB7, v29;
	v53 =	vmul.f32 v22, v45;
	v31 =	vadd.f32 v38, v31  }
0x3b1: {  	v15 =	vmul.f32 $4.000000000e+01, v16;
	v55 =	vld.idx.msk [tilespmem:v46+s22+$0x0], $0xffff;
	v22 =	vmul.f32 v32, v22;
	v30 =	vadd.f32 v30, v35  }
0x3b2: {  	v56 =	vmul.f32 v43, v23;
	v21 =	vmul.f32 v21, v42;
	v58 =	vld.idx.msk [tilespmem:v28+s2+$0x0], $0xffff;
	v31 =	vadd.f32 v31, v53  }
0x3b3: {  	v16 =	vmul.f32 $2.700000000e+01, v16;
	v27 =	vmul.f32 v27, v42;
	v28 =	vld.idx.msk [tilespmem:v28+s22+$0x0], $0xffff;
	v22 =	vadd.f32 v30, v22  }
0x3b4: {  	v30 =	vmul.f32 v49, v56;
	v21 =	vadd.f32 v31, v21;
	v31 =	vmul.f32 v37, v23  }
0x3b5: {  	v61 =	vmul.f32 v23, v36;
	v60 =	vld.idx.msk [tilespmem:v29+s2+$0x0], $0xffff;
	v22 =	vadd.f32 v27, v22;
	v27 =	vmul.f32 v40, v56  }
0x3b6: {  	v20 =	vmul.f32 v23, v20;
	v29 =	vld.idx.msk [tilespmem:v29+s22+$0x0], $0xffff;
	v21 =	vadd.f32 v30, v21;
	v30 =	vmul.f32 v54, v31  }
0x3b7: {  	v23 =	vmul.u32 $0x13, v62;
	v22 =	vadd.f32 v27, v22;
	v27 =	vmul.f32 v55, v31  }
0x3b8: {  	v28 =	vmul.f32 v28, v61;
	v21 =	vadd.f32 v30, v21;
	v30 =	vmul.f32 v58, v61  }
0x3b9: {  	v40 =	vtrunc.f32 v16;
	v23 =	vadd.s32 v44, v23;
	v22 =	vadd.f32 v27, v22  }
0x3ba: {  	v27 =	vadd.s32 v14, v25;
	v25 =	vmul.f32 v60, v20;
	v21 =	vadd.f32 v30, v21  }
0x3bb: {  	v20 =	vmul.f32 v29, v20;
	v29 =	vadd.s32 $0x895, v23;
	v22 =	vadd.f32 v28, v22  }
0x3bc: {  	v19 =	vmul.f32 $2.700000000e+01, v19;
	v40 =	vcvt.f32.s32 v40;
	v21 =	vadd.f32 v25, v21  }
0x3bd: {  	s15 =	simm.s32 $0x1FB80;
	v31 =	vtrunc.f32 v11;
	v30 =	vcvt.s32.f32 v39;
	v20 =	vadd.f32 v20, v22  }
0x3be: {  	v54 =	vtrunc.f32 v18;
	v22 =	vadd.s32 $0x9FE, v23;
	v25 =	vcvt.s32.f32 v57;
	[tilespmem:s15+$0xFFFFFE10] =	vst v21  }
0x3bf: {  	v38 =	vcvt.f32.s32 v54;
	v49 =	vcvt.s32.f32 v40;
	v63 =	vsub.f32 v33, v30;
	[tilespmem:s15+$0xFFFFFE90] =	vst v20  }
0x3c0: {  	v21 =	vcvt.s32.f32 v44;
	v20 =	vadd.s32 $0x8A8, v23;
	v25 =	vsub.f32 v34, v25;
	v34 =	vld.idx.msk [tilespmem:v29+s2+$0x0], $0xffff  }
0x3c1: {  	v14 =	vcvt.s32.f32 v14;
	v33 =	vtrunc.f32 v15;
	v35 =	vld.idx.msk [tilespmem:v29+s22+$0x0], $0xffff;
	v29 =	vsub.f32 $1.000000000e+00, v63  }
0x3c2: {  	v21 =	vsub.f32 v26, v21;
	v26 =	vadd.s32 $0xA11, v23;
	v52 =	vsub.f32 $1.000000000e+00, v25  }
0x3c3: {  	v55 =	vadd.s32 $0x896, v23;
	v30 =	vtrunc.f32 v19;
	v48 =	vcvt.f32.s32 v33;
	v53 =	vld.idx.msk [tilespmem:v22+s2+$0x0], $0xffff  }
0x3c4: {  	v22 =	vld.idx.msk [tilespmem:v22+s22+$0x0], $0xffff;
	v43 =	vmul.f32 v29, v25;
	v56 =	vsub.f32 $1.000000000e+00, v21;
	v57 =	vmul.f32 v29, v52  }
0x3c5: {  	v59 =	vadd.s32 $0x9FF, v23;
	v44 =	vcvt.f32.s32 v30;
	v36 =	vmul.f32 v63, v52;
	v58 =	vld.idx.msk [tilespmem:v20+s2+$0x0], $0xffff  }
0x3c6: {  	v50 =	vadd.s32 $0x8A9, v23;
	v20 =	vld.idx.msk [tilespmem:v20+s22+$0x0], $0xffff;
	v60 =	vmul.f32 v56, v57;
	v61 =	vmul.f32 v56, v43  }
0x3c7: {  	v16 =	vsub.f32 v16, v49;
	v25 =	vmul.f32 v63, v25;
	v63 =	vmul.f32 v56, v36;
	v62 =	vld.idx.msk [tilespmem:v26+s2+$0x0], $0xffff  }
0x3c8: {  	v28 =	vadd.s32 $0xA9, v27;
	v26 =	vld.idx.msk [tilespmem:v26+s22+$0x0], $0xffff;
	v34 =	vmul.f32 v34, v60;
	v37 =	vmul.f32 v53, v61  }
0x3c9: {  	v51 =	vld.idx.msk [tilespmem:v55+s2+$0x0], $0xffff;
	v23 =	vadd.s32 $0xA12, v23;
	v35 =	vmul.f32 v35, v60;
	v22 =	vmul.f32 v22, v61  }
0x3ca: {  	v39 =	vld.idx.msk [tilespmem:v55+s22+$0x0], $0xffff;
	v41 =	vmul.f32 v56, v25;
	v34 =	vadd.f32 v37, v34;
	v52 =	vmul.f32 v58, v63  }
0x3cb: {  	v30 =	vsub.f32 $1.000000000e+00, v24;
	v53 =	vld.idx.msk [tilespmem:v59+s2+$0x0], $0xffff;
	v22 =	vadd.f32 v22, v35;
	v20 =	vmul.f32 v20, v63  }
0x3cc: {  	v54 =	vld.idx.msk [tilespmem:v59+s22+$0x0], $0xffff;
	v56 =	vmul.f32 v57, v21;
	v34 =	vadd.f32 v52, v34;
	v55 =	vmul.f32 v62, v41  }
0x3cd: {  	v57 =	vld.idx.msk [tilespmem:v50+s2+$0x0], $0xffff;
	v36 =	vmul.f32 v21, v36;
	v20 =	vadd.f32 v20, v22;
	v22 =	vmul.f32 v26, v41  }
0x3ce: {  	v59 =	vmul.f32 v43, v21;
	v58 =	vmul.f32 v51, v56;
	v26 =	vld.idx.msk [tilespmem:v50+s22+$0x0], $0xffff;
	v34 =	vadd.f32 v55, v34  }
0x3cf: {  	v60 =	vmul.u32 $0x1C, v40;
	v61 =	vld.idx.msk [tilespmem:v23+s2+$0x0], $0xffff;
	v20 =	vadd.f32 v22, v20;
	v22 =	vmul.f32 v39, v56  }
0x3d0: {  	v23 =	vld.idx.msk [tilespmem:v23+s22+$0x0], $0xffff;
	v21 =	vmul.f32 v21, v25;
	v62 =	vmul.f32 v53, v59;
	v34 =	vadd.f32 v58, v34  }
0x3d1: {  	v63 =	vadd.s32 v38, v60;
	v20 =	vadd.f32 v22, v20;
	v22 =	vmul.f32 v54, v59  }
0x3d2: {  	v45 =	vmul.f32 v57, v36;
	v25 =	vmul.u32 $0x1C, v63;
	v43 =	vadd.f32 v62, v34  }
0x3d3: {  	v50 =	vcvt.s32.f32 v38;
	v20 =	vadd.f32 v22, v20;
	v22 =	vmul.f32 v26, v36  }
0x3d4: {  	v47 =	vmul.f32 v61, v21;
	v25 =	vadd.s32 v44, v25;
	v32 =	vadd.f32 v45, v43  }
0x3d5: {  	v21 =	vmul.f32 v23, v21;
	v23 =	vadd.s32 $0x2360, v25;
	v20 =	vadd.f32 v22, v20  }
0x3d6: {  	v18 =	vsub.f32 v18, v50;
	v22 =	vcvt.f32.s32 v31;
	v31 =	vadd.f32 v47, v32  }
0x3d7: {  	v53 =	vsub.f32 $1.000000000e+00, v16;
	v51 =	vadd.s32 $0x237C, v25;
	v20 =	vadd.f32 v21, v20  }
0x3d8: {  	v29 =	vsub.f32 $1.000000000e+00, v13;
	v56 =	vadd.s32 $0x2361, v25;
	v54 =	vsub.f32 $1.000000000e+00, v18;
	[tilespmem:s15+$0xFFFFFF10] =	vst v31  }
0x3d9: {  	v37 =	vmul.f32 v18, v53;
	v26 =	vtrunc.f32 v17;
	v21 =	vadd.s32 $0x2670, v25;
	[tilespmem:s15+$0xFFFFFF90] =	vst v20  }
0x3da: {  	v63 =	vadd.s32 $0x237D, v25;
	v26 =	vcvt.f32.s32 v26;
	v31 =	vcvt.s32.f32 v44;
	v52 =	vld.idx.msk [tilespmem:v23+s2+$0x0], $0xffff  }
0x3db: {  	v59 =	vadd.s32 $0x2671, v25;
	v42 =	vmul.f32 v54, v53;
	v38 =	vmul.f32 v54, v16;
	v23 =	vld.idx.msk [tilespmem:v23+s22+$0x0], $0xffff  }
0x3dc: {  	v16 =	vmul.f32 v18, v16;
	v34 =	vcvt.s32.f32 v26;
	v58 =	vld.idx.msk [tilespmem:v51+s2+$0x0], $0xffff;
	v19 =	vsub.f32 v19, v31  }
0x3dd: {  	v26 =	vmul.u32 $0x3C6EF362, v26;
	v35 =	vcvt.s32.f32 v22;
	v36 =	vld.idx.msk [tilespmem:v51+s22+$0x0], $0xffff;
	v31 =	vadd.s32 $0x268C, v25  }
0x3de: {  	v22 =	vmul.u32 $0x6004AF2A, v22;
	v32 =	vshll.u32 v48, $0x1;
	v55 =	vld.idx.msk [tilespmem:v21+s2+$0x0], $0xffff;
	v57 =	vsub.f32 $1.000000000e+00, v19  }
0x3df: {  	v43 =	vadd.s32 $0x2, v32;
	v17 =	vsub.f32 v17, v34;
	v20 =	vcvt.s32.f32 v48;
	v21 =	vld.idx.msk [tilespmem:v21+s22+$0x0], $0xffff  }
0x3e0: {  	v48 =	vadd.s32 $0x3C6EF362, v26;
	v40 =	vld.idx.msk [tilespmem:v56+s22+$0x0], $0xffff;
	v60 =	vmul.f32 v57, v42;
	v61 =	vmul.f32 v57, v38  }
0x3e1: {  	v34 =	vadd.s32 $0x6004AF2A, v22;
	v18 =	vmul.f32 v57, v37;
	v41 =	vmul.f32 v57, v16;
	v57 =	vld.idx.msk [tilespmem:v59+s2+$0x0], $0xffff  }
0x3e2: {  	v35 =	vsub.f32 v11, v35;
	v51 =	vxor.u32 v32, v26;
	v26 =	vxor.u32 v26, v43;
	v62 =	vld.idx.msk [tilespmem:v31+s2+$0x0], $0xffff  }
0x3e3: {  	v25 =	vadd.s32 $0x268D, v25;
	v31 =	vld.idx.msk [tilespmem:v31+s22+$0x0], $0xffff;
	v33 =	vmul.f32 v52, v60;
	v39 =	vmul.f32 v55, v61  }
0x3e4: {  	v45 =	vxor.u32 v22, v51;
	v52 =	vld.idx.msk [tilespmem:v56+s2+$0x0], $0xffff;
	v23 =	vmul.f32 v23, v60;
	v21 =	vmul.f32 v21, v61  }
0x3e5: {  	v15 =	vsub.f32 v15, v20;
	v56 =	vmul.f32 v58, v18;
	v60 =	vld.idx.msk [tilespmem:v63+s2+$0x0], $0xffff;
	v33 =	vadd.f32 v39, v33  }
0x3e6: {  	v11 =	vxor.u32 v51, v34;
	v18 =	vmul.f32 v36, v18;
	v61 =	vld.idx.msk [tilespmem:v63+s22+$0x0], $0xffff;
	v21 =	vadd.f32 v21, v23  }
0x3e7: {  	v23 =	vld.idx.msk [tilespmem:v59+s22+$0x0], $0xffff;
	v59 =	vmul.f32 v42, v19;
	v33 =	vadd.f32 v56, v33;
	v58 =	vmul.f32 v62, v41  }
0x3e8: {  	v38 =	vmul.f32 v38, v19;
	v63 =	vld.idx.msk [tilespmem:v25+s2+$0x0], $0xffff;
	v18 =	vadd.f32 v18, v21;
	v21 =	vmul.f32 v31, v41  }
0x3e9: {  	v37 =	vmul.f32 v19, v37;
	v25 =	vld.idx.msk [tilespmem:v25+s22+$0x0], $0xffff;
	v62 =	vmul.f32 v52, v59;
	v33 =	vadd.f32 v58, v33  }
0x3ea: {  	v19 =	vmul.f32 v19, v16;
	v18 =	vadd.f32 v21, v18;
	v21 =	vmul.f32 v40, v59  }
0x3eb: {  	v46 =	vmul.f32 v57, v38;
	v31 =	vxor.u32 v32, v48;
	v33 =	vadd.f32 v62, v33  }
0x3ec: {  	v47 =	vmul.f32 v60, v37;
	v18 =	vadd.f32 v21, v18;
	v21 =	vmul.f32 v23, v38  }
0x3ed: {  	v32 =	vmul.f32 v61, v37;
	v49 =	vmul.f32 v63, v19;
	v33 =	vadd.f32 v46, v33  }
0x3ee: {  	v19 =	vmul.f32 v25, v19;
	v62 =	vadd.s32 $0xB6, v27;
	v21 =	vadd.f32 v21, v18  }
0x3ef: {  	v23 =	vxor.u32 v22, v26;
	v18 =	vand.u32 $0xFFFE, v45;
	v33 =	vadd.f32 v47, v33  }
0x3f0: {  	v16 =	vand.u32 $0xFFFE, v23;
	v25 =	vor.u32 $0x1, v18;
	v21 =	vadd.f32 v32, v21  }
0x3f1: {  	v11 =	vand.u32 $0xFFFE, v11;
	v52 =	vor.u32 $0x1, v16;
	v50 =	vadd.f32 v49, v33  }
0x3f2: {  	v36 =	vxor.u32 v43, v48;
	v55 =	vor.u32 $0x1, v11;
	v21 =	vadd.f32 v19, v21  }
0x3f3: {  	v56 =	vsub.f32 $1.000000000e+00, v35;
	v48 =	vmul.f32 v30, v29;
	v29 =	vmul.f32 v24, v29;
	v47 =	vld.idx.msk [tilespmem:v62+s22+$0x0], $0xffff;
	[tilespmem:s15+$0x10] =	vst v50  }
0x3f4: {  	v30 =	vmul.f32 v30, v13;
	v41 =	vmul.f32 $1.800000000e+01, v7;
	v61 =	vadd.s32 $0xD, v27;
	v49 =	vld.idx.msk [tilespmem:v27+s2+$0x0], $0xffff;
	[tilespmem:s15+$0x90] =	vst v21  }
0x3f5: {  	v40 =	vsub.f32 v12, v14;
	v12 =	vxor.u32 v34, v36;
	v23 =	vxor.u32 v22, v31;
	v54 =	vld.idx.msk [tilespmem:v25+s20+$0x0], $0xffff  }
0x3f6: {  	v19 =	vand.u32 $0xFFFE, v23;
	v23 =	vxor.u32 v22, v36;
	v22 =	vsub.f32 $1.000000000e+00, v17;
	v33 =	vld.idx.msk [tilespmem:v52+s20+$0x0], $0xffff  }
0x3f7: {  	v38 =	vmul.f32 v17, v15;
	v45 =	vsub.f32 $1.000000000e+00, v40;
	v21 =	vsub.f32 $1.000000000e+00, v15;
	v39 =	vld.idx.msk [tilespmem:v55+s20+$0x0], $0xffff  }
0x3f8: {  	v20 =	vor.u32 $0x1, v19;
	v23 =	vand.u32 $0xFFFE, v23;
	v58 =	vmul.f32 v22, v15;
	v52 =	vld.idx.msk [tilespmem:v27+s22+$0x0], $0xffff  }
0x3f9: {  	v53 =	vor.u32 $0x1, v23;
	v55 =	vtrunc.f32 v41;
	v18 =	vld.idx.msk [tilespmem:v18+s20+$0x0], $0xffff;
	v57 =	vmul.f32 v22, v21  }
0x3fa: {  	v25 =	vxor.u32 v26, v34;
	v16 =	vld.idx.msk [tilespmem:v16+s20+$0x0], $0xffff;
	v43 =	vmul.f32 v17, v21;
	v22 =	vmul.f32 v56, v58  }
0x3fb: {  	v17 =	vxor.u32 v34, v31;
	v31 =	vld.idx.msk [tilespmem:v28+s2+$0x0], $0xffff;
	v34 =	vmul.f32 v24, v13;
	v14 =	vmul.f32 v58, v35  }
0x3fc: {  	v25 =	vand.u32 $0xFFFE, v25;
	v28 =	vld.idx.msk [tilespmem:v28+s22+$0x0], $0xffff;
	v13 =	vmul.f32 v45, v30;
	v30 =	vmul.f32 v30, v40  }
0x3fd: {  	v59 =	vor.u32 $0x1, v25;
	v26 =	vand.u32 $0xFFFE, v17;
	v19 =	vld.idx.msk [tilespmem:v19+s20+$0x0], $0xffff;
	v21 =	vmul.f32 v56, v57  }
0x3fe: {  	v17 =	vmul.f32 v56, v38;
	v15 =	vld.idx.msk [tilespmem:v20+s20+$0x0], $0xffff;
	v20 =	vmul.f32 v56, v43;
	v60 =	vor.u32 $0x1, v26  }
0x3ff: {  	v24 =	vand.u32 $0xFFFE, v12;
	v58 =	vld.idx.msk [tilespmem:v61+s22+$0x0], $0xffff;
	v12 =	vmul.f32 v35, v43;
	v37 =	vmul.f32 v54, v21  }
0x400: {  	v32 =	vld.idx.msk [tilespmem:v53+s20+$0x0], $0xffff;
	v33 =	vmul.f32 v33, v22;
	v18 =	vmul.f32 v18, v21  }
0x401: {  	v23 =	vld.idx.msk [tilespmem:v23+s20+$0x0], $0xffff;
	v16 =	vmul.f32 v16, v22;
	v31 =	vmul.f32 v13, v31  }
0x402: {  	v53 =	vadd.s32 $0xE, v27;
	v44 =	vld.idx.msk [tilespmem:v59+s20+$0x0], $0xffff;
	v59 =	vmul.f32 v45, v48;
	v19 =	vmul.f32 v19, v20  }
0x403: {  	v51 =	vadd.s32 $0x1, v27;
	v63 =	vmul.f32 v15, v20;
	v15 =	vmul.f32 v57, v35;
	v56 =	vld.idx.msk [tilespmem:v60+s20+$0x0], $0xffff  }
0x404: {  	v46 =	vor.u32 $0x1, v24;
	v57 =	vld.idx.msk [tilespmem:v61+s2+$0x0], $0xffff;
	v61 =	vmul.f32 v13, v28;
	v13 =	vmul.f32 v35, v38  }
0x405: {  	v60 =	vld.idx.msk [tilespmem:v62+s2+$0x0], $0xffff;
	v62 =	vadd.s32 $0xAA, v27;
	v32 =	vmul.f32 v32, v17;
	v49 =	vmul.f32 v59, v49  }
0x406: {  	v11 =	vld.idx.msk [tilespmem:v11+s20+$0x0], $0xffff;
	v33 =	vadd.f32 v33, v37;
	v37 =	vmul.f32 v59, v52;
	v59 =	vmul.f32 v48, v40  }
0x407: {  	v16 =	vadd.f32 v16, v18;
	v52 =	vld.idx.msk [tilespmem:v53+s2+$0x0], $0xffff;
	v48 =	vcvt.f32.s32 v55;
	v17 =	vmul.f32 v23, v17  }
0x408: {  	v33 =	vadd.f32 v63, v33;
	v63 =	vmul.f32 v45, v29;
	v28 =	vmul.f32 v56, v12;
	v56 =	vld.idx.msk [tilespmem:v51+s2+$0x0], $0xffff  }
0x409: {  	v27 =	vadd.s32 $0xB7, v27;
	v36 =	vmul.f32 v39, v15;
	v45 =	vmul.f32 v45, v34;
	v51 =	vld.idx.msk [tilespmem:v51+s22+$0x0], $0xffff  }
0x40a: {  	v29 =	vmul.f32 v40, v29;
	v37 =	vadd.f32 v61, v37;
	v35 =	vmul.f32 v58, v63;
	v61 =	vld.idx.msk [tilespmem:v62+s2+$0x0], $0xffff  }
0x40b: {  	v34 =	vmul.f32 v40, v34;
	v31 =	vadd.f32 v31, v49;
	v39 =	vmul.f32 v63, v57;
	v62 =	vld.idx.msk [tilespmem:v62+s22+$0x0], $0xffff  }
0x40c: {  	v54 =	vld.idx.msk [tilespmem:v53+s22+$0x0], $0xffff;
	v11 =	vmul.f32 v11, v15;
	v58 =	vmul.f32 v47, v45;
	v35 =	vadd.f32 v37, v35  }
0x40d: {  	v57 =	vmul.f32 v60, v45;
	v60 =	vtrunc.f32 v10;
	v31 =	vadd.f32 v31, v39  }
0x40e: {  	v39 =	vcvt.f32.s32 v60;
	v35 =	vadd.f32 v58, v35;
	v63 =	vmul.f32 v51, v59  }
0x40f: {  	v31 =	vadd.f32 v31, v57;
	v38 =	vmul.f32 v56, v59;
	v56 =	vmul.f32 $1.800000000e+01, v8  }
0x410: {  	v47 =	vmul.f32 v61, v30;
	v30 =	vmul.f32 v62, v30;
	v35 =	vadd.f32 v63, v35  }
0x411: {  	v60 =	vmul.f32 v52, v29;
	v29 =	vmul.f32 v54, v29;
	v57 =	vld.idx.msk [tilespmem:v27+s2+$0x0], $0xffff;
	v58 =	vmul.u32 $0x13, v39  }
0x412: {  	v27 =	vld.idx.msk [tilespmem:v27+s22+$0x0], $0xffff;
	v31 =	vadd.f32 v38, v31;
	v59 =	vtrunc.f32 v56;
	v30 =	vadd.f32 v30, v35  }
0x413: {  	v39 =	vcvt.s32.f32 v39;
	v61 =	vadd.s32 v48, v58;
	v62 =	vcvt.f32.s32 v59  }
0x414: {  	v31 =	vadd.f32 v47, v31;
	v29 =	vadd.f32 v29, v30;
	v30 =	vmul.u32 $0x13, v61  }
0x415: {  	v44 =	vmul.f32 v44, v14;
	v10 =	vsub.f32 v10, v39;
	v63 =	vld.idx.msk [tilespmem:v46+s20+$0x0], $0xffff;
	v46 =	vcvt.s32.f32 v48  }
0x416: {  	v40 =	vmul.f32 v57, v34;
	v31 =	vadd.f32 v60, v31;
	v30 =	vadd.s32 v62, v30  }
0x417: {  	v49 =	vsub.f32 $1.000000000e+00, v10;
	v27 =	vmul.f32 v27, v34;
	v51 =	vadd.s32 $0x895, v30  }
0x418: {  	v52 =	vtrunc.f32 v9;
	v47 =	vsub.f32 v41, v46;
	v31 =	vadd.f32 v40, v31  }
0x419: {  	v48 =	vcvt.s32.f32 v62;
	v27 =	vadd.f32 v27, v29;
	v53 =	vadd.s32 $0x9FE, v30  }
0x41a: {  	v38 =	vcvt.f32.s32 v52;
	v50 =	vsub.f32 $1.000000000e+00, v47;
	v35 =	vmul.f32 v47, v49;
	[tilespmem:s15+$0xFFFFFE00] =	vst v31  }
0x41b: {  	v37 =	vmul.f32 v63, v13;
	v29 =	vsub.f32 v56, v48;
	[tilespmem:s15+$0xFFFFFE80] =	vst v27;
	v27 =	vadd.s32 $0x8A8, v30  }
0x41c: {  	v54 =	vmul.f32 v50, v49;
	v49 =	vmul.f32 $2.700000000e+01, v8;
	v45 =	vadd.s32 $0xA11, v30;
	v56 =	vld.idx.msk [tilespmem:v51+s2+$0x0], $0xffff  }
0x41d: {  	v31 =	vmul.f32 v50, v10;
	v55 =	vsub.f32 $1.000000000e+00, v29;
	v10 =	vmul.f32 v47, v10;
	v41 =	vld.idx.msk [tilespmem:v51+s22+$0x0], $0xffff  }
0x41e: {  	v16 =	vadd.f32 v19, v16;
	v34 =	vmul.f32 v54, v29;
	v47 =	vmul.f32 $2.700000000e+01, v7;
	v57 =	vld.idx.msk [tilespmem:v53+s2+$0x0], $0xffff  }
0x41f: {  	v58 =	vadd.s32 $0x896, v30;
	v63 =	vtrunc.f32 v49;
	v42 =	vmul.f32 v55, v54;
	v39 =	vld.idx.msk [tilespmem:v53+s22+$0x0], $0xffff  }
0x420: {  	v32 =	vadd.f32 v32, v33;
	v43 =	vmul.f32 v55, v31;
	v46 =	vmul.f32 v55, v35;
	v59 =	vld.idx.msk [tilespmem:v27+s2+$0x0], $0xffff  }
0x421: {  	v61 =	vadd.s32 $0x9FF, v30;
	v40 =	vmul.f32 v55, v10;
	v31 =	vmul.f32 v31, v29;
	v27 =	vld.idx.msk [tilespmem:v27+s22+$0x0], $0xffff  }
0x422: {  	v32 =	vadd.f32 v36, v32;
	v35 =	vmul.f32 v29, v35;
	v62 =	vld.idx.msk [tilespmem:v45+s2+$0x0], $0xffff;
	v33 =	vmul.f32 v56, v42  }
0x423: {  	v50 =	vadd.s32 $0x8A9, v30;
	v41 =	vmul.f32 v41, v42;
	v42 =	vld.idx.msk [tilespmem:v45+s22+$0x0], $0xffff;
	v36 =	vmul.f32 v57, v43  }
0x424: {  	v30 =	vadd.s32 $0xA12, v30;
	v60 =	vtrunc.f32 v47;
	v56 =	vld.idx.msk [tilespmem:v58+s2+$0x0], $0xffff;
	v39 =	vmul.f32 v39, v43  }
0x425: {  	v10 =	vmul.f32 v29, v10;
	v48 =	vld.idx.msk [tilespmem:v58+s22+$0x0], $0xffff;
	v58 =	vmul.f32 v59, v46;
	v33 =	vadd.f32 v36, v33  }
0x426: {  	v54 =	vmul.u32 $0x1C, v38;
	v59 =	vld.idx.msk [tilespmem:v61+s2+$0x0], $0xffff;
	v27 =	vmul.f32 v27, v46;
	v39 =	vadd.f32 v39, v41  }
0x427: {  	v29 =	vcvt.f32.s32 v60;
	v62 =	vmul.f32 v62, v40;
	v61 =	vld.idx.msk [tilespmem:v61+s22+$0x0], $0xffff;
	v33 =	vadd.f32 v58, v33  }
0x428: {  	v45 =	vcvt.f32.s32 v63;
	v63 =	vld.idx.msk [tilespmem:v50+s2+$0x0], $0xffff;
	v27 =	vadd.f32 v27, v39;
	v42 =	vmul.f32 v42, v40  }
0x429: {  	v32 =	vadd.f32 v44, v32;
	v51 =	vld.idx.msk [tilespmem:v50+s22+$0x0], $0xffff;
	v52 =	vmul.f32 v56, v34;
	v33 =	vadd.f32 v62, v33  }
0x42a: {  	v57 =	vadd.s32 v29, v54;
	v54 =	vld.idx.msk [tilespmem:v30+s2+$0x0], $0xffff;
	v34 =	vmul.f32 v48, v34;
	v27 =	vadd.f32 v42, v27  }
0x42b: {  	v38 =	vcvt.s32.f32 v38;
	v30 =	vld.idx.msk [tilespmem:v30+s22+$0x0], $0xffff;
	v55 =	vmul.f32 v59, v31;
	v33 =	vadd.f32 v52, v33  }
0x42c: {  	v25 =	vld.idx.msk [tilespmem:v25+s20+$0x0], $0xffff;
	v29 =	vcvt.s32.f32 v29;
	v31 =	vmul.f32 v61, v31;
	v27 =	vadd.f32 v34, v27  }
0x42d: {  	v60 =	vmul.u32 $0x1C, v57;
	v57 =	vmul.f32 v63, v35;
	v33 =	vadd.f32 v55, v33  }
0x42e: {  	v29 =	vsub.f32 v47, v29;
	v27 =	vadd.f32 v31, v27;
	v31 =	vmul.f32 v51, v35  }
0x42f: {  	v41 =	vadd.s32 v45, v60;
	v60 =	vmul.f32 v54, v10;
	v33 =	vadd.f32 v57, v33  }
0x430: {  	v10 =	vmul.f32 v30, v10;
	v59 =	vadd.s32 $0x2360, v41;
	v27 =	vadd.f32 v31, v27  }
0x431: {  	v14 =	vmul.f32 v25, v14;
	v9 =	vsub.f32 v9, v38;
	v33 =	vadd.f32 v60, v33  }
0x432: {  	v58 =	vsub.f32 $1.000000000e+00, v29;
	v62 =	vadd.s32 $0x2670, v41;
	v10 =	vadd.f32 v10, v27  }
0x433: {  	v28 =	vadd.f32 v28, v32;
	v8 =	vmul.f32 $4.000000000e+01, v8;
	v56 =	vsub.f32 $1.000000000e+00, v9;
	[tilespmem:s15+$0xFFFFFF00] =	vst v33  }
0x434: {  	v53 =	vcvt.s32.f32 v45;
	v30 =	vmul.f32 v58, v9;
	v52 =	vadd.s32 $0x237C, v41;
	[tilespmem:s15+$0xFFFFFF80] =	vst v10  }
0x435: {  	v34 =	vmul.f32 v29, v56;
	v29 =	vmul.f32 v29, v9;
	v9 =	vadd.f32 v37, v28;
	v28 =	vld.idx.msk [tilespmem:v59+s2+$0x0], $0xffff  }
0x436: {  	v7 =	vmul.f32 $4.000000000e+01, v7;
	v38 =	vsub.f32 v49, v53;
	v53 =	vadd.s32 $0x268C, v41;
	v35 =	vld.idx.msk [tilespmem:v59+s22+$0x0], $0xffff  }
0x437: {  	v16 =	vadd.f32 v17, v16;
	v61 =	vmul.f32 v58, v56;
	v56 =	vtrunc.f32 v6;
	v55 =	vld.idx.msk [tilespmem:v62+s2+$0x0], $0xffff  }
0x438: {  	v54 =	vadd.s32 $0x2361, v41;
	v58 =	vtrunc.f32 v7;
	v43 =	vcvt.f32.s32 v56;
	v40 =	vld.idx.msk [tilespmem:v62+s22+$0x0], $0xffff  }
0x439: {  	v45 =	vcvt.f32.s32 v58;
	v57 =	vadd.s32 $0x2671, v41;
	v31 =	vsub.f32 $1.000000000e+00, v38;
	v59 =	vld.idx.msk [tilespmem:v52+s2+$0x0], $0xffff  }
0x43a: {  	v49 =	vshll.u32 v43, $0x1;
	v43 =	vcvt.s32.f32 v43;
	v60 =	vtrunc.f32 v8;
	v33 =	vld.idx.msk [tilespmem:v52+s22+$0x0], $0xffff  }
0x43b: {  	v46 =	vadd.s32 $0x237D, v41;
	v27 =	vmul.f32 v31, v61;
	v10 =	vmul.f32 v61, v38;
	v61 =	vld.idx.msk [tilespmem:v53+s2+$0x0], $0xffff  }
0x43c: {  	v48 =	vmul.u32 $0x3C6EF362, v45;
	v63 =	vmul.f32 v31, v30;
	v32 =	vmul.f32 v31, v34;
	v37 =	vld.idx.msk [tilespmem:v53+s22+$0x0], $0xffff  }
0x43d: {  	v41 =	vadd.s32 $0x268D, v41;
	v30 =	vmul.f32 v30, v38;
	v31 =	vmul.f32 v31, v29;
	v62 =	vld.idx.msk [tilespmem:v54+s2+$0x0], $0xffff  }
0x43e: {  	v51 =	vadd.s32 $0x2, v49;
	v34 =	vmul.f32 v38, v34;
	v29 =	vmul.f32 v38, v29;
	v39 =	vld.idx.msk [tilespmem:v54+s22+$0x0], $0xffff  }
0x43f: {  	v6 =	vsub.f32 v6, v43;
	v56 =	vld.idx.msk [tilespmem:v57+s2+$0x0], $0xffff;
	v28 =	vmul.f32 v28, v27;
	v42 =	vmul.f32 v55, v63  }
0x440: {  	v52 =	vxor.u32 v49, v48;
	v58 =	vld.idx.msk [tilespmem:v46+s2+$0x0], $0xffff;
	v27 =	vmul.f32 v35, v27;
	v36 =	vmul.f32 v40, v63  }
0x441: {  	v35 =	vcvt.f32.s32 v60;
	v63 =	vmul.f32 v59, v32;
	v28 =	vadd.f32 v42, v28  }
0x442: {  	v40 =	vcvt.s32.f32 v45;
	v32 =	vmul.f32 v33, v32;
	v27 =	vadd.f32 v36, v27  }
0x443: {  	v57 =	vld.idx.msk [tilespmem:v57+s22+$0x0], $0xffff;
	v38 =	vmul.f32 v61, v31;
	v31 =	vmul.f32 v37, v31;
	v28 =	vadd.f32 v63, v28  }
0x444: {  	v62 =	vmul.f32 v62, v10;
	v10 =	vmul.f32 v39, v10;
	v27 =	vadd.f32 v32, v27  }
0x445: {  	v60 =	vld.idx.msk [tilespmem:v46+s22+$0x0], $0xffff;
	v53 =	vmul.f32 v56, v30;
	v54 =	vmul.f32 v58, v34;
	v28 =	vadd.f32 v38, v28  }
0x446: {  	v45 =	vmul.u32 $0x6004AF2A, v35;
	v36 =	vxor.u32 v48, v51;
	v63 =	vld.idx.msk [tilespmem:v41+s2+$0x0], $0xffff;
	v27 =	vadd.f32 v31, v27  }
0x447: {  	v48 =	vadd.s32 $0x3C6EF362, v48;
	v7 =	vsub.f32 v7, v40;
	v31 =	vld.idx.msk [tilespmem:v41+s22+$0x0], $0xffff;
	v28 =	vadd.f32 v62, v28  }
0x448: {  	v59 =	vxor.u32 v45, v52;
	v10 =	vadd.f32 v10, v27;
	v27 =	vmul.f32 v57, v30  }
0x449: {  	v61 =	vxor.u32 v45, v36;
	v55 =	vand.u32 $0xFFFE, v59;
	v28 =	vadd.f32 v53, v28  }
0x44a: {  	v32 =	vld.idx.msk [tilespmem:v24+s20+$0x0], $0xffff;
	v24 =	vand.u32 $0xFFFE, v61;
	v10 =	vadd.f32 v27, v10;
	v27 =	vmul.f32 v60, v34  }
0x44b: {  	v59 =	vxor.u32 v51, v48;
	v56 =	vmul.f32 v63, v29;
	v28 =	vadd.f32 v54, v28  }
0x44c: {  	v30 =	vcvt.s32.f32 v35;
	v10 =	vadd.f32 v27, v10;
	v27 =	vmul.f32 v31, v29  }
0x44d: {  	s18 =	sadd.s32 $0x20, s18;
	v26 =	vld.idx.msk [tilespmem:v26+s20+$0x0], $0xffff;
	v57 =	vxor.u32 v49, v48;
	v29 =	vor.u32 $0x1, v55;
	v28 =	vadd.f32 v56, v28  }
0x44e: {  	p0 =	slt.s32 s18, $0x70;
	s8 =	smov.u32 s18;
	v58 =	vxor.u32 v45, v57;
	v30 =	vsub.f32 v8, v30;
	v10 =	vadd.f32 v27, v10  }
0x44f: {  	s8 =	simm.s32 @!p0 $0x70;
	v8 =	vsub.f32 $1.000000000e+00, v7;
	v31 =	vor.u32 $0x1, v24;
	v27 =	vsub.f32 $1.000000000e+00, v6;
	[tilespmem:s15+$0x0] =	vst v28  }
0x450: {  	v15 =	vld [tilespmem:s8+$0x1F400];
	v11 =	vadd.f32 v11, v16;
	v33 =	vand.u32 $0xFFFE, v58;
	v60 =	vxor.u32 v45, v59;
	[tilespmem:s15+$0x80] =	vst v10  }
0x451: {  	v62 =	vmul.f32 v8, v6;
	v61 =	vmul.f32 v8, v27;
	v8 =	vor.u32 $0x1, v33;
	v35 =	vld.idx.msk [tilespmem:v55+s20+$0x0], $0xffff  }
0x452: {  	v12 =	vmul.f32 v26, v12;
	v38 =	vand.u32 $0xFFFE, v60;
	v28 =	vadd.s32 $0x6004AF2A, v45;
	v29 =	vld.idx.msk [tilespmem:v29+s20+$0x0], $0xffff  }
0x453: {  	v50 =	vor.u32 $0x1, v38;
	v10 =	vsub.f32 $1.000000000e+00, v30;
	v63 =	vxor.u32 v52, v28;
	v24 =	vld.idx.msk [tilespmem:v24+s20+$0x0], $0xffff  }
0x454: {  	v6 =	vmul.f32 v7, v6;
	v27 =	vmul.f32 v7, v27;
	v21 =	vld.idx.msk [tilespmem:v31+s20+$0x0], $0xffff;
	v41 =	vand.u32 $0xFFFE, v63  }
0x455: {  	v31 =	vxor.u32 v36, v28;
	v33 =	vld.idx.msk [tilespmem:v33+s20+$0x0], $0xffff;
	v48 =	vmul.f32 v10, v61;
	v51 =	vor.u32 $0x1, v41  }
0x456: {  	v49 =	vmul.f32 v10, v62;
	v22 =	vmul.f32 v10, v27;
	v7 =	vand.u32 $0xFFFE, v31;
	v8 =	vld.idx.msk [tilespmem:v8+s20+$0x0], $0xffff  }
0x457: {  	v52 =	vld.idx.msk [tilespmem:v38+s20+$0x0], $0xffff;
	v10 =	vmul.f32 v10, v6;
	v31 =	vor.u32 $0x1, v7;
	v18 =	vmul.f32 v35, v48  }
0x458: {  	v53 =	vld.idx.msk [tilespmem:v50+s20+$0x0], $0xffff;
	v20 =	vmul.f32 v29, v48;
	v29 =	vxor.u32 v28, v57;
	v24 =	vmul.f32 v24, v49  }
0x459: {  	v19 =	vmul.f32 v21, v49;
	v28 =	vxor.u32 v28, v59;
	v29 =	vand.u32 $0xFFFE, v29;
	v54 =	vld.idx.msk [tilespmem:v41+s20+$0x0], $0xffff  }
0x45a: {  	v21 =	vor.u32 $0x1, v29;
	v18 =	vadd.f32 v24, v18;
	v24 =	vmul.f32 v33, v22;
	v55 =	vld.idx.msk [tilespmem:v51+s20+$0x0], $0xffff  }
0x45b: {  	v7 =	vld.idx.msk [tilespmem:v7+s20+$0x0], $0xffff;
	v19 =	vadd.f32 v19, v20;
	v20 =	vand.u32 $0xFFFE, v28;
	v8 =	vmul.f32 v8, v22  }
0x45c: {  	v23 =	vmul.f32 v61, v30;
	v18 =	vadd.f32 v24, v18;
	v22 =	vmul.f32 v52, v10;
	v24 =	vld.idx.msk [tilespmem:v31+s20+$0x0], $0xffff  }
0x45d: {  	v16 =	vld [tilespmem:s8+$0x1F480];
	v11 =	vadd.f32 v14, v11;
	v10 =	vmul.f32 v53, v10;
	v8 =	vadd.f32 v8, v19  }
0x45e: {  	s5 =	sadd.s32 $0x10, s18;
	v13 =	vmul.f32 v32, v13;
	v19 =	vld.idx.msk [tilespmem:v29+s20+$0x0], $0xffff;
	v17 =	vadd.f32 v22, v18;
	v18 =	vmul.f32 v54, v23  }
0x45f: {  	p0 =	slt.s32 s5, $0x70;
	v21 =	vld.idx.msk [tilespmem:v21+s20+$0x0], $0xffff;
	v22 =	vmul.f32 v55, v23;
	v23 =	vmul.f32 v62, v30;
	v10 =	vadd.f32 v10, v8  }
0x460: {  	s5 =	simm.s32 @!p0 $0x70;
	v8 =	vor.u32 $0x1, v20;
	v20 =	vld.idx.msk [tilespmem:v20+s20+$0x0], $0xffff;
	v17 =	vadd.f32 v18, v17;
	v18 =	vmul.f32 v30, v27  }
0x461: {  	v7 =	vmul.f32 v7, v23;
	v25 =	vmul.f32 v24, v23;
	v23 =	vld [tilespmem:s5+$0x1F400]  }
0x462: {  	v11 =	vadd.f32 v12, v11;
	v6 =	vmul.f32 v30, v6;
	v27 =	vmul.f32 $1.200000000e+01, v16;
	v24 =	vld [tilespmem:s5+$0x1F480]  }
0x463: {  	v10 =	vadd.f32 v22, v10;
	v22 =	vmul.f32 v19, v18;
	v19 =	vmul.f32 $1.800000000e+01, v15  }
0x464: {  	v7 =	vadd.f32 v7, v17;
	v14 =	vmul.f32 v21, v18;
	v21 =	vmul.f32 $1.200000000e+01, v15  }
0x465: {  	v10 =	vadd.f32 v25, v10;
	v18 =	vmul.f32 $2.700000000e+01, v15;
	v15 =	vmul.f32 $4.000000000e+01, v15  }
0x466: {  	v20 =	vmul.f32 v20, v6;
	v12 =	vadd.f32 v22, v7;
	v26 =	vmul.f32 $1.200000000e+01, v23  }
0x467: {  	v22 =	vtrunc.f32 v21;
	v7 =	vadd.f32 v14, v10;
	v28 =	vmul.f32 $1.200000000e+01, v24  }
0x468: {  	v25 =	vld [tilespmem:s5+$0x1F500];
	v14 =	vadd.f32 v13, v11;
	v39 =	vmul.f32 $1.800000000e+01, v24;
	v37 =	vmul.f32 $1.800000000e+01, v23  }
0x469: {  	v11 =	vcvt.f32.s32 v22;
	v13 =	vadd.f32 v20, v12;
	v12 =	vtrunc.f32 v27  }
0x46a: {  	v10 =	vtrunc.f32 v26;
	v31 =	vcvt.f32.s32 v12  }
0x46b: {  	v17 =	vld [tilespmem:s8+$0x1F500];
	v45 =	vtrunc.f32 v39;
	v47 =	vtrunc.f32 v37  }
0x46c: {  	v22 =	vcvt.f32.s32 v10;
	v10 =	vtrunc.f32 v28  }
0x46d: {  	v29 =	vmul.f32 $1.200000000e+01, v25;
	v56 =	vmul.u32 $0xD, v11;
	v11 =	vcvt.s32.f32 v11  }
0x46e: {  	v36 =	vmul.f32 $1.800000000e+01, v25;
	v30 =	vcvt.f32.s32 v10;
	v20 =	vmul.u32 $0xD, v22  }
0x46f: {  	v45 =	vcvt.f32.s32 v45;
	v47 =	vcvt.f32.s32 v47  }
0x470: {  	v10 =	vmul.f32 $1.200000000e+01, v17;
	v12 =	vtrunc.f32 v29;
	v20 =	vadd.s32 v30, v20  }
0x471: {  	v59 =	vcvt.s32.f32 v31;
	v58 =	vcvt.f32.s32 v12;
	v20 =	vmul.u32 $0xD, v20  }
0x472: {  	v11 =	vsub.f32 v21, v11;
	v21 =	vmul.f32 $4.000000000e+01, v23;
	v61 =	vcvt.s32.f32 v22  }
0x473: {  	v22 =	vmul.f32 $4.000000000e+01, v24;
	v23 =	vmul.f32 $2.700000000e+01, v23;
	v35 =	vadd.s32 v58, v20  }
0x474: {  	v31 =	vadd.s32 v31, v56;
	v24 =	vmul.f32 $2.700000000e+01, v24;
	v57 =	vtrunc.f32 v10  }
0x475: {  	v31 =	vmul.u32 $0xD, v31;
	v30 =	vcvt.s32.f32 v30;
	v60 =	vadd.s32 $0xA9, v35  }
0x476: {  	v32 =	vsub.f32 v27, v59;
	v26 =	vsub.f32 v26, v61;
	v34 =	vcvt.s32.f32 v58  }
0x477: {  	v12 =	vcvt.f32.s32 v57;
	v28 =	vsub.f32 v28, v30;
	v62 =	vadd.s32 $0xD, v35  }
0x478: {  	v55 =	vsub.f32 $1.000000000e+00, v26;
	v20 =	vmul.f32 $4.000000000e+01, v25;
	v34 =	vsub.f32 v29, v34;
	v30 =	vld.idx.msk [tilespmem:v35+s2+$0x0], $0xffff  }
0x479: {  	v29 =	vtrunc.f32 v36;
	v63 =	vadd.s32 $0xB6, v35;
	v56 =	vsub.f32 $1.000000000e+00, v28;
	v41 =	vld.idx.msk [tilespmem:v35+s22+$0x0], $0xffff  }
0x47a: {  	v25 =	vmul.f32 $2.700000000e+01, v25;
	v46 =	vadd.s32 $0x1, v35;
	v27 =	vcvt.f32.s32 v29;
	v44 =	vld.idx.msk [tilespmem:v60+s2+$0x0], $0xffff  }
0x47b: {  	v42 =	vmul.f32 v28, v55;
	v58 =	vsub.f32 $1.000000000e+00, v34;
	v50 =	vmul.f32 v56, v55;
	v57 =	vld.idx.msk [tilespmem:v60+s22+$0x0], $0xffff  }
0x47c: {  	v29 =	vadd.s32 v12, v31;
	v43 =	vmul.f32 v56, v26;
	v26 =	vmul.f32 v28, v26;
	v59 =	vld.idx.msk [tilespmem:v62+s2+$0x0], $0xffff  }
0x47d: {  	v12 =	vcvt.s32.f32 v12;
	v28 =	vmul.f32 v58, v42;
	v38 =	vld.idx.msk [tilespmem:v62+s22+$0x0], $0xffff;
	v60 =	vadd.s32 $0xAA, v35  }
0x47e: {  	v61 =	vmul.f32 v58, v50;
	v56 =	vmul.f32 v58, v26;
	v31 =	vld.idx.msk [tilespmem:v63+s2+$0x0], $0xffff  }
0x47f: {  	v62 =	vmul.f32 v58, v43;
	v40 =	vld.idx.msk [tilespmem:v63+s22+$0x0], $0xffff;
	v63 =	vadd.s32 $0xE, v35;
	v43 =	vmul.f32 v43, v34  }
0x480: {  	v55 =	vld.idx.msk [tilespmem:v46+s2+$0x0], $0xffff;
	v30 =	vmul.f32 v61, v30;
	v41 =	vmul.f32 v61, v41  }
0x481: {  	v35 =	vadd.s32 $0xB7, v35;
	v46 =	vld.idx.msk [tilespmem:v46+s22+$0x0], $0xffff;
	v44 =	vmul.f32 v62, v44;
	v48 =	vmul.f32 v62, v57  }
0x482: {  	v33 =	vmul.f32 v28, v59;
	v57 =	vld.idx.msk [tilespmem:v60+s2+$0x0], $0xffff;
	v28 =	vmul.f32 v38, v28  }
0x483: {  	v58 =	vld.idx.msk [tilespmem:v60+s22+$0x0], $0xffff;
	v31 =	vmul.f32 v31, v56;
	v59 =	vmul.f32 v50, v34;
	v30 =	vadd.f32 v44, v30  }
0x484: {  	v60 =	vld.idx.msk [tilespmem:v63+s2+$0x0], $0xffff;
	v40 =	vmul.f32 v40, v56;
	v62 =	vmul.u32 $0x13, v47;
	v41 =	vadd.f32 v48, v41  }
0x485: {  	v61 =	vld.idx.msk [tilespmem:v63+s22+$0x0], $0xffff;
	v56 =	vcvt.s32.f32 v47;
	v47 =	vtrunc.f32 v23;
	v30 =	vadd.f32 v30, v33  }
0x486: {  	v63 =	vld.idx.msk [tilespmem:v35+s2+$0x0], $0xffff;
	v47 =	vcvt.f32.s32 v47;
	v49 =	vadd.s32 v45, v62;
	v28 =	vadd.f32 v41, v28  }
0x487: {  	v35 =	vld.idx.msk [tilespmem:v35+s22+$0x0], $0xffff;
	v52 =	vmul.u32 $0x13, v49;
	v30 =	vadd.f32 v30, v31;
	v31 =	vmul.f32 v55, v59  }
0x488: {  	v33 =	vmul.f32 v46, v59;
	v46 =	vmul.f32 v34, v42;
	v28 =	vadd.f32 v40, v28  }
0x489: {  	v34 =	vmul.f32 v34, v26;
	v30 =	vadd.f32 v31, v30;
	v31 =	vmul.f32 v57, v43  }
0x48a: {  	v51 =	vmul.f32 v58, v43;
	v38 =	vadd.s32 v27, v52;
	v28 =	vadd.f32 v33, v28  }
0x48b: {  	v27 =	vcvt.s32.f32 v27;
	v30 =	vadd.f32 v31, v30;
	v31 =	vmul.f32 v60, v46  }
0x48c: {  	v53 =	vmul.f32 v61, v46;
	v54 =	vmul.f32 v35, v34;
	v28 =	vadd.f32 v51, v28  }
0x48d: {  	v55 =	vadd.s32 $0x895, v38;
	v30 =	vadd.f32 v31, v30;
	v31 =	vmul.f32 v63, v34  }
0x48e: {  	v27 =	vsub.f32 v36, v27;
	v57 =	vcvt.s32.f32 v45;
	v28 =	vadd.f32 v53, v28  }
0x48f: {  	v41 =	vtrunc.f32 v22;
	v33 =	vsub.f32 v37, v56;
	v30 =	vadd.f32 v31, v30  }
0x490: {  	s11 =	simm.s32 $0x1FBA0;
	v36 =	vadd.s32 $0xA11, v38;
	v37 =	vsub.f32 v39, v57;
	v28 =	vadd.f32 v54, v28  }
0x491: {  	v58 =	vtrunc.f32 v25;
	v40 =	vtrunc.f32 v20;
	v31 =	vadd.s32 $0x9FE, v38;
	[tilespmem:s11+$0xFFFFFE10] =	vst v30  }
0x492: {  	v45 =	vtrunc.f32 v24;
	v59 =	vsub.f32 $1.000000000e+00, v33;
	v60 =	vsub.f32 $1.000000000e+00, v37;
	[tilespmem:s11+$0xFFFFFE90] =	vst v28  }
0x493: {  	v45 =	vcvt.f32.s32 v45;
	v51 =	vcvt.f32.s32 v58;
	v30 =	vadd.s32 $0x8A8, v38;
	v39 =	vld.idx.msk [tilespmem:v55+s2+$0x0], $0xffff  }
0x494: {  	v48 =	vsub.f32 $1.000000000e+00, v27;
	v43 =	vmul.f32 v37, v59;
	v49 =	vmul.f32 v60, v59;
	v42 =	vld.idx.msk [tilespmem:v55+s22+$0x0], $0xffff  }
0x495: {  	v50 =	vmul.f32 v60, v33;
	v33 =	vmul.f32 v37, v33;
	v56 =	vld.idx.msk [tilespmem:v36+s2+$0x0], $0xffff  }
0x496: {  	v46 =	vadd.s32 $0x896, v38;
	v60 =	vmul.f32 v48, v43;
	v43 =	vmul.f32 v27, v43;
	v44 =	vld.idx.msk [tilespmem:v31+s2+$0x0], $0xffff  }
0x497: {  	v57 =	vadd.s32 $0x8A9, v38;
	v28 =	vtrunc.f32 v21;
	v62 =	vmul.f32 v48, v49;
	v31 =	vld.idx.msk [tilespmem:v31+s22+$0x0], $0xffff  }
0x498: {  	v26 =	vadd.s32 $0xA9, v29;
	v63 =	vmul.f32 v48, v50;
	v48 =	vmul.f32 v48, v33;
	v61 =	vld.idx.msk [tilespmem:v30+s2+$0x0], $0xffff  }
0x499: {  	v53 =	vadd.s32 $0x9FF, v38;
	v59 =	vmul.f32 v50, v27;
	v28 =	vcvt.f32.s32 v28;
	v30 =	vld.idx.msk [tilespmem:v30+s22+$0x0], $0xffff  }
0x49a: {  	v35 =	vsub.f32 $1.000000000e+00, v32;
	v36 =	vld.idx.msk [tilespmem:v36+s22+$0x0], $0xffff;
	v55 =	vcvt.f32.s32 v41;
	v39 =	vmul.f32 v39, v62  }
0x49b: {  	v34 =	vsub.f32 $1.000000000e+00, v11;
	v58 =	vld.idx.msk [tilespmem:v46+s2+$0x0], $0xffff;
	v42 =	vmul.f32 v42, v62;
	v44 =	vmul.f32 v44, v63  }
0x49c: {  	v38 =	vadd.s32 $0xA12, v38;
	v62 =	vmul.f32 v56, v48;
	v56 =	vld.idx.msk [tilespmem:v57+s2+$0x0], $0xffff;
	v31 =	vmul.f32 v31, v63  }
0x49d: {  	v46 =	vld.idx.msk [tilespmem:v46+s22+$0x0], $0xffff;
	v41 =	vcvt.s32.f32 v55;
	v39 =	vadd.f32 v44, v39;
	v61 =	vmul.f32 v61, v60  }
0x49e: {  	v52 =	vld.idx.msk [tilespmem:v53+s2+$0x0], $0xffff;
	v63 =	vmul.f32 v49, v27;
	v31 =	vadd.f32 v31, v42;
	v30 =	vmul.f32 v30, v60  }
0x49f: {  	v37 =	vld.idx.msk [tilespmem:v53+s22+$0x0], $0xffff;
	v22 =	vsub.f32 v22, v41;
	v27 =	vmul.f32 v27, v33;
	v39 =	vadd.f32 v61, v39  }
0x4a0: {  	v58 =	vmul.f32 v58, v63;
	v30 =	vadd.f32 v30, v31;
	v31 =	vmul.f32 v36, v48  }
0x4a1: {  	v57 =	vld.idx.msk [tilespmem:v57+s22+$0x0], $0xffff;
	v60 =	vmul.u32 $0x1C, v47;
	v50 =	vmul.f32 v56, v43;
	v39 =	vadd.f32 v62, v39  }
0x4a2: {  	v56 =	vcvt.s32.f32 v47;
	v61 =	vld.idx.msk [tilespmem:v38+s2+$0x0], $0xffff;
	v30 =	vadd.f32 v31, v30;
	v31 =	vmul.f32 v46, v63  }
0x4a3: {  	v38 =	vld.idx.msk [tilespmem:v38+s22+$0x0], $0xffff;
	v36 =	vadd.s32 $0xD, v29;
	v62 =	vmul.f32 v52, v59;
	v39 =	vadd.f32 v58, v39  }
0x4a4: {  	v63 =	vadd.s32 v45, v60;
	v30 =	vadd.f32 v31, v30;
	v31 =	vmul.f32 v37, v59  }
0x4a5: {  	v23 =	vsub.f32 v23, v56;
	v52 =	vmul.u32 $0x1C, v63;
	v48 =	vadd.f32 v62, v39  }
0x4a6: {  	v58 =	vcvt.s32.f32 v51;
	v30 =	vadd.f32 v31, v30;
	v31 =	vmul.f32 v57, v43  }
0x4a7: {  	v53 =	vmul.f32 v61, v27;
	v33 =	vadd.s32 v51, v52;
	v37 =	vadd.f32 v50, v48  }
0x4a8: {  	v27 =	vmul.f32 v38, v27;
	v54 =	vadd.s32 $0x2360, v33;
	v30 =	vadd.f32 v31, v30  }
0x4a9: {  	v60 =	vsub.f32 $1.000000000e+00, v23;
	v57 =	vcvt.s32.f32 v45;
	v37 =	vadd.f32 v53, v37  }
0x4aa: {  	v59 =	vadd.s32 $0x237C, v33;
	v25 =	vsub.f32 v25, v58;
	v27 =	vadd.f32 v27, v30  }
0x4ab: {  	v47 =	vadd.s32 $0x2361, v33;
	v39 =	vmul.u32 $0x3C6EF362, v55;
	v30 =	vadd.s32 $0x2670, v33;
	[tilespmem:s11+$0xFFFFFF10] =	vst v37  }
0x4ac: {  	v52 =	vadd.s32 $0x2671, v33;
	v31 =	vcvt.f32.s32 v40;
	v24 =	vsub.f32 v24, v57;
	[tilespmem:s11+$0xFFFFFF90] =	vst v27  }
0x4ad: {  	v48 =	vsub.f32 $1.000000000e+00, v25;
	v55 =	vadd.s32 $0x3C6EF362, v39;
	v57 =	vsub.f32 $1.000000000e+00, v22;
	v40 =	vld.idx.msk [tilespmem:v54+s2+$0x0], $0xffff  }
0x4ae: {  	v42 =	vcvt.s32.f32 v31;
	v31 =	vmul.u32 $0x6004AF2A, v31;
	v61 =	vsub.f32 $1.000000000e+00, v24;
	v38 =	vld.idx.msk [tilespmem:v54+s22+$0x0], $0xffff  }
0x4af: {  	v44 =	vmul.f32 v24, v60;
	v27 =	vcvt.s32.f32 v28;
	v37 =	vadd.s32 $0x268C, v33;
	v51 =	vld.idx.msk [tilespmem:v59+s2+$0x0], $0xffff  }
0x4b0: {  	v28 =	vshll.u32 v28, $0x1;
	v49 =	vmul.f32 v61, v60;
	v45 =	vmul.f32 v61, v23;
	v46 =	vld.idx.msk [tilespmem:v30+s2+$0x0], $0xffff  }
0x4b1: {  	v23 =	vmul.f32 v24, v23;
	v24 =	vmul.f32 v48, v44;
	v61 =	vadd.s32 $0x237D, v33;
	v30 =	vld.idx.msk [tilespmem:v30+s22+$0x0], $0xffff  }
0x4b2: {  	v33 =	vadd.s32 $0x268D, v33;
	v44 =	vmul.f32 v25, v44;
	v43 =	vld.idx.msk [tilespmem:v59+s22+$0x0], $0xffff;
	v62 =	vmul.f32 v48, v49  }
0x4b3: {  	v41 =	vadd.s32 $0x6004AF2A, v31;
	v59 =	vld.idx.msk [tilespmem:v47+s2+$0x0], $0xffff;
	v63 =	vmul.f32 v48, v45;
	v48 =	vmul.f32 v48, v23  }
0x4b4: {  	v42 =	vsub.f32 v20, v42;
	v54 =	vmul.f32 v49, v25;
	v45 =	vmul.f32 v45, v25;
	v60 =	vld.idx.msk [tilespmem:v37+s2+$0x0], $0xffff  }
0x4b5: {  	v50 =	vadd.s32 $0x2, v28;
	v37 =	vld.idx.msk [tilespmem:v37+s22+$0x0], $0xffff;
	v40 =	vmul.f32 v40, v62;
	v46 =	vmul.f32 v46, v63  }
0x4b6: {  	v58 =	vxor.u32 v28, v39;
	v47 =	vld.idx.msk [tilespmem:v47+s22+$0x0], $0xffff;
	v38 =	vmul.f32 v38, v62;
	v30 =	vmul.f32 v30, v63  }
0x4b7: {  	v23 =	vmul.f32 v25, v23;
	v56 =	vld.idx.msk [tilespmem:v61+s2+$0x0], $0xffff;
	v62 =	vmul.f32 v51, v24;
	v40 =	vadd.f32 v46, v40  }
0x4b8: {  	v21 =	vsub.f32 v21, v27;
	v24 =	vmul.f32 v43, v24;
	v63 =	vld.idx.msk [tilespmem:v52+s2+$0x0], $0xffff;
	v30 =	vadd.f32 v30, v38  }
0x4b9: {  	v20 =	vxor.u32 v58, v41;
	v52 =	vld.idx.msk [tilespmem:v52+s22+$0x0], $0xffff;
	v53 =	vmul.f32 v60, v48;
	v40 =	vadd.f32 v62, v40  }
0x4ba: {  	v24 =	vadd.f32 v24, v30;
	v30 =	vmul.f32 v37, v48;
	v37 =	vxor.u32 v28, v55;
	v28 =	vld.idx.msk [tilespmem:v61+s22+$0x0], $0xffff  }
0x4bb: {  	v43 =	vmul.f32 v57, v21;
	v38 =	vxor.u32 v39, v50;
	v60 =	vmul.f32 v59, v54;
	v61 =	vld.idx.msk [tilespmem:v33+s2+$0x0], $0xffff  }
0x4bc: {  	v49 =	vmul.f32 v56, v44;
	v62 =	vxor.u32 v31, v58;
	v33 =	vld.idx.msk [tilespmem:v33+s22+$0x0], $0xffff;
	v40 =	vadd.f32 v53, v40  }
0x4bd: {  	v63 =	vmul.f32 v63, v45;
	v24 =	vadd.f32 v30, v24;
	v30 =	vmul.f32 v47, v54  }
0x4be: {  	v25 =	vand.u32 $0xFFFE, v62;
	v47 =	vxor.u32 v31, v38;
	v40 =	vadd.f32 v60, v40  }
0x4bf: {  	v53 =	vxor.u32 v31, v37;
	v24 =	vadd.f32 v30, v24;
	v30 =	vmul.f32 v52, v45  }
0x4c0: {  	v28 =	vmul.f32 v28, v44;
	v51 =	vmul.f32 v61, v23;
	v40 =	vadd.f32 v63, v40  }
0x4c1: {  	v23 =	vmul.f32 v33, v23;
	v33 =	vand.u32 $0xFFFE, v20;
	v30 =	vadd.f32 v30, v24  }
0x4c2: {  	v20 =	vxor.u32 v38, v41;
	v38 =	vmul.f32 v22, v21;
	v40 =	vadd.f32 v49, v40  }
0x4c3: {  	v24 =	vand.u32 $0xFFFE, v47;
	v28 =	vadd.f32 v28, v30;
	v30 =	vor.u32 $0x1, v25  }
0x4c4: {  	v59 =	vor.u32 $0x1, v33;
	v39 =	vor.u32 $0x1, v24;
	v52 =	vadd.f32 v51, v40  }
0x4c5: {  	v63 =	vsub.f32 $1.000000000e+00, v42;
	v20 =	vand.u32 $0xFFFE, v20;
	v54 =	vadd.f32 v23, v28  }
0x4c6: {  	v47 =	vsub.f32 v10, v12;
	v23 =	vand.u32 $0xFFFE, v53;
	v40 =	vxor.u32 v50, v55;
	v53 =	vld.idx.msk [tilespmem:v26+s22+$0x0], $0xffff;
	[tilespmem:s11+$0x10] =	vst v52  }
0x4c7: {  	v28 =	vxor.u32 v31, v40;
	v31 =	vsub.f32 $1.000000000e+00, v21;
	v21 =	vxor.u32 v41, v37;
	v37 =	vld.idx.msk [tilespmem:v26+s2+$0x0], $0xffff;
	[tilespmem:s11+$0x90] =	vst v54  }
0x4c8: {  	v12 =	vmul.f32 v43, v42;
	v27 =	vor.u32 $0x1, v23;
	v28 =	vand.u32 $0xFFFE, v28;
	v58 =	vld.idx.msk [tilespmem:v30+s20+$0x0], $0xffff  }
0x4c9: {  	v55 =	vmul.f32 v35, v34;
	v35 =	vmul.f32 v35, v11;
	v56 =	vor.u32 $0x1, v28;
	v39 =	vld.idx.msk [tilespmem:v39+s20+$0x0], $0xffff  }
0x4ca: {  	v21 =	vand.u32 $0xFFFE, v21;
	v50 =	vmul.f32 v22, v31;
	v22 =	vor.u32 $0x1, v20;
	v46 =	vld.idx.msk [tilespmem:v59+s20+$0x0], $0xffff  }
0x4cb: {  	v26 =	vmul.f32 v63, v38;
	v60 =	vmul.f32 v57, v31;
	v62 =	vor.u32 $0x1, v21;
	v25 =	vld.idx.msk [tilespmem:v25+s20+$0x0], $0xffff  }
0x4cc: {  	v10 =	vxor.u32 v41, v40;
	v41 =	vmul.f32 v32, v34;
	v32 =	vmul.f32 v32, v11;
	v24 =	vld.idx.msk [tilespmem:v24+s20+$0x0], $0xffff  }
0x4cd: {  	v51 =	vsub.f32 $1.000000000e+00, v47;
	v31 =	vmul.f32 v63, v43;
	v30 =	vmul.f32 v63, v60;
	v61 =	vld.idx.msk [tilespmem:v27+s20+$0x0], $0xffff  }
0x4ce: {  	v34 =	vand.u32 $0xFFFE, v10;
	v10 =	vmul.f32 v42, v50;
	v27 =	vmul.f32 v63, v50;
	v44 =	vld.idx.msk [tilespmem:v56+s20+$0x0], $0xffff  }
0x4cf: {  	v45 =	vmul.f32 v58, v30;
	v39 =	vmul.f32 v39, v31;
	v40 =	vld.idx.msk [tilespmem:v22+s20+$0x0], $0xffff  }
0x4d0: {  	v52 =	vadd.s32 $0xB6, v29;
	v22 =	vmul.f32 v60, v42;
	v63 =	vld.idx.msk [tilespmem:v62+s20+$0x0], $0xffff;
	v60 =	vmul.f32 v51, v35  }
0x4d1: {  	v56 =	vld.idx.msk [tilespmem:v29+s2+$0x0], $0xffff;
	v35 =	vmul.f32 v35, v47;
	v25 =	vmul.f32 v25, v30  }
0x4d2: {  	v54 =	vadd.s32 $0x1, v29;
	v57 =	vld.idx.msk [tilespmem:v29+s22+$0x0], $0xffff;
	v30 =	vmul.f32 v24, v31;
	v46 =	vmul.f32 v46, v22  }
0x4d3: {  	v58 =	vld.idx.msk [tilespmem:v36+s2+$0x0], $0xffff;
	v11 =	vadd.f32 v39, v45;
	v37 =	vmul.f32 v60, v37;
	v49 =	vmul.f32 v61, v27  }
0x4d4: {  	v36 =	vld.idx.msk [tilespmem:v36+s22+$0x0], $0xffff;
	v39 =	vmul.f32 v60, v53;
	v61 =	vmul.f32 v51, v55  }
0x4d5: {  	v62 =	vld.idx.msk [tilespmem:v52+s2+$0x0], $0xffff;
	v53 =	vadd.s32 $0xE, v29;
	v11 =	vadd.f32 v49, v11;
	v48 =	vmul.f32 v63, v10  }
0x4d6: {  	v49 =	vld.idx.msk [tilespmem:v52+s22+$0x0], $0xffff;
	v52 =	vadd.s32 $0xAA, v29;
	v63 =	vmul.f32 v51, v41;
	v56 =	vmul.f32 v61, v56  }
0x4d7: {  	v44 =	vmul.f32 v44, v26;
	v40 =	vmul.f32 v40, v12;
	v29 =	vadd.s32 $0xB7, v29  }
0x4d8: {  	v60 =	vld.idx.msk [tilespmem:v54+s2+$0x0], $0xffff;
	v45 =	vmul.f32 v61, v57;
	v61 =	vmul.f32 v63, v58;
	v37 =	vadd.f32 v37, v56  }
0x4d9: {  	v43 =	vor.u32 $0x1, v34;
	v54 =	vld.idx.msk [tilespmem:v54+s22+$0x0], $0xffff;
	v51 =	vmul.f32 v51, v32;
	v57 =	vtrunc.f32 v19  }
0x4da: {  	v41 =	vmul.f32 v47, v41;
	v32 =	vmul.f32 v47, v32;
	v37 =	vadd.f32 v37, v61;
	v61 =	vld.idx.msk [tilespmem:v53+s2+$0x0], $0xffff  }
0x4db: {  	v50 =	vcvt.f32.s32 v57;
	v36 =	vmul.f32 v36, v63;
	v39 =	vadd.f32 v39, v45;
	v58 =	vld.idx.msk [tilespmem:v52+s2+$0x0], $0xffff  }
0x4dc: {  	v44 =	vadd.f32 v44, v11;
	v62 =	vmul.f32 v62, v51;
	v56 =	vmul.f32 v55, v47;
	v59 =	vld.idx.msk [tilespmem:v52+s22+$0x0], $0xffff  }
0x4dd: {  	v36 =	vadd.f32 v39, v36;
	v63 =	vmul.f32 v49, v51;
	v52 =	vmul.f32 $1.800000000e+01, v16;
	v47 =	vld.idx.msk [tilespmem:v29+s2+$0x0], $0xffff  }
0x4de: {  	v11 =	vmul.f32 v42, v38;
	v42 =	vmul.f32 v60, v56;
	v29 =	vld.idx.msk [tilespmem:v29+s22+$0x0], $0xffff;
	v37 =	vadd.f32 v37, v62  }
0x4df: {  	v60 =	vmul.f32 v54, v56;
	v62 =	vld.idx.msk [tilespmem:v53+s22+$0x0], $0xffff;
	v36 =	vadd.f32 v63, v36;
	v63 =	vtrunc.f32 v52  }
0x4e0: {  	v37 =	vadd.f32 v42, v37;
	v42 =	vmul.f32 $1.800000000e+01, v17;
	v53 =	vcvt.f32.s32 v63  }
0x4e1: {  	v57 =	vmul.u32 $0x13, v50;
	v63 =	vcvt.s32.f32 v50;
	v51 =	vmul.f32 v58, v35  }
0x4e2: {  	v36 =	vadd.f32 v60, v36;
	v35 =	vmul.f32 v59, v35;
	v58 =	vtrunc.f32 v42  }
0x4e3: {  	v59 =	vmul.f32 v61, v41;
	v60 =	vadd.s32 v53, v57;
	v50 =	vcvt.s32.f32 v53  }
0x4e4: {  	v29 =	vmul.f32 v29, v32;
	v19 =	vsub.f32 v19, v63;
	v61 =	vmul.f32 v62, v41  }
0x4e5: {  	v38 =	vcvt.f32.s32 v58;
	v53 =	vmul.u32 $0x13, v60;
	v37 =	vadd.f32 v51, v37  }
0x4e6: {  	v58 =	vtrunc.f32 v18;
	v35 =	vadd.f32 v35, v36;
	v51 =	vmul.f32 v47, v32  }
0x4e7: {  	v62 =	vld.idx.msk [tilespmem:v43+s20+$0x0], $0xffff;
	v54 =	vsub.f32 v52, v50;
	v36 =	vadd.s32 v38, v53;
	v37 =	vadd.f32 v59, v37  }
0x4e8: {  	v56 =	vsub.f32 $1.000000000e+00, v19;
	v35 =	vadd.f32 v61, v35;
	v57 =	vadd.s32 $0x895, v36  }
0x4e9: {  	v52 =	vmul.f32 $2.700000000e+01, v16;
	v39 =	vcvt.f32.s32 v58;
	v37 =	vadd.f32 v51, v37  }
0x4ea: {  	v55 =	vcvt.s32.f32 v38;
	v59 =	vadd.s32 $0x9FE, v36;
	v29 =	vadd.f32 v29, v35  }
0x4eb: {  	v16 =	vmul.f32 $4.000000000e+01, v16;
	v43 =	vsub.f32 $1.000000000e+00, v54;
	v38 =	vmul.f32 v54, v56;
	[tilespmem:s11+$0xFFFFFE00] =	vst v37  }
0x4ec: {  	v53 =	vadd.s32 $0x896, v36;
	v41 =	vmul.f32 v62, v11;
	v35 =	vsub.f32 v42, v55;
	[tilespmem:s11+$0xFFFFFE80] =	vst v29  }
0x4ed: {  	v44 =	vadd.f32 v46, v44;
	v60 =	vmul.f32 v43, v56;
	v61 =	vmul.f32 v43, v19;
	v63 =	vld.idx.msk [tilespmem:v57+s2+$0x0], $0xffff  }
0x4ee: {  	v19 =	vmul.f32 v54, v19;
	v62 =	vsub.f32 $1.000000000e+00, v35;
	v29 =	vadd.s32 $0x8A8, v36;
	v45 =	vld.idx.msk [tilespmem:v57+s22+$0x0], $0xffff  }
0x4ef: {  	v40 =	vadd.f32 v40, v44;
	v54 =	vmul.f32 $2.700000000e+01, v17;
	v32 =	vmul.f32 v60, v35;
	v44 =	vld.idx.msk [tilespmem:v59+s2+$0x0], $0xffff  }
0x4f0: {  	v37 =	vmul.f32 v61, v35;
	v42 =	vld.idx.msk [tilespmem:v59+s22+$0x0], $0xffff;
	v47 =	vmul.f32 v62, v60;
	v60 =	vadd.s32 $0xA11, v36  }
0x4f1: {  	v40 =	vadd.f32 v48, v40;
	v58 =	vld.idx.msk [tilespmem:v53+s2+$0x0], $0xffff;
	v49 =	vmul.f32 v62, v61;
	v51 =	vmul.f32 v62, v38  }
0x4f2: {  	v55 =	vadd.s32 $0x8A9, v36;
	v53 =	vld.idx.msk [tilespmem:v53+s22+$0x0], $0xffff;
	v43 =	vmul.f32 v62, v19;
	v38 =	vmul.f32 v35, v38  }
0x4f3: {  	v56 =	vadd.s32 $0x9FF, v36;
	v61 =	vtrunc.f32 v52;
	v19 =	vmul.f32 v35, v19;
	v48 =	vld.idx.msk [tilespmem:v29+s2+$0x0], $0xffff  }
0x4f4: {  	v62 =	vtrunc.f32 v54;
	v35 =	vcvt.f32.s32 v61;
	v29 =	vld.idx.msk [tilespmem:v29+s22+$0x0], $0xffff  }
0x4f5: {  	v46 =	vmul.f32 v63, v47;
	v63 =	vmul.u32 $0x1C, v39;
	v45 =	vmul.f32 v45, v47;
	v57 =	vld.idx.msk [tilespmem:v60+s2+$0x0], $0xffff  }
0x4f6: {  	v36 =	vadd.s32 $0xA12, v36;
	v44 =	vmul.f32 v44, v49;
	v42 =	vmul.f32 v42, v49;
	v60 =	vld.idx.msk [tilespmem:v60+s22+$0x0], $0xffff  }
0x4f7: {  	v50 =	vcvt.f32.s32 v62;
	v59 =	vld.idx.msk [tilespmem:v55+s22+$0x0], $0xffff;
	v39 =	vcvt.s32.f32 v39;
	v61 =	vadd.s32 v35, v63  }
0x4f8: {  	v49 =	vld.idx.msk [tilespmem:v56+s22+$0x0], $0xffff;
	v44 =	vadd.f32 v44, v46;
	v42 =	vadd.f32 v42, v45;
	v62 =	vmul.f32 v48, v51  }
0x4f9: {  	v35 =	vcvt.s32.f32 v35;
	v18 =	vsub.f32 v18, v39;
	v48 =	vld.idx.msk [tilespmem:v56+s2+$0x0], $0xffff;
	v29 =	vmul.f32 v29, v51  }
0x4fa: {  	v45 =	vmul.u32 $0x1C, v61;
	v44 =	vadd.f32 v62, v44;
	v63 =	vmul.f32 v57, v43  }
0x4fb: {  	v61 =	vmul.f32 v58, v32;
	v56 =	vld.idx.msk [tilespmem:v55+s2+$0x0], $0xffff;
	v29 =	vadd.f32 v29, v42;
	v57 =	vmul.f32 v60, v43  }
0x4fc: {  	v32 =	vmul.f32 v53, v32;
	v53 =	vmul.f32 v59, v38;
	v60 =	vadd.f32 v63, v44  }
0x4fd: {  	v35 =	vsub.f32 v52, v35;
	v45 =	vadd.s32 v50, v45;
	v29 =	vadd.f32 v57, v29;
	v63 =	vld.idx.msk [tilespmem:v36+s2+$0x0], $0xffff  }
0x4fe: {  	v49 =	vmul.f32 v49, v37;
	v36 =	vld.idx.msk [tilespmem:v36+s22+$0x0], $0xffff;
	v48 =	vmul.f32 v48, v37;
	v43 =	vadd.f32 v61, v60  }
0x4ff: {  	v62 =	vcvt.s32.f32 v50;
	v50 =	vsub.f32 $1.000000000e+00, v18;
	v29 =	vadd.f32 v32, v29  }
0x500: {  	v52 =	vsub.f32 $1.000000000e+00, v35;
	v51 =	vmul.f32 v56, v38;
	v43 =	vadd.f32 v48, v43  }
0x501: {  	v55 =	vadd.s32 $0x2360, v45;
	v39 =	vsub.f32 v54, v62;
	v29 =	vadd.f32 v49, v29  }
0x502: {  	v58 =	vmul.f32 v52, v50;
	v57 =	vmul.f32 v63, v19;
	v56 =	vadd.f32 v51, v43  }
0x503: {  	v59 =	vmul.f32 v52, v18;
	v19 =	vmul.f32 v36, v19;
	v29 =	vadd.f32 v53, v29  }
0x504: {  	v18 =	vmul.f32 v35, v18;
	v60 =	vsub.f32 $1.000000000e+00, v39;
	v42 =	vadd.f32 v57, v56  }
0x505: {  	v37 =	vmul.f32 v35, v50;
	v61 =	vadd.s32 $0x2670, v45;
	v19 =	vadd.f32 v19, v29  }
0x506: {  	v32 =	vmul.f32 v59, v39;
	v47 =	vmul.f32 v60, v59;
	[tilespmem:s11+$0xFFFFFF00] =	vst v42  }
0x507: {  	v62 =	vadd.s32 $0x237C, v45;
	v35 =	vmul.f32 v60, v37;
	v48 =	vmul.f32 $4.000000000e+01, v17;
	[tilespmem:s11+$0xFFFFFF80] =	vst v19  }
0x508: {  	v37 =	vmul.f32 v39, v37;
	v59 =	vtrunc.f32 v16;
	v42 =	vld.idx.msk [tilespmem:v55+s2+$0x0], $0xffff  }
0x509: {  	v36 =	vmul.f32 v60, v18;
	v29 =	vadd.f32 v41, v40;
	v41 =	vadd.s32 $0x268C, v45;
	v38 =	vld.idx.msk [tilespmem:v55+s22+$0x0], $0xffff  }
0x50a: {  	v17 =	vadd.s32 $0x2671, v45;
	v52 =	vcvt.f32.s32 v59;
	v43 =	vmul.f32 v60, v58;
	v57 =	vld.idx.msk [tilespmem:v61+s2+$0x0], $0xffff  }
0x50b: {  	v63 =	vadd.s32 $0x2361, v45;
	v19 =	vmul.f32 v58, v39;
	v58 =	vtrunc.f32 v15;
	v46 =	vld.idx.msk [tilespmem:v61+s22+$0x0], $0xffff  }
0x50c: {  	v18 =	vmul.f32 v39, v18;
	v51 =	vadd.s32 $0x237D, v45;
	v50 =	vcvt.f32.s32 v58;
	v60 =	vld.idx.msk [tilespmem:v62+s2+$0x0], $0xffff  }
0x50d: {  	v54 =	vmul.u32 $0x3C6EF362, v52;
	v45 =	vadd.s32 $0x268D, v45;
	v61 =	vtrunc.f32 v48;
	v40 =	vld.idx.msk [tilespmem:v62+s22+$0x0], $0xffff  }
0x50e: {  	v39 =	vshll.u32 v50, $0x1;
	v62 =	vld.idx.msk [tilespmem:v41+s2+$0x0], $0xffff;
	v50 =	vcvt.s32.f32 v50;
	v42 =	vmul.f32 v42, v43  }
0x50f: {  	v41 =	vld.idx.msk [tilespmem:v41+s22+$0x0], $0xffff;
	v56 =	vadd.s32 $0x2, v39;
	v38 =	vmul.f32 v38, v43;
	v49 =	vmul.f32 v57, v47  }
0x510: {  	v53 =	vxor.u32 v39, v54;
	v43 =	vcvt.f32.s32 v61;
	v57 =	vld.idx.msk [tilespmem:v63+s2+$0x0], $0xffff;
	v46 =	vmul.f32 v46, v47  }
0x511: {  	v44 =	vld.idx.msk [tilespmem:v63+s22+$0x0], $0xffff;
	v47 =	vcvt.s32.f32 v52;
	v63 =	vmul.f32 v60, v35;
	v42 =	vadd.f32 v49, v42  }
0x512: {  	v60 =	vld.idx.msk [tilespmem:v17+s2+$0x0], $0xffff;
	v35 =	vmul.f32 v40, v35;
	v52 =	vmul.u32 $0x6004AF2A, v43;
	v38 =	vadd.f32 v46, v38  }
0x513: {  	v40 =	vxor.u32 v54, v56;
	v17 =	vld.idx.msk [tilespmem:v17+s22+$0x0], $0xffff;
	v61 =	vmul.f32 v62, v36;
	v42 =	vadd.f32 v63, v42  }
0x514: {  	v62 =	vld.idx.msk [tilespmem:v51+s2+$0x0], $0xffff;
	v36 =	vmul.f32 v41, v36;
	v49 =	vxor.u32 v52, v53;
	v35 =	vadd.f32 v35, v38  }
0x515: {  	v41 =	vld.idx.msk [tilespmem:v51+s22+$0x0], $0xffff;
	v38 =	vxor.u32 v52, v40;
	v63 =	vmul.f32 v57, v19;
	v42 =	vadd.f32 v61, v42  }
0x516: {  	v59 =	vld.idx.msk [tilespmem:v45+s2+$0x0], $0xffff;
	v57 =	vadd.s32 $0x3C6EF362, v54;
	v19 =	vmul.f32 v44, v19;
	v35 =	vadd.f32 v36, v35  }
0x517: {  	v60 =	vmul.f32 v60, v32;
	v36 =	vsub.f32 v15, v50;
	v15 =	vld.idx.msk [tilespmem:v45+s22+$0x0], $0xffff;
	v42 =	vadd.f32 v63, v42  }
0x518: {  	v17 =	vmul.f32 v17, v32;
	v45 =	vsub.f32 v16, v47;
	v16 =	vadd.f32 v19, v35  }
0x519: {  	v38 =	vand.u32 $0xFFFE, v38;
	v62 =	vmul.f32 v62, v37;
	v61 =	vadd.f32 v60, v42  }
0x51a: {  	v39 =	vxor.u32 v39, v57;
	v37 =	vmul.f32 v41, v37;
	v16 =	vadd.f32 v17, v16  }
0x51b: {  	v50 =	vmul.f32 v59, v18;
	v54 =	vxor.u32 v52, v39;
	v32 =	vadd.f32 v62, v61  }
0x51c: {  	v33 =	vld.idx.msk [tilespmem:v33+s20+$0x0], $0xffff;
	v63 =	vand.u32 $0xFFFE, v49;
	v15 =	vmul.f32 v15, v18;
	v16 =	vadd.f32 v37, v16  }
0x51d: {  	v23 =	vld.idx.msk [tilespmem:v23+s20+$0x0], $0xffff;
	v19 =	vcvt.s32.f32 v43;
	v18 =	vor.u32 $0x1, v63;
	v32 =	vadd.f32 v50, v32  }
0x51e: {  	v28 =	vld.idx.msk [tilespmem:v28+s20+$0x0], $0xffff;
	v41 =	vxor.u32 v56, v57;
	v55 =	vsub.f32 $1.000000000e+00, v36;
	v16 =	vadd.f32 v15, v16  }
0x51f: {  	v17 =	vld.idx.msk [tilespmem:v34+s20+$0x0], $0xffff;
	v34 =	vor.u32 $0x1, v38;
	v15 =	vsub.f32 v48, v19;
	v19 =	vsub.f32 $1.000000000e+00, v45;
	[tilespmem:s11+$0x0] =	vst v32  }
0x520: {  	v8 =	vld.idx.msk [tilespmem:v8+s20+$0x0], $0xffff;
	v25 =	vadd.f32 v30, v25;
	v35 =	vand.u32 $0xFFFE, v54;
	v57 =	vxor.u32 v52, v41;
	[tilespmem:s11+$0x80] =	vst v16  }
0x521: {  	v43 =	vor.u32 $0x1, v35;
	v47 =	vmul.f32 v19, v55;
	v48 =	vmul.f32 v19, v36;
	v19 =	vld.idx.msk [tilespmem:v63+s20+$0x0], $0xffff  }
0x522: {  	v23 =	vmul.f32 v23, v27;
	v59 =	vand.u32 $0xFFFE, v57;
	v32 =	vadd.s32 $0x6004AF2A, v52;
	v18 =	vld.idx.msk [tilespmem:v18+s20+$0x0], $0xffff  }
0x523: {  	v33 =	vmul.f32 v33, v22;
	v60 =	vxor.u32 v53, v32;
	v63 =	vor.u32 $0x1, v59;
	v38 =	vld.idx.msk [tilespmem:v38+s20+$0x0], $0xffff  }
0x524: {  	v26 =	vmul.f32 v28, v26;
	v58 =	vsub.f32 $1.000000000e+00, v15;
	v31 =	vld.idx.msk [tilespmem:v34+s20+$0x0], $0xffff;
	v42 =	vand.u32 $0xFFFE, v60  }
0x525: {  	v25 =	vadd.f32 v23, v25;
	v24 =	vmul.f32 v45, v36;
	v16 =	vmul.f32 v45, v55;
	v35 =	vld.idx.msk [tilespmem:v35+s20+$0x0], $0xffff  }
0x526: {  	v40 =	vxor.u32 v40, v32;
	v30 =	vld.idx.msk [tilespmem:v43+s20+$0x0], $0xffff;
	v61 =	vmul.f32 v58, v47;
	v55 =	vor.u32 $0x1, v42  }
0x527: {  	[tilespmem:s15+$0x190] =	vst v9;
	v27 =	vld.idx.msk [tilespmem:v59+s20+$0x0], $0xffff;
	v62 =	vmul.f32 v58, v48;
	v54 =	vmul.f32 v58, v16;
	v56 =	vand.u32 $0xFFFE, v40  }
0x528: {  	[tilespmem:s15+$0x110] =	vst v14;
	v58 =	vmul.f32 v58, v24;
	v40 =	vor.u32 $0x1, v56;
	v19 =	vmul.f32 v19, v61;
	v59 =	vld.idx.msk [tilespmem:v63+s20+$0x0], $0xffff  }
0x529: {  	v57 =	vmul.f32 v18, v61;
	v18 =	vxor.u32 v32, v39;
	v9 =	vmul.f32 v38, v62;
	v14 =	vld.idx.msk [tilespmem:v42+s20+$0x0], $0xffff  }
0x52a: {  	v23 =	vmul.f32 v31, v62;
	v35 =	vmul.f32 v35, v54;
	v60 =	vand.u32 $0xFFFE, v18;
	v18 =	vld.idx.msk [tilespmem:v21+s20+$0x0], $0xffff  }
0x52b: {  	v32 =	vxor.u32 v32, v41;
	v31 =	vor.u32 $0x1, v60;
	v28 =	vld.idx.msk [tilespmem:v55+s20+$0x0], $0xffff;
	v9 =	vadd.f32 v9, v19  }
0x52c: {  	v30 =	vmul.f32 v30, v54;
	v61 =	vmul.f32 v47, v15;
	v21 =	vadd.f32 v23, v57;
	v19 =	vld.idx.msk [tilespmem:v20+s20+$0x0], $0xffff  }
0x52d: {  	[tilespmem:s15+$0x100] =	vst v13;
	v27 =	vmul.f32 v27, v58;
	v23 =	vand.u32 $0xFFFE, v32;
	v13 =	vld.idx.msk [tilespmem:v40+s20+$0x0], $0xffff;
	v20 =	vadd.f32 v35, v9  }
0x52e: {  	v26 =	vadd.f32 v26, v25;
	v9 =	vld.idx.msk [tilespmem:v56+s20+$0x0], $0xffff;
	v30 =	vadd.f32 v30, v21;
	v62 =	vmul.f32 v59, v58  }
0x52f: {  	s21 =	sor.u32 $0x20, s14;
	v25 =	vadd.f32 v27, v20;
	v63 =	vmul.f32 v14, v61;
	v21 =	vld.idx.msk [tilespmem:v60+s20+$0x0], $0xffff  }
0x530: {  	s5 =	smin.u32 s21, $0x1E84;
	v26 =	vadd.f32 v33, v26;
	v27 =	vadd.f32 v62, v30;
	v28 =	vmul.f32 v28, v61;
	v14 =	vld.idx.msk [tilespmem:v31+s20+$0x0], $0xffff  }
0x531: {  	s7 =	sadd.s32 $0x20, s18;
	s9 =	sshll.u32 s5, $0x7;
	s5 =	simm.s32 $0x2;
	[tilespmem:s11+$0x190] =	vst v29;
	v20 =	vor.u32 $0x1, v23;
	v22 =	vadd.f32 v63, v25;
	v25 =	vmul.f32 v48, v15  }
.LBB2_13:
0x532: {  	p0 =	slt.s32 s7, $0x70;
	s8 =	sadd.s32 $0x10, s7;
	v27 =	vadd.f32 v28, v27;
	v16 =	vmul.f32 v15, v16;
	v28 =	vld.idx.msk [tilespmem:v23+s20+$0x0], $0xffff;
	v12 =	vmul.f32 v19, v12;
	s14 =	smov.u32 s7  }
0x533: {  	s14 =	simm.s32 @!p0 $0x70;
	p0 =	slt.s32 s8, $0x70;
	v19 =	vmul.f32 v9, v25;
	v13 =	vmul.f32 v13, v25  }
0x534: {  	v10 =	vmul.f32 v18, v10;
	v9 =	vld [tilespmem:s14+$0x1F400];
	s8 =	simm.s32 @!p0 $0x70;
	v21 =	vmul.f32 v21, v16;
	v12 =	vadd.f32 v12, v26  }
0x535: {  	v14 =	vmul.f32 v14, v16;
	v23 =	vld [tilespmem:s8+$0x1F400];
	v18 =	vadd.f32 v19, v22;
	v19 =	vadd.f32 v13, v27  }
0x536: {  	v15 =	vmul.f32 v15, v24;
	v11 =	vmul.f32 v17, v11;
	v13 =	vld [tilespmem:s14+$0x1F480];
	v10 =	vadd.f32 v10, v12  }
0x537: {  	v24 =	vld [tilespmem:s8+$0x1F480];
	v12 =	vadd.f32 v21, v18;
	v17 =	vadd.f32 v14, v19;
	v18 =	vmul.f32 v8, v6  }
0x538: {  	v19 =	vmul.f32 v28, v15;
	v6 =	vmov v15;
	v14 =	vld [tilespmem:s14+$0x1F500];
	v10 =	vadd.f32 v11, v10  }
0x539: {  	v11 =	vmul.f32 $1.200000000e+01, v9;
	v16 =	vmul.f32 $1.800000000e+01, v9;
	v8 =	vld.idx.msk [tilespmem:v20+s20+$0x0], $0xffff;
	v18 =	vadd.f32 v18, v7;
	v7 =	vmovc v17  }
0x53a: {  	v15 =	vmul.f32 $2.700000000e+01, v9;
	v12 =	vadd.f32 v19, v12;
	v29 =	vld [tilespmem:s8+$0x1F500];
	v25 =	vmul.f32 $1.200000000e+01, v23;
	[tilespmem:s11+$0x110] =	vst v10  }
0x53b: {  	s5 =	sadd.s32 $0x2, s5;
	v17 =	vmul.f32 $1.200000000e+01, v13;
	v10 =	vtrunc.f32 v11;
	[tilespmem:s15+$0x180] =	vst v18;
	s15 =	smov.u32 s11  }
0x53c: {  	p0 =	slt.u32 s5, $0x6;
	v19 =	vmul.f32 $1.200000000e+01, v24;
	v18 =	vtrunc.f32 v25;
	[tilespmem:s11+$0x100] =	vst v12  }
0x53d: {  	v12 =	vcvt.f32.s32 v10;
	v26 =	vcvt.f32.s32 v18  }
0x53e: {  	v18 =	vtrunc.f32 v17;
	v10 =	vtrunc.f32 v19  }
0x53f: {  	v27 =	vmul.f32 $1.200000000e+01, v29;
	v28 =	vcvt.f32.s32 v10;
	v20 =	vmul.u32 $0xD, v26  }
0x540: {  	v21 =	vcvt.f32.s32 v18;
	v22 =	vmul.u32 $0xD, v12;
	v10 =	vmul.f32 $1.200000000e+01, v14  }
0x541: {  	v12 =	vcvt.s32.f32 v12;
	v18 =	vtrunc.f32 v27;
	v20 =	vadd.s32 v28, v20  }
0x542: {  	v30 =	vtrunc.f32 v10;
	v31 =	vcvt.f32.s32 v18;
	v20 =	vmul.u32 $0xD, v20  }
0x543: {  	v18 =	vcvt.f32.s32 v30;
	v30 =	vcvt.s32.f32 v21;
	v21 =	vadd.s32 v21, v22  }
0x544: {  	v12 =	vsub.f32 v11, v12;
	v11 =	vmul.u32 $0xD, v21;
	v32 =	vadd.s32 v31, v20  }
0x545: {  	v22 =	vmul.f32 $4.000000000e+01, v29;
	v17 =	vsub.f32 v17, v30;
	v20 =	vmul.f32 $4.000000000e+01, v23  }
0x546: {  	v21 =	vmul.f32 $4.000000000e+01, v24;
	v30 =	vmul.f32 $1.800000000e+01, v29;
	v33 =	vadd.s32 $0xA9, v32  }
0x547: {  	v26 =	vcvt.s32.f32 v26;
	v28 =	vcvt.s32.f32 v28;
	v11 =	vadd.s32 v18, v11  }
0x548: {  	v34 =	vcvt.s32.f32 v31;
	v31 =	vmul.f32 $1.800000000e+01, v24;
	v35 =	vadd.s32 $0xD, v32  }
0x549: {  	v36 =	vmul.f32 $1.800000000e+01, v23;
	v25 =	vsub.f32 v25, v26;
	v19 =	vsub.f32 v19, v28;
	v26 =	vld.idx.msk [tilespmem:v32+s2+$0x0], $0xffff  }
0x54a: {  	v27 =	vsub.f32 v27, v34;
	v34 =	vadd.s32 $0xB6, v32;
	v37 =	vtrunc.f32 v30;
	v28 =	vld.idx.msk [tilespmem:v32+s22+$0x0], $0xffff  }
0x54b: {  	v38 =	vsub.f32 $1.000000000e+00, v25;
	v39 =	vsub.f32 $1.000000000e+00, v19;
	v41 =	vtrunc.f32 v31;
	v40 =	vld.idx.msk [tilespmem:v33+s2+$0x0], $0xffff  }
0x54c: {  	v43 =	vtrunc.f32 v36;
	v42 =	vadd.s32 $0x1, v32;
	v37 =	vcvt.f32.s32 v37;
	v33 =	vld.idx.msk [tilespmem:v33+s22+$0x0], $0xffff  }
0x54d: {  	v45 =	vmul.f32 v39, v38;
	v39 =	vmul.f32 v39, v25;
	v44 =	vsub.f32 $1.000000000e+00, v27;
	v46 =	vld.idx.msk [tilespmem:v35+s2+$0x0], $0xffff  }
0x54e: {  	v47 =	vadd.s32 $0xAA, v32;
	v38 =	vmul.f32 v19, v38;
	v41 =	vcvt.f32.s32 v41;
	v35 =	vld.idx.msk [tilespmem:v35+s22+$0x0], $0xffff  }
0x54f: {  	v48 =	vadd.s32 $0xA9, v11;
	v49 =	vmul.f32 v44, v45;
	v50 =	vmul.f32 v44, v39;
	v51 =	vld.idx.msk [tilespmem:v34+s2+$0x0], $0xffff  }
0x550: {  	v52 =	vmul.f32 v19, v25;
	v53 =	vadd.s32 $0xE, v32;
	v25 =	vmul.f32 v44, v38;
	v34 =	vld.idx.msk [tilespmem:v34+s22+$0x0], $0xffff  }
0x551: {  	v19 =	vsub.f32 $1.000000000e+00, v12;
	v26 =	vmul.f32 v49, v26;
	v40 =	vmul.f32 v50, v40;
	v54 =	vld.idx.msk [tilespmem:v42+s2+$0x0], $0xffff  }
0x552: {  	v32 =	vadd.s32 $0xB7, v32;
	v28 =	vmul.f32 v49, v28;
	v33 =	vmul.f32 v50, v33;
	v42 =	vld.idx.msk [tilespmem:v42+s22+$0x0], $0xffff  }
0x553: {  	v44 =	vmul.f32 v44, v52;
	v26 =	vadd.f32 v40, v26;
	v40 =	vmul.f32 v25, v46;
	v46 =	vld.idx.msk [tilespmem:v47+s2+$0x0], $0xffff  }
0x554: {  	v28 =	vadd.f32 v33, v28;
	v25 =	vmul.f32 v35, v25;
	v35 =	vcvt.f32.s32 v43;
	v33 =	vld.idx.msk [tilespmem:v47+s22+$0x0], $0xffff  }
0x555: {  	v43 =	vmul.f32 v45, v27;
	v26 =	vadd.f32 v26, v40;
	v40 =	vmul.f32 v51, v44;
	v45 =	vld.idx.msk [tilespmem:v53+s2+$0x0], $0xffff  }
0x556: {  	v25 =	vadd.f32 v28, v25;
	v28 =	vmul.f32 v34, v44;
	v44 =	vmul.u32 $0x13, v35;
	v34 =	vld.idx.msk [tilespmem:v53+s22+$0x0], $0xffff  }
0x557: {  	v39 =	vmul.f32 v39, v27;
	v40 =	vadd.f32 v26, v40;
	v47 =	vmul.f32 v54, v43;
	v49 =	vld.idx.msk [tilespmem:v32+s2+$0x0], $0xffff  }
0x558: {  	v25 =	vadd.f32 v28, v25;
	v42 =	vmul.f32 v42, v43;
	v43 =	vadd.s32 v41, v44;
	v32 =	vld.idx.msk [tilespmem:v32+s22+$0x0], $0xffff  }
0x559: {  	v38 =	vmul.f32 v27, v38;
	v40 =	vadd.f32 v47, v40;
	v44 =	vmul.f32 v46, v39;
	v26 =	vld.idx.msk [tilespmem:v48+s2+$0x0], $0xffff  }
0x55a: {  	v42 =	vadd.f32 v42, v25;
	v33 =	vmul.f32 v33, v39;
	v39 =	vmul.u32 $0x13, v43;
	v28 =	vld.idx.msk [tilespmem:v48+s22+$0x0], $0xffff  }
0x55b: {  	v40 =	vadd.f32 v44, v40;
	v43 =	vmul.f32 v45, v38;
	v44 =	vmul.f32 v27, v52;
	v25 =	vld.idx.msk [tilespmem:v11+s2+$0x0], $0xffff  }
0x55c: {  	v33 =	vadd.f32 v33, v42;
	v38 =	vmul.f32 v34, v38;
	v34 =	vmul.f32 $2.700000000e+01, v29;
	v27 =	vld.idx.msk [tilespmem:v11+s22+$0x0], $0xffff  }
0x55d: {  	v39 =	vadd.s32 v37, v39;
	v29 =	vadd.f32 v43, v40;
	v40 =	vmul.f32 v49, v44  }
0x55e: {  	v33 =	vadd.f32 v38, v33;
	v32 =	vmul.f32 v32, v44;
	v38 =	vadd.s32 $0x895, v39  }
0x55f: {  	v23 =	vmul.f32 $2.700000000e+01, v23;
	v24 =	vmul.f32 $2.700000000e+01, v24;
	v40 =	vadd.f32 v40, v29  }
0x560: {  	s11 =	sadd.s32 $0x20, s11;
	v42 =	vtrunc.f32 v22;
	v32 =	vadd.f32 v32, v33;
	v33 =	vadd.s32 $0x9FE, v39  }
0x561: {  	v35 =	vcvt.s32.f32 v35;
	v29 =	vsub.f32 $1.000000000e+00, v17;
	[tilespmem:s11+$0xFFFFFE10] =	vst v40;
	v40 =	vcvt.s32.f32 v41  }
0x562: {  	v41 =	vtrunc.f32 v20;
	[tilespmem:s11+$0xFFFFFE90] =	vst v32;
	v32 =	vcvt.s32.f32 v37;
	v37 =	vadd.s32 $0x8A8, v39  }
0x563: {  	v35 =	vsub.f32 v36, v35;
	v31 =	vsub.f32 v31, v40;
	v36 =	vld.idx.msk [tilespmem:v38+s2+$0x0], $0xffff;
	v40 =	vtrunc.f32 v21  }
0x564: {  	v43 =	vsub.f32 v30, v32;
	v30 =	vld.idx.msk [tilespmem:v38+s22+$0x0], $0xffff;
	v32 =	vadd.s32 $0xA11, v39;
	v38 =	vtrunc.f32 v34  }
0x565: {  	v47 =	vtrunc.f32 v24;
	v44 =	vsub.f32 $1.000000000e+00, v35;
	v45 =	vsub.f32 $1.000000000e+00, v31;
	v46 =	vld.idx.msk [tilespmem:v33+s2+$0x0], $0xffff  }
0x566: {  	v48 =	vadd.s32 $0x896, v39;
	v49 =	vtrunc.f32 v23;
	v38 =	vcvt.f32.s32 v38;
	v33 =	vld.idx.msk [tilespmem:v33+s22+$0x0], $0xffff  }
0x567: {  	v50 =	vsub.f32 $1.000000000e+00, v43;
	v51 =	vmul.f32 v45, v44;
	v45 =	vmul.f32 v45, v35;
	v52 =	vld.idx.msk [tilespmem:v37+s2+$0x0], $0xffff  }
0x568: {  	v47 =	vcvt.f32.s32 v47;
	v53 =	vadd.s32 $0x9FF, v39;
	v44 =	vmul.f32 v31, v44;
	v37 =	vld.idx.msk [tilespmem:v37+s22+$0x0], $0xffff  }
0x569: {  	v54 =	vadd.s32 $0xD, v11;
	v55 =	vmul.f32 v50, v51;
	v56 =	vmul.f32 v50, v45;
	v57 =	vld.idx.msk [tilespmem:v32+s2+$0x0], $0xffff  }
0x56a: {  	v58 =	vadd.s32 $0x8A9, v39;
	v35 =	vmul.f32 v31, v35;
	v31 =	vmul.f32 v50, v44;
	v32 =	vld.idx.msk [tilespmem:v32+s22+$0x0], $0xffff  }
0x56b: {  	v59 =	vadd.s32 $0xB6, v11;
	v36 =	vmul.f32 v36, v55;
	v46 =	vmul.f32 v46, v56;
	v60 =	vld.idx.msk [tilespmem:v48+s2+$0x0], $0xffff  }
0x56c: {  	v39 =	vadd.s32 $0xA12, v39;
	v30 =	vmul.f32 v30, v55;
	v33 =	vmul.f32 v33, v56;
	v48 =	vld.idx.msk [tilespmem:v48+s22+$0x0], $0xffff  }
0x56d: {  	v50 =	vmul.f32 v50, v35;
	v36 =	vadd.f32 v46, v36;
	v46 =	vmul.f32 v52, v31;
	v52 =	vld.idx.msk [tilespmem:v53+s2+$0x0], $0xffff  }
0x56e: {  	v30 =	vadd.f32 v33, v30;
	v31 =	vmul.f32 v37, v31;
	v37 =	vcvt.f32.s32 v49;
	v33 =	vld.idx.msk [tilespmem:v53+s22+$0x0], $0xffff  }
0x56f: {  	v49 =	vmul.f32 v51, v43;
	v36 =	vadd.f32 v46, v36;
	v46 =	vmul.f32 v57, v50;
	v51 =	vld.idx.msk [tilespmem:v58+s2+$0x0], $0xffff  }
0x570: {  	v30 =	vadd.f32 v31, v30;
	v31 =	vmul.f32 v32, v50;
	v32 =	vmul.u32 $0x1C, v37;
	v50 =	vld.idx.msk [tilespmem:v58+s22+$0x0], $0xffff  }
0x571: {  	v45 =	vmul.f32 v45, v43;
	v36 =	vadd.f32 v46, v36;
	v46 =	vmul.f32 v60, v49;
	v53 =	vld.idx.msk [tilespmem:v39+s2+$0x0], $0xffff  }
0x572: {  	v55 =	vadd.f32 v31, v30;
	v48 =	vmul.f32 v48, v49;
	v32 =	vadd.s32 v47, v32;
	v39 =	vld.idx.msk [tilespmem:v39+s22+$0x0], $0xffff  }
0x573: {  	v44 =	vmul.f32 v43, v44;
	v30 =	vld.idx.msk [tilespmem:v54+s2+$0x0], $0xffff;
	v36 =	vadd.f32 v46, v36;
	v46 =	vmul.f32 v52, v45  }
0x574: {  	v49 =	vmul.u32 $0x1C, v32;
	v48 =	vadd.f32 v48, v55;
	v45 =	vmul.f32 v33, v45;
	v31 =	vld.idx.msk [tilespmem:v54+s22+$0x0], $0xffff  }
0x575: {  	v35 =	vmul.f32 v43, v35;
	v32 =	vld.idx.msk [tilespmem:v59+s2+$0x0], $0xffff;
	v36 =	vadd.f32 v46, v36;
	v46 =	vmul.f32 v51, v44  }
0x576: {  	v42 =	vcvt.f32.s32 v42;
	v43 =	vadd.f32 v45, v48;
	v44 =	vmul.f32 v50, v44;
	v33 =	vld.idx.msk [tilespmem:v59+s22+$0x0], $0xffff  }
0x577: {  	v45 =	vmul.f32 v53, v35;
	v36 =	vadd.f32 v46, v36;
	v46 =	vadd.s32 v38, v49  }
0x578: {  	v43 =	vadd.f32 v44, v43;
	v35 =	vmul.f32 v39, v35;
	v39 =	vadd.s32 $0x2360, v46  }
0x579: {  	v41 =	vcvt.f32.s32 v41;
	v40 =	vcvt.f32.s32 v40;
	v36 =	vadd.f32 v45, v36  }
0x57a: {  	v44 =	vcvt.s32.f32 v42;
	v35 =	vadd.f32 v35, v43;
	v43 =	vadd.s32 $0x2670, v46  }
0x57b: {  	v45 =	vadd.s32 $0x1, v11;
	[tilespmem:s11+$0xFFFFFF10] =	vst v36;
	v36 =	vcvt.s32.f32 v37;
	v37 =	vcvt.s32.f32 v47  }
0x57c: {  	v47 =	vcvt.s32.f32 v41;
	[tilespmem:s11+$0xFFFFFF90] =	vst v35;
	v35 =	vcvt.s32.f32 v38;
	v38 =	vadd.s32 $0x237C, v46  }
0x57d: {  	v48 =	vcvt.s32.f32 v40;
	v23 =	vsub.f32 v23, v36;
	v24 =	vsub.f32 v24, v37;
	v36 =	vld.idx.msk [tilespmem:v39+s2+$0x0], $0xffff  }
0x57e: {  	v42 =	vmul.u32 $0x6004AF2A, v42;
	v37 =	vsub.f32 v34, v35;
	v35 =	vld.idx.msk [tilespmem:v39+s22+$0x0], $0xffff;
	v39 =	vadd.s32 $0x268C, v46  }
0x57f: {  	v41 =	vshll.u32 v41, $0x1;
	v34 =	vsub.f32 $1.000000000e+00, v23;
	v49 =	vsub.f32 $1.000000000e+00, v24;
	v50 =	vld.idx.msk [tilespmem:v43+s2+$0x0], $0xffff  }
0x580: {  	v40 =	vmul.u32 $0x3C6EF362, v40;
	v51 =	vadd.s32 $0x2361, v46;
	v52 =	vadd.s32 $0x2, v41;
	v43 =	vld.idx.msk [tilespmem:v43+s22+$0x0], $0xffff  }
0x581: {  	v53 =	vsub.f32 $1.000000000e+00, v37;
	v54 =	vmul.f32 v49, v34;
	v49 =	vmul.f32 v49, v23;
	v55 =	vld.idx.msk [tilespmem:v38+s2+$0x0], $0xffff  }
0x582: {  	v57 =	vadd.s32 $0x2671, v46;
	v56 =	vmul.f32 v24, v34;
	v34 =	vsub.f32 v22, v44;
	v38 =	vld.idx.msk [tilespmem:v38+s22+$0x0], $0xffff  }
0x583: {  	v59 =	vadd.s32 $0x3C6EF362, v40;
	v22 =	vmul.f32 v53, v54;
	v44 =	vmul.f32 v53, v49;
	v58 =	vld.idx.msk [tilespmem:v39+s2+$0x0], $0xffff  }
0x584: {  	v60 =	vadd.s32 $0x237D, v46;
	v23 =	vmul.f32 v24, v23;
	v24 =	vmul.f32 v53, v56;
	v39 =	vld.idx.msk [tilespmem:v39+s22+$0x0], $0xffff  }
0x585: {  	v62 =	vxor.u32 v41, v40;
	v36 =	vmul.f32 v36, v22;
	v50 =	vmul.f32 v50, v44;
	v61 =	vld.idx.msk [tilespmem:v51+s2+$0x0], $0xffff  }
0x586: {  	v22 =	vmul.f32 v35, v22;
	v35 =	vmul.f32 v43, v44;
	v44 =	vadd.s32 $0x268D, v46;
	v43 =	vld.idx.msk [tilespmem:v51+s22+$0x0], $0xffff  }
0x587: {  	v46 =	vmul.f32 v55, v24;
	v36 =	vadd.f32 v50, v36;
	v50 =	vmul.f32 v53, v23;
	v51 =	vld.idx.msk [tilespmem:v57+s2+$0x0], $0xffff  }
0x588: {  	v40 =	vxor.u32 v40, v52;
	v22 =	vadd.f32 v35, v22;
	v24 =	vmul.f32 v38, v24;
	v38 =	vld.idx.msk [tilespmem:v57+s22+$0x0], $0xffff  }
0x589: {  	v35 =	vadd.f32 v46, v36;
	v36 =	vmul.f32 v58, v50;
	v46 =	vmul.f32 v54, v37;
	v53 =	vld.idx.msk [tilespmem:v60+s2+$0x0], $0xffff  }
0x58a: {  	v41 =	vxor.u32 v41, v59;
	v22 =	vadd.f32 v24, v22;
	v24 =	vmul.f32 v39, v50;
	v39 =	vld.idx.msk [tilespmem:v60+s22+$0x0], $0xffff  }
0x58b: {  	v49 =	vmul.f32 v49, v37;
	v36 =	vadd.f32 v36, v35;
	v50 =	vmul.f32 v61, v46;
	v54 =	vld.idx.msk [tilespmem:v44+s2+$0x0], $0xffff  }
0x58c: {  	v22 =	vadd.f32 v24, v22;
	v24 =	vmul.f32 v43, v46;
	v43 =	vld.idx.msk [tilespmem:v44+s22+$0x0], $0xffff;
	v44 =	vxor.u32 v42, v62  }
0x58d: {  	v35 =	vld.idx.msk [tilespmem:v45+s2+$0x0], $0xffff;
	v46 =	vadd.f32 v50, v36;
	v50 =	vmul.f32 v51, v49;
	v51 =	vmul.f32 v37, v56  }
0x58e: {  	v22 =	vadd.f32 v24, v22;
	v24 =	vmul.f32 v38, v49;
	v36 =	vld.idx.msk [tilespmem:v45+s22+$0x0], $0xffff;
	v45 =	vxor.u32 v42, v40  }
0x58f: {  	v23 =	vmul.f32 v37, v23;
	v46 =	vadd.f32 v50, v46;
	v49 =	vmul.f32 v53, v51  }
0x590: {  	v38 =	vand.u32 $0xFFFE, v44;
	v22 =	vadd.f32 v24, v22;
	v24 =	vmul.f32 v39, v51  }
0x591: {  	v37 =	vand.u32 $0xFFFE, v45;
	v44 =	vmul.f32 v54, v23;
	v39 =	vadd.f32 v49, v46  }
0x592: {  	v22 =	vadd.f32 v24, v22;
	v23 =	vmul.f32 v43, v23;
	v24 =	vor.u32 $0x1, v38  }
0x593: {  	v43 =	vor.u32 $0x1, v37;
	v39 =	vadd.f32 v44, v39;
	v44 =	vxor.u32 v42, v41  }
0x594: {  	v45 =	vxor.u32 v52, v59;
	v22 =	vadd.f32 v23, v22;
	v44 =	vand.u32 $0xFFFE, v44  }
0x595: {  	v20 =	vsub.f32 v20, v47;
	[tilespmem:s11+$0x10] =	vst v39;
	v23 =	vor.u32 $0x1, v44;
	v39 =	vxor.u32 v42, v45  }
0x596: {  	v21 =	vsub.f32 v21, v48;
	[tilespmem:s11+$0x90] =	vst v22;
	v22 =	vadd.s32 $0x6004AF2A, v42;
	v39 =	vand.u32 $0xFFFE, v39  }
0x597: {  	v42 =	vld.idx.msk [tilespmem:v24+s20+$0x0], $0xffff;
	v46 =	vor.u32 $0x1, v39;
	v24 =	vxor.u32 v62, v22;
	v40 =	vxor.u32 v40, v22  }
0x598: {  	v48 =	vsub.f32 $1.000000000e+00, v21;
	v47 =	vsub.f32 $1.000000000e+00, v20;
	v43 =	vld.idx.msk [tilespmem:v43+s20+$0x0], $0xffff;
	v49 =	vand.u32 $0xFFFE, v24  }
0x599: {  	v50 =	vsub.f32 $1.000000000e+00, v34;
	v51 =	vmul.f32 v21, v20;
	v52 =	vor.u32 $0x1, v49  }
0x59a: {  	v53 =	vmul.f32 v48, v47;
	v48 =	vmul.f32 v48, v20;
	v40 =	vand.u32 $0xFFFE, v40;
	v20 =	vld.idx.msk [tilespmem:v23+s20+$0x0], $0xffff  }
0x59b: {  	v47 =	vmul.f32 v21, v47;
	v21 =	vxor.u32 v22, v41;
	v54 =	vor.u32 $0x1, v40  }
0x59c: {  	v24 =	vmul.f32 v50, v48;
	v23 =	vmul.f32 v50, v53;
	v41 =	vld.idx.msk [tilespmem:v46+s20+$0x0], $0xffff;
	v46 =	vand.u32 $0xFFFE, v21  }
0x59d: {  	v22 =	vxor.u32 v22, v45;
	v21 =	vmul.f32 v50, v47;
	v55 =	vor.u32 $0x1, v46  }
0x59e: {  	v42 =	vmul.f32 v42, v23;
	v43 =	vmul.f32 v43, v24;
	v45 =	vld.idx.msk [tilespmem:v52+s20+$0x0], $0xffff;
	v52 =	vand.u32 $0xFFFE, v22  }
0x59f: {  	v18 =	vcvt.s32.f32 v18;
	v56 =	vmul.f32 v29, v19;
	v57 =	vor.u32 $0x1, v52  }
0x5a0: {  	v22 =	vmul.f32 v50, v51;
	v42 =	vadd.f32 v43, v42;
	v20 =	vmul.f32 v20, v21;
	v43 =	vld.idx.msk [tilespmem:v54+s20+$0x0], $0xffff  }
0x5a1: {  	v58 =	vmul.f32 v29, v12;
	v50 =	vsub.f32 v10, v18;
	v54 =	vmul.f32 v17, v19  }
0x5a2: {  	v10 =	vadd.f32 v20, v42;
	v18 =	vmul.f32 v41, v22;
	v20 =	vmul.f32 v53, v34;
	v19 =	vld.idx.msk [tilespmem:v55+s20+$0x0], $0xffff  }
0x5a3: {  	v29 =	vsub.f32 $1.000000000e+00, v50;
	v41 =	vmul.f32 v17, v12;
	v42 =	vadd.s32 $0xAA, v11  }
0x5a4: {  	v12 =	vmul.f32 v48, v34;
	v10 =	vadd.f32 v18, v10;
	v17 =	vmul.f32 v45, v20;
	v45 =	vld.idx.msk [tilespmem:v57+s20+$0x0], $0xffff  }
0x5a5: {  	v53 =	vadd.s32 $0xE, v11;
	v48 =	vmul.f32 v29, v56;
	v18 =	vmul.f32 v29, v58  }
0x5a6: {  	v55 =	vadd.f32 v17, v10;
	v43 =	vmul.f32 v43, v12;
	v10 =	vmul.f32 v34, v47  }
0x5a7: {  	v26 =	vmul.f32 v18, v26;
	v28 =	vmul.f32 v18, v28;
	v47 =	vadd.s32 $0xB7, v11;
	v17 =	vld.idx.msk [tilespmem:v52+s20+$0x0], $0xffff  }
0x5a8: {  	v11 =	vmul.f32 v34, v51;
	v43 =	vadd.f32 v43, v55;
	v18 =	vld.idx.msk [tilespmem:v46+s20+$0x0], $0xffff;
	v46 =	vmul.f32 v19, v10  }
0x5a9: {  	v27 =	vmul.f32 v48, v27;
	v34 =	vmul.f32 v48, v25;
	v19 =	vld.idx.msk [tilespmem:v40+s20+$0x0], $0xffff  }
0x5aa: {  	v40 =	vmul.f32 v29, v54;
	v45 =	vmul.f32 v45, v11;
	v25 =	vld.idx.msk [tilespmem:v49+s20+$0x0], $0xffff;
	v43 =	vadd.f32 v46, v43  }
0x5ab: {  	v34 =	vadd.f32 v26, v34;
	v46 =	vadd.f32 v28, v27;
	v28 =	vmul.f32 v29, v41;
	v26 =	vld.idx.msk [tilespmem:v39+s20+$0x0], $0xffff  }
0x5ac: {  	v29 =	vmul.f32 v40, v30;
	v30 =	vmul.f32 v31, v40;
	v27 =	vld.idx.msk [tilespmem:v44+s20+$0x0], $0xffff;
	v31 =	vadd.f32 v45, v43  }
0x5ad: {  	v32 =	vmul.f32 v32, v28;
	v33 =	vmul.f32 v33, v28;
	v28 =	vld.idx.msk [tilespmem:v38+s20+$0x0], $0xffff  }
0x5ae: {  	v34 =	vadd.f32 v34, v29;
	v30 =	vadd.f32 v46, v30;
	v38 =	vtrunc.f32 v16;
	v29 =	vld.idx.msk [tilespmem:v37+s20+$0x0], $0xffff;
	[tilespmem:s11+$0x190] =	vst v31  }
0x5af: {  	v39 =	vmul.f32 v58, v50;
	v31 =	vmul.f32 v56, v50;
	v37 =	vld.idx.msk [tilespmem:v42+s2+$0x0], $0xffff  }
0x5b0: {  	v32 =	vadd.f32 v34, v32;
	v30 =	vadd.f32 v33, v30;
	v34 =	vmul.f32 $1.800000000e+01, v13;
	v33 =	vld.idx.msk [tilespmem:v42+s22+$0x0], $0xffff  }
0x5b1: {  	v35 =	vmul.f32 v35, v31;
	v31 =	vmul.f32 v36, v31;
	v36 =	vld.idx.msk [tilespmem:v53+s2+$0x0], $0xffff  }
0x5b2: {  	v38 =	vcvt.f32.s32 v38;
	v42 =	vmul.f32 v50, v54;
	v40 =	vld.idx.msk [tilespmem:v53+s22+$0x0], $0xffff  }
0x5b3: {  	v32 =	vadd.f32 v35, v32;
	v30 =	vadd.f32 v31, v30;
	v35 =	vtrunc.f32 v34;
	v31 =	vld.idx.msk [tilespmem:v47+s2+$0x0], $0xffff  }
0x5b4: {  	v41 =	vmul.f32 v50, v41;
	v44 =	vmul.f32 $1.800000000e+01, v14;
	v45 =	vmul.u32 $0x13, v38;
	v43 =	vld.idx.msk [tilespmem:v47+s22+$0x0], $0xffff  }
0x5b5: {  	v35 =	vcvt.f32.s32 v35;
	v37 =	vmul.f32 v37, v39  }
0x5b6: {  	v33 =	vmul.f32 v33, v39;
	v39 =	vtrunc.f32 v44  }
0x5b7: {  	v32 =	vadd.f32 v37, v32;
	v36 =	vmul.f32 v36, v42;
	v37 =	vadd.s32 v35, v45  }
0x5b8: {  	v39 =	vcvt.f32.s32 v39;
	v30 =	vadd.f32 v33, v30;
	v33 =	vmul.f32 v40, v42  }
0x5b9: {  	v32 =	vadd.f32 v36, v32;
	v31 =	vmul.f32 v31, v41;
	v36 =	vcvt.s32.f32 v38  }
0x5ba: {  	v35 =	vcvt.s32.f32 v35;
	v30 =	vadd.f32 v33, v30;
	v33 =	vmul.f32 v43, v41  }
0x5bb: {  	v31 =	vadd.f32 v31, v32;
	v16 =	vsub.f32 v16, v36;
	v32 =	vmul.u32 $0x13, v37  }
0x5bc: {  	v30 =	vadd.f32 v33, v30;
	v33 =	vsub.f32 v34, v35;
	v34 =	vcvt.s32.f32 v39  }
0x5bd: {  	v35 =	vtrunc.f32 v15;
	v32 =	vadd.s32 v39, v32;
	[tilespmem:s11+$0xFFFFFE00] =	vst v31;
	v31 =	vsub.f32 $1.000000000e+00, v16  }
0x5be: {  	v36 =	vadd.s32 $0x895, v32;
	v37 =	vadd.s32 $0x9FE, v32;
	[tilespmem:s11+$0xFFFFFE80] =	vst v30;
	v30 =	vsub.f32 $1.000000000e+00, v33  }
0x5bf: {  	v34 =	vsub.f32 v44, v34;
	v38 =	vadd.s32 $0x8A8, v32;
	v39 =	vadd.s32 $0xA11, v32  }
0x5c0: {  	v41 =	vadd.s32 $0x896, v32;
	v40 =	vmul.f32 v30, v31;
	v30 =	vmul.f32 v30, v16  }
0x5c1: {  	v42 =	vsub.f32 $1.000000000e+00, v34;
	v31 =	vmul.f32 v33, v31;
	v16 =	vmul.f32 v33, v16  }
0x5c2: {  	v43 =	vadd.s32 $0x9FF, v32;
	v44 =	vadd.s32 $0x8A9, v32;
	v33 =	vmul.f32 v40, v34  }
0x5c3: {  	v32 =	vadd.s32 $0xA12, v32;
	v40 =	vmul.f32 v42, v40;
	v46 =	vmul.f32 v42, v30;
	v45 =	vld.idx.msk [tilespmem:v36+s2+$0x0], $0xffff  }
0x5c4: {  	v47 =	vmul.f32 v42, v31;
	v42 =	vmul.f32 v42, v16;
	v36 =	vld.idx.msk [tilespmem:v36+s22+$0x0], $0xffff  }
0x5c5: {  	v49 =	vmul.f32 $2.700000000e+01, v13;
	v30 =	vmul.f32 v30, v34;
	v48 =	vld.idx.msk [tilespmem:v37+s2+$0x0], $0xffff  }
0x5c6: {  	v35 =	vcvt.f32.s32 v35;
	v31 =	vmul.f32 v34, v31;
	v37 =	vld.idx.msk [tilespmem:v37+s22+$0x0], $0xffff  }
0x5c7: {  	v51 =	vmul.f32 $2.700000000e+01, v14;
	v52 =	vtrunc.f32 v49;
	v50 =	vld.idx.msk [tilespmem:v38+s2+$0x0], $0xffff  }
0x5c8: {  	v16 =	vmul.f32 v34, v16;
	v34 =	vcvt.f32.s32 v52;
	v52 =	vmul.u32 $0x1C, v35;
	v38 =	vld.idx.msk [tilespmem:v38+s22+$0x0], $0xffff  }
0x5c9: {  	v54 =	vtrunc.f32 v51;
	v45 =	vmul.f32 v45, v40;
	v53 =	vld.idx.msk [tilespmem:v39+s2+$0x0], $0xffff  }
0x5ca: {  	v52 =	vadd.s32 v34, v52;
	v36 =	vmul.f32 v36, v40;
	v40 =	vcvt.f32.s32 v54;
	v39 =	vld.idx.msk [tilespmem:v39+s22+$0x0], $0xffff  }
0x5cb: {  	v35 =	vcvt.s32.f32 v35;
	v52 =	vmul.u32 $0x1C, v52;
	v48 =	vmul.f32 v48, v46;
	v54 =	vld.idx.msk [tilespmem:v41+s2+$0x0], $0xffff  }
0x5cc: {  	v34 =	vcvt.s32.f32 v34;
	v37 =	vmul.f32 v37, v46;
	v41 =	vld.idx.msk [tilespmem:v41+s22+$0x0], $0xffff  }
0x5cd: {  	v15 =	vsub.f32 v15, v35;
	v45 =	vadd.f32 v48, v45;
	v46 =	vmul.f32 v50, v47;
	v48 =	vld.idx.msk [tilespmem:v43+s2+$0x0], $0xffff  }
0x5ce: {  	v34 =	vsub.f32 v49, v34;
	v35 =	vadd.f32 v37, v36;
	v36 =	vmul.f32 v38, v47;
	v37 =	vld.idx.msk [tilespmem:v43+s22+$0x0], $0xffff  }
0x5cf: {  	v38 =	vadd.f32 v46, v45;
	v43 =	vmul.f32 v53, v42;
	v46 =	vcvt.s32.f32 v40;
	v45 =	vld.idx.msk [tilespmem:v44+s2+$0x0], $0xffff  }
0x5d0: {  	v40 =	vadd.s32 v40, v52;
	v35 =	vadd.f32 v36, v35;
	v36 =	vmul.f32 v39, v42;
	v39 =	vld.idx.msk [tilespmem:v44+s22+$0x0], $0xffff  }
0x5d1: {  	v38 =	vadd.f32 v43, v38;
	v42 =	vmul.f32 v54, v33;
	v44 =	vadd.s32 $0x2360, v40;
	v43 =	vld.idx.msk [tilespmem:v32+s2+$0x0], $0xffff  }
0x5d2: {  	v35 =	vadd.f32 v36, v35;
	v33 =	vmul.f32 v41, v33;
	v36 =	vadd.s32 $0x2670, v40;
	v32 =	vld.idx.msk [tilespmem:v32+s22+$0x0], $0xffff  }
0x5d3: {  	v38 =	vadd.f32 v42, v38;
	v41 =	vmul.f32 v48, v30;
	v42 =	vsub.f32 $1.000000000e+00, v15  }
0x5d4: {  	v33 =	vadd.f32 v33, v35;
	v30 =	vmul.f32 v37, v30;
	v35 =	vsub.f32 $1.000000000e+00, v34  }
0x5d5: {  	v37 =	vadd.f32 v41, v38;
	v38 =	vmul.f32 v45, v31;
	v41 =	vsub.f32 v51, v46  }
0x5d6: {  	v30 =	vadd.f32 v30, v33;
	v31 =	vmul.f32 v39, v31;
	v33 =	vadd.s32 $0x237C, v40  }
0x5d7: {  	v39 =	vmul.f32 v35, v42;
	v37 =	vadd.f32 v38, v37;
	v38 =	vmul.f32 v43, v16  }
0x5d8: {  	v30 =	vadd.f32 v31, v30;
	v16 =	vmul.f32 v32, v16;
	v31 =	vmul.f32 v35, v15  }
0x5d9: {  	v35 =	vsub.f32 $1.000000000e+00, v41;
	v32 =	vadd.f32 v38, v37;
	v37 =	vadd.s32 $0x268C, v40  }
0x5da: {  	v38 =	vadd.s32 $0x2361, v40;
	v16 =	vadd.f32 v16, v30;
	v30 =	vmul.f32 v34, v42  }
0x5db: {  	v43 =	vadd.s32 $0x2671, v40;
	v42 =	vmul.f32 v35, v31;
	[tilespmem:s11+$0xFFFFFF00] =	vst v32;
	v32 =	vmul.f32 v35, v39  }
0x5dc: {  	v15 =	vmul.f32 v34, v15;
	v34 =	vadd.s32 $0x237D, v40;
	[tilespmem:s11+$0xFFFFFF80] =	vst v16;
	v16 =	vmul.f32 v35, v30  }
0x5dd: {  	v31 =	vmul.f32 v31, v41;
	v40 =	vadd.s32 $0x268D, v40;
	v39 =	vmul.f32 v39, v41;
	v45 =	vld.idx.msk [tilespmem:v44+s2+$0x0], $0xffff  }
0x5de: {  	v9 =	vmul.f32 $4.000000000e+01, v9;
	v35 =	vmul.f32 v35, v15;
	v44 =	vld.idx.msk [tilespmem:v44+s22+$0x0], $0xffff  }
0x5df: {  	v14 =	vmul.f32 $4.000000000e+01, v14;
	v13 =	vmul.f32 $4.000000000e+01, v13;
	v46 =	vld.idx.msk [tilespmem:v36+s2+$0x0], $0xffff  }
0x5e0: {  	v47 =	vtrunc.f32 v9;
	v30 =	vmul.f32 v41, v30;
	v36 =	vld.idx.msk [tilespmem:v36+s22+$0x0], $0xffff  }
0x5e1: {  	v49 =	vtrunc.f32 v13;
	v47 =	vcvt.f32.s32 v47;
	v48 =	vld.idx.msk [tilespmem:v33+s2+$0x0], $0xffff  }
0x5e2: {  	v49 =	vcvt.f32.s32 v49;
	v50 =	vtrunc.f32 v14;
	v33 =	vld.idx.msk [tilespmem:v33+s22+$0x0], $0xffff  }
0x5e3: {  	v15 =	vmul.f32 v41, v15;
	v41 =	vshll.u32 v47, $0x1;
	v45 =	vmul.f32 v45, v32;
	v51 =	vld.idx.msk [tilespmem:v37+s2+$0x0], $0xffff  }
0x5e4: {  	v32 =	vmul.f32 v44, v32;
	v44 =	vcvt.f32.s32 v50;
	v50 =	vmul.u32 $0x3C6EF362, v49;
	v37 =	vld.idx.msk [tilespmem:v37+s22+$0x0], $0xffff  }
0x5e5: {  	v47 =	vcvt.s32.f32 v47;
	v53 =	vadd.s32 $0x2, v41;
	v46 =	vmul.f32 v46, v42;
	v52 =	vld.idx.msk [tilespmem:v38+s2+$0x0], $0xffff  }
0x5e6: {  	v36 =	vmul.f32 v36, v42;
	v42 =	vcvt.s32.f32 v49;
	v49 =	vmul.u32 $0x6004AF2A, v44;
	v38 =	vld.idx.msk [tilespmem:v38+s22+$0x0], $0xffff  }
0x5e7: {  	v54 =	vxor.u32 v41, v50;
	v45 =	vadd.f32 v46, v45;
	v46 =	vmul.f32 v48, v16;
	v48 =	vld.idx.msk [tilespmem:v43+s2+$0x0], $0xffff  }
0x5e8: {  	v32 =	vadd.f32 v36, v32;
	v16 =	vmul.f32 v33, v16;
	v36 =	vxor.u32 v50, v53;
	v33 =	vld.idx.msk [tilespmem:v43+s22+$0x0], $0xffff  }
0x5e9: {  	v43 =	vadd.f32 v46, v45;
	v45 =	vmul.f32 v51, v35;
	v51 =	vxor.u32 v49, v54;
	v46 =	vld.idx.msk [tilespmem:v34+s2+$0x0], $0xffff  }
0x5ea: {  	v16 =	vadd.f32 v16, v32;
	v32 =	vmul.f32 v37, v35;
	v35 =	vxor.u32 v49, v36;
	v34 =	vld.idx.msk [tilespmem:v34+s22+$0x0], $0xffff  }
0x5eb: {  	v50 =	vadd.s32 $0x3C6EF362, v50;
	v37 =	vadd.f32 v45, v43;
	v43 =	vmul.f32 v52, v39;
	v45 =	vld.idx.msk [tilespmem:v40+s2+$0x0], $0xffff  }
0x5ec: {  	v9 =	vsub.f32 v9, v47;
	v16 =	vadd.f32 v32, v16;
	v32 =	vmul.f32 v38, v39;
	v38 =	vld.idx.msk [tilespmem:v40+s22+$0x0], $0xffff  }
0x5ed: {  	v13 =	vsub.f32 v13, v42;
	v37 =	vadd.f32 v43, v37;
	v39 =	vmul.f32 v48, v31  }
0x5ee: {  	v16 =	vadd.f32 v32, v16;
	v31 =	vmul.f32 v33, v31;
	v32 =	vcvt.s32.f32 v44  }
0x5ef: {  	v33 =	vadd.f32 v39, v37;
	v37 =	vmul.f32 v46, v30;
	v39 =	vand.u32 $0xFFFE, v51  }
0x5f0: {  	v16 =	vadd.f32 v31, v16;
	v30 =	vmul.f32 v34, v30;
	v31 =	vand.u32 $0xFFFE, v35  }
0x5f1: {  	v35 =	vxor.u32 v41, v50;
	v33 =	vadd.f32 v37, v33;
	v34 =	vmul.f32 v45, v15  }
0x5f2: {  	v16 =	vadd.f32 v30, v16;
	v15 =	vmul.f32 v38, v15;
	v30 =	vor.u32 $0x1, v39  }
0x5f3: {  	v37 =	vxor.u32 v49, v35;
	v33 =	vadd.f32 v34, v33;
	v34 =	vor.u32 $0x1, v31  }
0x5f4: {  	v38 =	vsub.f32 $1.000000000e+00, v9;
	v37 =	vand.u32 $0xFFFE, v37;
	v16 =	vadd.f32 v15, v16  }
0x5f5: {  	v15 =	vsub.f32 v14, v32;
	v14 =	vsub.f32 $1.000000000e+00, v13;
	v32 =	vxor.u32 v53, v50;
	[tilespmem:s11+$0x0] =	vst v33  }
0x5f6: {  	v40 =	vor.u32 $0x1, v37;
	v41 =	vxor.u32 v49, v32;
	v33 =	vadd.s32 $0x6004AF2A, v49;
	[tilespmem:s11+$0x80] =	vst v16  }
0x5f7: {  	v42 =	vsub.f32 $1.000000000e+00, v15;
	v43 =	vmul.f32 v14, v38;
	v44 =	vmul.f32 v14, v9;
	v14 =	vld.idx.msk [tilespmem:v39+s20+$0x0], $0xffff  }
0x5f8: {  	v16 =	vmul.f32 v13, v38;
	v38 =	vand.u32 $0xFFFE, v41;
	v39 =	vxor.u32 v54, v33;
	v30 =	vld.idx.msk [tilespmem:v30+s20+$0x0], $0xffff  }
0x5f9: {  	v41 =	vmul.f32 v42, v43;
	v45 =	vmul.f32 v42, v44;
	v46 =	vor.u32 $0x1, v38;
	v31 =	vld.idx.msk [tilespmem:v31+s20+$0x0], $0xffff  }
0x5fa: {  	v23 =	vmul.f32 v28, v23;
	v28 =	vmul.f32 v29, v24;
	v39 =	vand.u32 $0xFFFE, v39;
	v34 =	vld.idx.msk [tilespmem:v34+s20+$0x0], $0xffff  }
0x5fb: {  	v36 =	vxor.u32 v36, v33;
	v47 =	vor.u32 $0x1, v39;
	v29 =	vld.idx.msk [tilespmem:v37+s20+$0x0], $0xffff;
	v37 =	vmul.f32 v42, v16  }
0x5fc: {  	v23 =	vadd.f32 v28, v23;
	v24 =	vmul.f32 v13, v9;
	v9 =	vand.u32 $0xFFFE, v36;
	v13 =	vld.idx.msk [tilespmem:v40+s20+$0x0], $0xffff  }
0x5fd: {  	v21 =	vmul.f32 v27, v21;
	v36 =	vor.u32 $0x1, v9;
	v14 =	vmul.f32 v14, v41;
	v28 =	vld.idx.msk [tilespmem:v38+s20+$0x0], $0xffff  }
0x5fe: {  	v35 =	vxor.u32 v33, v35;
	v27 =	vmul.f32 v30, v41;
	v38 =	vmul.f32 v42, v24;
	v30 =	vld.idx.msk [tilespmem:v46+s20+$0x0], $0xffff  }
0x5ff: {  	v35 =	vand.u32 $0xFFFE, v35;
	v40 =	vadd.f32 v21, v23;
	v31 =	vmul.f32 v31, v45;
	v39 =	vld.idx.msk [tilespmem:v39+s20+$0x0], $0xffff  }
0x600: {  	v22 =	vmul.f32 v26, v22;
	v41 =	vor.u32 $0x1, v35;
	v21 =	vmul.f32 v34, v45;
	v34 =	vld.idx.msk [tilespmem:v47+s20+$0x0], $0xffff  }
0x601: {  	v26 =	vxor.u32 v33, v32;
	v14 =	vadd.f32 v31, v14;
	v23 =	vmul.f32 v29, v37;
	v9 =	vld.idx.msk [tilespmem:v9+s20+$0x0], $0xffff  }
0x602: {  	v29 =	vmul.f32 v43, v15;
	v21 =	vadd.f32 v21, v27;
	v27 =	vmul.f32 v13, v37;
	v13 =	vld.idx.msk [tilespmem:v36+s20+$0x0], $0xffff  }
.Ltmp5:
0x603: {  	v14 =	vadd.f32 v23, v14;
	v28 =	vmul.f32 v28, v38;
	v23 =	vand.u32 $0xFFFE, v26;
	(pc) =	sbr.rel @p0 .LBB2_13-.Ltmp5, $4  }
0x604: {  	v26 =	vadd.f32 v27, v21;
	v27 =	vmul.f32 v30, v38;
	v30 =	vadd.f32 v22, v40;
	v21 =	vld.idx.msk [tilespmem:v35+s20+$0x0], $0xffff  }
0x605: {  	v32 =	vmul.f32 v25, v20;
	v22 =	vadd.f32 v28, v14;
	v31 =	vmul.f32 v39, v29;
	v14 =	vld.idx.msk [tilespmem:v41+s20+$0x0], $0xffff  }
0x606: {  	v20 =	vor.u32 $0x1, v23;
	v27 =	vadd.f32 v27, v26;
	v28 =	vmul.f32 v34, v29  }
0x607: {  	s7 =	sadd.s32 $0x20, s7;
	v25 =	vmul.f32 v44, v15;
	v26 =	vadd.f32 v32, v30;
	v22 =	vadd.f32 v31, v22  }
0x608: {  	_ =	sdelay $0x2  }
0x609: {  	v12 =	vmul.f32 v19, v12  }
0x60a: {  	v16 =	vmul.f32 v15, v16;
	v54 =	vld.idx.msk [tilespmem:v23+s20+$0x0], $0xffff;
	v10 =	vmul.f32 v18, v10  }
0x60b: {  	v55 =	vadd.f32 v28, v27;
	v56 =	vld.idx.msk [tilespmem:v20+s20+$0x0], $0xffff;
	v58 =	vmul.f32 v15, v24;
	v9 =	vmul.f32 v9, v25  }
0x60c: {  	v11 =	vmul.f32 v17, v11;
	v13 =	vmul.f32 v13, v25;
	v12 =	vadd.f32 v12, v26  }
0x60d: {  	v6 =	vmul.f32 v8, v6;
	v57 =	vmul.f32 v21, v16;
	v9 =	vadd.f32 v9, v22  }
0x60e: {  	v60 =	vmul.f32 v14, v16;
	v59 =	vadd.f32 v13, v55;
	v10 =	vadd.f32 v10, v12  }
0x60f: {  	v6 =	vadd.f32 v6, v7;
	v61 =	vadd.f32 v57, v9;
	v62 =	vmul.f32 v54, v58  }
0x610: {  	v63 =	vadd.f32 v60, v59;
	v7 =	vmul.f32 v56, v58;
	v10 =	vadd.f32 v11, v10  }
0x611: {  	[tilespmem:s15+$0x180] =	vst v6;
	v8 =	vadd.f32 v62, v61  }
0x612: {  	v6 =	vadd.f32 v7, v63;
	[tilespmem:s11+$0x110] =	vst v10  }
0x613: {  	s5 =	sand.u32 $0xFFF80, s9;
	[tilespmem:s11+$0x100] =	vst v8  }
0x614: {  	s21 =	sadd.s32 s17, s13;
	s5 =	sadd.s32 s1, s5;
	[tilespmem:s11+$0x180] =	vst v6  }
0x615: {  	[hbm4b:s5+s2] =	stream.linear.scatter [tilespmem:s3], [sflag:$0x4], $0x400, $0x38;
	[tilespmem:$0x1FD80] =	vst v63  }
0x616: {  	s5 =	smin.u32 s21, $0x1E84  }
0x617: {  	s5 =	sshll.u32 s5, $0x7  }
0x618: {  	s5 =	smin.u32 s5, $0xF41C0  }
0x619: {  	s10 =	sadd.s32 $0x1, s10;
	s5 =	sshrl.u32 s5, $0x3  }
0x61a: {  	p0 =	sne.s32 s10, $0x7B;
	s5 =	sadd.s32 s4, s5  }
0x61b: {  	[tilespmem:s26], [sflag:$0x2] =	stream.linear.gather [hbm4b:s5+s2], $0x80, $0x38;
	[tilespmem:$0x1FD80] =	vst v63  }
.Ltmp6:
0x61c: {  	_ = 	snop;
	(pc) =	sbr.rel @p0 .LBB2_10-.Ltmp6, $4  }
0x61d: {  	s7 =	sadd.s32 $0x1E848, s5  }
0x61e: {  	[tilespmem:s28], [sflag:$0x2] =	stream.linear.gather [hbm4b:s7+s2], $0x80, $0x38;
	[tilespmem:$0x1FD80] =	vst v63  }
0x61f: {  	s6 =	sadd.s32 $0x40, s6;
	s19 =	sadd.s32 $0x40, s19;
	s5 =	sadd.s32 $0x3D090, s5  }
0x620: {  	[tilespmem:s29], [sflag:$0x2] =	stream.linear.gather [hbm4b:s5+s2], $0x80, $0x38;
	[tilespmem:$0x1FD80] =	vst v63  }
0x621: {  	_ =	swait.ge [sflag:s30], $0x180  }
0x622: {  	[sflag:s30] =	ssyncset.done $0x0  }
0x623: {  	s5 =	simm.s32 $0x3;
	[sflag:s30] =	ssyncadd.s32 $0xFFFFFE80  }
0x624: {  	_ =	swait.ge [sflag:s5], $0x400  }
0x625: {  	[sflag:s5] =	ssyncset.done $0x0  }
0x626: {  	[sflag:s5] =	ssyncadd.s32 $0xFFFFFC00  }
0x627: {  	_ =	swait.ge [sflag:s0], $0x180  }
0x628: {  	[sflag:s0] =	ssyncset.done $0x0  }
0x629: {  	s6 =	simm.s32 $0x4;
	[sflag:s0] =	ssyncadd.s32 $0xFFFFFE80  }
0x62a: {  	_ =	swait.ge [sflag:s6], $0x400  }
0x62b: {  	s7 =	rddreg [dreg:$0xf]  }
0x62c: {  	s21 =	rddreg [dreg:$0xd];
	s7 =	sadd.s32 $0x1, s7  }
0x62d: {  	p0 =	sne.s32 s7, s21  }
.Ltmp7:
0x62e: {  	_ = 	snop;
	(pc) =	sbr.rel @p0 .LBB2_1-.Ltmp7, $3  }
0x62f: {  	_ =	sdelay $0x1  }
0x630: {  	[sflag:s6] =	ssyncset.done $0x0  }
0x631: {  	s11 =	simm.s32 $0x5;
	[sflag:s6] =	ssyncadd.s32 $0xFFFFFC00  }
0x632: {  	_ =	sfence.sel $0x180000  }
0x633: {  	[bflag:$0x0] =	sbarrier.arrive $0xFFFF  }
0x634: {  	_ =	strace $0x90000047  }
0x635: {  	s0 =	stileid.u32;
	[bflag:$0x2] =	sbarrier.arrive $0xFFFF  }
0x636: {  	p0 =	sne.s32 s0, $0x0;
	s0 =	rddreg [dreg:$0x2]  }
0x637: {  	s0 =	sadd.s32 @!p0 $0x100000, s0  }
0x638: {  	[sflag:s0] =	ssyncadd.tile.s32 @!p0 $0x1;
	_ =	shalt  }
.Lfunc_end2:
_tile_overlayer_lowered:
.L_overlay_start_2:
0x639: {  	(tag) =	ssettag $0x2  }
0x63a: {  	s0 =	rddreg [dreg:$0x0];
	s2 =	stileid.u32  }
0x63b: {  	s1 =	rddreg [dreg:$0x1];
	p0 =	sne.s32 s2, $0x0  }
0x63c: {  	s3 =	rddreg [dreg:$0x2];
	[bflag:$0x3] =	sbarrier.arrive $0xFFFF;
	s2 =	simm.s32 @!p0 $0x1C05  }
0x63d: {  	[timem:s3], [sflag:s2] =	dma.local @!p0 [hbm:s0], s1  }
0x63e: {  	s0 =	simm.s32 @!p0 $0x5  }
0x63f: {  	_ =	swait.ge @!p0 [sflag:s0], s1  }
0x640: {  	s1 =	ssub.s32 @!p0 $0x0, s1;
	[sflag:s0] =	ssyncset.done @!p0 $0x0  }
0x641: {  	[sflag:s0] =	ssyncadd.s32 @!p0 s1  }
0x642: {  	[bflag:$0x3] =	sbarrier.arrive $0xFFFF  }
0x643: {  	_ =	shalt  }

</sc_bundles>
